<compile_context>
chip_gen: v7x
topology: tpu7x:2x2x1
jax: 0.10.2.dev20260603
libtpu: 0.0.44.dev20260713+nightly
codegen_flags: <defaults>
</compile_context>

<pallas_src>
import functools

import jax
import jax.numpy as jnp
from jax import lax
from jax.experimental import pallas as pl
from jax.experimental.pallas import tpu as pltpu
from jax.experimental.pallas import tpu_sc as plsc

F32 = jnp.float32
I32 = jnp.int32

HEADS = 2
N = 10000
E = 320000
D_IN = 128
G = 16
NEG = 0.2

NP = 10240
PAD_NODE = 10200
BN = 512
NBLK = NP // BN
E2 = E + N
CB = 64
NTILES = 16
SCH = 16
NSUP = 21
NCH = SCH * NSUP
EP = NTILES * NCH * CB
DEN_ROWS = NP // 128



def _proj_body(x_ref, w_ref, asw_ref, adw_ref,
               h_ref, as0_ref, ad0_ref, as1_ref, ad1_ref):
    hb = jnp.dot(x_ref[...], w_ref[...], preferred_element_type=F32)
    h_ref[...] = hb
    h0 = hb[:, :64]
    h1 = hb[:, 64:]
    as0_ref[...] = jnp.sum(h0 * asw_ref[0:1, :], axis=1).reshape(1, 1, BN)
    ad0_ref[...] = jnp.sum(h0 * adw_ref[0:1, :], axis=1).reshape(1, 1, BN)
    as1_ref[...] = jnp.sum(h1 * asw_ref[1:2, :], axis=1).reshape(1, 1, BN)
    ad1_ref[...] = jnp.sum(h1 * adw_ref[1:2, :], axis=1).reshape(1, 1, BN)


def _proj1(xp, W1, as1, ad1):
    vec = jax.ShapeDtypeStruct((NBLK, 1, BN), F32)
    return pl.pallas_call(
        _proj_body,
        grid=(NBLK,),
        in_specs=[
            pl.BlockSpec((BN, D_IN), lambda i: (i, 0)),
            pl.BlockSpec((D_IN, HEADS * 64), lambda i: (0, 0)),
            pl.BlockSpec((HEADS, 64), lambda i: (0, 0)),
            pl.BlockSpec((HEADS, 64), lambda i: (0, 0)),
        ],
        out_specs=[
            pl.BlockSpec((BN, HEADS * 64), lambda i: (i, 0)),
            pl.BlockSpec((1, 1, BN), lambda i: (i, 0, 0)),
            pl.BlockSpec((1, 1, BN), lambda i: (i, 0, 0)),
            pl.BlockSpec((1, 1, BN), lambda i: (i, 0, 0)),
            pl.BlockSpec((1, 1, BN), lambda i: (i, 0, 0)),
        ],
        out_shape=[
            jax.ShapeDtypeStruct((NP, HEADS * 64), F32),
            vec, vec, vec, vec,
        ],
    )(xp, W1, as1, ad1)



def _stats_body(halfsel, ra_ref, rb_ref, da_ref, db_ref, b_ref,
                y_ref, st_ref, ssum, ssq):
    i = pl.program_id(0)

    @pl.when(i == 0)
    def _():
        ssum[...] = jnp.zeros_like(ssum)
        ssq[...] = jnp.zeros_like(ssq)

    row = i * BN + lax.broadcasted_iota(I32, (BN, 1), 0)
    mask = row < N
    d0 = da_ref[0, 0, :][:, None] + 1e-16
    d1 = db_ref[0, 0, :][:, None] + 1e-16
    p0 = ra_ref[0][:, :64] if halfsel else ra_ref[0]
    p1 = rb_ref[0][:, 64:] if halfsel else rb_ref[0]
    dh = 64 if halfsel else 128
    y0 = p0 / d0 + b_ref[0:1, :dh]
    y1 = p1 / d1 + b_ref[1:2, :dh]
    y = jnp.concatenate([y0, y1], axis=1)
    y = jnp.where(mask, y, 0.0)
    y_ref[...] = y
    ssum[...] += jnp.sum(y, axis=0, keepdims=True)
    ssq[...] += jnp.sum(y * y, axis=0, keepdims=True)

    @pl.when(i == NBLK - 1)
    def _():
        st_ref[0:1, :] = ssum[...]
        st_ref[1:2, :] = ssq[...]


def _stats(racc, rden3, bias, halfsel):
    dh = 64 if halfsel else 128
    d = HEADS * dh
    return pl.pallas_call(
        functools.partial(_stats_body, halfsel),
        grid=(NBLK,),
        in_specs=[
            pl.BlockSpec((1, BN, 128), lambda i: (0, i, 0)),
            pl.BlockSpec((1, BN, 128), lambda i: (1, i, 0)),
            pl.BlockSpec((1, 1, BN), lambda i: (i, 0, 0)),
            pl.BlockSpec((1, 1, BN), lambda i: (NBLK + i, 0, 0)),
            pl.BlockSpec((HEADS, dh), lambda i: (0, 0)),
        ],
        out_specs=[
            pl.BlockSpec((BN, d), lambda i: (i, 0)),
            pl.BlockSpec((2, d), lambda i: (0, 0)),
        ],
        out_shape=[
            jax.ShapeDtypeStruct((NP, d), F32),
            jax.ShapeDtypeStruct((2, d), F32),
        ],
        scratch_shapes=[
            pltpu.VMEM((1, d), F32),
            pltpu.VMEM((1, d), F32),
        ],
    )(racc, racc, rden3, rden3, bias.reshape(HEADS, dh))



def _bnproj_body(y_ref, st_ref, g_ref, b_ref, w_ref, asw_ref, adw_ref,
                 x1_ref, h_ref, as_ref, ad_ref):
    i = pl.program_id(0)
    mean = st_ref[0:1, :] / N
    var = st_ref[1:2, :] / N - mean * mean
    rstd = lax.rsqrt(var + 1e-5)
    xb = (y_ref[...] - mean) * rstd * g_ref[...] + b_ref[...]
    xb = jnp.maximum(xb, 0.0)
    row = i * BN + lax.broadcasted_iota(I32, (BN, 1), 0)
    xb = jnp.where(row < N, xb, 0.0)
    x1_ref[...] = xb
    hb = jnp.dot(xb, w_ref[...], preferred_element_type=F32)
    h_ref[...] = hb
    as_ref[...] = jnp.sum(hb * asw_ref[0], axis=1).reshape(1, 1, BN)
    ad_ref[...] = jnp.sum(hb * adw_ref[0], axis=1).reshape(1, 1, BN)


def _bnproj(y1, st1, g1, b1, W2, as2, ad2):
    d1, dh = 128, 128
    return pl.pallas_call(
        _bnproj_body,
        grid=(NBLK, HEADS),
        in_specs=[
            pl.BlockSpec((BN, d1), lambda i, c: (i, 0)),
            pl.BlockSpec((2, d1), lambda i, c: (0, 0)),
            pl.BlockSpec((1, d1), lambda i, c: (0, 0)),
            pl.BlockSpec((1, d1), lambda i, c: (0, 0)),
            pl.BlockSpec((d1, dh), lambda i, c: (0, c)),
            pl.BlockSpec((1, 1, dh), lambda i, c: (c, 0, 0)),
            pl.BlockSpec((1, 1, dh), lambda i, c: (c, 0, 0)),
        ],
        out_specs=[
            pl.BlockSpec((BN, d1), lambda i, c: (i, 0)),
            pl.BlockSpec((BN, dh), lambda i, c: (c * NBLK + i, 0)),
            pl.BlockSpec((1, 1, BN), lambda i, c: (c * NBLK + i, 0, 0)),
            pl.BlockSpec((1, 1, BN), lambda i, c: (c * NBLK + i, 0, 0)),
        ],
        out_shape=[
            jax.ShapeDtypeStruct((NP, d1), F32),
            jax.ShapeDtypeStruct((HEADS * NP, dh), F32),
            jax.ShapeDtypeStruct((HEADS * NBLK, 1, BN), F32),
            jax.ShapeDtypeStruct((HEADS * NBLK, 1, BN), F32),
        ],
    )(y1, st1, g1, b1, W2, as2, ad2)



def _pool_body(x1_ref, y2_ref, st_ref, g_ref, b_ref, bid_ref,
               mean1_ref, mean2_ref, max1_ref, max2_ref,
               s1, s2, m1, m2, cnt):
    i = pl.program_id(0)

    @pl.when(i == 0)
    def _():
        s1[...] = jnp.zeros_like(s1)
        s2[...] = jnp.zeros_like(s2)
        cnt[...] = jnp.zeros_like(cnt)
        m1[...] = jnp.full_like(m1, -3.4e38)
        m2[...] = jnp.full_like(m2, -3.4e38)

    mean = st_ref[0:1, :] / N
    var = st_ref[1:2, :] / N - mean * mean
    rstd = lax.rsqrt(var + 1e-5)
    x2b = (y2_ref[...] - mean) * rstd * g_ref[...] + b_ref[...]
    x2b = jnp.maximum(x2b, 0.0)
    x1b = x1_ref[...]

    bids = bid_ref[0]
    oh = (bids == lax.broadcasted_iota(I32, (BN, G), 1)).astype(F32)
    dn = (((0,), (0,)), ((), ()))
    s1[...] += lax.dot_general(oh, x1b, dn, preferred_element_type=F32)
    s2[...] += lax.dot_general(oh, x2b, dn, preferred_element_type=F32)
    cnt[...] += lax.dot_general(oh, jnp.ones_like(x1b), dn,
                                preferred_element_type=F32)
    for g in range(G):
        sel = bids == g
        mg1 = jnp.max(jnp.where(sel, x1b, -3.4e38), axis=0, keepdims=True)
        m1[g:g + 1, :] = jnp.maximum(m1[g:g + 1, :], mg1)
        mg2 = jnp.max(jnp.where(sel, x2b, -3.4e38), axis=0, keepdims=True)
        m2[g:g + 1, :] = jnp.maximum(m2[g:g + 1, :], mg2)

    @pl.when(i == NBLK - 1)
    def _():
        c1 = jnp.maximum(cnt[:, 0:1], 1.0)
        mean1_ref[...] = s1[...] / c1
        mean2_ref[...] = s2[...] / c1
        max1_ref[...] = jnp.where(m1[...] > -1e37, m1[...], 0.0)
        max2_ref[...] = jnp.where(m2[...] > -1e37, m2[...], 0.0)


def _pool(x1, y2, st2, g2, b2, batch3):
    d1, d2 = 128, 256
    return pl.pallas_call(
        _pool_body,
        grid=(NBLK,),
        in_specs=[
            pl.BlockSpec((BN, d1), lambda i: (i, 0)),
            pl.BlockSpec((BN, d2), lambda i: (i, 0)),
            pl.BlockSpec((2, d2), lambda i: (0, 0)),
            pl.BlockSpec((1, d2), lambda i: (0, 0)),
            pl.BlockSpec((1, d2), lambda i: (0, 0)),
            pl.BlockSpec((1, BN, 1), lambda i: (i, 0, 0)),
        ],
        out_specs=[
            pl.BlockSpec((G, d1), lambda i: (0, 0)),
            pl.BlockSpec((G, d2), lambda i: (0, 0)),
            pl.BlockSpec((G, d1), lambda i: (0, 0)),
            pl.BlockSpec((G, d2), lambda i: (0, 0)),
        ],
        out_shape=[
            jax.ShapeDtypeStruct((G, d1), F32),
            jax.ShapeDtypeStruct((G, d2), F32),
            jax.ShapeDtypeStruct((G, d1), F32),
            jax.ShapeDtypeStruct((G, d2), F32),
        ],
        scratch_shapes=[
            pltpu.VMEM((G, d1), F32),
            pltpu.VMEM((G, d2), F32),
            pltpu.VMEM((G, d1), F32),
            pltpu.VMEM((G, d2), F32),
            pltpu.VMEM((G, d1), F32),
        ],
    )(x1, y2, st2, g2, b2, batch3)



@functools.lru_cache(maxsize=None)
def _make_gat_edge(hmult):
    mesh = plsc.VectorSubcoreMesh(core_axis_name="c", subcore_axis_name="s",
                                  num_cores=2, num_subcores=NTILES)

    @functools.partial(
        pl.kernel,
        out_type=[
            jax.ShapeDtypeStruct((HEADS, NP, 128), F32),
            jax.ShapeDtypeStruct((HEADS, DEN_ROWS, 128), F32),
        ],
        mesh=mesh,
        compiler_params=pltpu.CompilerParams(needs_layout_passes=False),
        scratch_types=[
            pltpu.VMEM_SHARED((NP, 128), F32),
            pltpu.VMEM_SHARED((DEN_ROWS, 128), F32),
            pltpu.VMEM((NP,), F32),
            pltpu.VMEM((NP,), F32),
            pltpu.VMEM((SCH, CB), I32),
            pltpu.VMEM((SCH, CB), I32),
            pltpu.VMEM((CB,), F32),
            pltpu.VMEM((CB, 128), F32),
            pltpu.VMEM((DEN_ROWS, 128), F32),
            pltpu.VMEM((DEN_ROWS,), I32),
            pltpu.SemaphoreType.DMA,
        ],
    )
    def gat_edge(srcadj_h, dst_h, asrc_h, adst_h, htab_h, rowids_h,
                 racc_h, rden_h,
                 acc_sh, den_sh, asrc_loc, adst_loc, sbuf, dbuf,
                 wbuf, rowbuf, denl, rowids, sem):
        c = lax.axis_index("c")
        s = lax.axis_index("s")

        pltpu.sync_copy(asrc_h.at[c], asrc_loc)
        pltpu.sync_copy(adst_h.at[c], adst_loc)
        pltpu.sync_copy(rowids_h, rowids)

        z16 = jnp.zeros((16,), F32)

        def zrow(r, carry):
            for j in range(8):
                rowbuf[r, pl.ds(j * 16, 16)] = z16
            return carry

        lax.fori_loop(0, CB, zrow, 0)

        def zden(r, carry):
            for j in range(8):
                denl[r, pl.ds(j * 16, 16)] = z16
            return carry

        lax.fori_loop(0, DEN_ROWS, zden, 0)

        rpt = NP // NTILES
        for kk in range(rpt // CB):
            pltpu.sync_copy(rowbuf, acc_sh.at[pl.ds(s * rpt + kk * CB, CB)])

        @pl.when(s == 0)
        def _():
            pltpu.sync_copy(rowbuf, den_sh.at[pl.ds(0, CB)])
            pltpu.sync_copy(rowbuf.at[pl.ds(0, DEN_ROWS - CB)],
                            den_sh.at[pl.ds(CB, DEN_ROWS - CB)])

        plsc.subcore_barrier()

        hoff = c * hmult

        def superchunk(t, carry):
            pltpu.sync_copy(srcadj_h.at[c, s, pl.ds(t * SCH, SCH)], sbuf)
            pltpu.sync_copy(dst_h.at[s, pl.ds(t * SCH, SCH)], dbuf)

            def chunk(jj, carry1):
                for g in range(CB // 16):
                    sa16 = sbuf[jj, pl.ds(g * 16, 16)]
                    d16 = dbuf[jj, pl.ds(g * 16, 16)]
                    s16 = sa16 - hoff
                    av = plsc.load_gather(asrc_loc, [s16])
                    ad = plsc.load_gather(adst_loc, [d16])
                    e = av + ad
                    e = jnp.where(e >= 0.0, e, e * NEG)
                    w = jnp.exp(e)
                    wbuf[pl.ds(g * 16, 16)] = w
                    dr = lax.shift_right_logical(d16, 7)
                    dl = lax.bitwise_and(d16, 127)
                    plsc.addupdate_scatter(denl, [dr, dl], w)
                cp = pltpu.async_copy(htab_h.at[sbuf.at[jj]], rowbuf, sem)
                cp.wait()

                def scale(r, carry2):
                    ws = plsc.load_gather(wbuf, [jnp.full((16,), r, I32)])
                    for j in range(8):
                        rowbuf[r, pl.ds(j * 16, 16)] = (
                            rowbuf[r, pl.ds(j * 16, 16)] * ws)
                    return carry2

                lax.fori_loop(0, CB, scale, 0)
                pltpu.sync_copy(rowbuf, acc_sh.at[dbuf.at[jj]], add=True)
                return carry1

            lax.fori_loop(0, SCH, chunk, 0)
            return carry

        lax.fori_loop(0, NSUP, superchunk, 0)

        pltpu.sync_copy(denl, den_sh.at[rowids], add=True)
        plsc.subcore_barrier()

        pltpu.sync_copy(acc_sh.at[pl.ds(s * rpt, rpt)],
                        racc_h.at[c, pl.ds(s * rpt, rpt)])

        @pl.when(s == 0)
        def _():
            pltpu.sync_copy(den_sh, rden_h.at[c])

    return gat_edge



def kernel(x, edge_index, batch, W1, att_src1, att_dst1, bias1, g1, b1,
           W2, att_src2, att_dst2, bias2, g2, b2):
    ei = edge_index.astype(I32)
    loops = jnp.arange(N, dtype=I32)
    pad = jnp.full((EP - E2,), PAD_NODE, I32)
    src = jnp.concatenate([ei[0], loops, pad])
    src3 = src.reshape(NTILES, NCH, CB)
    srcadj1 = jnp.stack([src3, src3])
    srcadj2 = jnp.stack([src3, src3 + NP])
    dst3 = jnp.concatenate([ei[1], loops, pad]).reshape(NTILES, NCH, CB)
    xp = jnp.zeros((NP, D_IN), F32).at[:N].set(x)
    batch3 = jnp.concatenate(
        [batch.astype(I32), jnp.full((NP - N,), G, I32)]
    ).reshape(NBLK, BN, 1)
    rowids = jnp.arange(DEN_ROWS, dtype=I32)

    h1t, as10, ad10, as11, ad11 = _proj1(xp, W1, att_src1, att_dst1)
    as1 = jnp.concatenate([as10.reshape(1, NP), as11.reshape(1, NP)])
    ad1 = jnp.concatenate([ad10.reshape(1, NP), ad11.reshape(1, NP)])
    racc1, rden1 = _make_gat_edge(0)(
        srcadj1, dst3, as1, ad1, h1t, rowids)
    y1, st1 = _stats(racc1, rden1.reshape(HEADS * NBLK, 1, BN), bias1,
                     halfsel=True)

    x1, h2t, as2, ad2 = _bnproj(y1, st1, g1.reshape(1, 128),
                                b1.reshape(1, 128), W2,
                                att_src2.reshape(HEADS, 1, 128),
                                att_dst2.reshape(HEADS, 1, 128))
    racc2, rden2 = _make_gat_edge(NP)(
        srcadj2, dst3, as2.reshape(HEADS, NP), ad2.reshape(HEADS, NP),
        h2t, rowids)
    y2, st2 = _stats(racc2, rden2.reshape(HEADS * NBLK, 1, BN), bias2,
                     halfsel=False)

    mean1, mean2, max1, max2 = _pool(x1, y2, st2, g2.reshape(1, 256),
                                     b2.reshape(1, 256), batch3)
    return jnp.concatenate([mean1, mean2, max1, max2], axis=1)

# --- scband reference (transcript-rebuilt; emitter-appended) ---
"""Pipeline reference for scband-graph-encoder-3796751090108 (READ-ONLY COPY).

The authoritative reference and input builder live on the scoring server;
editing this copy changes nothing except your own understanding.
"""

import jax, jax.numpy as jnp
import numpy as np

HEADS = 2
N_NODES = 10000
N_EDGES = 320000
D_IN = 128
D_OUT = 64
N_GRAPHS = 16
NEG_SLOPE = 0.2


def setup_inputs(seed: int = 0):
    key = jax.random.key(seed)
    ks = jax.random.split(key, 12)
    x = jax.random.normal(ks[0], (N_NODES, D_IN), dtype=jnp.float32)
    edge_index = jax.random.randint(ks[1], (2, N_EDGES), 0, N_NODES)
    batch = jnp.sort(jax.random.randint(ks[2], (N_NODES,), 0, N_GRAPHS))
    def pinit(k, shape):
        return jax.random.normal(k, shape, dtype=jnp.float32) * 0.1
    D1 = HEADS * D_OUT  # 128
    D2 = HEADS * D1     # 256
    W1 = pinit(ks[3], (D_IN, HEADS * D_OUT))
    att_src1 = pinit(ks[4], (HEADS, D_OUT))
    att_dst1 = pinit(ks[5], (HEADS, D_OUT))
    bias1 = jnp.zeros((D1,), jnp.float32)
    g1 = jnp.ones((D1,), jnp.float32)
    b1 = jnp.zeros((D1,), jnp.float32)
    W2 = pinit(ks[6], (D1, HEADS * D1))
    att_src2 = pinit(ks[7], (HEADS, D1))
    att_dst2 = pinit(ks[8], (HEADS, D1))
    bias2 = jnp.zeros((D2,), jnp.float32)
    g2 = jnp.ones((D2,), jnp.float32)
    b2 = jnp.zeros((D2,), jnp.float32)
    return {"x": x, "edge_index": edge_index, "batch": batch,
            "W1": W1, "att_src1": att_src1, "att_dst1": att_dst1, "bias1": bias1,
            "g1": g1, "b1": b1,
            "W2": W2, "att_src2": att_src2, "att_dst2": att_dst2, "bias2": bias2,
            "g2": g2, "b2": b2}


def gat_conv(x, edge_index, W, att_src, att_dst, bias, heads, out_ch):
    N = x.shape[0]
    loops = jnp.arange(N, dtype=edge_index.dtype)
    src = jnp.concatenate([edge_index[0], loops])
    dst = jnp.concatenate([edge_index[1], loops])
    h = (x @ W).reshape(N, heads, out_ch)
    a_src = jnp.sum(h * att_src[None, :, :], axis=-1)  # [N, heads]
    a_dst = jnp.sum(h * att_dst[None, :, :], axis=-1)  # [N, heads]
    e = a_src[src] + a_dst[dst]                         # [E+N, heads]
    e = jax.nn.leaky_relu(e, NEG_SLOPE)
    m = jax.ops.segment_max(e, dst, num_segments=N)
    m = jnp.where(jnp.isfinite(m), m, 0.0)
    ex = jnp.exp(e - m[dst])
    denom = jax.ops.segment_sum(ex, dst, num_segments=N)
    alpha = ex / (denom[dst] + 1e-16)
    msg = h[src] * alpha[:, :, None]
    out = jax.ops.segment_sum(msg, dst, num_segments=N)
    return out.reshape(N, heads * out_ch) + bias


def batch_norm(x, gamma, beta, eps=1e-5):
    mean = jnp.mean(x, axis=0)
    var = jnp.var(x, axis=0)
    return (x - mean) / jnp.sqrt(var + eps) * gamma + beta


def reference(x, edge_index, batch, W1, att_src1, att_dst1, bias1, g1, b1,
              W2, att_src2, att_dst2, bias2, g2, b2):
    x1 = gat_conv(x, edge_index, W1, att_src1, att_dst1, bias1, HEADS, D_OUT)
    x1 = jax.nn.relu(batch_norm(x1, g1, b1))
    x2 = gat_conv(x1, edge_index, W2, att_src2, att_dst2, bias2, HEADS, HEADS * D_OUT)
    x2 = jax.nn.relu(batch_norm(x2, g2, b2))
    xc = jnp.concatenate([x1, x2], axis=1)  # [N, 384]
    ones = jnp.ones((xc.shape[0],), jnp.float32)
    counts = jax.ops.segment_sum(ones, batch, num_segments=N_GRAPHS)
    x_mean = jax.ops.segment_sum(xc, batch, num_segments=N_GRAPHS) / jnp.maximum(counts, 1.0)[:, None]
    x_max = jax.ops.segment_max(xc, batch, num_segments=N_GRAPHS)
    x_max = jnp.where(jnp.isfinite(x_max), x_max, 0.0)
    return jnp.concatenate([x_mean, x_max], axis=1)  # [N_GRAPHS, 768]

if __name__ == "__main__":
    import jax
    _d = setup_inputs()
    print(jax.jit(kernel)(*tuple(_d.values())))

</pallas_src>

<mosaic_0001>
#map = affine_map<(d0, d1) -> (0, 0, 0, 0)>
#map1 = affine_map<(d0, d1) -> (0, 0, 0)>
#map2 = affine_map<(d0, d1) -> (0, 0)>
#map3 = affine_map<(d0, d1) -> (0)>
module attributes {stable_mosaic.version = 14 : i64} {
  func.func @gat_edge(%arg0: i32, %arg1: i32, %arg2: memref<2x16x336x64xi32, #tpu.memory_space<hbm>>, %arg3: memref<16x336x64xi32, #tpu.memory_space<hbm>>, %arg4: memref<2x10240xf32, #tpu.memory_space<hbm>>, %arg5: memref<2x10240xf32, #tpu.memory_space<hbm>>, %arg6: memref<10240x128xf32, #tpu.memory_space<hbm>>, %arg7: memref<80xi32, #tpu.memory_space<hbm>>, %arg8: memref<2x10240x128xf32, #tpu.memory_space<hbm>>, %arg9: memref<2x80x128xf32, #tpu.memory_space<hbm>>, %arg10: memref<10240x128xf32, #tpu.memory_space<vmem_shared>>, %arg11: memref<80x128xf32, #tpu.memory_space<vmem_shared>>, %arg12: memref<10240xf32, #tpu.memory_space<vmem>>, %arg13: memref<10240xf32, #tpu.memory_space<vmem>>, %arg14: memref<16x64xi32, #tpu.memory_space<vmem>>, %arg15: memref<16x64xi32, #tpu.memory_space<vmem>>, %arg16: memref<64xf32, #tpu.memory_space<vmem>>, %arg17: memref<64x128xf32, #tpu.memory_space<vmem>>, %arg18: memref<80x128xf32, #tpu.memory_space<vmem>>, %arg19: memref<80xi32, #tpu.memory_space<vmem>>, %arg20: memref<!tpu.dma_semaphore, #tpu.memory_space<semaphore_mem>>) attributes {dimension_semantics = [#tpu.dimension_semantics<core_parallel>, #tpu.dimension_semantics<subcore_parallel>], iteration_bounds = array<i64: 2, 16>, scalar_prefetch = 0 : i64, scratch_operands = 11 : i64, tpu.core_type = #tpu.core_type<sc_vector_subcore>, window_params = [{transform_indices = #map}, {transform_indices = #map1}, {transform_indices = #map2}, {transform_indices = #map2}, {transform_indices = #map2}, {transform_indices = #map3}, {transform_indices = #map1}, {transform_indices = #map1}]} {
    "tpu.region"() ({
      %run_scoped3A = tpu.sem_alloc : memref<!tpu.dma_semaphore, #tpu.memory_space<semaphore_mem>>
      %dma_start3A = arith.constant 0 : i32
      %dma_start3A_70 = tpu.memref_slice %arg4[%arg0, %dma_start3A] : memref<2x10240xf32, #tpu.memory_space<hbm>> -> memref<1x10240xf32, #tpu.memory_space<hbm>>
      %dma_start3A_71 = tpu.memref_squeeze %dma_start3A_70 : memref<1x10240xf32, #tpu.memory_space<hbm>> -> memref<10240xf32, #tpu.memory_space<hbm>>
      %dma_start3A_72 = arith.constant 0 : i32
      %dma_start3A_73 = tpu.memref_slice %arg4[%arg0, %dma_start3A_72] : memref<2x10240xf32, #tpu.memory_space<hbm>> -> memref<1x10240xf32, #tpu.memory_space<hbm>>
      %dma_start3A_74 = tpu.memref_squeeze %dma_start3A_73 : memref<1x10240xf32, #tpu.memory_space<hbm>> -> memref<10240xf32, #tpu.memory_space<hbm>>
      tpu.enqueue_dma source(%dma_start3A_74 : memref<10240xf32, #tpu.memory_space<hbm>>) target(%arg12 : memref<10240xf32, #tpu.memory_space<vmem>>) target_semaphore(%run_scoped3A : memref<!tpu.dma_semaphore, #tpu.memory_space<semaphore_mem>>)
      %dma_wait3A = arith.constant 0 : i32
      %dma_wait3A_75 = tpu.memref_slice %arg4[%arg0, %dma_wait3A] : memref<2x10240xf32, #tpu.memory_space<hbm>> -> memref<1x10240xf32, #tpu.memory_space<hbm>>
      %dma_wait3A_76 = tpu.memref_squeeze %dma_wait3A_75 : memref<1x10240xf32, #tpu.memory_space<hbm>> -> memref<10240xf32, #tpu.memory_space<hbm>>
      %dma_wait3A_77 = arith.constant 0 : i32
      %dma_wait3A_78 = tpu.memref_slice %arg4[%arg0, %dma_wait3A_77] : memref<2x10240xf32, #tpu.memory_space<hbm>> -> memref<1x10240xf32, #tpu.memory_space<hbm>>
      %dma_wait3A_79 = tpu.memref_squeeze %dma_wait3A_78 : memref<1x10240xf32, #tpu.memory_space<hbm>> -> memref<10240xf32, #tpu.memory_space<hbm>>
      tpu.wait_dma2 semaphore(%run_scoped3A : memref<!tpu.dma_semaphore, #tpu.memory_space<semaphore_mem>>) src(%dma_wait3A_79 : memref<10240xf32, #tpu.memory_space<hbm>>) dst(%arg12 : memref<10240xf32, #tpu.memory_space<vmem>>)
      tpu.yield
    }) : () -> ()
    "tpu.region"() ({
      %run_scoped3A = tpu.sem_alloc : memref<!tpu.dma_semaphore, #tpu.memory_space<semaphore_mem>>
      %dma_start3A = arith.constant 0 : i32
      %dma_start3A_70 = tpu.memref_slice %arg5[%arg0, %dma_start3A] : memref<2x10240xf32, #tpu.memory_space<hbm>> -> memref<1x10240xf32, #tpu.memory_space<hbm>>
      %dma_start3A_71 = tpu.memref_squeeze %dma_start3A_70 : memref<1x10240xf32, #tpu.memory_space<hbm>> -> memref<10240xf32, #tpu.memory_space<hbm>>
      %dma_start3A_72 = arith.constant 0 : i32
      %dma_start3A_73 = tpu.memref_slice %arg5[%arg0, %dma_start3A_72] : memref<2x10240xf32, #tpu.memory_space<hbm>> -> memref<1x10240xf32, #tpu.memory_space<hbm>>
      %dma_start3A_74 = tpu.memref_squeeze %dma_start3A_73 : memref<1x10240xf32, #tpu.memory_space<hbm>> -> memref<10240xf32, #tpu.memory_space<hbm>>
      tpu.enqueue_dma source(%dma_start3A_74 : memref<10240xf32, #tpu.memory_space<hbm>>) target(%arg13 : memref<10240xf32, #tpu.memory_space<vmem>>) target_semaphore(%run_scoped3A : memref<!tpu.dma_semaphore, #tpu.memory_space<semaphore_mem>>)
      %dma_wait3A = arith.constant 0 : i32
      %dma_wait3A_75 = tpu.memref_slice %arg5[%arg0, %dma_wait3A] : memref<2x10240xf32, #tpu.memory_space<hbm>> -> memref<1x10240xf32, #tpu.memory_space<hbm>>
      %dma_wait3A_76 = tpu.memref_squeeze %dma_wait3A_75 : memref<1x10240xf32, #tpu.memory_space<hbm>> -> memref<10240xf32, #tpu.memory_space<hbm>>
      %dma_wait3A_77 = arith.constant 0 : i32
      %dma_wait3A_78 = tpu.memref_slice %arg5[%arg0, %dma_wait3A_77] : memref<2x10240xf32, #tpu.memory_space<hbm>> -> memref<1x10240xf32, #tpu.memory_space<hbm>>
      %dma_wait3A_79 = tpu.memref_squeeze %dma_wait3A_78 : memref<1x10240xf32, #tpu.memory_space<hbm>> -> memref<10240xf32, #tpu.memory_space<hbm>>
      tpu.wait_dma2 semaphore(%run_scoped3A : memref<!tpu.dma_semaphore, #tpu.memory_space<semaphore_mem>>) src(%dma_wait3A_79 : memref<10240xf32, #tpu.memory_space<hbm>>) dst(%arg13 : memref<10240xf32, #tpu.memory_space<vmem>>)
      tpu.yield
    }) : () -> ()
    "tpu.region"() ({
      %run_scoped3A = tpu.sem_alloc : memref<!tpu.dma_semaphore, #tpu.memory_space<semaphore_mem>>
      tpu.enqueue_dma source(%arg7 : memref<80xi32, #tpu.memory_space<hbm>>) target(%arg19 : memref<80xi32, #tpu.memory_space<vmem>>) target_semaphore(%run_scoped3A : memref<!tpu.dma_semaphore, #tpu.memory_space<semaphore_mem>>)
      tpu.wait_dma2 semaphore(%run_scoped3A : memref<!tpu.dma_semaphore, #tpu.memory_space<semaphore_mem>>) src(%arg7 : memref<80xi32, #tpu.memory_space<hbm>>) dst(%arg19 : memref<80xi32, #tpu.memory_space<vmem>>)
      tpu.yield
    }) : () -> ()
    %broadcast_in_dim3A = arith.constant 0.000000e+00 : f32
    %broadcast_in_dim3A_0 = vector.broadcast %broadcast_in_dim3A : f32 to vector<16xf32>
    %scan3A = arith.constant 0 : i32
    %scan3A_1 = arith.constant 0 : i32
    %scan3A_2 = arith.constant 64 : i32
    %scan3A_3 = arith.addi %scan3A_1, %scan3A_2 : i32
    %scan3A_4 = arith.constant 1 : i32
    scf.for %scan3A_70 = %scan3A_1 to %scan3A_3 step %scan3A_4  : i32 {
      %swap3A = arith.index_cast %scan3A_70 : i32 to index
      %swap3A_71 = arith.constant 0 : index
      %swap3A_72 = tpu.vector_load %arg17[%swap3A, %swap3A_71] {strides = array<i32>} : memref<64x128xf32, #tpu.memory_space<vmem>>, vector<16xf32>,
      tpu.vector_store %arg17[%swap3A, %swap3A_71], %broadcast_in_dim3A_0 {strides = array<i32>} : memref<64x128xf32, #tpu.memory_space<vmem>>, vector<16xf32>,
      %swap3A_73 = arith.index_cast %scan3A_70 : i32 to index
      %swap3A_74 = arith.constant 16 : index
      %swap3A_75 = tpu.vector_load %arg17[%swap3A_73, %swap3A_74] {strides = array<i32>} : memref<64x128xf32, #tpu.memory_space<vmem>>, vector<16xf32>,
      tpu.vector_store %arg17[%swap3A_73, %swap3A_74], %broadcast_in_dim3A_0 {strides = array<i32>} : memref<64x128xf32, #tpu.memory_space<vmem>>, vector<16xf32>,
      %swap3A_76 = arith.index_cast %scan3A_70 : i32 to index
      %swap3A_77 = arith.constant 32 : index
      %swap3A_78 = tpu.vector_load %arg17[%swap3A_76, %swap3A_77] {strides = array<i32>} : memref<64x128xf32, #tpu.memory_space<vmem>>, vector<16xf32>,
      tpu.vector_store %arg17[%swap3A_76, %swap3A_77], %broadcast_in_dim3A_0 {strides = array<i32>} : memref<64x128xf32, #tpu.memory_space<vmem>>, vector<16xf32>,
      %swap3A_79 = arith.index_cast %scan3A_70 : i32 to index
      %swap3A_80 = arith.constant 48 : index
      %swap3A_81 = tpu.vector_load %arg17[%swap3A_79, %swap3A_80] {strides = array<i32>} : memref<64x128xf32, #tpu.memory_space<vmem>>, vector<16xf32>,
      tpu.vector_store %arg17[%swap3A_79, %swap3A_80], %broadcast_in_dim3A_0 {strides = array<i32>} : memref<64x128xf32, #tpu.memory_space<vmem>>, vector<16xf32>,
      %swap3A_82 = arith.index_cast %scan3A_70 : i32 to index
      %swap3A_83 = arith.constant 64 : index
      %swap3A_84 = tpu.vector_load %arg17[%swap3A_82, %swap3A_83] {strides = array<i32>} : memref<64x128xf32, #tpu.memory_space<vmem>>, vector<16xf32>,
      tpu.vector_store %arg17[%swap3A_82, %swap3A_83], %broadcast_in_dim3A_0 {strides = array<i32>} : memref<64x128xf32, #tpu.memory_space<vmem>>, vector<16xf32>,
      %swap3A_85 = arith.index_cast %scan3A_70 : i32 to index
      %swap3A_86 = arith.constant 80 : index
      %swap3A_87 = tpu.vector_load %arg17[%swap3A_85, %swap3A_86] {strides = array<i32>} : memref<64x128xf32, #tpu.memory_space<vmem>>, vector<16xf32>,
      tpu.vector_store %arg17[%swap3A_85, %swap3A_86], %broadcast_in_dim3A_0 {strides = array<i32>} : memref<64x128xf32, #tpu.memory_space<vmem>>, vector<16xf32>,
      %swap3A_88 = arith.index_cast %scan3A_70 : i32 to index
      %swap3A_89 = arith.constant 96 : index
      %swap3A_90 = tpu.vector_load %arg17[%swap3A_88, %swap3A_89] {strides = array<i32>} : memref<64x128xf32, #tpu.memory_space<vmem>>, vector<16xf32>,
      tpu.vector_store %arg17[%swap3A_88, %swap3A_89], %broadcast_in_dim3A_0 {strides = array<i32>} : memref<64x128xf32, #tpu.memory_space<vmem>>, vector<16xf32>,
      %swap3A_91 = arith.index_cast %scan3A_70 : i32 to index
      %swap3A_92 = arith.constant 112 : index
      %swap3A_93 = tpu.vector_load %arg17[%swap3A_91, %swap3A_92] {strides = array<i32>} : memref<64x128xf32, #tpu.memory_space<vmem>>, vector<16xf32>,
      tpu.vector_store %arg17[%swap3A_91, %swap3A_92], %broadcast_in_dim3A_0 {strides = array<i32>} : memref<64x128xf32, #tpu.memory_space<vmem>>, vector<16xf32>,
    }
    %scan3A_5 = arith.constant 64 : i32
    %scan3A_6 = arith.constant 0 : i32
    %scan3A_7 = arith.constant 0 : i32
    %scan3A_8 = arith.constant 80 : i32
    %scan3A_9 = arith.addi %scan3A_7, %scan3A_8 : i32
    %scan3A_10 = arith.constant 1 : i32
    scf.for %scan3A_70 = %scan3A_7 to %scan3A_9 step %scan3A_10  : i32 {
      %swap3A = arith.index_cast %scan3A_70 : i32 to index
      %swap3A_71 = arith.constant 0 : index
      %swap3A_72 = tpu.vector_load %arg18[%swap3A, %swap3A_71] {strides = array<i32>} : memref<80x128xf32, #tpu.memory_space<vmem>>, vector<16xf32>,
      tpu.vector_store %arg18[%swap3A, %swap3A_71], %broadcast_in_dim3A_0 {strides = array<i32>} : memref<80x128xf32, #tpu.memory_space<vmem>>, vector<16xf32>,
      %swap3A_73 = arith.index_cast %scan3A_70 : i32 to index
      %swap3A_74 = arith.constant 16 : index
      %swap3A_75 = tpu.vector_load %arg18[%swap3A_73, %swap3A_74] {strides = array<i32>} : memref<80x128xf32, #tpu.memory_space<vmem>>, vector<16xf32>,
      tpu.vector_store %arg18[%swap3A_73, %swap3A_74], %broadcast_in_dim3A_0 {strides = array<i32>} : memref<80x128xf32, #tpu.memory_space<vmem>>, vector<16xf32>,
      %swap3A_76 = arith.index_cast %scan3A_70 : i32 to index
      %swap3A_77 = arith.constant 32 : index
      %swap3A_78 = tpu.vector_load %arg18[%swap3A_76, %swap3A_77] {strides = array<i32>} : memref<80x128xf32, #tpu.memory_space<vmem>>, vector<16xf32>,
      tpu.vector_store %arg18[%swap3A_76, %swap3A_77], %broadcast_in_dim3A_0 {strides = array<i32>} : memref<80x128xf32, #tpu.memory_space<vmem>>, vector<16xf32>,
      %swap3A_79 = arith.index_cast %scan3A_70 : i32 to index
      %swap3A_80 = arith.constant 48 : index
      %swap3A_81 = tpu.vector_load %arg18[%swap3A_79, %swap3A_80] {strides = array<i32>} : memref<80x128xf32, #tpu.memory_space<vmem>>, vector<16xf32>,
      tpu.vector_store %arg18[%swap3A_79, %swap3A_80], %broadcast_in_dim3A_0 {strides = array<i32>} : memref<80x128xf32, #tpu.memory_space<vmem>>, vector<16xf32>,
      %swap3A_82 = arith.index_cast %scan3A_70 : i32 to index
      %swap3A_83 = arith.constant 64 : index
      %swap3A_84 = tpu.vector_load %arg18[%swap3A_82, %swap3A_83] {strides = array<i32>} : memref<80x128xf32, #tpu.memory_space<vmem>>, vector<16xf32>,
      tpu.vector_store %arg18[%swap3A_82, %swap3A_83], %broadcast_in_dim3A_0 {strides = array<i32>} : memref<80x128xf32, #tpu.memory_space<vmem>>, vector<16xf32>,
      %swap3A_85 = arith.index_cast %scan3A_70 : i32 to index
      %swap3A_86 = arith.constant 80 : index
      %swap3A_87 = tpu.vector_load %arg18[%swap3A_85, %swap3A_86] {strides = array<i32>} : memref<80x128xf32, #tpu.memory_space<vmem>>, vector<16xf32>,
      tpu.vector_store %arg18[%swap3A_85, %swap3A_86], %broadcast_in_dim3A_0 {strides = array<i32>} : memref<80x128xf32, #tpu.memory_space<vmem>>, vector<16xf32>,
      %swap3A_88 = arith.index_cast %scan3A_70 : i32 to index
      %swap3A_89 = arith.constant 96 : index
      %swap3A_90 = tpu.vector_load %arg18[%swap3A_88, %swap3A_89] {strides = array<i32>} : memref<80x128xf32, #tpu.memory_space<vmem>>, vector<16xf32>,
      tpu.vector_store %arg18[%swap3A_88, %swap3A_89], %broadcast_in_dim3A_0 {strides = array<i32>} : memref<80x128xf32, #tpu.memory_space<vmem>>, vector<16xf32>,
      %swap3A_91 = arith.index_cast %scan3A_70 : i32 to index
      %swap3A_92 = arith.constant 112 : index
      %swap3A_93 = tpu.vector_load %arg18[%swap3A_91, %swap3A_92] {strides = array<i32>} : memref<80x128xf32, #tpu.memory_space<vmem>>, vector<16xf32>,
      tpu.vector_store %arg18[%swap3A_91, %swap3A_92], %broadcast_in_dim3A_0 {strides = array<i32>} : memref<80x128xf32, #tpu.memory_space<vmem>>, vector<16xf32>,
    }
    %scan3A_11 = arith.constant 80 : i32
    %mul3A = arith.constant 640 : i32
    %mul3A_12 = arith.muli %arg1, %mul3A : i32
    %add3A = arith.constant 0 : i32
    %add3A_13 = arith.addi %mul3A_12, %add3A : i32
    "tpu.region"() ({
      %run_scoped3A = tpu.sem_alloc : memref<!tpu.dma_semaphore, #tpu.memory_space<semaphore_mem>>
      %dma_start3A = arith.constant 0 : i32
      %dma_start3A_70 = tpu.memref_slice %arg10[%add3A_13, %dma_start3A] : memref<10240x128xf32, #tpu.memory_space<vmem_shared>> -> memref<64x128xf32, #tpu.memory_space<vmem_shared>>
      %dma_start3A_71 = arith.constant 0 : i32
      %dma_start3A_72 = tpu.memref_slice %arg10[%add3A_13, %dma_start3A_71] : memref<10240x128xf32, #tpu.memory_space<vmem_shared>> -> memref<64x128xf32, #tpu.memory_space<vmem_shared>>
      tpu.enqueue_dma source(%arg17 : memref<64x128xf32, #tpu.memory_space<vmem>>) target(%dma_start3A_72 : memref<64x128xf32, #tpu.memory_space<vmem_shared>>) target_semaphore(%run_scoped3A : memref<!tpu.dma_semaphore, #tpu.memory_space<semaphore_mem>>)
      %dma_wait3A = arith.constant 0 : i32
      %dma_wait3A_73 = tpu.memref_slice %arg10[%add3A_13, %dma_wait3A] : memref<10240x128xf32, #tpu.memory_space<vmem_shared>> -> memref<64x128xf32, #tpu.memory_space<vmem_shared>>
      %dma_wait3A_74 = arith.constant 0 : i32
      %dma_wait3A_75 = tpu.memref_slice %arg10[%add3A_13, %dma_wait3A_74] : memref<10240x128xf32, #tpu.memory_space<vmem_shared>> -> memref<64x128xf32, #tpu.memory_space<vmem_shared>>
      tpu.wait_dma2 semaphore(%run_scoped3A : memref<!tpu.dma_semaphore, #tpu.memory_space<semaphore_mem>>) src(%arg17 : memref<64x128xf32, #tpu.memory_space<vmem>>) dst(%dma_wait3A_75 : memref<64x128xf32, #tpu.memory_space<vmem_shared>>)
      tpu.yield
    }) : () -> ()
    %mul3A_14 = arith.constant 640 : i32
    %mul3A_15 = arith.muli %arg1, %mul3A_14 : i32
    %add3A_16 = arith.constant 64 : i32
    %add3A_17 = arith.addi %mul3A_15, %add3A_16 : i32
    "tpu.region"() ({
      %run_scoped3A = tpu.sem_alloc : memref<!tpu.dma_semaphore, #tpu.memory_space<semaphore_mem>>
      %dma_start3A = arith.constant 0 : i32
      %dma_start3A_70 = tpu.memref_slice %arg10[%add3A_17, %dma_start3A] : memref<10240x128xf32, #tpu.memory_space<vmem_shared>> -> memref<64x128xf32, #tpu.memory_space<vmem_shared>>
      %dma_start3A_71 = arith.constant 0 : i32
      %dma_start3A_72 = tpu.memref_slice %arg10[%add3A_17, %dma_start3A_71] : memref<10240x128xf32, #tpu.memory_space<vmem_shared>> -> memref<64x128xf32, #tpu.memory_space<vmem_shared>>
      tpu.enqueue_dma source(%arg17 : memref<64x128xf32, #tpu.memory_space<vmem>>) target(%dma_start3A_72 : memref<64x128xf32, #tpu.memory_space<vmem_shared>>) target_semaphore(%run_scoped3A : memref<!tpu.dma_semaphore, #tpu.memory_space<semaphore_mem>>)
      %dma_wait3A = arith.constant 0 : i32
      %dma_wait3A_73 = tpu.memref_slice %arg10[%add3A_17, %dma_wait3A] : memref<10240x128xf32, #tpu.memory_space<vmem_shared>> -> memref<64x128xf32, #tpu.memory_space<vmem_shared>>
      %dma_wait3A_74 = arith.constant 0 : i32
      %dma_wait3A_75 = tpu.memref_slice %arg10[%add3A_17, %dma_wait3A_74] : memref<10240x128xf32, #tpu.memory_space<vmem_shared>> -> memref<64x128xf32, #tpu.memory_space<vmem_shared>>
      tpu.wait_dma2 semaphore(%run_scoped3A : memref<!tpu.dma_semaphore, #tpu.memory_space<semaphore_mem>>) src(%arg17 : memref<64x128xf32, #tpu.memory_space<vmem>>) dst(%dma_wait3A_75 : memref<64x128xf32, #tpu.memory_space<vmem_shared>>)
      tpu.yield
    }) : () -> ()
    %mul3A_18 = arith.constant 640 : i32
    %mul3A_19 = arith.muli %arg1, %mul3A_18 : i32
    %add3A_20 = arith.constant 128 : i32
    %add3A_21 = arith.addi %mul3A_19, %add3A_20 : i32
    "tpu.region"() ({
      %run_scoped3A = tpu.sem_alloc : memref<!tpu.dma_semaphore, #tpu.memory_space<semaphore_mem>>
      %dma_start3A = arith.constant 0 : i32
      %dma_start3A_70 = tpu.memref_slice %arg10[%add3A_21, %dma_start3A] : memref<10240x128xf32, #tpu.memory_space<vmem_shared>> -> memref<64x128xf32, #tpu.memory_space<vmem_shared>>
      %dma_start3A_71 = arith.constant 0 : i32
      %dma_start3A_72 = tpu.memref_slice %arg10[%add3A_21, %dma_start3A_71] : memref<10240x128xf32, #tpu.memory_space<vmem_shared>> -> memref<64x128xf32, #tpu.memory_space<vmem_shared>>
      tpu.enqueue_dma source(%arg17 : memref<64x128xf32, #tpu.memory_space<vmem>>) target(%dma_start3A_72 : memref<64x128xf32, #tpu.memory_space<vmem_shared>>) target_semaphore(%run_scoped3A : memref<!tpu.dma_semaphore, #tpu.memory_space<semaphore_mem>>)
      %dma_wait3A = arith.constant 0 : i32
      %dma_wait3A_73 = tpu.memref_slice %arg10[%add3A_21, %dma_wait3A] : memref<10240x128xf32, #tpu.memory_space<vmem_shared>> -> memref<64x128xf32, #tpu.memory_space<vmem_shared>>
      %dma_wait3A_74 = arith.constant 0 : i32
      %dma_wait3A_75 = tpu.memref_slice %arg10[%add3A_21, %dma_wait3A_74] : memref<10240x128xf32, #tpu.memory_space<vmem_shared>> -> memref<64x128xf32, #tpu.memory_space<vmem_shared>>
      tpu.wait_dma2 semaphore(%run_scoped3A : memref<!tpu.dma_semaphore, #tpu.memory_space<semaphore_mem>>) src(%arg17 : memref<64x128xf32, #tpu.memory_space<vmem>>) dst(%dma_wait3A_75 : memref<64x128xf32, #tpu.memory_space<vmem_shared>>)
      tpu.yield
    }) : () -> ()
    %mul3A_22 = arith.constant 640 : i32
    %mul3A_23 = arith.muli %arg1, %mul3A_22 : i32
    %add3A_24 = arith.constant 192 : i32
    %add3A_25 = arith.addi %mul3A_23, %add3A_24 : i32
    "tpu.region"() ({
      %run_scoped3A = tpu.sem_alloc : memref<!tpu.dma_semaphore, #tpu.memory_space<semaphore_mem>>
      %dma_start3A = arith.constant 0 : i32
      %dma_start3A_70 = tpu.memref_slice %arg10[%add3A_25, %dma_start3A] : memref<10240x128xf32, #tpu.memory_space<vmem_shared>> -> memref<64x128xf32, #tpu.memory_space<vmem_shared>>
      %dma_start3A_71 = arith.constant 0 : i32
      %dma_start3A_72 = tpu.memref_slice %arg10[%add3A_25, %dma_start3A_71] : memref<10240x128xf32, #tpu.memory_space<vmem_shared>> -> memref<64x128xf32, #tpu.memory_space<vmem_shared>>
      tpu.enqueue_dma source(%arg17 : memref<64x128xf32, #tpu.memory_space<vmem>>) target(%dma_start3A_72 : memref<64x128xf32, #tpu.memory_space<vmem_shared>>) target_semaphore(%run_scoped3A : memref<!tpu.dma_semaphore, #tpu.memory_space<semaphore_mem>>)
      %dma_wait3A = arith.constant 0 : i32
      %dma_wait3A_73 = tpu.memref_slice %arg10[%add3A_25, %dma_wait3A] : memref<10240x128xf32, #tpu.memory_space<vmem_shared>> -> memref<64x128xf32, #tpu.memory_space<vmem_shared>>
      %dma_wait3A_74 = arith.constant 0 : i32
      %dma_wait3A_75 = tpu.memref_slice %arg10[%add3A_25, %dma_wait3A_74] : memref<10240x128xf32, #tpu.memory_space<vmem_shared>> -> memref<64x128xf32, #tpu.memory_space<vmem_shared>>
      tpu.wait_dma2 semaphore(%run_scoped3A : memref<!tpu.dma_semaphore, #tpu.memory_space<semaphore_mem>>) src(%arg17 : memref<64x128xf32, #tpu.memory_space<vmem>>) dst(%dma_wait3A_75 : memref<64x128xf32, #tpu.memory_space<vmem_shared>>)
      tpu.yield
    }) : () -> ()
    %mul3A_26 = arith.constant 640 : i32
    %mul3A_27 = arith.muli %arg1, %mul3A_26 : i32
    %add3A_28 = arith.constant 256 : i32
    %add3A_29 = arith.addi %mul3A_27, %add3A_28 : i32
    "tpu.region"() ({
      %run_scoped3A = tpu.sem_alloc : memref<!tpu.dma_semaphore, #tpu.memory_space<semaphore_mem>>
      %dma_start3A = arith.constant 0 : i32
      %dma_start3A_70 = tpu.memref_slice %arg10[%add3A_29, %dma_start3A] : memref<10240x128xf32, #tpu.memory_space<vmem_shared>> -> memref<64x128xf32, #tpu.memory_space<vmem_shared>>
      %dma_start3A_71 = arith.constant 0 : i32
      %dma_start3A_72 = tpu.memref_slice %arg10[%add3A_29, %dma_start3A_71] : memref<10240x128xf32, #tpu.memory_space<vmem_shared>> -> memref<64x128xf32, #tpu.memory_space<vmem_shared>>
      tpu.enqueue_dma source(%arg17 : memref<64x128xf32, #tpu.memory_space<vmem>>) target(%dma_start3A_72 : memref<64x128xf32, #tpu.memory_space<vmem_shared>>) target_semaphore(%run_scoped3A : memref<!tpu.dma_semaphore, #tpu.memory_space<semaphore_mem>>)
      %dma_wait3A = arith.constant 0 : i32
      %dma_wait3A_73 = tpu.memref_slice %arg10[%add3A_29, %dma_wait3A] : memref<10240x128xf32, #tpu.memory_space<vmem_shared>> -> memref<64x128xf32, #tpu.memory_space<vmem_shared>>
      %dma_wait3A_74 = arith.constant 0 : i32
      %dma_wait3A_75 = tpu.memref_slice %arg10[%add3A_29, %dma_wait3A_74] : memref<10240x128xf32, #tpu.memory_space<vmem_shared>> -> memref<64x128xf32, #tpu.memory_space<vmem_shared>>
      tpu.wait_dma2 semaphore(%run_scoped3A : memref<!tpu.dma_semaphore, #tpu.memory_space<semaphore_mem>>) src(%arg17 : memref<64x128xf32, #tpu.memory_space<vmem>>) dst(%dma_wait3A_75 : memref<64x128xf32, #tpu.memory_space<vmem_shared>>)
      tpu.yield
    }) : () -> ()
    %mul3A_30 = arith.constant 640 : i32
    %mul3A_31 = arith.muli %arg1, %mul3A_30 : i32
    %add3A_32 = arith.constant 320 : i32
    %add3A_33 = arith.addi %mul3A_31, %add3A_32 : i32
    "tpu.region"() ({
      %run_scoped3A = tpu.sem_alloc : memref<!tpu.dma_semaphore, #tpu.memory_space<semaphore_mem>>
      %dma_start3A = arith.constant 0 : i32
      %dma_start3A_70 = tpu.memref_slice %arg10[%add3A_33, %dma_start3A] : memref<10240x128xf32, #tpu.memory_space<vmem_shared>> -> memref<64x128xf32, #tpu.memory_space<vmem_shared>>
      %dma_start3A_71 = arith.constant 0 : i32
      %dma_start3A_72 = tpu.memref_slice %arg10[%add3A_33, %dma_start3A_71] : memref<10240x128xf32, #tpu.memory_space<vmem_shared>> -> memref<64x128xf32, #tpu.memory_space<vmem_shared>>
      tpu.enqueue_dma source(%arg17 : memref<64x128xf32, #tpu.memory_space<vmem>>) target(%dma_start3A_72 : memref<64x128xf32, #tpu.memory_space<vmem_shared>>) target_semaphore(%run_scoped3A : memref<!tpu.dma_semaphore, #tpu.memory_space<semaphore_mem>>)
      %dma_wait3A = arith.constant 0 : i32
      %dma_wait3A_73 = tpu.memref_slice %arg10[%add3A_33, %dma_wait3A] : memref<10240x128xf32, #tpu.memory_space<vmem_shared>> -> memref<64x128xf32, #tpu.memory_space<vmem_shared>>
      %dma_wait3A_74 = arith.constant 0 : i32
      %dma_wait3A_75 = tpu.memref_slice %arg10[%add3A_33, %dma_wait3A_74] : memref<10240x128xf32, #tpu.memory_space<vmem_shared>> -> memref<64x128xf32, #tpu.memory_space<vmem_shared>>
      tpu.wait_dma2 semaphore(%run_scoped3A : memref<!tpu.dma_semaphore, #tpu.memory_space<semaphore_mem>>) src(%arg17 : memref<64x128xf32, #tpu.memory_space<vmem>>) dst(%dma_wait3A_75 : memref<64x128xf32, #tpu.memory_space<vmem_shared>>)
      tpu.yield
    }) : () -> ()
    %mul3A_34 = arith.constant 640 : i32
    %mul3A_35 = arith.muli %arg1, %mul3A_34 : i32
    %add3A_36 = arith.constant 384 : i32
    %add3A_37 = arith.addi %mul3A_35, %add3A_36 : i32
    "tpu.region"() ({
      %run_scoped3A = tpu.sem_alloc : memref<!tpu.dma_semaphore, #tpu.memory_space<semaphore_mem>>
      %dma_start3A = arith.constant 0 : i32
      %dma_start3A_70 = tpu.memref_slice %arg10[%add3A_37, %dma_start3A] : memref<10240x128xf32, #tpu.memory_space<vmem_shared>> -> memref<64x128xf32, #tpu.memory_space<vmem_shared>>
      %dma_start3A_71 = arith.constant 0 : i32
      %dma_start3A_72 = tpu.memref_slice %arg10[%add3A_37, %dma_start3A_71] : memref<10240x128xf32, #tpu.memory_space<vmem_shared>> -> memref<64x128xf32, #tpu.memory_space<vmem_shared>>
      tpu.enqueue_dma source(%arg17 : memref<64x128xf32, #tpu.memory_space<vmem>>) target(%dma_start3A_72 : memref<64x128xf32, #tpu.memory_space<vmem_shared>>) target_semaphore(%run_scoped3A : memref<!tpu.dma_semaphore, #tpu.memory_space<semaphore_mem>>)
      %dma_wait3A = arith.constant 0 : i32
      %dma_wait3A_73 = tpu.memref_slice %arg10[%add3A_37, %dma_wait3A] : memref<10240x128xf32, #tpu.memory_space<vmem_shared>> -> memref<64x128xf32, #tpu.memory_space<vmem_shared>>
      %dma_wait3A_74 = arith.constant 0 : i32
      %dma_wait3A_75 = tpu.memref_slice %arg10[%add3A_37, %dma_wait3A_74] : memref<10240x128xf32, #tpu.memory_space<vmem_shared>> -> memref<64x128xf32, #tpu.memory_space<vmem_shared>>
      tpu.wait_dma2 semaphore(%run_scoped3A : memref<!tpu.dma_semaphore, #tpu.memory_space<semaphore_mem>>) src(%arg17 : memref<64x128xf32, #tpu.memory_space<vmem>>) dst(%dma_wait3A_75 : memref<64x128xf32, #tpu.memory_space<vmem_shared>>)
      tpu.yield
    }) : () -> ()
    %mul3A_38 = arith.constant 640 : i32
    %mul3A_39 = arith.muli %arg1, %mul3A_38 : i32
    %add3A_40 = arith.constant 448 : i32
    %add3A_41 = arith.addi %mul3A_39, %add3A_40 : i32
    "tpu.region"() ({
      %run_scoped3A = tpu.sem_alloc : memref<!tpu.dma_semaphore, #tpu.memory_space<semaphore_mem>>
      %dma_start3A = arith.constant 0 : i32
      %dma_start3A_70 = tpu.memref_slice %arg10[%add3A_41, %dma_start3A] : memref<10240x128xf32, #tpu.memory_space<vmem_shared>> -> memref<64x128xf32, #tpu.memory_space<vmem_shared>>
      %dma_start3A_71 = arith.constant 0 : i32
      %dma_start3A_72 = tpu.memref_slice %arg10[%add3A_41, %dma_start3A_71] : memref<10240x128xf32, #tpu.memory_space<vmem_shared>> -> memref<64x128xf32, #tpu.memory_space<vmem_shared>>
      tpu.enqueue_dma source(%arg17 : memref<64x128xf32, #tpu.memory_space<vmem>>) target(%dma_start3A_72 : memref<64x128xf32, #tpu.memory_space<vmem_shared>>) target_semaphore(%run_scoped3A : memref<!tpu.dma_semaphore, #tpu.memory_space<semaphore_mem>>)
      %dma_wait3A = arith.constant 0 : i32
      %dma_wait3A_73 = tpu.memref_slice %arg10[%add3A_41, %dma_wait3A] : memref<10240x128xf32, #tpu.memory_space<vmem_shared>> -> memref<64x128xf32, #tpu.memory_space<vmem_shared>>
      %dma_wait3A_74 = arith.constant 0 : i32
      %dma_wait3A_75 = tpu.memref_slice %arg10[%add3A_41, %dma_wait3A_74] : memref<10240x128xf32, #tpu.memory_space<vmem_shared>> -> memref<64x128xf32, #tpu.memory_space<vmem_shared>>
      tpu.wait_dma2 semaphore(%run_scoped3A : memref<!tpu.dma_semaphore, #tpu.memory_space<semaphore_mem>>) src(%arg17 : memref<64x128xf32, #tpu.memory_space<vmem>>) dst(%dma_wait3A_75 : memref<64x128xf32, #tpu.memory_space<vmem_shared>>)
      tpu.yield
    }) : () -> ()
    %mul3A_42 = arith.constant 640 : i32
    %mul3A_43 = arith.muli %arg1, %mul3A_42 : i32
    %add3A_44 = arith.constant 512 : i32
    %add3A_45 = arith.addi %mul3A_43, %add3A_44 : i32
    "tpu.region"() ({
      %run_scoped3A = tpu.sem_alloc : memref<!tpu.dma_semaphore, #tpu.memory_space<semaphore_mem>>
      %dma_start3A = arith.constant 0 : i32
      %dma_start3A_70 = tpu.memref_slice %arg10[%add3A_45, %dma_start3A] : memref<10240x128xf32, #tpu.memory_space<vmem_shared>> -> memref<64x128xf32, #tpu.memory_space<vmem_shared>>
      %dma_start3A_71 = arith.constant 0 : i32
      %dma_start3A_72 = tpu.memref_slice %arg10[%add3A_45, %dma_start3A_71] : memref<10240x128xf32, #tpu.memory_space<vmem_shared>> -> memref<64x128xf32, #tpu.memory_space<vmem_shared>>
      tpu.enqueue_dma source(%arg17 : memref<64x128xf32, #tpu.memory_space<vmem>>) target(%dma_start3A_72 : memref<64x128xf32, #tpu.memory_space<vmem_shared>>) target_semaphore(%run_scoped3A : memref<!tpu.dma_semaphore, #tpu.memory_space<semaphore_mem>>)
      %dma_wait3A = arith.constant 0 : i32
      %dma_wait3A_73 = tpu.memref_slice %arg10[%add3A_45, %dma_wait3A] : memref<10240x128xf32, #tpu.memory_space<vmem_shared>> -> memref<64x128xf32, #tpu.memory_space<vmem_shared>>
      %dma_wait3A_74 = arith.constant 0 : i32
      %dma_wait3A_75 = tpu.memref_slice %arg10[%add3A_45, %dma_wait3A_74] : memref<10240x128xf32, #tpu.memory_space<vmem_shared>> -> memref<64x128xf32, #tpu.memory_space<vmem_shared>>
      tpu.wait_dma2 semaphore(%run_scoped3A : memref<!tpu.dma_semaphore, #tpu.memory_space<semaphore_mem>>) src(%arg17 : memref<64x128xf32, #tpu.memory_space<vmem>>) dst(%dma_wait3A_75 : memref<64x128xf32, #tpu.memory_space<vmem_shared>>)
      tpu.yield
    }) : () -> ()
    %mul3A_46 = arith.constant 640 : i32
    %mul3A_47 = arith.muli %arg1, %mul3A_46 : i32
    %add3A_48 = arith.constant 576 : i32
    %add3A_49 = arith.addi %mul3A_47, %add3A_48 : i32
    "tpu.region"() ({
      %run_scoped3A = tpu.sem_alloc : memref<!tpu.dma_semaphore, #tpu.memory_space<semaphore_mem>>
      %dma_start3A = arith.constant 0 : i32
      %dma_start3A_70 = tpu.memref_slice %arg10[%add3A_49, %dma_start3A] : memref<10240x128xf32, #tpu.memory_space<vmem_shared>> -> memref<64x128xf32, #tpu.memory_space<vmem_shared>>
      %dma_start3A_71 = arith.constant 0 : i32
      %dma_start3A_72 = tpu.memref_slice %arg10[%add3A_49, %dma_start3A_71] : memref<10240x128xf32, #tpu.memory_space<vmem_shared>> -> memref<64x128xf32, #tpu.memory_space<vmem_shared>>
      tpu.enqueue_dma source(%arg17 : memref<64x128xf32, #tpu.memory_space<vmem>>) target(%dma_start3A_72 : memref<64x128xf32, #tpu.memory_space<vmem_shared>>) target_semaphore(%run_scoped3A : memref<!tpu.dma_semaphore, #tpu.memory_space<semaphore_mem>>)
      %dma_wait3A = arith.constant 0 : i32
      %dma_wait3A_73 = tpu.memref_slice %arg10[%add3A_49, %dma_wait3A] : memref<10240x128xf32, #tpu.memory_space<vmem_shared>> -> memref<64x128xf32, #tpu.memory_space<vmem_shared>>
      %dma_wait3A_74 = arith.constant 0 : i32
      %dma_wait3A_75 = tpu.memref_slice %arg10[%add3A_49, %dma_wait3A_74] : memref<10240x128xf32, #tpu.memory_space<vmem_shared>> -> memref<64x128xf32, #tpu.memory_space<vmem_shared>>
      tpu.wait_dma2 semaphore(%run_scoped3A : memref<!tpu.dma_semaphore, #tpu.memory_space<semaphore_mem>>) src(%arg17 : memref<64x128xf32, #tpu.memory_space<vmem>>) dst(%dma_wait3A_75 : memref<64x128xf32, #tpu.memory_space<vmem_shared>>)
      tpu.yield
    }) : () -> ()
    %eq3A = arith.constant 0 : i32
    %eq3A_50 = arith.cmpi eq, %arg1, %eq3A : i32
    %convert_element_type3A = arith.extui %eq3A_50 : i1 to i32
    %cond3A = arith.constant 0 : i32
    %cond3A_51 = arith.cmpi ne, %convert_element_type3A, %cond3A : i32
    scf.if %cond3A_51 {
      "tpu.region"() ({
        %run_scoped3A = tpu.sem_alloc : memref<!tpu.dma_semaphore, #tpu.memory_space<semaphore_mem>>
        %dma_start3A = arith.constant 0 : i32
        %dma_start3A_70 = arith.constant 0 : i32
        %dma_start3A_71 = tpu.memref_slice %arg11[%dma_start3A, %dma_start3A_70] : memref<80x128xf32, #tpu.memory_space<vmem_shared>> -> memref<64x128xf32, #tpu.memory_space<vmem_shared>>
        %dma_start3A_72 = arith.constant 0 : i32
        %dma_start3A_73 = arith.constant 0 : i32
        %dma_start3A_74 = tpu.memref_slice %arg11[%dma_start3A_72, %dma_start3A_73] : memref<80x128xf32, #tpu.memory_space<vmem_shared>> -> memref<64x128xf32, #tpu.memory_space<vmem_shared>>
        tpu.enqueue_dma source(%arg17 : memref<64x128xf32, #tpu.memory_space<vmem>>) target(%dma_start3A_74 : memref<64x128xf32, #tpu.memory_space<vmem_shared>>) target_semaphore(%run_scoped3A : memref<!tpu.dma_semaphore, #tpu.memory_space<semaphore_mem>>)
        %dma_wait3A = arith.constant 0 : i32
        %dma_wait3A_75 = arith.constant 0 : i32
        %dma_wait3A_76 = tpu.memref_slice %arg11[%dma_wait3A, %dma_wait3A_75] : memref<80x128xf32, #tpu.memory_space<vmem_shared>> -> memref<64x128xf32, #tpu.memory_space<vmem_shared>>
        %dma_wait3A_77 = arith.constant 0 : i32
        %dma_wait3A_78 = arith.constant 0 : i32
        %dma_wait3A_79 = tpu.memref_slice %arg11[%dma_wait3A_77, %dma_wait3A_78] : memref<80x128xf32, #tpu.memory_space<vmem_shared>> -> memref<64x128xf32, #tpu.memory_space<vmem_shared>>
        tpu.wait_dma2 semaphore(%run_scoped3A : memref<!tpu.dma_semaphore, #tpu.memory_space<semaphore_mem>>) src(%arg17 : memref<64x128xf32, #tpu.memory_space<vmem>>) dst(%dma_wait3A_79 : memref<64x128xf32, #tpu.memory_space<vmem_shared>>)
        tpu.yield
      }) : () -> ()
      "tpu.region"() ({
        %run_scoped3A = tpu.sem_alloc : memref<!tpu.dma_semaphore, #tpu.memory_space<semaphore_mem>>
        %dma_start3A = arith.constant 0 : i32
        %dma_start3A_70 = arith.constant 0 : i32
        %dma_start3A_71 = tpu.memref_slice %arg17[%dma_start3A, %dma_start3A_70] : memref<64x128xf32, #tpu.memory_space<vmem>> -> memref<16x128xf32, #tpu.memory_space<vmem>>
        %dma_start3A_72 = arith.constant 64 : i32
        %dma_start3A_73 = arith.constant 0 : i32
        %dma_start3A_74 = tpu.memref_slice %arg11[%dma_start3A_72, %dma_start3A_73] : memref<80x128xf32, #tpu.memory_space<vmem_shared>> -> memref<16x128xf32, #tpu.memory_space<vmem_shared>>
        %dma_start3A_75 = arith.constant 64 : i32
        %dma_start3A_76 = arith.constant 0 : i32
        %dma_start3A_77 = tpu.memref_slice %arg11[%dma_start3A_75, %dma_start3A_76] : memref<80x128xf32, #tpu.memory_space<vmem_shared>> -> memref<16x128xf32, #tpu.memory_space<vmem_shared>>
        %dma_start3A_78 = arith.constant 0 : i32
        %dma_start3A_79 = arith.constant 0 : i32
        %dma_start3A_80 = tpu.memref_slice %arg17[%dma_start3A_78, %dma_start3A_79] : memref<64x128xf32, #tpu.memory_space<vmem>> -> memref<16x128xf32, #tpu.memory_space<vmem>>
        tpu.enqueue_dma source(%dma_start3A_80 : memref<16x128xf32, #tpu.memory_space<vmem>>) target(%dma_start3A_77 : memref<16x128xf32, #tpu.memory_space<vmem_shared>>) target_semaphore(%run_scoped3A : memref<!tpu.dma_semaphore, #tpu.memory_space<semaphore_mem>>)
        %dma_wait3A = arith.constant 0 : i32
        %dma_wait3A_81 = arith.constant 0 : i32
        %dma_wait3A_82 = tpu.memref_slice %arg17[%dma_wait3A, %dma_wait3A_81] : memref<64x128xf32, #tpu.memory_space<vmem>> -> memref<16x128xf32, #tpu.memory_space<vmem>>
        %dma_wait3A_83 = arith.constant 64 : i32
        %dma_wait3A_84 = arith.constant 0 : i32
        %dma_wait3A_85 = tpu.memref_slice %arg11[%dma_wait3A_83, %dma_wait3A_84] : memref<80x128xf32, #tpu.memory_space<vmem_shared>> -> memref<16x128xf32, #tpu.memory_space<vmem_shared>>
        %dma_wait3A_86 = arith.constant 64 : i32
        %dma_wait3A_87 = arith.constant 0 : i32
        %dma_wait3A_88 = tpu.memref_slice %arg11[%dma_wait3A_86, %dma_wait3A_87] : memref<80x128xf32, #tpu.memory_space<vmem_shared>> -> memref<16x128xf32, #tpu.memory_space<vmem_shared>>
        %dma_wait3A_89 = arith.constant 0 : i32
        %dma_wait3A_90 = arith.constant 0 : i32
        %dma_wait3A_91 = tpu.memref_slice %arg17[%dma_wait3A_89, %dma_wait3A_90] : memref<64x128xf32, #tpu.memory_space<vmem>> -> memref<16x128xf32, #tpu.memory_space<vmem>>
        tpu.wait_dma2 semaphore(%run_scoped3A : memref<!tpu.dma_semaphore, #tpu.memory_space<semaphore_mem>>) src(%dma_wait3A_91 : memref<16x128xf32, #tpu.memory_space<vmem>>) dst(%dma_wait3A_88 : memref<16x128xf32, #tpu.memory_space<vmem_shared>>)
        tpu.yield
      }) : () -> ()
    } else {
    }
    %barrier3A = arith.constant 0 : index
    tpu.barrier barrier_id(%barrier3A)
    %mul3A_52 = arith.constant 0 : i32
    %mul3A_53 = arith.muli %arg0, %mul3A_52 : i32
    %scan3A_54 = arith.constant 0 : i32
    %scan3A_55 = arith.constant 0 : i32
    %scan3A_56 = arith.constant 21 : i32
    %scan3A_57 = arith.addi %scan3A_55, %scan3A_56 : i32
    %scan3A_58 = arith.constant 1 : i32
    scf.for %scan3A_70 = %scan3A_55 to %scan3A_57 step %scan3A_58  : i32 {
      %mul3A_71 = arith.constant 16 : i32
      %mul3A_72 = arith.muli %scan3A_70, %mul3A_71 : i32
      "tpu.region"() ({
        %run_scoped3A = tpu.sem_alloc : memref<!tpu.dma_semaphore, #tpu.memory_space<semaphore_mem>>
        %dma_start3A = arith.constant 0 : i32
        %dma_start3A_81 = tpu.memref_slice %arg2[%arg0, %arg1, %mul3A_72, %dma_start3A] : memref<2x16x336x64xi32, #tpu.memory_space<hbm>> -> memref<1x1x16x64xi32, #tpu.memory_space<hbm>>
        %dma_start3A_82 = tpu.memref_squeeze %dma_start3A_81 : memref<1x1x16x64xi32, #tpu.memory_space<hbm>> -> memref<16x64xi32, #tpu.memory_space<hbm>>
        %dma_start3A_83 = arith.constant 0 : i32
        %dma_start3A_84 = tpu.memref_slice %arg2[%arg0, %arg1, %mul3A_72, %dma_start3A_83] : memref<2x16x336x64xi32, #tpu.memory_space<hbm>> -> memref<1x1x16x64xi32, #tpu.memory_space<hbm>>
        %dma_start3A_85 = tpu.memref_squeeze %dma_start3A_84 : memref<1x1x16x64xi32, #tpu.memory_space<hbm>> -> memref<16x64xi32, #tpu.memory_space<hbm>>
        tpu.enqueue_dma source(%dma_start3A_85 : memref<16x64xi32, #tpu.memory_space<hbm>>) target(%arg14 : memref<16x64xi32, #tpu.memory_space<vmem>>) target_semaphore(%run_scoped3A : memref<!tpu.dma_semaphore, #tpu.memory_space<semaphore_mem>>)
        %dma_wait3A = arith.constant 0 : i32
        %dma_wait3A_86 = tpu.memref_slice %arg2[%arg0, %arg1, %mul3A_72, %dma_wait3A] : memref<2x16x336x64xi32, #tpu.memory_space<hbm>> -> memref<1x1x16x64xi32, #tpu.memory_space<hbm>>
        %dma_wait3A_87 = tpu.memref_squeeze %dma_wait3A_86 : memref<1x1x16x64xi32, #tpu.memory_space<hbm>> -> memref<16x64xi32, #tpu.memory_space<hbm>>
        %dma_wait3A_88 = arith.constant 0 : i32
        %dma_wait3A_89 = tpu.memref_slice %arg2[%arg0, %arg1, %mul3A_72, %dma_wait3A_88] : memref<2x16x336x64xi32, #tpu.memory_space<hbm>> -> memref<1x1x16x64xi32, #tpu.memory_space<hbm>>
        %dma_wait3A_90 = tpu.memref_squeeze %dma_wait3A_89 : memref<1x1x16x64xi32, #tpu.memory_space<hbm>> -> memref<16x64xi32, #tpu.memory_space<hbm>>
        tpu.wait_dma2 semaphore(%run_scoped3A : memref<!tpu.dma_semaphore, #tpu.memory_space<semaphore_mem>>) src(%dma_wait3A_90 : memref<16x64xi32, #tpu.memory_space<hbm>>) dst(%arg14 : memref<16x64xi32, #tpu.memory_space<vmem>>)
        tpu.yield
      }) : () -> ()
      %mul3A_73 = arith.constant 16 : i32
      %mul3A_74 = arith.muli %scan3A_70, %mul3A_73 : i32
      "tpu.region"() ({
        %run_scoped3A = tpu.sem_alloc : memref<!tpu.dma_semaphore, #tpu.memory_space<semaphore_mem>>
        %dma_start3A = arith.constant 0 : i32
        %dma_start3A_81 = tpu.memref_slice %arg3[%arg1, %mul3A_74, %dma_start3A] : memref<16x336x64xi32, #tpu.memory_space<hbm>> -> memref<1x16x64xi32, #tpu.memory_space<hbm>>
        %dma_start3A_82 = tpu.memref_squeeze %dma_start3A_81 : memref<1x16x64xi32, #tpu.memory_space<hbm>> -> memref<16x64xi32, #tpu.memory_space<hbm>>
        %dma_start3A_83 = arith.constant 0 : i32
        %dma_start3A_84 = tpu.memref_slice %arg3[%arg1, %mul3A_74, %dma_start3A_83] : memref<16x336x64xi32, #tpu.memory_space<hbm>> -> memref<1x16x64xi32, #tpu.memory_space<hbm>>
        %dma_start3A_85 = tpu.memref_squeeze %dma_start3A_84 : memref<1x16x64xi32, #tpu.memory_space<hbm>> -> memref<16x64xi32, #tpu.memory_space<hbm>>
        tpu.enqueue_dma source(%dma_start3A_85 : memref<16x64xi32, #tpu.memory_space<hbm>>) target(%arg15 : memref<16x64xi32, #tpu.memory_space<vmem>>) target_semaphore(%run_scoped3A : memref<!tpu.dma_semaphore, #tpu.memory_space<semaphore_mem>>)
        %dma_wait3A = arith.constant 0 : i32
        %dma_wait3A_86 = tpu.memref_slice %arg3[%arg1, %mul3A_74, %dma_wait3A] : memref<16x336x64xi32, #tpu.memory_space<hbm>> -> memref<1x16x64xi32, #tpu.memory_space<hbm>>
        %dma_wait3A_87 = tpu.memref_squeeze %dma_wait3A_86 : memref<1x16x64xi32, #tpu.memory_space<hbm>> -> memref<16x64xi32, #tpu.memory_space<hbm>>
        %dma_wait3A_88 = arith.constant 0 : i32
        %dma_wait3A_89 = tpu.memref_slice %arg3[%arg1, %mul3A_74, %dma_wait3A_88] : memref<16x336x64xi32, #tpu.memory_space<hbm>> -> memref<1x16x64xi32, #tpu.memory_space<hbm>>
        %dma_wait3A_90 = tpu.memref_squeeze %dma_wait3A_89 : memref<1x16x64xi32, #tpu.memory_space<hbm>> -> memref<16x64xi32, #tpu.memory_space<hbm>>
        tpu.wait_dma2 semaphore(%run_scoped3A : memref<!tpu.dma_semaphore, #tpu.memory_space<semaphore_mem>>) src(%dma_wait3A_90 : memref<16x64xi32, #tpu.memory_space<hbm>>) dst(%arg15 : memref<16x64xi32, #tpu.memory_space<vmem>>)
        tpu.yield
      }) : () -> ()
      %scan3A_75 = arith.constant 0 : i32
      %scan3A_76 = arith.constant 0 : i32
      %scan3A_77 = arith.constant 16 : i32
      %scan3A_78 = arith.addi %scan3A_76, %scan3A_77 : i32
      %scan3A_79 = arith.constant 1 : i32
      scf.for %scan3A_81 = %scan3A_76 to %scan3A_78 step %scan3A_79  : i32 {
        %get3A = arith.index_cast %scan3A_81 : i32 to index
        %get3A_82 = arith.constant 0 : index
        %get3A_83 = tpu.vector_load %arg14[%get3A, %get3A_82] {strides = array<i32>} : memref<16x64xi32, #tpu.memory_space<vmem>>, vector<16xi32>,
        %get3A_84 = arith.index_cast %scan3A_81 : i32 to index
        %get3A_85 = arith.constant 0 : index
        %get3A_86 = tpu.vector_load %arg15[%get3A_84, %get3A_85] {strides = array<i32>} : memref<16x64xi32, #tpu.memory_space<vmem>>, vector<16xi32>,
        %sub3A = vector.broadcast %mul3A_53 : i32 to vector<16xi32>
        %sub3A_87 = arith.subi %get3A_83, %sub3A : vector<16xi32>
        %gather3A = tpu.vector_load_idx %arg12[%sub3A_87] : memref<10240xf32, #tpu.memory_space<vmem>>[vector<16xi32>], vector<16xf32>,
        %gather3A_88 = tpu.vector_load_idx %arg13[%get3A_86] : memref<10240xf32, #tpu.memory_space<vmem>>[vector<16xi32>], vector<16xf32>,
        %add3A_89 = arith.addf %gather3A, %gather3A_88 : vector<16xf32>
        %ge3A = arith.constant 0.000000e+00 : f32
        %ge3A_90 = vector.broadcast %ge3A : f32 to vector<16xf32>
        %ge3A_91 = arith.cmpf oge, %add3A_89, %ge3A_90 : vector<16xf32>
        %mul3A_92 = arith.constant 2.000000e-01 : f32
        %mul3A_93 = vector.broadcast %mul3A_92 : f32 to vector<16xf32>
        %mul3A_94 = arith.mulf %add3A_89, %mul3A_93 : vector<16xf32>
        %select_n3A = arith.select %ge3A_91, %add3A_89, %mul3A_94 : vector<16xi1>, vector<16xf32>
        %exp3A = math.exp %select_n3A : vector<16xf32>
        %swap3A = arith.constant 0 : index
        %swap3A_95 = tpu.vector_load %arg16[%swap3A] {strides = array<i32>} : memref<64xf32, #tpu.memory_space<vmem>>, vector<16xf32>,
        tpu.vector_store %arg16[%swap3A], %exp3A {strides = array<i32>} : memref<64xf32, #tpu.memory_space<vmem>>, vector<16xf32>,
        %shift_right_logical3A = arith.constant 7 : i32
        %shift_right_logical3A_96 = vector.broadcast %shift_right_logical3A : i32 to vector<16xi32>
        %shift_right_logical3A_97 = arith.shrui %get3A_86, %shift_right_logical3A_96 : vector<16xi32>
        %and3A = arith.constant 127 : i32
        %and3A_98 = vector.broadcast %and3A : i32 to vector<16xi32>
        %and3A_99 = arith.andi %get3A_86, %and3A_98 : vector<16xi32>
        tpu.vector_store_idx %arg18[%shift_right_logical3A_97, %and3A_99], %exp3A {add = true} : memref<80x128xf32, #tpu.memory_space<vmem>>[vector<16xi32>, vector<16xi32>], vector<16xf32>,
        %get3A_100 = arith.index_cast %scan3A_81 : i32 to index
        %get3A_101 = arith.constant 16 : index
        %get3A_102 = tpu.vector_load %arg14[%get3A_100, %get3A_101] {strides = array<i32>} : memref<16x64xi32, #tpu.memory_space<vmem>>, vector<16xi32>,
        %get3A_103 = arith.index_cast %scan3A_81 : i32 to index
        %get3A_104 = arith.constant 16 : index
        %get3A_105 = tpu.vector_load %arg15[%get3A_103, %get3A_104] {strides = array<i32>} : memref<16x64xi32, #tpu.memory_space<vmem>>, vector<16xi32>,
        %sub3A_106 = vector.broadcast %mul3A_53 : i32 to vector<16xi32>
        %sub3A_107 = arith.subi %get3A_102, %sub3A_106 : vector<16xi32>
        %gather3A_108 = tpu.vector_load_idx %arg12[%sub3A_107] : memref<10240xf32, #tpu.memory_space<vmem>>[vector<16xi32>], vector<16xf32>,
        %gather3A_109 = tpu.vector_load_idx %arg13[%get3A_105] : memref<10240xf32, #tpu.memory_space<vmem>>[vector<16xi32>], vector<16xf32>,
        %add3A_110 = arith.addf %gather3A_108, %gather3A_109 : vector<16xf32>
        %ge3A_111 = arith.constant 0.000000e+00 : f32
        %ge3A_112 = vector.broadcast %ge3A_111 : f32 to vector<16xf32>
        %ge3A_113 = arith.cmpf oge, %add3A_110, %ge3A_112 : vector<16xf32>
        %mul3A_114 = arith.constant 2.000000e-01 : f32
        %mul3A_115 = vector.broadcast %mul3A_114 : f32 to vector<16xf32>
        %mul3A_116 = arith.mulf %add3A_110, %mul3A_115 : vector<16xf32>
        %select_n3A_117 = arith.select %ge3A_113, %add3A_110, %mul3A_116 : vector<16xi1>, vector<16xf32>
        %exp3A_118 = math.exp %select_n3A_117 : vector<16xf32>
        %swap3A_119 = arith.constant 16 : index
        %swap3A_120 = tpu.vector_load %arg16[%swap3A_119] {strides = array<i32>} : memref<64xf32, #tpu.memory_space<vmem>>, vector<16xf32>,
        tpu.vector_store %arg16[%swap3A_119], %exp3A_118 {strides = array<i32>} : memref<64xf32, #tpu.memory_space<vmem>>, vector<16xf32>,
        %shift_right_logical3A_121 = arith.constant 7 : i32
        %shift_right_logical3A_122 = vector.broadcast %shift_right_logical3A_121 : i32 to vector<16xi32>
        %shift_right_logical3A_123 = arith.shrui %get3A_105, %shift_right_logical3A_122 : vector<16xi32>
        %and3A_124 = arith.constant 127 : i32
        %and3A_125 = vector.broadcast %and3A_124 : i32 to vector<16xi32>
        %and3A_126 = arith.andi %get3A_105, %and3A_125 : vector<16xi32>
        tpu.vector_store_idx %arg18[%shift_right_logical3A_123, %and3A_126], %exp3A_118 {add = true} : memref<80x128xf32, #tpu.memory_space<vmem>>[vector<16xi32>, vector<16xi32>], vector<16xf32>,
        %get3A_127 = arith.index_cast %scan3A_81 : i32 to index
        %get3A_128 = arith.constant 32 : index
        %get3A_129 = tpu.vector_load %arg14[%get3A_127, %get3A_128] {strides = array<i32>} : memref<16x64xi32, #tpu.memory_space<vmem>>, vector<16xi32>,
        %get3A_130 = arith.index_cast %scan3A_81 : i32 to index
        %get3A_131 = arith.constant 32 : index
        %get3A_132 = tpu.vector_load %arg15[%get3A_130, %get3A_131] {strides = array<i32>} : memref<16x64xi32, #tpu.memory_space<vmem>>, vector<16xi32>,
        %sub3A_133 = vector.broadcast %mul3A_53 : i32 to vector<16xi32>
        %sub3A_134 = arith.subi %get3A_129, %sub3A_133 : vector<16xi32>
        %gather3A_135 = tpu.vector_load_idx %arg12[%sub3A_134] : memref<10240xf32, #tpu.memory_space<vmem>>[vector<16xi32>], vector<16xf32>,
        %gather3A_136 = tpu.vector_load_idx %arg13[%get3A_132] : memref<10240xf32, #tpu.memory_space<vmem>>[vector<16xi32>], vector<16xf32>,
        %add3A_137 = arith.addf %gather3A_135, %gather3A_136 : vector<16xf32>
        %ge3A_138 = arith.constant 0.000000e+00 : f32
        %ge3A_139 = vector.broadcast %ge3A_138 : f32 to vector<16xf32>
        %ge3A_140 = arith.cmpf oge, %add3A_137, %ge3A_139 : vector<16xf32>
        %mul3A_141 = arith.constant 2.000000e-01 : f32
        %mul3A_142 = vector.broadcast %mul3A_141 : f32 to vector<16xf32>
        %mul3A_143 = arith.mulf %add3A_137, %mul3A_142 : vector<16xf32>
        %select_n3A_144 = arith.select %ge3A_140, %add3A_137, %mul3A_143 : vector<16xi1>, vector<16xf32>
        %exp3A_145 = math.exp %select_n3A_144 : vector<16xf32>
        %swap3A_146 = arith.constant 32 : index
        %swap3A_147 = tpu.vector_load %arg16[%swap3A_146] {strides = array<i32>} : memref<64xf32, #tpu.memory_space<vmem>>, vector<16xf32>,
        tpu.vector_store %arg16[%swap3A_146], %exp3A_145 {strides = array<i32>} : memref<64xf32, #tpu.memory_space<vmem>>, vector<16xf32>,
        %shift_right_logical3A_148 = arith.constant 7 : i32
        %shift_right_logical3A_149 = vector.broadcast %shift_right_logical3A_148 : i32 to vector<16xi32>
        %shift_right_logical3A_150 = arith.shrui %get3A_132, %shift_right_logical3A_149 : vector<16xi32>
        %and3A_151 = arith.constant 127 : i32
        %and3A_152 = vector.broadcast %and3A_151 : i32 to vector<16xi32>
        %and3A_153 = arith.andi %get3A_132, %and3A_152 : vector<16xi32>
        tpu.vector_store_idx %arg18[%shift_right_logical3A_150, %and3A_153], %exp3A_145 {add = true} : memref<80x128xf32, #tpu.memory_space<vmem>>[vector<16xi32>, vector<16xi32>], vector<16xf32>,
        %get3A_154 = arith.index_cast %scan3A_81 : i32 to index
        %get3A_155 = arith.constant 48 : index
        %get3A_156 = tpu.vector_load %arg14[%get3A_154, %get3A_155] {strides = array<i32>} : memref<16x64xi32, #tpu.memory_space<vmem>>, vector<16xi32>,
        %get3A_157 = arith.index_cast %scan3A_81 : i32 to index
        %get3A_158 = arith.constant 48 : index
        %get3A_159 = tpu.vector_load %arg15[%get3A_157, %get3A_158] {strides = array<i32>} : memref<16x64xi32, #tpu.memory_space<vmem>>, vector<16xi32>,
        %sub3A_160 = vector.broadcast %mul3A_53 : i32 to vector<16xi32>
        %sub3A_161 = arith.subi %get3A_156, %sub3A_160 : vector<16xi32>
        %gather3A_162 = tpu.vector_load_idx %arg12[%sub3A_161] : memref<10240xf32, #tpu.memory_space<vmem>>[vector<16xi32>], vector<16xf32>,
        %gather3A_163 = tpu.vector_load_idx %arg13[%get3A_159] : memref<10240xf32, #tpu.memory_space<vmem>>[vector<16xi32>], vector<16xf32>,
        %add3A_164 = arith.addf %gather3A_162, %gather3A_163 : vector<16xf32>
        %ge3A_165 = arith.constant 0.000000e+00 : f32
        %ge3A_166 = vector.broadcast %ge3A_165 : f32 to vector<16xf32>
        %ge3A_167 = arith.cmpf oge, %add3A_164, %ge3A_166 : vector<16xf32>
        %mul3A_168 = arith.constant 2.000000e-01 : f32
        %mul3A_169 = vector.broadcast %mul3A_168 : f32 to vector<16xf32>
        %mul3A_170 = arith.mulf %add3A_164, %mul3A_169 : vector<16xf32>
        %select_n3A_171 = arith.select %ge3A_167, %add3A_164, %mul3A_170 : vector<16xi1>, vector<16xf32>
        %exp3A_172 = math.exp %select_n3A_171 : vector<16xf32>
        %swap3A_173 = arith.constant 48 : index
        %swap3A_174 = tpu.vector_load %arg16[%swap3A_173] {strides = array<i32>} : memref<64xf32, #tpu.memory_space<vmem>>, vector<16xf32>,
        tpu.vector_store %arg16[%swap3A_173], %exp3A_172 {strides = array<i32>} : memref<64xf32, #tpu.memory_space<vmem>>, vector<16xf32>,
        %shift_right_logical3A_175 = arith.constant 7 : i32
        %shift_right_logical3A_176 = vector.broadcast %shift_right_logical3A_175 : i32 to vector<16xi32>
        %shift_right_logical3A_177 = arith.shrui %get3A_159, %shift_right_logical3A_176 : vector<16xi32>
        %and3A_178 = arith.constant 127 : i32
        %and3A_179 = vector.broadcast %and3A_178 : i32 to vector<16xi32>
        %and3A_180 = arith.andi %get3A_159, %and3A_179 : vector<16xi32>
        tpu.vector_store_idx %arg18[%shift_right_logical3A_177, %and3A_180], %exp3A_172 {add = true} : memref<80x128xf32, #tpu.memory_space<vmem>>[vector<16xi32>, vector<16xi32>], vector<16xf32>,
        %dma_start3A = arith.constant 0 : i32
        %dma_start3A_181 = tpu.memref_slice %arg14[%scan3A_81, %dma_start3A] : memref<16x64xi32, #tpu.memory_space<vmem>> -> memref<1x64xi32, #tpu.memory_space<vmem>>
        %dma_start3A_182 = tpu.memref_squeeze %dma_start3A_181 : memref<1x64xi32, #tpu.memory_space<vmem>> -> memref<64xi32, #tpu.memory_space<vmem>>
        %dma_start3A_183 = arith.constant 0 : i32
        %dma_start3A_184 = arith.constant 0 : i32
        %dma_start3A_185 = tpu.memref_slice %arg6[%dma_start3A_183, %dma_start3A_184] : memref<10240x128xf32, #tpu.memory_space<hbm>> -> memref<10240x128xf32, #tpu.memory_space<hbm>>
        tpu.enqueue_indirect_dma source(%dma_start3A_185 : memref<10240x128xf32, #tpu.memory_space<hbm>>) target(%arg17 : memref<64x128xf32, #tpu.memory_space<vmem>>) offsets(%dma_start3A_182 : memref<64xi32, #tpu.memory_space<vmem>>) semaphore(%arg20 : memref<!tpu.dma_semaphore, #tpu.memory_space<semaphore_mem>>)
        %dma_wait3A = arith.constant 0 : i32
        %dma_wait3A_186 = tpu.memref_slice %arg14[%scan3A_81, %dma_wait3A] : memref<16x64xi32, #tpu.memory_space<vmem>> -> memref<1x64xi32, #tpu.memory_space<vmem>>
        %dma_wait3A_187 = tpu.memref_squeeze %dma_wait3A_186 : memref<1x64xi32, #tpu.memory_space<vmem>> -> memref<64xi32, #tpu.memory_space<vmem>>
        %dma_wait3A_188 = arith.constant 0 : i32
        %dma_wait3A_189 = arith.constant 0 : i32
        %dma_wait3A_190 = tpu.memref_slice %arg6[%dma_wait3A_188, %dma_wait3A_189] : memref<10240x128xf32, #tpu.memory_space<hbm>> -> memref<10240x128xf32, #tpu.memory_space<hbm>>
        tpu.wait_indirect_dma semaphore(%arg20 : memref<!tpu.dma_semaphore, #tpu.memory_space<semaphore_mem>>) src(%dma_wait3A_190 : memref<10240x128xf32, #tpu.memory_space<hbm>>) dst(%arg17 : memref<64x128xf32, #tpu.memory_space<vmem>>)
        %scan3A_191 = arith.constant 0 : i32
        %scan3A_192 = arith.constant 0 : i32
        %scan3A_193 = arith.constant 64 : i32
        %scan3A_194 = arith.addi %scan3A_192, %scan3A_193 : i32
        %scan3A_195 = arith.constant 1 : i32
        scf.for %scan3A_197 = %scan3A_192 to %scan3A_194 step %scan3A_195  : i32 {
          %broadcast_in_dim3A_198 = vector.broadcast %scan3A_197 : i32 to vector<16xi32>
          %gather3A_199 = tpu.vector_load_idx %arg16[%broadcast_in_dim3A_198] : memref<64xf32, #tpu.memory_space<vmem>>[vector<16xi32>], vector<16xf32>,
          %get3A_200 = arith.index_cast %scan3A_197 : i32 to index
          %get3A_201 = arith.constant 0 : index
          %get3A_202 = tpu.vector_load %arg17[%get3A_200, %get3A_201] {strides = array<i32>} : memref<64x128xf32, #tpu.memory_space<vmem>>, vector<16xf32>,
          %mul3A_203 = arith.mulf %get3A_202, %gather3A_199 : vector<16xf32>
          %swap3A_204 = arith.index_cast %scan3A_197 : i32 to index
          %swap3A_205 = arith.constant 0 : index
          %swap3A_206 = tpu.vector_load %arg17[%swap3A_204, %swap3A_205] {strides = array<i32>} : memref<64x128xf32, #tpu.memory_space<vmem>>, vector<16xf32>,
          tpu.vector_store %arg17[%swap3A_204, %swap3A_205], %mul3A_203 {strides = array<i32>} : memref<64x128xf32, #tpu.memory_space<vmem>>, vector<16xf32>,
          %get3A_207 = arith.index_cast %scan3A_197 : i32 to index
          %get3A_208 = arith.constant 16 : index
          %get3A_209 = tpu.vector_load %arg17[%get3A_207, %get3A_208] {strides = array<i32>} : memref<64x128xf32, #tpu.memory_space<vmem>>, vector<16xf32>,
          %mul3A_210 = arith.mulf %get3A_209, %gather3A_199 : vector<16xf32>
          %swap3A_211 = arith.index_cast %scan3A_197 : i32 to index
          %swap3A_212 = arith.constant 16 : index
          %swap3A_213 = tpu.vector_load %arg17[%swap3A_211, %swap3A_212] {strides = array<i32>} : memref<64x128xf32, #tpu.memory_space<vmem>>, vector<16xf32>,
          tpu.vector_store %arg17[%swap3A_211, %swap3A_212], %mul3A_210 {strides = array<i32>} : memref<64x128xf32, #tpu.memory_space<vmem>>, vector<16xf32>,
          %get3A_214 = arith.index_cast %scan3A_197 : i32 to index
          %get3A_215 = arith.constant 32 : index
          %get3A_216 = tpu.vector_load %arg17[%get3A_214, %get3A_215] {strides = array<i32>} : memref<64x128xf32, #tpu.memory_space<vmem>>, vector<16xf32>,
          %mul3A_217 = arith.mulf %get3A_216, %gather3A_199 : vector<16xf32>
          %swap3A_218 = arith.index_cast %scan3A_197 : i32 to index
          %swap3A_219 = arith.constant 32 : index
          %swap3A_220 = tpu.vector_load %arg17[%swap3A_218, %swap3A_219] {strides = array<i32>} : memref<64x128xf32, #tpu.memory_space<vmem>>, vector<16xf32>,
          tpu.vector_store %arg17[%swap3A_218, %swap3A_219], %mul3A_217 {strides = array<i32>} : memref<64x128xf32, #tpu.memory_space<vmem>>, vector<16xf32>,
          %get3A_221 = arith.index_cast %scan3A_197 : i32 to index
          %get3A_222 = arith.constant 48 : index
          %get3A_223 = tpu.vector_load %arg17[%get3A_221, %get3A_222] {strides = array<i32>} : memref<64x128xf32, #tpu.memory_space<vmem>>, vector<16xf32>,
          %mul3A_224 = arith.mulf %get3A_223, %gather3A_199 : vector<16xf32>
          %swap3A_225 = arith.index_cast %scan3A_197 : i32 to index
          %swap3A_226 = arith.constant 48 : index
          %swap3A_227 = tpu.vector_load %arg17[%swap3A_225, %swap3A_226] {strides = array<i32>} : memref<64x128xf32, #tpu.memory_space<vmem>>, vector<16xf32>,
          tpu.vector_store %arg17[%swap3A_225, %swap3A_226], %mul3A_224 {strides = array<i32>} : memref<64x128xf32, #tpu.memory_space<vmem>>, vector<16xf32>,
          %get3A_228 = arith.index_cast %scan3A_197 : i32 to index
          %get3A_229 = arith.constant 64 : index
          %get3A_230 = tpu.vector_load %arg17[%get3A_228, %get3A_229] {strides = array<i32>} : memref<64x128xf32, #tpu.memory_space<vmem>>, vector<16xf32>,
          %mul3A_231 = arith.mulf %get3A_230, %gather3A_199 : vector<16xf32>
          %swap3A_232 = arith.index_cast %scan3A_197 : i32 to index
          %swap3A_233 = arith.constant 64 : index
          %swap3A_234 = tpu.vector_load %arg17[%swap3A_232, %swap3A_233] {strides = array<i32>} : memref<64x128xf32, #tpu.memory_space<vmem>>, vector<16xf32>,
          tpu.vector_store %arg17[%swap3A_232, %swap3A_233], %mul3A_231 {strides = array<i32>} : memref<64x128xf32, #tpu.memory_space<vmem>>, vector<16xf32>,
          %get3A_235 = arith.index_cast %scan3A_197 : i32 to index
          %get3A_236 = arith.constant 80 : index
          %get3A_237 = tpu.vector_load %arg17[%get3A_235, %get3A_236] {strides = array<i32>} : memref<64x128xf32, #tpu.memory_space<vmem>>, vector<16xf32>,
          %mul3A_238 = arith.mulf %get3A_237, %gather3A_199 : vector<16xf32>
          %swap3A_239 = arith.index_cast %scan3A_197 : i32 to index
          %swap3A_240 = arith.constant 80 : index
          %swap3A_241 = tpu.vector_load %arg17[%swap3A_239, %swap3A_240] {strides = array<i32>} : memref<64x128xf32, #tpu.memory_space<vmem>>, vector<16xf32>,
          tpu.vector_store %arg17[%swap3A_239, %swap3A_240], %mul3A_238 {strides = array<i32>} : memref<64x128xf32, #tpu.memory_space<vmem>>, vector<16xf32>,
          %get3A_242 = arith.index_cast %scan3A_197 : i32 to index
          %get3A_243 = arith.constant 96 : index
          %get3A_244 = tpu.vector_load %arg17[%get3A_242, %get3A_243] {strides = array<i32>} : memref<64x128xf32, #tpu.memory_space<vmem>>, vector<16xf32>,
          %mul3A_245 = arith.mulf %get3A_244, %gather3A_199 : vector<16xf32>
          %swap3A_246 = arith.index_cast %scan3A_197 : i32 to index
          %swap3A_247 = arith.constant 96 : index
          %swap3A_248 = tpu.vector_load %arg17[%swap3A_246, %swap3A_247] {strides = array<i32>} : memref<64x128xf32, #tpu.memory_space<vmem>>, vector<16xf32>,
          tpu.vector_store %arg17[%swap3A_246, %swap3A_247], %mul3A_245 {strides = array<i32>} : memref<64x128xf32, #tpu.memory_space<vmem>>, vector<16xf32>,
          %get3A_249 = arith.index_cast %scan3A_197 : i32 to index
          %get3A_250 = arith.constant 112 : index
          %get3A_251 = tpu.vector_load %arg17[%get3A_249, %get3A_250] {strides = array<i32>} : memref<64x128xf32, #tpu.memory_space<vmem>>, vector<16xf32>,
          %mul3A_252 = arith.mulf %get3A_251, %gather3A_199 : vector<16xf32>
          %swap3A_253 = arith.index_cast %scan3A_197 : i32 to index
          %swap3A_254 = arith.constant 112 : index
          %swap3A_255 = tpu.vector_load %arg17[%swap3A_253, %swap3A_254] {strides = array<i32>} : memref<64x128xf32, #tpu.memory_space<vmem>>, vector<16xf32>,
          tpu.vector_store %arg17[%swap3A_253, %swap3A_254], %mul3A_252 {strides = array<i32>} : memref<64x128xf32, #tpu.memory_space<vmem>>, vector<16xf32>,
        }
        %scan3A_196 = arith.constant 64 : i32
        "tpu.region"() ({
          %run_scoped3A = tpu.sem_alloc : memref<!tpu.dma_semaphore, #tpu.memory_space<semaphore_mem>>
          %dma_start3A_197 = arith.constant 0 : i32
          %dma_start3A_198 = tpu.memref_slice %arg15[%scan3A_81, %dma_start3A_197] : memref<16x64xi32, #tpu.memory_space<vmem>> -> memref<1x64xi32, #tpu.memory_space<vmem>>
          %dma_start3A_199 = tpu.memref_squeeze %dma_start3A_198 : memref<1x64xi32, #tpu.memory_space<vmem>> -> memref<64xi32, #tpu.memory_space<vmem>>
          %dma_start3A_200 = arith.constant 0 : i32
          %dma_start3A_201 = arith.constant 0 : i32
          %dma_start3A_202 = tpu.memref_slice %arg10[%dma_start3A_200, %dma_start3A_201] : memref<10240x128xf32, #tpu.memory_space<vmem_shared>> -> memref<10240x128xf32, #tpu.memory_space<vmem_shared>>
          tpu.enqueue_indirect_dma source(%arg17 : memref<64x128xf32, #tpu.memory_space<vmem>>) target(%dma_start3A_202 : memref<10240x128xf32, #tpu.memory_space<vmem_shared>>) offsets(%dma_start3A_199 : memref<64xi32, #tpu.memory_space<vmem>>) semaphore(%run_scoped3A : memref<!tpu.dma_semaphore, #tpu.memory_space<semaphore_mem>>) {add = true}
          %dma_wait3A_203 = arith.constant 0 : i32
          %dma_wait3A_204 = tpu.memref_slice %arg15[%scan3A_81, %dma_wait3A_203] : memref<16x64xi32, #tpu.memory_space<vmem>> -> memref<1x64xi32, #tpu.memory_space<vmem>>
          %dma_wait3A_205 = tpu.memref_squeeze %dma_wait3A_204 : memref<1x64xi32, #tpu.memory_space<vmem>> -> memref<64xi32, #tpu.memory_space<vmem>>
          %dma_wait3A_206 = arith.constant 0 : i32
          %dma_wait3A_207 = arith.constant 0 : i32
          %dma_wait3A_208 = tpu.memref_slice %arg10[%dma_wait3A_206, %dma_wait3A_207] : memref<10240x128xf32, #tpu.memory_space<vmem_shared>> -> memref<10240x128xf32, #tpu.memory_space<vmem_shared>>
          tpu.wait_indirect_dma semaphore(%run_scoped3A : memref<!tpu.dma_semaphore, #tpu.memory_space<semaphore_mem>>) src(%arg17 : memref<64x128xf32, #tpu.memory_space<vmem>>) dst(%dma_wait3A_208 : memref<10240x128xf32, #tpu.memory_space<vmem_shared>>)
          tpu.yield
        }) : () -> ()
      }
      %scan3A_80 = arith.constant 16 : i32
    }
    %scan3A_59 = arith.constant 21 : i32
    "tpu.region"() ({
      %run_scoped3A = tpu.sem_alloc : memref<!tpu.dma_semaphore, #tpu.memory_space<semaphore_mem>>
      %dma_start3A = arith.constant 0 : i32
      %dma_start3A_70 = arith.constant 0 : i32
      %dma_start3A_71 = tpu.memref_slice %arg11[%dma_start3A, %dma_start3A_70] : memref<80x128xf32, #tpu.memory_space<vmem_shared>> -> memref<80x128xf32, #tpu.memory_space<vmem_shared>>
      tpu.enqueue_indirect_dma source(%arg18 : memref<80x128xf32, #tpu.memory_space<vmem>>) target(%dma_start3A_71 : memref<80x128xf32, #tpu.memory_space<vmem_shared>>) offsets(%arg19 : memref<80xi32, #tpu.memory_space<vmem>>) semaphore(%run_scoped3A : memref<!tpu.dma_semaphore, #tpu.memory_space<semaphore_mem>>) {add = true}
      %dma_wait3A = arith.constant 0 : i32
      %dma_wait3A_72 = arith.constant 0 : i32
      %dma_wait3A_73 = tpu.memref_slice %arg11[%dma_wait3A, %dma_wait3A_72] : memref<80x128xf32, #tpu.memory_space<vmem_shared>> -> memref<80x128xf32, #tpu.memory_space<vmem_shared>>
      tpu.wait_indirect_dma semaphore(%run_scoped3A : memref<!tpu.dma_semaphore, #tpu.memory_space<semaphore_mem>>) src(%arg18 : memref<80x128xf32, #tpu.memory_space<vmem>>) dst(%dma_wait3A_73 : memref<80x128xf32, #tpu.memory_space<vmem_shared>>)
      tpu.yield
    }) : () -> ()
    %barrier3A_60 = arith.constant 0 : index
    tpu.barrier barrier_id(%barrier3A_60)
    %mul3A_61 = arith.constant 640 : i32
    %mul3A_62 = arith.muli %arg1, %mul3A_61 : i32
    %mul3A_63 = arith.constant 640 : i32
    %mul3A_64 = arith.muli %arg1, %mul3A_63 : i32
    "tpu.region"() ({
      %run_scoped3A = tpu.sem_alloc : memref<!tpu.dma_semaphore, #tpu.memory_space<semaphore_mem>>
      %dma_start3A = arith.constant 0 : i32
      %dma_start3A_70 = tpu.memref_slice %arg8[%arg0, %mul3A_64, %dma_start3A] : memref<2x10240x128xf32, #tpu.memory_space<hbm>> -> memref<1x640x128xf32, #tpu.memory_space<hbm>>
      %dma_start3A_71 = tpu.memref_squeeze %dma_start3A_70 : memref<1x640x128xf32, #tpu.memory_space<hbm>> -> memref<640x128xf32, #tpu.memory_space<hbm>>
      %dma_start3A_72 = arith.constant 0 : i32
      %dma_start3A_73 = tpu.memref_slice %arg10[%mul3A_62, %dma_start3A_72] : memref<10240x128xf32, #tpu.memory_space<vmem_shared>> -> memref<640x128xf32, #tpu.memory_space<vmem_shared>>
      tpu.enqueue_dma source(%dma_start3A_73 : memref<640x128xf32, #tpu.memory_space<vmem_shared>>) target(%dma_start3A_71 : memref<640x128xf32, #tpu.memory_space<hbm>>) target_semaphore(%run_scoped3A : memref<!tpu.dma_semaphore, #tpu.memory_space<semaphore_mem>>)
      %dma_wait3A = arith.constant 0 : i32
      %dma_wait3A_74 = tpu.memref_slice %arg8[%arg0, %mul3A_64, %dma_wait3A] : memref<2x10240x128xf32, #tpu.memory_space<hbm>> -> memref<1x640x128xf32, #tpu.memory_space<hbm>>
      %dma_wait3A_75 = tpu.memref_squeeze %dma_wait3A_74 : memref<1x640x128xf32, #tpu.memory_space<hbm>> -> memref<640x128xf32, #tpu.memory_space<hbm>>
      %dma_wait3A_76 = arith.constant 0 : i32
      %dma_wait3A_77 = tpu.memref_slice %arg10[%mul3A_62, %dma_wait3A_76] : memref<10240x128xf32, #tpu.memory_space<vmem_shared>> -> memref<640x128xf32, #tpu.memory_space<vmem_shared>>
      tpu.wait_dma2 semaphore(%run_scoped3A : memref<!tpu.dma_semaphore, #tpu.memory_space<semaphore_mem>>) src(%dma_wait3A_77 : memref<640x128xf32, #tpu.memory_space<vmem_shared>>) dst(%dma_wait3A_75 : memref<640x128xf32, #tpu.memory_space<hbm>>)
      tpu.yield
    }) : () -> ()
    %eq3A_65 = arith.constant 0 : i32
    %eq3A_66 = arith.cmpi eq, %arg1, %eq3A_65 : i32
    %convert_element_type3A_67 = arith.extui %eq3A_66 : i1 to i32
    %cond3A_68 = arith.constant 0 : i32
    %cond3A_69 = arith.cmpi ne, %convert_element_type3A_67, %cond3A_68 : i32
    scf.if %cond3A_69 {
      "tpu.region"() ({
        %run_scoped3A = tpu.sem_alloc : memref<!tpu.dma_semaphore, #tpu.memory_space<semaphore_mem>>
        %dma_start3A = arith.constant 0 : i32
        %dma_start3A_70 = arith.constant 0 : i32
        %dma_start3A_71 = tpu.memref_slice %arg9[%arg0, %dma_start3A, %dma_start3A_70] : memref<2x80x128xf32, #tpu.memory_space<hbm>> -> memref<1x80x128xf32, #tpu.memory_space<hbm>>
        %dma_start3A_72 = tpu.memref_squeeze %dma_start3A_71 : memref<1x80x128xf32, #tpu.memory_space<hbm>> -> memref<80x128xf32, #tpu.memory_space<hbm>>
        tpu.enqueue_dma source(%arg11 : memref<80x128xf32, #tpu.memory_space<vmem_shared>>) target(%dma_start3A_72 : memref<80x128xf32, #tpu.memory_space<hbm>>) target_semaphore(%run_scoped3A : memref<!tpu.dma_semaphore, #tpu.memory_space<semaphore_mem>>)
        %dma_wait3A = arith.constant 0 : i32
        %dma_wait3A_73 = arith.constant 0 : i32
        %dma_wait3A_74 = tpu.memref_slice %arg9[%arg0, %dma_wait3A, %dma_wait3A_73] : memref<2x80x128xf32, #tpu.memory_space<hbm>> -> memref<1x80x128xf32, #tpu.memory_space<hbm>>
        %dma_wait3A_75 = tpu.memref_squeeze %dma_wait3A_74 : memref<1x80x128xf32, #tpu.memory_space<hbm>> -> memref<80x128xf32, #tpu.memory_space<hbm>>
        tpu.wait_dma2 semaphore(%run_scoped3A : memref<!tpu.dma_semaphore, #tpu.memory_space<semaphore_mem>>) src(%arg11 : memref<80x128xf32, #tpu.memory_space<vmem_shared>>) dst(%dma_wait3A_75 : memref<80x128xf32, #tpu.memory_space<hbm>>)
        tpu.yield
      }) : () -> ()
    } else {
    }
    return
  }
}

#map = affine_map<(d0, d1) -> (0, 0, 0, 0)>
#map1 = affine_map<(d0, d1) -> (0, 0, 0)>
#map2 = affine_map<(d0, d1) -> (0, 0)>
#map3 = affine_map<(d0, d1) -> (0)>
module attributes {stable_mosaic.version = 14 : i64} {
  func.func @gat_edge(%arg0: i32, %arg1: i32, %arg2: memref<2x16x336x64xi32, #tpu.memory_space<hbm>>, %arg3: memref<16x336x64xi32, #tpu.memory_space<hbm>>, %arg4: memref<2x10240xf32, #tpu.memory_space<hbm>>, %arg5: memref<2x10240xf32, #tpu.memory_space<hbm>>, %arg6: memref<20480x128xf32, #tpu.memory_space<hbm>>, %arg7: memref<80xi32, #tpu.memory_space<hbm>>, %arg8: memref<2x10240x128xf32, #tpu.memory_space<hbm>>, %arg9: memref<2x80x128xf32, #tpu.memory_space<hbm>>, %arg10: memref<10240x128xf32, #tpu.memory_space<vmem_shared>>, %arg11: memref<80x128xf32, #tpu.memory_space<vmem_shared>>, %arg12: memref<10240xf32, #tpu.memory_space<vmem>>, %arg13: memref<10240xf32, #tpu.memory_space<vmem>>, %arg14: memref<16x64xi32, #tpu.memory_space<vmem>>, %arg15: memref<16x64xi32, #tpu.memory_space<vmem>>, %arg16: memref<64xf32, #tpu.memory_space<vmem>>, %arg17: memref<64x128xf32, #tpu.memory_space<vmem>>, %arg18: memref<80x128xf32, #tpu.memory_space<vmem>>, %arg19: memref<80xi32, #tpu.memory_space<vmem>>, %arg20: memref<!tpu.dma_semaphore, #tpu.memory_space<semaphore_mem>>) attributes {dimension_semantics = [#tpu.dimension_semantics<core_parallel>, #tpu.dimension_semantics<subcore_parallel>], iteration_bounds = array<i64: 2, 16>, scalar_prefetch = 0 : i64, scratch_operands = 11 : i64, tpu.core_type = #tpu.core_type<sc_vector_subcore>, window_params = [{transform_indices = #map}, {transform_indices = #map1}, {transform_indices = #map2}, {transform_indices = #map2}, {transform_indices = #map2}, {transform_indices = #map3}, {transform_indices = #map1}, {transform_indices = #map1}]} {
    "tpu.region"() ({
      %run_scoped3A = tpu.sem_alloc : memref<!tpu.dma_semaphore, #tpu.memory_space<semaphore_mem>>
      %dma_start3A = arith.constant 0 : i32
      %dma_start3A_70 = tpu.memref_slice %arg4[%arg0, %dma_start3A] : memref<2x10240xf32, #tpu.memory_space<hbm>> -> memref<1x10240xf32, #tpu.memory_space<hbm>>
      %dma_start3A_71 = tpu.memref_squeeze %dma_start3A_70 : memref<1x10240xf32, #tpu.memory_space<hbm>> -> memref<10240xf32, #tpu.memory_space<hbm>>
      %dma_start3A_72 = arith.constant 0 : i32
      %dma_start3A_73 = tpu.memref_slice %arg4[%arg0, %dma_start3A_72] : memref<2x10240xf32, #tpu.memory_space<hbm>> -> memref<1x10240xf32, #tpu.memory_space<hbm>>
      %dma_start3A_74 = tpu.memref_squeeze %dma_start3A_73 : memref<1x10240xf32, #tpu.memory_space<hbm>> -> memref<10240xf32, #tpu.memory_space<hbm>>
      tpu.enqueue_dma source(%dma_start3A_74 : memref<10240xf32, #tpu.memory_space<hbm>>) target(%arg12 : memref<10240xf32, #tpu.memory_space<vmem>>) target_semaphore(%run_scoped3A : memref<!tpu.dma_semaphore, #tpu.memory_space<semaphore_mem>>)
      %dma_wait3A = arith.constant 0 : i32
      %dma_wait3A_75 = tpu.memref_slice %arg4[%arg0, %dma_wait3A] : memref<2x10240xf32, #tpu.memory_space<hbm>> -> memref<1x10240xf32, #tpu.memory_space<hbm>>
      %dma_wait3A_76 = tpu.memref_squeeze %dma_wait3A_75 : memref<1x10240xf32, #tpu.memory_space<hbm>> -> memref<10240xf32, #tpu.memory_space<hbm>>
      %dma_wait3A_77 = arith.constant 0 : i32
      %dma_wait3A_78 = tpu.memref_slice %arg4[%arg0, %dma_wait3A_77] : memref<2x10240xf32, #tpu.memory_space<hbm>> -> memref<1x10240xf32, #tpu.memory_space<hbm>>
      %dma_wait3A_79 = tpu.memref_squeeze %dma_wait3A_78 : memref<1x10240xf32, #tpu.memory_space<hbm>> -> memref<10240xf32, #tpu.memory_space<hbm>>
      tpu.wait_dma2 semaphore(%run_scoped3A : memref<!tpu.dma_semaphore, #tpu.memory_space<semaphore_mem>>) src(%dma_wait3A_79 : memref<10240xf32, #tpu.memory_space<hbm>>) dst(%arg12 : memref<10240xf32, #tpu.memory_space<vmem>>)
      tpu.yield
    }) : () -> ()
    "tpu.region"() ({
      %run_scoped3A = tpu.sem_alloc : memref<!tpu.dma_semaphore, #tpu.memory_space<semaphore_mem>>
      %dma_start3A = arith.constant 0 : i32
      %dma_start3A_70 = tpu.memref_slice %arg5[%arg0, %dma_start3A] : memref<2x10240xf32, #tpu.memory_space<hbm>> -> memref<1x10240xf32, #tpu.memory_space<hbm>>
      %dma_start3A_71 = tpu.memref_squeeze %dma_start3A_70 : memref<1x10240xf32, #tpu.memory_space<hbm>> -> memref<10240xf32, #tpu.memory_space<hbm>>
      %dma_start3A_72 = arith.constant 0 : i32
      %dma_start3A_73 = tpu.memref_slice %arg5[%arg0, %dma_start3A_72] : memref<2x10240xf32, #tpu.memory_space<hbm>> -> memref<1x10240xf32, #tpu.memory_space<hbm>>
      %dma_start3A_74 = tpu.memref_squeeze %dma_start3A_73 : memref<1x10240xf32, #tpu.memory_space<hbm>> -> memref<10240xf32, #tpu.memory_space<hbm>>
      tpu.enqueue_dma source(%dma_start3A_74 : memref<10240xf32, #tpu.memory_space<hbm>>) target(%arg13 : memref<10240xf32, #tpu.memory_space<vmem>>) target_semaphore(%run_scoped3A : memref<!tpu.dma_semaphore, #tpu.memory_space<semaphore_mem>>)
      %dma_wait3A = arith.constant 0 : i32
      %dma_wait3A_75 = tpu.memref_slice %arg5[%arg0, %dma_wait3A] : memref<2x10240xf32, #tpu.memory_space<hbm>> -> memref<1x10240xf32, #tpu.memory_space<hbm>>
      %dma_wait3A_76 = tpu.memref_squeeze %dma_wait3A_75 : memref<1x10240xf32, #tpu.memory_space<hbm>> -> memref<10240xf32, #tpu.memory_space<hbm>>
      %dma_wait3A_77 = arith.constant 0 : i32
      %dma_wait3A_78 = tpu.memref_slice %arg5[%arg0, %dma_wait3A_77] : memref<2x10240xf32, #tpu.memory_space<hbm>> -> memref<1x10240xf32, #tpu.memory_space<hbm>>
      %dma_wait3A_79 = tpu.memref_squeeze %dma_wait3A_78 : memref<1x10240xf32, #tpu.memory_space<hbm>> -> memref<10240xf32, #tpu.memory_space<hbm>>
      tpu.wait_dma2 semaphore(%run_scoped3A : memref<!tpu.dma_semaphore, #tpu.memory_space<semaphore_mem>>) src(%dma_wait3A_79 : memref<10240xf32, #tpu.memory_space<hbm>>) dst(%arg13 : memref<10240xf32, #tpu.memory_space<vmem>>)
      tpu.yield
    }) : () -> ()
    "tpu.region"() ({
      %run_scoped3A = tpu.sem_alloc : memref<!tpu.dma_semaphore, #tpu.memory_space<semaphore_mem>>
      tpu.enqueue_dma source(%arg7 : memref<80xi32, #tpu.memory_space<hbm>>) target(%arg19 : memref<80xi32, #tpu.memory_space<vmem>>) target_semaphore(%run_scoped3A : memref<!tpu.dma_semaphore, #tpu.memory_space<semaphore_mem>>)
      tpu.wait_dma2 semaphore(%run_scoped3A : memref<!tpu.dma_semaphore, #tpu.memory_space<semaphore_mem>>) src(%arg7 : memref<80xi32, #tpu.memory_space<hbm>>) dst(%arg19 : memref<80xi32, #tpu.memory_space<vmem>>)
      tpu.yield
    }) : () -> ()
    %broadcast_in_dim3A = arith.constant 0.000000e+00 : f32
    %broadcast_in_dim3A_0 = vector.broadcast %broadcast_in_dim3A : f32 to vector<16xf32>
    %scan3A = arith.constant 0 : i32
    %scan3A_1 = arith.constant 0 : i32
    %scan3A_2 = arith.constant 64 : i32
    %scan3A_3 = arith.addi %scan3A_1, %scan3A_2 : i32
    %scan3A_4 = arith.constant 1 : i32
    scf.for %scan3A_70 = %scan3A_1 to %scan3A_3 step %scan3A_4  : i32 {
      %swap3A = arith.index_cast %scan3A_70 : i32 to index
      %swap3A_71 = arith.constant 0 : index
      %swap3A_72 = tpu.vector_load %arg17[%swap3A, %swap3A_71] {strides = array<i32>} : memref<64x128xf32, #tpu.memory_space<vmem>>, vector<16xf32>,
      tpu.vector_store %arg17[%swap3A, %swap3A_71], %broadcast_in_dim3A_0 {strides = array<i32>} : memref<64x128xf32, #tpu.memory_space<vmem>>, vector<16xf32>,
      %swap3A_73 = arith.index_cast %scan3A_70 : i32 to index
      %swap3A_74 = arith.constant 16 : index
      %swap3A_75 = tpu.vector_load %arg17[%swap3A_73, %swap3A_74] {strides = array<i32>} : memref<64x128xf32, #tpu.memory_space<vmem>>, vector<16xf32>,
      tpu.vector_store %arg17[%swap3A_73, %swap3A_74], %broadcast_in_dim3A_0 {strides = array<i32>} : memref<64x128xf32, #tpu.memory_space<vmem>>, vector<16xf32>,
      %swap3A_76 = arith.index_cast %scan3A_70 : i32 to index
      %swap3A_77 = arith.constant 32 : index
      %swap3A_78 = tpu.vector_load %arg17[%swap3A_76, %swap3A_77] {strides = array<i32>} : memref<64x128xf32, #tpu.memory_space<vmem>>, vector<16xf32>,
      tpu.vector_store %arg17[%swap3A_76, %swap3A_77], %broadcast_in_dim3A_0 {strides = array<i32>} : memref<64x128xf32, #tpu.memory_space<vmem>>, vector<16xf32>,
      %swap3A_79 = arith.index_cast %scan3A_70 : i32 to index
      %swap3A_80 = arith.constant 48 : index
      %swap3A_81 = tpu.vector_load %arg17[%swap3A_79, %swap3A_80] {strides = array<i32>} : memref<64x128xf32, #tpu.memory_space<vmem>>, vector<16xf32>,
      tpu.vector_store %arg17[%swap3A_79, %swap3A_80], %broadcast_in_dim3A_0 {strides = array<i32>} : memref<64x128xf32, #tpu.memory_space<vmem>>, vector<16xf32>,
      %swap3A_82 = arith.index_cast %scan3A_70 : i32 to index
      %swap3A_83 = arith.constant 64 : index
      %swap3A_84 = tpu.vector_load %arg17[%swap3A_82, %swap3A_83] {strides = array<i32>} : memref<64x128xf32, #tpu.memory_space<vmem>>, vector<16xf32>,
      tpu.vector_store %arg17[%swap3A_82, %swap3A_83], %broadcast_in_dim3A_0 {strides = array<i32>} : memref<64x128xf32, #tpu.memory_space<vmem>>, vector<16xf32>,
      %swap3A_85 = arith.index_cast %scan3A_70 : i32 to index
      %swap3A_86 = arith.constant 80 : index
      %swap3A_87 = tpu.vector_load %arg17[%swap3A_85, %swap3A_86] {strides = array<i32>} : memref<64x128xf32, #tpu.memory_space<vmem>>, vector<16xf32>,
      tpu.vector_store %arg17[%swap3A_85, %swap3A_86], %broadcast_in_dim3A_0 {strides = array<i32>} : memref<64x128xf32, #tpu.memory_space<vmem>>, vector<16xf32>,
      %swap3A_88 = arith.index_cast %scan3A_70 : i32 to index
      %swap3A_89 = arith.constant 96 : index
      %swap3A_90 = tpu.vector_load %arg17[%swap3A_88, %swap3A_89] {strides = array<i32>} : memref<64x128xf32, #tpu.memory_space<vmem>>, vector<16xf32>,
      tpu.vector_store %arg17[%swap3A_88, %swap3A_89], %broadcast_in_dim3A_0 {strides = array<i32>} : memref<64x128xf32, #tpu.memory_space<vmem>>, vector<16xf32>,
      %swap3A_91 = arith.index_cast %scan3A_70 : i32 to index
      %swap3A_92 = arith.constant 112 : index
      %swap3A_93 = tpu.vector_load %arg17[%swap3A_91, %swap3A_92] {strides = array<i32>} : memref<64x128xf32, #tpu.memory_space<vmem>>, vector<16xf32>,
      tpu.vector_store %arg17[%swap3A_91, %swap3A_92], %broadcast_in_dim3A_0 {strides = array<i32>} : memref<64x128xf32, #tpu.memory_space<vmem>>, vector<16xf32>,
    }
    %scan3A_5 = arith.constant 64 : i32
    %scan3A_6 = arith.constant 0 : i32
    %scan3A_7 = arith.constant 0 : i32
    %scan3A_8 = arith.constant 80 : i32
    %scan3A_9 = arith.addi %scan3A_7, %scan3A_8 : i32
    %scan3A_10 = arith.constant 1 : i32
    scf.for %scan3A_70 = %scan3A_7 to %scan3A_9 step %scan3A_10  : i32 {
      %swap3A = arith.index_cast %scan3A_70 : i32 to index
      %swap3A_71 = arith.constant 0 : index
      %swap3A_72 = tpu.vector_load %arg18[%swap3A, %swap3A_71] {strides = array<i32>} : memref<80x128xf32, #tpu.memory_space<vmem>>, vector<16xf32>,
      tpu.vector_store %arg18[%swap3A, %swap3A_71], %broadcast_in_dim3A_0 {strides = array<i32>} : memref<80x128xf32, #tpu.memory_space<vmem>>, vector<16xf32>,
      %swap3A_73 = arith.index_cast %scan3A_70 : i32 to index
      %swap3A_74 = arith.constant 16 : index
      %swap3A_75 = tpu.vector_load %arg18[%swap3A_73, %swap3A_74] {strides = array<i32>} : memref<80x128xf32, #tpu.memory_space<vmem>>, vector<16xf32>,
      tpu.vector_store %arg18[%swap3A_73, %swap3A_74], %broadcast_in_dim3A_0 {strides = array<i32>} : memref<80x128xf32, #tpu.memory_space<vmem>>, vector<16xf32>,
      %swap3A_76 = arith.index_cast %scan3A_70 : i32 to index
      %swap3A_77 = arith.constant 32 : index
      %swap3A_78 = tpu.vector_load %arg18[%swap3A_76, %swap3A_77] {strides = array<i32>} : memref<80x128xf32, #tpu.memory_space<vmem>>, vector<16xf32>,
      tpu.vector_store %arg18[%swap3A_76, %swap3A_77], %broadcast_in_dim3A_0 {strides = array<i32>} : memref<80x128xf32, #tpu.memory_space<vmem>>, vector<16xf32>,
      %swap3A_79 = arith.index_cast %scan3A_70 : i32 to index
      %swap3A_80 = arith.constant 48 : index
      %swap3A_81 = tpu.vector_load %arg18[%swap3A_79, %swap3A_80] {strides = array<i32>} : memref<80x128xf32, #tpu.memory_space<vmem>>, vector<16xf32>,
      tpu.vector_store %arg18[%swap3A_79, %swap3A_80], %broadcast_in_dim3A_0 {strides = array<i32>} : memref<80x128xf32, #tpu.memory_space<vmem>>, vector<16xf32>,
      %swap3A_82 = arith.index_cast %scan3A_70 : i32 to index
      %swap3A_83 = arith.constant 64 : index
      %swap3A_84 = tpu.vector_load %arg18[%swap3A_82, %swap3A_83] {strides = array<i32>} : memref<80x128xf32, #tpu.memory_space<vmem>>, vector<16xf32>,
      tpu.vector_store %arg18[%swap3A_82, %swap3A_83], %broadcast_in_dim3A_0 {strides = array<i32>} : memref<80x128xf32, #tpu.memory_space<vmem>>, vector<16xf32>,
      %swap3A_85 = arith.index_cast %scan3A_70 : i32 to index
      %swap3A_86 = arith.constant 80 : index
      %swap3A_87 = tpu.vector_load %arg18[%swap3A_85, %swap3A_86] {strides = array<i32>} : memref<80x128xf32, #tpu.memory_space<vmem>>, vector<16xf32>,
      tpu.vector_store %arg18[%swap3A_85, %swap3A_86], %broadcast_in_dim3A_0 {strides = array<i32>} : memref<80x128xf32, #tpu.memory_space<vmem>>, vector<16xf32>,
      %swap3A_88 = arith.index_cast %scan3A_70 : i32 to index
      %swap3A_89 = arith.constant 96 : index
      %swap3A_90 = tpu.vector_load %arg18[%swap3A_88, %swap3A_89] {strides = array<i32>} : memref<80x128xf32, #tpu.memory_space<vmem>>, vector<16xf32>,
      tpu.vector_store %arg18[%swap3A_88, %swap3A_89], %broadcast_in_dim3A_0 {strides = array<i32>} : memref<80x128xf32, #tpu.memory_space<vmem>>, vector<16xf32>,
      %swap3A_91 = arith.index_cast %scan3A_70 : i32 to index
      %swap3A_92 = arith.constant 112 : index
      %swap3A_93 = tpu.vector_load %arg18[%swap3A_91, %swap3A_92] {strides = array<i32>} : memref<80x128xf32, #tpu.memory_space<vmem>>, vector<16xf32>,
      tpu.vector_store %arg18[%swap3A_91, %swap3A_92], %broadcast_in_dim3A_0 {strides = array<i32>} : memref<80x128xf32, #tpu.memory_space<vmem>>, vector<16xf32>,
    }
    %scan3A_11 = arith.constant 80 : i32
    %mul3A = arith.constant 640 : i32
    %mul3A_12 = arith.muli %arg1, %mul3A : i32
    %add3A = arith.constant 0 : i32
    %add3A_13 = arith.addi %mul3A_12, %add3A : i32
    "tpu.region"() ({
      %run_scoped3A = tpu.sem_alloc : memref<!tpu.dma_semaphore, #tpu.memory_space<semaphore_mem>>
      %dma_start3A = arith.constant 0 : i32
      %dma_start3A_70 = tpu.memref_slice %arg10[%add3A_13, %dma_start3A] : memref<10240x128xf32, #tpu.memory_space<vmem_shared>> -> memref<64x128xf32, #tpu.memory_space<vmem_shared>>
      %dma_start3A_71 = arith.constant 0 : i32
      %dma_start3A_72 = tpu.memref_slice %arg10[%add3A_13, %dma_start3A_71] : memref<10240x128xf32, #tpu.memory_space<vmem_shared>> -> memref<64x128xf32, #tpu.memory_space<vmem_shared>>
      tpu.enqueue_dma source(%arg17 : memref<64x128xf32, #tpu.memory_space<vmem>>) target(%dma_start3A_72 : memref<64x128xf32, #tpu.memory_space<vmem_shared>>) target_semaphore(%run_scoped3A : memref<!tpu.dma_semaphore, #tpu.memory_space<semaphore_mem>>)
      %dma_wait3A = arith.constant 0 : i32
      %dma_wait3A_73 = tpu.memref_slice %arg10[%add3A_13, %dma_wait3A] : memref<10240x128xf32, #tpu.memory_space<vmem_shared>> -> memref<64x128xf32, #tpu.memory_space<vmem_shared>>
      %dma_wait3A_74 = arith.constant 0 : i32
      %dma_wait3A_75 = tpu.memref_slice %arg10[%add3A_13, %dma_wait3A_74] : memref<10240x128xf32, #tpu.memory_space<vmem_shared>> -> memref<64x128xf32, #tpu.memory_space<vmem_shared>>
      tpu.wait_dma2 semaphore(%run_scoped3A : memref<!tpu.dma_semaphore, #tpu.memory_space<semaphore_mem>>) src(%arg17 : memref<64x128xf32, #tpu.memory_space<vmem>>) dst(%dma_wait3A_75 : memref<64x128xf32, #tpu.memory_space<vmem_shared>>)
      tpu.yield
    }) : () -> ()
    %mul3A_14 = arith.constant 640 : i32
    %mul3A_15 = arith.muli %arg1, %mul3A_14 : i32
    %add3A_16 = arith.constant 64 : i32
    %add3A_17 = arith.addi %mul3A_15, %add3A_16 : i32
    "tpu.region"() ({
      %run_scoped3A = tpu.sem_alloc : memref<!tpu.dma_semaphore, #tpu.memory_space<semaphore_mem>>
      %dma_start3A = arith.constant 0 : i32
      %dma_start3A_70 = tpu.memref_slice %arg10[%add3A_17, %dma_start3A] : memref<10240x128xf32, #tpu.memory_space<vmem_shared>> -> memref<64x128xf32, #tpu.memory_space<vmem_shared>>
      %dma_start3A_71 = arith.constant 0 : i32
      %dma_start3A_72 = tpu.memref_slice %arg10[%add3A_17, %dma_start3A_71] : memref<10240x128xf32, #tpu.memory_space<vmem_shared>> -> memref<64x128xf32, #tpu.memory_space<vmem_shared>>
      tpu.enqueue_dma source(%arg17 : memref<64x128xf32, #tpu.memory_space<vmem>>) target(%dma_start3A_72 : memref<64x128xf32, #tpu.memory_space<vmem_shared>>) target_semaphore(%run_scoped3A : memref<!tpu.dma_semaphore, #tpu.memory_space<semaphore_mem>>)
      %dma_wait3A = arith.constant 0 : i32
      %dma_wait3A_73 = tpu.memref_slice %arg10[%add3A_17, %dma_wait3A] : memref<10240x128xf32, #tpu.memory_space<vmem_shared>> -> memref<64x128xf32, #tpu.memory_space<vmem_shared>>
      %dma_wait3A_74 = arith.constant 0 : i32
      %dma_wait3A_75 = tpu.memref_slice %arg10[%add3A_17, %dma_wait3A_74] : memref<10240x128xf32, #tpu.memory_space<vmem_shared>> -> memref<64x128xf32, #tpu.memory_space<vmem_shared>>
      tpu.wait_dma2 semaphore(%run_scoped3A : memref<!tpu.dma_semaphore, #tpu.memory_space<semaphore_mem>>) src(%arg17 : memref<64x128xf32, #tpu.memory_space<vmem>>) dst(%dma_wait3A_75 : memref<64x128xf32, #tpu.memory_space<vmem_shared>>)
      tpu.yield
    }) : () -> ()
    %mul3A_18 = arith.constant 640 : i32
    %mul3A_19 = arith.muli %arg1, %mul3A_18 : i32
    %add3A_20 = arith.constant 128 : i32
    %add3A_21 = arith.addi %mul3A_19, %add3A_20 : i32
    "tpu.region"() ({
      %run_scoped3A = tpu.sem_alloc : memref<!tpu.dma_semaphore, #tpu.memory_space<semaphore_mem>>
      %dma_start3A = arith.constant 0 : i32
      %dma_start3A_70 = tpu.memref_slice %arg10[%add3A_21, %dma_start3A] : memref<10240x128xf32, #tpu.memory_space<vmem_shared>> -> memref<64x128xf32, #tpu.memory_space<vmem_shared>>
      %dma_start3A_71 = arith.constant 0 : i32
      %dma_start3A_72 = tpu.memref_slice %arg10[%add3A_21, %dma_start3A_71] : memref<10240x128xf32, #tpu.memory_space<vmem_shared>> -> memref<64x128xf32, #tpu.memory_space<vmem_shared>>
      tpu.enqueue_dma source(%arg17 : memref<64x128xf32, #tpu.memory_space<vmem>>) target(%dma_start3A_72 : memref<64x128xf32, #tpu.memory_space<vmem_shared>>) target_semaphore(%run_scoped3A : memref<!tpu.dma_semaphore, #tpu.memory_space<semaphore_mem>>)
      %dma_wait3A = arith.constant 0 : i32
      %dma_wait3A_73 = tpu.memref_slice %arg10[%add3A_21, %dma_wait3A] : memref<10240x128xf32, #tpu.memory_space<vmem_shared>> -> memref<64x128xf32, #tpu.memory_space<vmem_shared>>
      %dma_wait3A_74 = arith.constant 0 : i32
      %dma_wait3A_75 = tpu.memref_slice %arg10[%add3A_21, %dma_wait3A_74] : memref<10240x128xf32, #tpu.memory_space<vmem_shared>> -> memref<64x128xf32, #tpu.memory_space<vmem_shared>>
      tpu.wait_dma2 semaphore(%run_scoped3A : memref<!tpu.dma_semaphore, #tpu.memory_space<semaphore_mem>>) src(%arg17 : memref<64x128xf32, #tpu.memory_space<vmem>>) dst(%dma_wait3A_75 : memref<64x128xf32, #tpu.memory_space<vmem_shared>>)
      tpu.yield
    }) : () -> ()
    %mul3A_22 = arith.constant 640 : i32
    %mul3A_23 = arith.muli %arg1, %mul3A_22 : i32
    %add3A_24 = arith.constant 192 : i32
    %add3A_25 = arith.addi %mul3A_23, %add3A_24 : i32
    "tpu.region"() ({
      %run_scoped3A = tpu.sem_alloc : memref<!tpu.dma_semaphore, #tpu.memory_space<semaphore_mem>>
      %dma_start3A = arith.constant 0 : i32
      %dma_start3A_70 = tpu.memref_slice %arg10[%add3A_25, %dma_start3A] : memref<10240x128xf32, #tpu.memory_space<vmem_shared>> -> memref<64x128xf32, #tpu.memory_space<vmem_shared>>
      %dma_start3A_71 = arith.constant 0 : i32
      %dma_start3A_72 = tpu.memref_slice %arg10[%add3A_25, %dma_start3A_71] : memref<10240x128xf32, #tpu.memory_space<vmem_shared>> -> memref<64x128xf32, #tpu.memory_space<vmem_shared>>
      tpu.enqueue_dma source(%arg17 : memref<64x128xf32, #tpu.memory_space<vmem>>) target(%dma_start3A_72 : memref<64x128xf32, #tpu.memory_space<vmem_shared>>) target_semaphore(%run_scoped3A : memref<!tpu.dma_semaphore, #tpu.memory_space<semaphore_mem>>)
      %dma_wait3A = arith.constant 0 : i32
      %dma_wait3A_73 = tpu.memref_slice %arg10[%add3A_25, %dma_wait3A] : memref<10240x128xf32, #tpu.memory_space<vmem_shared>> -> memref<64x128xf32, #tpu.memory_space<vmem_shared>>
      %dma_wait3A_74 = arith.constant 0 : i32
      %dma_wait3A_75 = tpu.memref_slice %arg10[%add3A_25, %dma_wait3A_74] : memref<10240x128xf32, #tpu.memory_space<vmem_shared>> -> memref<64x128xf32, #tpu.memory_space<vmem_shared>>
      tpu.wait_dma2 semaphore(%run_scoped3A : memref<!tpu.dma_semaphore, #tpu.memory_space<semaphore_mem>>) src(%arg17 : memref<64x128xf32, #tpu.memory_space<vmem>>) dst(%dma_wait3A_75 : memref<64x128xf32, #tpu.memory_space<vmem_shared>>)
      tpu.yield
    }) : () -> ()
    %mul3A_26 = arith.constant 640 : i32
    %mul3A_27 = arith.muli %arg1, %mul3A_26 : i32
    %add3A_28 = arith.constant 256 : i32
    %add3A_29 = arith.addi %mul3A_27, %add3A_28 : i32
    "tpu.region"() ({
      %run_scoped3A = tpu.sem_alloc : memref<!tpu.dma_semaphore, #tpu.memory_space<semaphore_mem>>
      %dma_start3A = arith.constant 0 : i32
      %dma_start3A_70 = tpu.memref_slice %arg10[%add3A_29, %dma_start3A] : memref<10240x128xf32, #tpu.memory_space<vmem_shared>> -> memref<64x128xf32, #tpu.memory_space<vmem_shared>>
      %dma_start3A_71 = arith.constant 0 : i32
      %dma_start3A_72 = tpu.memref_slice %arg10[%add3A_29, %dma_start3A_71] : memref<10240x128xf32, #tpu.memory_space<vmem_shared>> -> memref<64x128xf32, #tpu.memory_space<vmem_shared>>
      tpu.enqueue_dma source(%arg17 : memref<64x128xf32, #tpu.memory_space<vmem>>) target(%dma_start3A_72 : memref<64x128xf32, #tpu.memory_space<vmem_shared>>) target_semaphore(%run_scoped3A : memref<!tpu.dma_semaphore, #tpu.memory_space<semaphore_mem>>)
      %dma_wait3A = arith.constant 0 : i32
      %dma_wait3A_73 = tpu.memref_slice %arg10[%add3A_29, %dma_wait3A] : memref<10240x128xf32, #tpu.memory_space<vmem_shared>> -> memref<64x128xf32, #tpu.memory_space<vmem_shared>>
      %dma_wait3A_74 = arith.constant 0 : i32
      %dma_wait3A_75 = tpu.memref_slice %arg10[%add3A_29, %dma_wait3A_74] : memref<10240x128xf32, #tpu.memory_space<vmem_shared>> -> memref<64x128xf32, #tpu.memory_space<vmem_shared>>
      tpu.wait_dma2 semaphore(%run_scoped3A : memref<!tpu.dma_semaphore, #tpu.memory_space<semaphore_mem>>) src(%arg17 : memref<64x128xf32, #tpu.memory_space<vmem>>) dst(%dma_wait3A_75 : memref<64x128xf32, #tpu.memory_space<vmem_shared>>)
      tpu.yield
    }) : () -> ()
    %mul3A_30 = arith.constant 640 : i32
    %mul3A_31 = arith.muli %arg1, %mul3A_30 : i32
    %add3A_32 = arith.constant 320 : i32
    %add3A_33 = arith.addi %mul3A_31, %add3A_32 : i32
    "tpu.region"() ({
      %run_scoped3A = tpu.sem_alloc : memref<!tpu.dma_semaphore, #tpu.memory_space<semaphore_mem>>
      %dma_start3A = arith.constant 0 : i32
      %dma_start3A_70 = tpu.memref_slice %arg10[%add3A_33, %dma_start3A] : memref<10240x128xf32, #tpu.memory_space<vmem_shared>> -> memref<64x128xf32, #tpu.memory_space<vmem_shared>>
      %dma_start3A_71 = arith.constant 0 : i32
      %dma_start3A_72 = tpu.memref_slice %arg10[%add3A_33, %dma_start3A_71] : memref<10240x128xf32, #tpu.memory_space<vmem_shared>> -> memref<64x128xf32, #tpu.memory_space<vmem_shared>>
      tpu.enqueue_dma source(%arg17 : memref<64x128xf32, #tpu.memory_space<vmem>>) target(%dma_start3A_72 : memref<64x128xf32, #tpu.memory_space<vmem_shared>>) target_semaphore(%run_scoped3A : memref<!tpu.dma_semaphore, #tpu.memory_space<semaphore_mem>>)
      %dma_wait3A = arith.constant 0 : i32
      %dma_wait3A_73 = tpu.memref_slice %arg10[%add3A_33, %dma_wait3A] : memref<10240x128xf32, #tpu.memory_space<vmem_shared>> -> memref<64x128xf32, #tpu.memory_space<vmem_shared>>
      %dma_wait3A_74 = arith.constant 0 : i32
      %dma_wait3A_75 = tpu.memref_slice %arg10[%add3A_33, %dma_wait3A_74] : memref<10240x128xf32, #tpu.memory_space<vmem_shared>> -> memref<64x128xf32, #tpu.memory_space<vmem_shared>>
      tpu.wait_dma2 semaphore(%run_scoped3A : memref<!tpu.dma_semaphore, #tpu.memory_space<semaphore_mem>>) src(%arg17 : memref<64x128xf32, #tpu.memory_space<vmem>>) dst(%dma_wait3A_75 : memref<64x128xf32, #tpu.memory_space<vmem_shared>>)
      tpu.yield
    }) : () -> ()
    %mul3A_34 = arith.constant 640 : i32
    %mul3A_35 = arith.muli %arg1, %mul3A_34 : i32
    %add3A_36 = arith.constant 384 : i32
    %add3A_37 = arith.addi %mul3A_35, %add3A_36 : i32
    "tpu.region"() ({
      %run_scoped3A = tpu.sem_alloc : memref<!tpu.dma_semaphore, #tpu.memory_space<semaphore_mem>>
      %dma_start3A = arith.constant 0 : i32
      %dma_start3A_70 = tpu.memref_slice %arg10[%add3A_37, %dma_start3A] : memref<10240x128xf32, #tpu.memory_space<vmem_shared>> -> memref<64x128xf32, #tpu.memory_space<vmem_shared>>
      %dma_start3A_71 = arith.constant 0 : i32
      %dma_start3A_72 = tpu.memref_slice %arg10[%add3A_37, %dma_start3A_71] : memref<10240x128xf32, #tpu.memory_space<vmem_shared>> -> memref<64x128xf32, #tpu.memory_space<vmem_shared>>
      tpu.enqueue_dma source(%arg17 : memref<64x128xf32, #tpu.memory_space<vmem>>) target(%dma_start3A_72 : memref<64x128xf32, #tpu.memory_space<vmem_shared>>) target_semaphore(%run_scoped3A : memref<!tpu.dma_semaphore, #tpu.memory_space<semaphore_mem>>)
      %dma_wait3A = arith.constant 0 : i32
      %dma_wait3A_73 = tpu.memref_slice %arg10[%add3A_37, %dma_wait3A] : memref<10240x128xf32, #tpu.memory_space<vmem_shared>> -> memref<64x128xf32, #tpu.memory_space<vmem_shared>>
      %dma_wait3A_74 = arith.constant 0 : i32
      %dma_wait3A_75 = tpu.memref_slice %arg10[%add3A_37, %dma_wait3A_74] : memref<10240x128xf32, #tpu.memory_space<vmem_shared>> -> memref<64x128xf32, #tpu.memory_space<vmem_shared>>
      tpu.wait_dma2 semaphore(%run_scoped3A : memref<!tpu.dma_semaphore, #tpu.memory_space<semaphore_mem>>) src(%arg17 : memref<64x128xf32, #tpu.memory_space<vmem>>) dst(%dma_wait3A_75 : memref<64x128xf32, #tpu.memory_space<vmem_shared>>)
      tpu.yield
    }) : () -> ()
    %mul3A_38 = arith.constant 640 : i32
    %mul3A_39 = arith.muli %arg1, %mul3A_38 : i32
    %add3A_40 = arith.constant 448 : i32
    %add3A_41 = arith.addi %mul3A_39, %add3A_40 : i32
    "tpu.region"() ({
      %run_scoped3A = tpu.sem_alloc : memref<!tpu.dma_semaphore, #tpu.memory_space<semaphore_mem>>
      %dma_start3A = arith.constant 0 : i32
      %dma_start3A_70 = tpu.memref_slice %arg10[%add3A_41, %dma_start3A] : memref<10240x128xf32, #tpu.memory_space<vmem_shared>> -> memref<64x128xf32, #tpu.memory_space<vmem_shared>>
      %dma_start3A_71 = arith.constant 0 : i32
      %dma_start3A_72 = tpu.memref_slice %arg10[%add3A_41, %dma_start3A_71] : memref<10240x128xf32, #tpu.memory_space<vmem_shared>> -> memref<64x128xf32, #tpu.memory_space<vmem_shared>>
      tpu.enqueue_dma source(%arg17 : memref<64x128xf32, #tpu.memory_space<vmem>>) target(%dma_start3A_72 : memref<64x128xf32, #tpu.memory_space<vmem_shared>>) target_semaphore(%run_scoped3A : memref<!tpu.dma_semaphore, #tpu.memory_space<semaphore_mem>>)
      %dma_wait3A = arith.constant 0 : i32
      %dma_wait3A_73 = tpu.memref_slice %arg10[%add3A_41, %dma_wait3A] : memref<10240x128xf32, #tpu.memory_space<vmem_shared>> -> memref<64x128xf32, #tpu.memory_space<vmem_shared>>
      %dma_wait3A_74 = arith.constant 0 : i32
      %dma_wait3A_75 = tpu.memref_slice %arg10[%add3A_41, %dma_wait3A_74] : memref<10240x128xf32, #tpu.memory_space<vmem_shared>> -> memref<64x128xf32, #tpu.memory_space<vmem_shared>>
      tpu.wait_dma2 semaphore(%run_scoped3A : memref<!tpu.dma_semaphore, #tpu.memory_space<semaphore_mem>>) src(%arg17 : memref<64x128xf32, #tpu.memory_space<vmem>>) dst(%dma_wait3A_75 : memref<64x128xf32, #tpu.memory_space<vmem_shared>>)
      tpu.yield
    }) : () -> ()
    %mul3A_42 = arith.constant 640 : i32
    %mul3A_43 = arith.muli %arg1, %mul3A_42 : i32
    %add3A_44 = arith.constant 512 : i32
    %add3A_45 = arith.addi %mul3A_43, %add3A_44 : i32
    "tpu.region"() ({
      %run_scoped3A = tpu.sem_alloc : memref<!tpu.dma_semaphore, #tpu.memory_space<semaphore_mem>>
      %dma_start3A = arith.constant 0 : i32
      %dma_start3A_70 = tpu.memref_slice %arg10[%add3A_45, %dma_start3A] : memref<10240x128xf32, #tpu.memory_space<vmem_shared>> -> memref<64x128xf32, #tpu.memory_space<vmem_shared>>
      %dma_start3A_71 = arith.constant 0 : i32
      %dma_start3A_72 = tpu.memref_slice %arg10[%add3A_45, %dma_start3A_71] : memref<10240x128xf32, #tpu.memory_space<vmem_shared>> -> memref<64x128xf32, #tpu.memory_space<vmem_shared>>
      tpu.enqueue_dma source(%arg17 : memref<64x128xf32, #tpu.memory_space<vmem>>) target(%dma_start3A_72 : memref<64x128xf32, #tpu.memory_space<vmem_shared>>) target_semaphore(%run_scoped3A : memref<!tpu.dma_semaphore, #tpu.memory_space<semaphore_mem>>)
      %dma_wait3A = arith.constant 0 : i32
      %dma_wait3A_73 = tpu.memref_slice %arg10[%add3A_45, %dma_wait3A] : memref<10240x128xf32, #tpu.memory_space<vmem_shared>> -> memref<64x128xf32, #tpu.memory_space<vmem_shared>>
      %dma_wait3A_74 = arith.constant 0 : i32
      %dma_wait3A_75 = tpu.memref_slice %arg10[%add3A_45, %dma_wait3A_74] : memref<10240x128xf32, #tpu.memory_space<vmem_shared>> -> memref<64x128xf32, #tpu.memory_space<vmem_shared>>
      tpu.wait_dma2 semaphore(%run_scoped3A : memref<!tpu.dma_semaphore, #tpu.memory_space<semaphore_mem>>) src(%arg17 : memref<64x128xf32, #tpu.memory_space<vmem>>) dst(%dma_wait3A_75 : memref<64x128xf32, #tpu.memory_space<vmem_shared>>)
      tpu.yield
    }) : () -> ()
    %mul3A_46 = arith.constant 640 : i32
    %mul3A_47 = arith.muli %arg1, %mul3A_46 : i32
    %add3A_48 = arith.constant 576 : i32
    %add3A_49 = arith.addi %mul3A_47, %add3A_48 : i32
    "tpu.region"() ({
      %run_scoped3A = tpu.sem_alloc : memref<!tpu.dma_semaphore, #tpu.memory_space<semaphore_mem>>
      %dma_start3A = arith.constant 0 : i32
      %dma_start3A_70 = tpu.memref_slice %arg10[%add3A_49, %dma_start3A] : memref<10240x128xf32, #tpu.memory_space<vmem_shared>> -> memref<64x128xf32, #tpu.memory_space<vmem_shared>>
      %dma_start3A_71 = arith.constant 0 : i32
      %dma_start3A_72 = tpu.memref_slice %arg10[%add3A_49, %dma_start3A_71] : memref<10240x128xf32, #tpu.memory_space<vmem_shared>> -> memref<64x128xf32, #tpu.memory_space<vmem_shared>>
      tpu.enqueue_dma source(%arg17 : memref<64x128xf32, #tpu.memory_space<vmem>>) target(%dma_start3A_72 : memref<64x128xf32, #tpu.memory_space<vmem_shared>>) target_semaphore(%run_scoped3A : memref<!tpu.dma_semaphore, #tpu.memory_space<semaphore_mem>>)
      %dma_wait3A = arith.constant 0 : i32
      %dma_wait3A_73 = tpu.memref_slice %arg10[%add3A_49, %dma_wait3A] : memref<10240x128xf32, #tpu.memory_space<vmem_shared>> -> memref<64x128xf32, #tpu.memory_space<vmem_shared>>
      %dma_wait3A_74 = arith.constant 0 : i32
      %dma_wait3A_75 = tpu.memref_slice %arg10[%add3A_49, %dma_wait3A_74] : memref<10240x128xf32, #tpu.memory_space<vmem_shared>> -> memref<64x128xf32, #tpu.memory_space<vmem_shared>>
      tpu.wait_dma2 semaphore(%run_scoped3A : memref<!tpu.dma_semaphore, #tpu.memory_space<semaphore_mem>>) src(%arg17 : memref<64x128xf32, #tpu.memory_space<vmem>>) dst(%dma_wait3A_75 : memref<64x128xf32, #tpu.memory_space<vmem_shared>>)
      tpu.yield
    }) : () -> ()
    %eq3A = arith.constant 0 : i32
    %eq3A_50 = arith.cmpi eq, %arg1, %eq3A : i32
    %convert_element_type3A = arith.extui %eq3A_50 : i1 to i32
    %cond3A = arith.constant 0 : i32
    %cond3A_51 = arith.cmpi ne, %convert_element_type3A, %cond3A : i32
    scf.if %cond3A_51 {
      "tpu.region"() ({
        %run_scoped3A = tpu.sem_alloc : memref<!tpu.dma_semaphore, #tpu.memory_space<semaphore_mem>>
        %dma_start3A = arith.constant 0 : i32
        %dma_start3A_70 = arith.constant 0 : i32
        %dma_start3A_71 = tpu.memref_slice %arg11[%dma_start3A, %dma_start3A_70] : memref<80x128xf32, #tpu.memory_space<vmem_shared>> -> memref<64x128xf32, #tpu.memory_space<vmem_shared>>
        %dma_start3A_72 = arith.constant 0 : i32
        %dma_start3A_73 = arith.constant 0 : i32
        %dma_start3A_74 = tpu.memref_slice %arg11[%dma_start3A_72, %dma_start3A_73] : memref<80x128xf32, #tpu.memory_space<vmem_shared>> -> memref<64x128xf32, #tpu.memory_space<vmem_shared>>
        tpu.enqueue_dma source(%arg17 : memref<64x128xf32, #tpu.memory_space<vmem>>) target(%dma_start3A_74 : memref<64x128xf32, #tpu.memory_space<vmem_shared>>) target_semaphore(%run_scoped3A : memref<!tpu.dma_semaphore, #tpu.memory_space<semaphore_mem>>)
        %dma_wait3A = arith.constant 0 : i32
        %dma_wait3A_75 = arith.constant 0 : i32
        %dma_wait3A_76 = tpu.memref_slice %arg11[%dma_wait3A, %dma_wait3A_75] : memref<80x128xf32, #tpu.memory_space<vmem_shared>> -> memref<64x128xf32, #tpu.memory_space<vmem_shared>>
        %dma_wait3A_77 = arith.constant 0 : i32
        %dma_wait3A_78 = arith.constant 0 : i32
        %dma_wait3A_79 = tpu.memref_slice %arg11[%dma_wait3A_77, %dma_wait3A_78] : memref<80x128xf32, #tpu.memory_space<vmem_shared>> -> memref<64x128xf32, #tpu.memory_space<vmem_shared>>
        tpu.wait_dma2 semaphore(%run_scoped3A : memref<!tpu.dma_semaphore, #tpu.memory_space<semaphore_mem>>) src(%arg17 : memref<64x128xf32, #tpu.memory_space<vmem>>) dst(%dma_wait3A_79 : memref<64x128xf32, #tpu.memory_space<vmem_shared>>)
        tpu.yield
      }) : () -> ()
      "tpu.region"() ({
        %run_scoped3A = tpu.sem_alloc : memref<!tpu.dma_semaphore, #tpu.memory_space<semaphore_mem>>
        %dma_start3A = arith.constant 0 : i32
        %dma_start3A_70 = arith.constant 0 : i32
        %dma_start3A_71 = tpu.memref_slice %arg17[%dma_start3A, %dma_start3A_70] : memref<64x128xf32, #tpu.memory_space<vmem>> -> memref<16x128xf32, #tpu.memory_space<vmem>>
        %dma_start3A_72 = arith.constant 64 : i32
        %dma_start3A_73 = arith.constant 0 : i32
        %dma_start3A_74 = tpu.memref_slice %arg11[%dma_start3A_72, %dma_start3A_73] : memref<80x128xf32, #tpu.memory_space<vmem_shared>> -> memref<16x128xf32, #tpu.memory_space<vmem_shared>>
        %dma_start3A_75 = arith.constant 64 : i32
        %dma_start3A_76 = arith.constant 0 : i32
        %dma_start3A_77 = tpu.memref_slice %arg11[%dma_start3A_75, %dma_start3A_76] : memref<80x128xf32, #tpu.memory_space<vmem_shared>> -> memref<16x128xf32, #tpu.memory_space<vmem_shared>>
        %dma_start3A_78 = arith.constant 0 : i32
        %dma_start3A_79 = arith.constant 0 : i32
        %dma_start3A_80 = tpu.memref_slice %arg17[%dma_start3A_78, %dma_start3A_79] : memref<64x128xf32, #tpu.memory_space<vmem>> -> memref<16x128xf32, #tpu.memory_space<vmem>>
        tpu.enqueue_dma source(%dma_start3A_80 : memref<16x128xf32, #tpu.memory_space<vmem>>) target(%dma_start3A_77 : memref<16x128xf32, #tpu.memory_space<vmem_shared>>) target_semaphore(%run_scoped3A : memref<!tpu.dma_semaphore, #tpu.memory_space<semaphore_mem>>)
        %dma_wait3A = arith.constant 0 : i32
        %dma_wait3A_81 = arith.constant 0 : i32
        %dma_wait3A_82 = tpu.memref_slice %arg17[%dma_wait3A, %dma_wait3A_81] : memref<64x128xf32, #tpu.memory_space<vmem>> -> memref<16x128xf32, #tpu.memory_space<vmem>>
        %dma_wait3A_83 = arith.constant 64 : i32
        %dma_wait3A_84 = arith.constant 0 : i32
        %dma_wait3A_85 = tpu.memref_slice %arg11[%dma_wait3A_83, %dma_wait3A_84] : memref<80x128xf32, #tpu.memory_space<vmem_shared>> -> memref<16x128xf32, #tpu.memory_space<vmem_shared>>
        %dma_wait3A_86 = arith.constant 64 : i32
        %dma_wait3A_87 = arith.constant 0 : i32
        %dma_wait3A_88 = tpu.memref_slice %arg11[%dma_wait3A_86, %dma_wait3A_87] : memref<80x128xf32, #tpu.memory_space<vmem_shared>> -> memref<16x128xf32, #tpu.memory_space<vmem_shared>>
        %dma_wait3A_89 = arith.constant 0 : i32
        %dma_wait3A_90 = arith.constant 0 : i32
        %dma_wait3A_91 = tpu.memref_slice %arg17[%dma_wait3A_89, %dma_wait3A_90] : memref<64x128xf32, #tpu.memory_space<vmem>> -> memref<16x128xf32, #tpu.memory_space<vmem>>
        tpu.wait_dma2 semaphore(%run_scoped3A : memref<!tpu.dma_semaphore, #tpu.memory_space<semaphore_mem>>) src(%dma_wait3A_91 : memref<16x128xf32, #tpu.memory_space<vmem>>) dst(%dma_wait3A_88 : memref<16x128xf32, #tpu.memory_space<vmem_shared>>)
        tpu.yield
      }) : () -> ()
    } else {
    }
    %barrier3A = arith.constant 0 : index
    tpu.barrier barrier_id(%barrier3A)
    %mul3A_52 = arith.constant 10240 : i32
    %mul3A_53 = arith.muli %arg0, %mul3A_52 : i32
    %scan3A_54 = arith.constant 0 : i32
    %scan3A_55 = arith.constant 0 : i32
    %scan3A_56 = arith.constant 21 : i32
    %scan3A_57 = arith.addi %scan3A_55, %scan3A_56 : i32
    %scan3A_58 = arith.constant 1 : i32
    scf.for %scan3A_70 = %scan3A_55 to %scan3A_57 step %scan3A_58  : i32 {
      %mul3A_71 = arith.constant 16 : i32
      %mul3A_72 = arith.muli %scan3A_70, %mul3A_71 : i32
      "tpu.region"() ({
        %run_scoped3A = tpu.sem_alloc : memref<!tpu.dma_semaphore, #tpu.memory_space<semaphore_mem>>
        %dma_start3A = arith.constant 0 : i32
        %dma_start3A_81 = tpu.memref_slice %arg2[%arg0, %arg1, %mul3A_72, %dma_start3A] : memref<2x16x336x64xi32, #tpu.memory_space<hbm>> -> memref<1x1x16x64xi32, #tpu.memory_space<hbm>>
        %dma_start3A_82 = tpu.memref_squeeze %dma_start3A_81 : memref<1x1x16x64xi32, #tpu.memory_space<hbm>> -> memref<16x64xi32, #tpu.memory_space<hbm>>
        %dma_start3A_83 = arith.constant 0 : i32
        %dma_start3A_84 = tpu.memref_slice %arg2[%arg0, %arg1, %mul3A_72, %dma_start3A_83] : memref<2x16x336x64xi32, #tpu.memory_space<hbm>> -> memref<1x1x16x64xi32, #tpu.memory_space<hbm>>
        %dma_start3A_85 = tpu.memref_squeeze %dma_start3A_84 : memref<1x1x16x64xi32, #tpu.memory_space<hbm>> -> memref<16x64xi32, #tpu.memory_space<hbm>>
        tpu.enqueue_dma source(%dma_start3A_85 : memref<16x64xi32, #tpu.memory_space<hbm>>) target(%arg14 : memref<16x64xi32, #tpu.memory_space<vmem>>) target_semaphore(%run_scoped3A : memref<!tpu.dma_semaphore, #tpu.memory_space<semaphore_mem>>)
        %dma_wait3A = arith.constant 0 : i32
        %dma_wait3A_86 = tpu.memref_slice %arg2[%arg0, %arg1, %mul3A_72, %dma_wait3A] : memref<2x16x336x64xi32, #tpu.memory_space<hbm>> -> memref<1x1x16x64xi32, #tpu.memory_space<hbm>>
        %dma_wait3A_87 = tpu.memref_squeeze %dma_wait3A_86 : memref<1x1x16x64xi32, #tpu.memory_space<hbm>> -> memref<16x64xi32, #tpu.memory_space<hbm>>
        %dma_wait3A_88 = arith.constant 0 : i32
        %dma_wait3A_89 = tpu.memref_slice %arg2[%arg0, %arg1, %mul3A_72, %dma_wait3A_88] : memref<2x16x336x64xi32, #tpu.memory_space<hbm>> -> memref<1x1x16x64xi32, #tpu.memory_space<hbm>>
        %dma_wait3A_90 = tpu.memref_squeeze %dma_wait3A_89 : memref<1x1x16x64xi32, #tpu.memory_space<hbm>> -> memref<16x64xi32, #tpu.memory_space<hbm>>
        tpu.wait_dma2 semaphore(%run_scoped3A : memref<!tpu.dma_semaphore, #tpu.memory_space<semaphore_mem>>) src(%dma_wait3A_90 : memref<16x64xi32, #tpu.memory_space<hbm>>) dst(%arg14 : memref<16x64xi32, #tpu.memory_space<vmem>>)
        tpu.yield
      }) : () -> ()
      %mul3A_73 = arith.constant 16 : i32
      %mul3A_74 = arith.muli %scan3A_70, %mul3A_73 : i32
      "tpu.region"() ({
        %run_scoped3A = tpu.sem_alloc : memref<!tpu.dma_semaphore, #tpu.memory_space<semaphore_mem>>
        %dma_start3A = arith.constant 0 : i32
        %dma_start3A_81 = tpu.memref_slice %arg3[%arg1, %mul3A_74, %dma_start3A] : memref<16x336x64xi32, #tpu.memory_space<hbm>> -> memref<1x16x64xi32, #tpu.memory_space<hbm>>
        %dma_start3A_82 = tpu.memref_squeeze %dma_start3A_81 : memref<1x16x64xi32, #tpu.memory_space<hbm>> -> memref<16x64xi32, #tpu.memory_space<hbm>>
        %dma_start3A_83 = arith.constant 0 : i32
        %dma_start3A_84 = tpu.memref_slice %arg3[%arg1, %mul3A_74, %dma_start3A_83] : memref<16x336x64xi32, #tpu.memory_space<hbm>> -> memref<1x16x64xi32, #tpu.memory_space<hbm>>
        %dma_start3A_85 = tpu.memref_squeeze %dma_start3A_84 : memref<1x16x64xi32, #tpu.memory_space<hbm>> -> memref<16x64xi32, #tpu.memory_space<hbm>>
        tpu.enqueue_dma source(%dma_start3A_85 : memref<16x64xi32, #tpu.memory_space<hbm>>) target(%arg15 : memref<16x64xi32, #tpu.memory_space<vmem>>) target_semaphore(%run_scoped3A : memref<!tpu.dma_semaphore, #tpu.memory_space<semaphore_mem>>)
        %dma_wait3A = arith.constant 0 : i32
        %dma_wait3A_86 = tpu.memref_slice %arg3[%arg1, %mul3A_74, %dma_wait3A] : memref<16x336x64xi32, #tpu.memory_space<hbm>> -> memref<1x16x64xi32, #tpu.memory_space<hbm>>
        %dma_wait3A_87 = tpu.memref_squeeze %dma_wait3A_86 : memref<1x16x64xi32, #tpu.memory_space<hbm>> -> memref<16x64xi32, #tpu.memory_space<hbm>>
        %dma_wait3A_88 = arith.constant 0 : i32
        %dma_wait3A_89 = tpu.memref_slice %arg3[%arg1, %mul3A_74, %dma_wait3A_88] : memref<16x336x64xi32, #tpu.memory_space<hbm>> -> memref<1x16x64xi32, #tpu.memory_space<hbm>>
        %dma_wait3A_90 = tpu.memref_squeeze %dma_wait3A_89 : memref<1x16x64xi32, #tpu.memory_space<hbm>> -> memref<16x64xi32, #tpu.memory_space<hbm>>
        tpu.wait_dma2 semaphore(%run_scoped3A : memref<!tpu.dma_semaphore, #tpu.memory_space<semaphore_mem>>) src(%dma_wait3A_90 : memref<16x64xi32, #tpu.memory_space<hbm>>) dst(%arg15 : memref<16x64xi32, #tpu.memory_space<vmem>>)
        tpu.yield
      }) : () -> ()
      %scan3A_75 = arith.constant 0 : i32
      %scan3A_76 = arith.constant 0 : i32
      %scan3A_77 = arith.constant 16 : i32
      %scan3A_78 = arith.addi %scan3A_76, %scan3A_77 : i32
      %scan3A_79 = arith.constant 1 : i32
      scf.for %scan3A_81 = %scan3A_76 to %scan3A_78 step %scan3A_79  : i32 {
        %get3A = arith.index_cast %scan3A_81 : i32 to index
        %get3A_82 = arith.constant 0 : index
        %get3A_83 = tpu.vector_load %arg14[%get3A, %get3A_82] {strides = array<i32>} : memref<16x64xi32, #tpu.memory_space<vmem>>, vector<16xi32>,
        %get3A_84 = arith.index_cast %scan3A_81 : i32 to index
        %get3A_85 = arith.constant 0 : index
        %get3A_86 = tpu.vector_load %arg15[%get3A_84, %get3A_85] {strides = array<i32>} : memref<16x64xi32, #tpu.memory_space<vmem>>, vector<16xi32>,
        %sub3A = vector.broadcast %mul3A_53 : i32 to vector<16xi32>
        %sub3A_87 = arith.subi %get3A_83, %sub3A : vector<16xi32>
        %gather3A = tpu.vector_load_idx %arg12[%sub3A_87] : memref<10240xf32, #tpu.memory_space<vmem>>[vector<16xi32>], vector<16xf32>,
        %gather3A_88 = tpu.vector_load_idx %arg13[%get3A_86] : memref<10240xf32, #tpu.memory_space<vmem>>[vector<16xi32>], vector<16xf32>,
        %add3A_89 = arith.addf %gather3A, %gather3A_88 : vector<16xf32>
        %ge3A = arith.constant 0.000000e+00 : f32
        %ge3A_90 = vector.broadcast %ge3A : f32 to vector<16xf32>
        %ge3A_91 = arith.cmpf oge, %add3A_89, %ge3A_90 : vector<16xf32>
        %mul3A_92 = arith.constant 2.000000e-01 : f32
        %mul3A_93 = vector.broadcast %mul3A_92 : f32 to vector<16xf32>
        %mul3A_94 = arith.mulf %add3A_89, %mul3A_93 : vector<16xf32>
        %select_n3A = arith.select %ge3A_91, %add3A_89, %mul3A_94 : vector<16xi1>, vector<16xf32>
        %exp3A = math.exp %select_n3A : vector<16xf32>
        %swap3A = arith.constant 0 : index
        %swap3A_95 = tpu.vector_load %arg16[%swap3A] {strides = array<i32>} : memref<64xf32, #tpu.memory_space<vmem>>, vector<16xf32>,
        tpu.vector_store %arg16[%swap3A], %exp3A {strides = array<i32>} : memref<64xf32, #tpu.memory_space<vmem>>, vector<16xf32>,
        %shift_right_logical3A = arith.constant 7 : i32
        %shift_right_logical3A_96 = vector.broadcast %shift_right_logical3A : i32 to vector<16xi32>
        %shift_right_logical3A_97 = arith.shrui %get3A_86, %shift_right_logical3A_96 : vector<16xi32>
        %and3A = arith.constant 127 : i32
        %and3A_98 = vector.broadcast %and3A : i32 to vector<16xi32>
        %and3A_99 = arith.andi %get3A_86, %and3A_98 : vector<16xi32>
        tpu.vector_store_idx %arg18[%shift_right_logical3A_97, %and3A_99], %exp3A {add = true} : memref<80x128xf32, #tpu.memory_space<vmem>>[vector<16xi32>, vector<16xi32>], vector<16xf32>,
        %get3A_100 = arith.index_cast %scan3A_81 : i32 to index
        %get3A_101 = arith.constant 16 : index
        %get3A_102 = tpu.vector_load %arg14[%get3A_100, %get3A_101] {strides = array<i32>} : memref<16x64xi32, #tpu.memory_space<vmem>>, vector<16xi32>,
        %get3A_103 = arith.index_cast %scan3A_81 : i32 to index
        %get3A_104 = arith.constant 16 : index
        %get3A_105 = tpu.vector_load %arg15[%get3A_103, %get3A_104] {strides = array<i32>} : memref<16x64xi32, #tpu.memory_space<vmem>>, vector<16xi32>,
        %sub3A_106 = vector.broadcast %mul3A_53 : i32 to vector<16xi32>
        %sub3A_107 = arith.subi %get3A_102, %sub3A_106 : vector<16xi32>
        %gather3A_108 = tpu.vector_load_idx %arg12[%sub3A_107] : memref<10240xf32, #tpu.memory_space<vmem>>[vector<16xi32>], vector<16xf32>,
        %gather3A_109 = tpu.vector_load_idx %arg13[%get3A_105] : memref<10240xf32, #tpu.memory_space<vmem>>[vector<16xi32>], vector<16xf32>,
        %add3A_110 = arith.addf %gather3A_108, %gather3A_109 : vector<16xf32>
        %ge3A_111 = arith.constant 0.000000e+00 : f32
        %ge3A_112 = vector.broadcast %ge3A_111 : f32 to vector<16xf32>
        %ge3A_113 = arith.cmpf oge, %add3A_110, %ge3A_112 : vector<16xf32>
        %mul3A_114 = arith.constant 2.000000e-01 : f32
        %mul3A_115 = vector.broadcast %mul3A_114 : f32 to vector<16xf32>
        %mul3A_116 = arith.mulf %add3A_110, %mul3A_115 : vector<16xf32>
        %select_n3A_117 = arith.select %ge3A_113, %add3A_110, %mul3A_116 : vector<16xi1>, vector<16xf32>
        %exp3A_118 = math.exp %select_n3A_117 : vector<16xf32>
        %swap3A_119 = arith.constant 16 : index
        %swap3A_120 = tpu.vector_load %arg16[%swap3A_119] {strides = array<i32>} : memref<64xf32, #tpu.memory_space<vmem>>, vector<16xf32>,
        tpu.vector_store %arg16[%swap3A_119], %exp3A_118 {strides = array<i32>} : memref<64xf32, #tpu.memory_space<vmem>>, vector<16xf32>,
        %shift_right_logical3A_121 = arith.constant 7 : i32
        %shift_right_logical3A_122 = vector.broadcast %shift_right_logical3A_121 : i32 to vector<16xi32>
        %shift_right_logical3A_123 = arith.shrui %get3A_105, %shift_right_logical3A_122 : vector<16xi32>
        %and3A_124 = arith.constant 127 : i32
        %and3A_125 = vector.broadcast %and3A_124 : i32 to vector<16xi32>
        %and3A_126 = arith.andi %get3A_105, %and3A_125 : vector<16xi32>
        tpu.vector_store_idx %arg18[%shift_right_logical3A_123, %and3A_126], %exp3A_118 {add = true} : memref<80x128xf32, #tpu.memory_space<vmem>>[vector<16xi32>, vector<16xi32>], vector<16xf32>,
        %get3A_127 = arith.index_cast %scan3A_81 : i32 to index
        %get3A_128 = arith.constant 32 : index
        %get3A_129 = tpu.vector_load %arg14[%get3A_127, %get3A_128] {strides = array<i32>} : memref<16x64xi32, #tpu.memory_space<vmem>>, vector<16xi32>,
        %get3A_130 = arith.index_cast %scan3A_81 : i32 to index
        %get3A_131 = arith.constant 32 : index
        %get3A_132 = tpu.vector_load %arg15[%get3A_130, %get3A_131] {strides = array<i32>} : memref<16x64xi32, #tpu.memory_space<vmem>>, vector<16xi32>,
        %sub3A_133 = vector.broadcast %mul3A_53 : i32 to vector<16xi32>
        %sub3A_134 = arith.subi %get3A_129, %sub3A_133 : vector<16xi32>
        %gather3A_135 = tpu.vector_load_idx %arg12[%sub3A_134] : memref<10240xf32, #tpu.memory_space<vmem>>[vector<16xi32>], vector<16xf32>,
        %gather3A_136 = tpu.vector_load_idx %arg13[%get3A_132] : memref<10240xf32, #tpu.memory_space<vmem>>[vector<16xi32>], vector<16xf32>,
        %add3A_137 = arith.addf %gather3A_135, %gather3A_136 : vector<16xf32>
        %ge3A_138 = arith.constant 0.000000e+00 : f32
        %ge3A_139 = vector.broadcast %ge3A_138 : f32 to vector<16xf32>
        %ge3A_140 = arith.cmpf oge, %add3A_137, %ge3A_139 : vector<16xf32>
        %mul3A_141 = arith.constant 2.000000e-01 : f32
        %mul3A_142 = vector.broadcast %mul3A_141 : f32 to vector<16xf32>
        %mul3A_143 = arith.mulf %add3A_137, %mul3A_142 : vector<16xf32>
        %select_n3A_144 = arith.select %ge3A_140, %add3A_137, %mul3A_143 : vector<16xi1>, vector<16xf32>
        %exp3A_145 = math.exp %select_n3A_144 : vector<16xf32>
        %swap3A_146 = arith.constant 32 : index
        %swap3A_147 = tpu.vector_load %arg16[%swap3A_146] {strides = array<i32>} : memref<64xf32, #tpu.memory_space<vmem>>, vector<16xf32>,
        tpu.vector_store %arg16[%swap3A_146], %exp3A_145 {strides = array<i32>} : memref<64xf32, #tpu.memory_space<vmem>>, vector<16xf32>,
        %shift_right_logical3A_148 = arith.constant 7 : i32
        %shift_right_logical3A_149 = vector.broadcast %shift_right_logical3A_148 : i32 to vector<16xi32>
        %shift_right_logical3A_150 = arith.shrui %get3A_132, %shift_right_logical3A_149 : vector<16xi32>
        %and3A_151 = arith.constant 127 : i32
        %and3A_152 = vector.broadcast %and3A_151 : i32 to vector<16xi32>
        %and3A_153 = arith.andi %get3A_132, %and3A_152 : vector<16xi32>
        tpu.vector_store_idx %arg18[%shift_right_logical3A_150, %and3A_153], %exp3A_145 {add = true} : memref<80x128xf32, #tpu.memory_space<vmem>>[vector<16xi32>, vector<16xi32>], vector<16xf32>,
        %get3A_154 = arith.index_cast %scan3A_81 : i32 to index
        %get3A_155 = arith.constant 48 : index
        %get3A_156 = tpu.vector_load %arg14[%get3A_154, %get3A_155] {strides = array<i32>} : memref<16x64xi32, #tpu.memory_space<vmem>>, vector<16xi32>,
        %get3A_157 = arith.index_cast %scan3A_81 : i32 to index
        %get3A_158 = arith.constant 48 : index
        %get3A_159 = tpu.vector_load %arg15[%get3A_157, %get3A_158] {strides = array<i32>} : memref<16x64xi32, #tpu.memory_space<vmem>>, vector<16xi32>,
        %sub3A_160 = vector.broadcast %mul3A_53 : i32 to vector<16xi32>
        %sub3A_161 = arith.subi %get3A_156, %sub3A_160 : vector<16xi32>
        %gather3A_162 = tpu.vector_load_idx %arg12[%sub3A_161] : memref<10240xf32, #tpu.memory_space<vmem>>[vector<16xi32>], vector<16xf32>,
        %gather3A_163 = tpu.vector_load_idx %arg13[%get3A_159] : memref<10240xf32, #tpu.memory_space<vmem>>[vector<16xi32>], vector<16xf32>,
        %add3A_164 = arith.addf %gather3A_162, %gather3A_163 : vector<16xf32>
        %ge3A_165 = arith.constant 0.000000e+00 : f32
        %ge3A_166 = vector.broadcast %ge3A_165 : f32 to vector<16xf32>
        %ge3A_167 = arith.cmpf oge, %add3A_164, %ge3A_166 : vector<16xf32>
        %mul3A_168 = arith.constant 2.000000e-01 : f32
        %mul3A_169 = vector.broadcast %mul3A_168 : f32 to vector<16xf32>
        %mul3A_170 = arith.mulf %add3A_164, %mul3A_169 : vector<16xf32>
        %select_n3A_171 = arith.select %ge3A_167, %add3A_164, %mul3A_170 : vector<16xi1>, vector<16xf32>
        %exp3A_172 = math.exp %select_n3A_171 : vector<16xf32>
        %swap3A_173 = arith.constant 48 : index
        %swap3A_174 = tpu.vector_load %arg16[%swap3A_173] {strides = array<i32>} : memref<64xf32, #tpu.memory_space<vmem>>, vector<16xf32>,
        tpu.vector_store %arg16[%swap3A_173], %exp3A_172 {strides = array<i32>} : memref<64xf32, #tpu.memory_space<vmem>>, vector<16xf32>,
        %shift_right_logical3A_175 = arith.constant 7 : i32
        %shift_right_logical3A_176 = vector.broadcast %shift_right_logical3A_175 : i32 to vector<16xi32>
        %shift_right_logical3A_177 = arith.shrui %get3A_159, %shift_right_logical3A_176 : vector<16xi32>
        %and3A_178 = arith.constant 127 : i32
        %and3A_179 = vector.broadcast %and3A_178 : i32 to vector<16xi32>
        %and3A_180 = arith.andi %get3A_159, %and3A_179 : vector<16xi32>
        tpu.vector_store_idx %arg18[%shift_right_logical3A_177, %and3A_180], %exp3A_172 {add = true} : memref<80x128xf32, #tpu.memory_space<vmem>>[vector<16xi32>, vector<16xi32>], vector<16xf32>,
        %dma_start3A = arith.constant 0 : i32
        %dma_start3A_181 = tpu.memref_slice %arg14[%scan3A_81, %dma_start3A] : memref<16x64xi32, #tpu.memory_space<vmem>> -> memref<1x64xi32, #tpu.memory_space<vmem>>
        %dma_start3A_182 = tpu.memref_squeeze %dma_start3A_181 : memref<1x64xi32, #tpu.memory_space<vmem>> -> memref<64xi32, #tpu.memory_space<vmem>>
        %dma_start3A_183 = arith.constant 0 : i32
        %dma_start3A_184 = arith.constant 0 : i32
        %dma_start3A_185 = tpu.memref_slice %arg6[%dma_start3A_183, %dma_start3A_184] : memref<20480x128xf32, #tpu.memory_space<hbm>> -> memref<20480x128xf32, #tpu.memory_space<hbm>>
        tpu.enqueue_indirect_dma source(%dma_start3A_185 : memref<20480x128xf32, #tpu.memory_space<hbm>>) target(%arg17 : memref<64x128xf32, #tpu.memory_space<vmem>>) offsets(%dma_start3A_182 : memref<64xi32, #tpu.memory_space<vmem>>) semaphore(%arg20 : memref<!tpu.dma_semaphore, #tpu.memory_space<semaphore_mem>>)
        %dma_wait3A = arith.constant 0 : i32
        %dma_wait3A_186 = tpu.memref_slice %arg14[%scan3A_81, %dma_wait3A] : memref<16x64xi32, #tpu.memory_space<vmem>> -> memref<1x64xi32, #tpu.memory_space<vmem>>
        %dma_wait3A_187 = tpu.memref_squeeze %dma_wait3A_186 : memref<1x64xi32, #tpu.memory_space<vmem>> -> memref<64xi32, #tpu.memory_space<vmem>>
        %dma_wait3A_188 = arith.constant 0 : i32
        %dma_wait3A_189 = arith.constant 0 : i32
        %dma_wait3A_190 = tpu.memref_slice %arg6[%dma_wait3A_188, %dma_wait3A_189] : memref<20480x128xf32, #tpu.memory_space<hbm>> -> memref<20480x128xf32, #tpu.memory_space<hbm>>
        tpu.wait_indirect_dma semaphore(%arg20 : memref<!tpu.dma_semaphore, #tpu.memory_space<semaphore_mem>>) src(%dma_wait3A_190 : memref<20480x128xf32, #tpu.memory_space<hbm>>) dst(%arg17 : memref<64x128xf32, #tpu.memory_space<vmem>>)
        %scan3A_191 = arith.constant 0 : i32
        %scan3A_192 = arith.constant 0 : i32
        %scan3A_193 = arith.constant 64 : i32
        %scan3A_194 = arith.addi %scan3A_192, %scan3A_193 : i32
        %scan3A_195 = arith.constant 1 : i32
        scf.for %scan3A_197 = %scan3A_192 to %scan3A_194 step %scan3A_195  : i32 {
          %broadcast_in_dim3A_198 = vector.broadcast %scan3A_197 : i32 to vector<16xi32>
          %gather3A_199 = tpu.vector_load_idx %arg16[%broadcast_in_dim3A_198] : memref<64xf32, #tpu.memory_space<vmem>>[vector<16xi32>], vector<16xf32>,
          %get3A_200 = arith.index_cast %scan3A_197 : i32 to index
          %get3A_201 = arith.constant 0 : index
          %get3A_202 = tpu.vector_load %arg17[%get3A_200, %get3A_201] {strides = array<i32>} : memref<64x128xf32, #tpu.memory_space<vmem>>, vector<16xf32>,
          %mul3A_203 = arith.mulf %get3A_202, %gather3A_199 : vector<16xf32>
          %swap3A_204 = arith.index_cast %scan3A_197 : i32 to index
          %swap3A_205 = arith.constant 0 : index
          %swap3A_206 = tpu.vector_load %arg17[%swap3A_204, %swap3A_205] {strides = array<i32>} : memref<64x128xf32, #tpu.memory_space<vmem>>, vector<16xf32>,
          tpu.vector_store %arg17[%swap3A_204, %swap3A_205], %mul3A_203 {strides = array<i32>} : memref<64x128xf32, #tpu.memory_space<vmem>>, vector<16xf32>,
          %get3A_207 = arith.index_cast %scan3A_197 : i32 to index
          %get3A_208 = arith.constant 16 : index
          %get3A_209 = tpu.vector_load %arg17[%get3A_207, %get3A_208] {strides = array<i32>} : memref<64x128xf32, #tpu.memory_space<vmem>>, vector<16xf32>,
          %mul3A_210 = arith.mulf %get3A_209, %gather3A_199 : vector<16xf32>
          %swap3A_211 = arith.index_cast %scan3A_197 : i32 to index
          %swap3A_212 = arith.constant 16 : index
          %swap3A_213 = tpu.vector_load %arg17[%swap3A_211, %swap3A_212] {strides = array<i32>} : memref<64x128xf32, #tpu.memory_space<vmem>>, vector<16xf32>,
          tpu.vector_store %arg17[%swap3A_211, %swap3A_212], %mul3A_210 {strides = array<i32>} : memref<64x128xf32, #tpu.memory_space<vmem>>, vector<16xf32>,
          %get3A_214 = arith.index_cast %scan3A_197 : i32 to index
          %get3A_215 = arith.constant 32 : index
          %get3A_216 = tpu.vector_load %arg17[%get3A_214, %get3A_215] {strides = array<i32>} : memref<64x128xf32, #tpu.memory_space<vmem>>, vector<16xf32>,
          %mul3A_217 = arith.mulf %get3A_216, %gather3A_199 : vector<16xf32>
          %swap3A_218 = arith.index_cast %scan3A_197 : i32 to index
          %swap3A_219 = arith.constant 32 : index
          %swap3A_220 = tpu.vector_load %arg17[%swap3A_218, %swap3A_219] {strides = array<i32>} : memref<64x128xf32, #tpu.memory_space<vmem>>, vector<16xf32>,
          tpu.vector_store %arg17[%swap3A_218, %swap3A_219], %mul3A_217 {strides = array<i32>} : memref<64x128xf32, #tpu.memory_space<vmem>>, vector<16xf32>,
          %get3A_221 = arith.index_cast %scan3A_197 : i32 to index
          %get3A_222 = arith.constant 48 : index
          %get3A_223 = tpu.vector_load %arg17[%get3A_221, %get3A_222] {strides = array<i32>} : memref<64x128xf32, #tpu.memory_space<vmem>>, vector<16xf32>,
          %mul3A_224 = arith.mulf %get3A_223, %gather3A_199 : vector<16xf32>
          %swap3A_225 = arith.index_cast %scan3A_197 : i32 to index
          %swap3A_226 = arith.constant 48 : index
          %swap3A_227 = tpu.vector_load %arg17[%swap3A_225, %swap3A_226] {strides = array<i32>} : memref<64x128xf32, #tpu.memory_space<vmem>>, vector<16xf32>,
          tpu.vector_store %arg17[%swap3A_225, %swap3A_226], %mul3A_224 {strides = array<i32>} : memref<64x128xf32, #tpu.memory_space<vmem>>, vector<16xf32>,
          %get3A_228 = arith.index_cast %scan3A_197 : i32 to index
          %get3A_229 = arith.constant 64 : index
          %get3A_230 = tpu.vector_load %arg17[%get3A_228, %get3A_229] {strides = array<i32>} : memref<64x128xf32, #tpu.memory_space<vmem>>, vector<16xf32>,
          %mul3A_231 = arith.mulf %get3A_230, %gather3A_199 : vector<16xf32>
          %swap3A_232 = arith.index_cast %scan3A_197 : i32 to index
          %swap3A_233 = arith.constant 64 : index
          %swap3A_234 = tpu.vector_load %arg17[%swap3A_232, %swap3A_233] {strides = array<i32>} : memref<64x128xf32, #tpu.memory_space<vmem>>, vector<16xf32>,
          tpu.vector_store %arg17[%swap3A_232, %swap3A_233], %mul3A_231 {strides = array<i32>} : memref<64x128xf32, #tpu.memory_space<vmem>>, vector<16xf32>,
          %get3A_235 = arith.index_cast %scan3A_197 : i32 to index
          %get3A_236 = arith.constant 80 : index
          %get3A_237 = tpu.vector_load %arg17[%get3A_235, %get3A_236] {strides = array<i32>} : memref<64x128xf32, #tpu.memory_space<vmem>>, vector<16xf32>,
          %mul3A_238 = arith.mulf %get3A_237, %gather3A_199 : vector<16xf32>
          %swap3A_239 = arith.index_cast %scan3A_197 : i32 to index
          %swap3A_240 = arith.constant 80 : index
          %swap3A_241 = tpu.vector_load %arg17[%swap3A_239, %swap3A_240] {strides = array<i32>} : memref<64x128xf32, #tpu.memory_space<vmem>>, vector<16xf32>,
          tpu.vector_store %arg17[%swap3A_239, %swap3A_240], %mul3A_238 {strides = array<i32>} : memref<64x128xf32, #tpu.memory_space<vmem>>, vector<16xf32>,
          %get3A_242 = arith.index_cast %scan3A_197 : i32 to index
          %get3A_243 = arith.constant 96 : index
          %get3A_244 = tpu.vector_load %arg17[%get3A_242, %get3A_243] {strides = array<i32>} : memref<64x128xf32, #tpu.memory_space<vmem>>, vector<16xf32>,
          %mul3A_245 = arith.mulf %get3A_244, %gather3A_199 : vector<16xf32>
          %swap3A_246 = arith.index_cast %scan3A_197 : i32 to index
          %swap3A_247 = arith.constant 96 : index
          %swap3A_248 = tpu.vector_load %arg17[%swap3A_246, %swap3A_247] {strides = array<i32>} : memref<64x128xf32, #tpu.memory_space<vmem>>, vector<16xf32>,
          tpu.vector_store %arg17[%swap3A_246, %swap3A_247], %mul3A_245 {strides = array<i32>} : memref<64x128xf32, #tpu.memory_space<vmem>>, vector<16xf32>,
          %get3A_249 = arith.index_cast %scan3A_197 : i32 to index
          %get3A_250 = arith.constant 112 : index
          %get3A_251 = tpu.vector_load %arg17[%get3A_249, %get3A_250] {strides = array<i32>} : memref<64x128xf32, #tpu.memory_space<vmem>>, vector<16xf32>,
          %mul3A_252 = arith.mulf %get3A_251, %gather3A_199 : vector<16xf32>
          %swap3A_253 = arith.index_cast %scan3A_197 : i32 to index
          %swap3A_254 = arith.constant 112 : index
          %swap3A_255 = tpu.vector_load %arg17[%swap3A_253, %swap3A_254] {strides = array<i32>} : memref<64x128xf32, #tpu.memory_space<vmem>>, vector<16xf32>,
          tpu.vector_store %arg17[%swap3A_253, %swap3A_254], %mul3A_252 {strides = array<i32>} : memref<64x128xf32, #tpu.memory_space<vmem>>, vector<16xf32>,
        }
        %scan3A_196 = arith.constant 64 : i32
        "tpu.region"() ({
          %run_scoped3A = tpu.sem_alloc : memref<!tpu.dma_semaphore, #tpu.memory_space<semaphore_mem>>
          %dma_start3A_197 = arith.constant 0 : i32
          %dma_start3A_198 = tpu.memref_slice %arg15[%scan3A_81, %dma_start3A_197] : memref<16x64xi32, #tpu.memory_space<vmem>> -> memref<1x64xi32, #tpu.memory_space<vmem>>
          %dma_start3A_199 = tpu.memref_squeeze %dma_start3A_198 : memref<1x64xi32, #tpu.memory_space<vmem>> -> memref<64xi32, #tpu.memory_space<vmem>>
          %dma_start3A_200 = arith.constant 0 : i32
          %dma_start3A_201 = arith.constant 0 : i32
          %dma_start3A_202 = tpu.memref_slice %arg10[%dma_start3A_200, %dma_start3A_201] : memref<10240x128xf32, #tpu.memory_space<vmem_shared>> -> memref<10240x128xf32, #tpu.memory_space<vmem_shared>>
          tpu.enqueue_indirect_dma source(%arg17 : memref<64x128xf32, #tpu.memory_space<vmem>>) target(%dma_start3A_202 : memref<10240x128xf32, #tpu.memory_space<vmem_shared>>) offsets(%dma_start3A_199 : memref<64xi32, #tpu.memory_space<vmem>>) semaphore(%run_scoped3A : memref<!tpu.dma_semaphore, #tpu.memory_space<semaphore_mem>>) {add = true}
          %dma_wait3A_203 = arith.constant 0 : i32
          %dma_wait3A_204 = tpu.memref_slice %arg15[%scan3A_81, %dma_wait3A_203] : memref<16x64xi32, #tpu.memory_space<vmem>> -> memref<1x64xi32, #tpu.memory_space<vmem>>
          %dma_wait3A_205 = tpu.memref_squeeze %dma_wait3A_204 : memref<1x64xi32, #tpu.memory_space<vmem>> -> memref<64xi32, #tpu.memory_space<vmem>>
          %dma_wait3A_206 = arith.constant 0 : i32
          %dma_wait3A_207 = arith.constant 0 : i32
          %dma_wait3A_208 = tpu.memref_slice %arg10[%dma_wait3A_206, %dma_wait3A_207] : memref<10240x128xf32, #tpu.memory_space<vmem_shared>> -> memref<10240x128xf32, #tpu.memory_space<vmem_shared>>
          tpu.wait_indirect_dma semaphore(%run_scoped3A : memref<!tpu.dma_semaphore, #tpu.memory_space<semaphore_mem>>) src(%arg17 : memref<64x128xf32, #tpu.memory_space<vmem>>) dst(%dma_wait3A_208 : memref<10240x128xf32, #tpu.memory_space<vmem_shared>>)
          tpu.yield
        }) : () -> ()
      }
      %scan3A_80 = arith.constant 16 : i32
    }
    %scan3A_59 = arith.constant 21 : i32
    "tpu.region"() ({
      %run_scoped3A = tpu.sem_alloc : memref<!tpu.dma_semaphore, #tpu.memory_space<semaphore_mem>>
      %dma_start3A = arith.constant 0 : i32
      %dma_start3A_70 = arith.constant 0 : i32
      %dma_start3A_71 = tpu.memref_slice %arg11[%dma_start3A, %dma_start3A_70] : memref<80x128xf32, #tpu.memory_space<vmem_shared>> -> memref<80x128xf32, #tpu.memory_space<vmem_shared>>
      tpu.enqueue_indirect_dma source(%arg18 : memref<80x128xf32, #tpu.memory_space<vmem>>) target(%dma_start3A_71 : memref<80x128xf32, #tpu.memory_space<vmem_shared>>) offsets(%arg19 : memref<80xi32, #tpu.memory_space<vmem>>) semaphore(%run_scoped3A : memref<!tpu.dma_semaphore, #tpu.memory_space<semaphore_mem>>) {add = true}
      %dma_wait3A = arith.constant 0 : i32
      %dma_wait3A_72 = arith.constant 0 : i32
      %dma_wait3A_73 = tpu.memref_slice %arg11[%dma_wait3A, %dma_wait3A_72] : memref<80x128xf32, #tpu.memory_space<vmem_shared>> -> memref<80x128xf32, #tpu.memory_space<vmem_shared>>
      tpu.wait_indirect_dma semaphore(%run_scoped3A : memref<!tpu.dma_semaphore, #tpu.memory_space<semaphore_mem>>) src(%arg18 : memref<80x128xf32, #tpu.memory_space<vmem>>) dst(%dma_wait3A_73 : memref<80x128xf32, #tpu.memory_space<vmem_shared>>)
      tpu.yield
    }) : () -> ()
    %barrier3A_60 = arith.constant 0 : index
    tpu.barrier barrier_id(%barrier3A_60)
    %mul3A_61 = arith.constant 640 : i32
    %mul3A_62 = arith.muli %arg1, %mul3A_61 : i32
    %mul3A_63 = arith.constant 640 : i32
    %mul3A_64 = arith.muli %arg1, %mul3A_63 : i32
    "tpu.region"() ({
      %run_scoped3A = tpu.sem_alloc : memref<!tpu.dma_semaphore, #tpu.memory_space<semaphore_mem>>
      %dma_start3A = arith.constant 0 : i32
      %dma_start3A_70 = tpu.memref_slice %arg8[%arg0, %mul3A_64, %dma_start3A] : memref<2x10240x128xf32, #tpu.memory_space<hbm>> -> memref<1x640x128xf32, #tpu.memory_space<hbm>>
      %dma_start3A_71 = tpu.memref_squeeze %dma_start3A_70 : memref<1x640x128xf32, #tpu.memory_space<hbm>> -> memref<640x128xf32, #tpu.memory_space<hbm>>
      %dma_start3A_72 = arith.constant 0 : i32
      %dma_start3A_73 = tpu.memref_slice %arg10[%mul3A_62, %dma_start3A_72] : memref<10240x128xf32, #tpu.memory_space<vmem_shared>> -> memref<640x128xf32, #tpu.memory_space<vmem_shared>>
      tpu.enqueue_dma source(%dma_start3A_73 : memref<640x128xf32, #tpu.memory_space<vmem_shared>>) target(%dma_start3A_71 : memref<640x128xf32, #tpu.memory_space<hbm>>) target_semaphore(%run_scoped3A : memref<!tpu.dma_semaphore, #tpu.memory_space<semaphore_mem>>)
      %dma_wait3A = arith.constant 0 : i32
      %dma_wait3A_74 = tpu.memref_slice %arg8[%arg0, %mul3A_64, %dma_wait3A] : memref<2x10240x128xf32, #tpu.memory_space<hbm>> -> memref<1x640x128xf32, #tpu.memory_space<hbm>>
      %dma_wait3A_75 = tpu.memref_squeeze %dma_wait3A_74 : memref<1x640x128xf32, #tpu.memory_space<hbm>> -> memref<640x128xf32, #tpu.memory_space<hbm>>
      %dma_wait3A_76 = arith.constant 0 : i32
      %dma_wait3A_77 = tpu.memref_slice %arg10[%mul3A_62, %dma_wait3A_76] : memref<10240x128xf32, #tpu.memory_space<vmem_shared>> -> memref<640x128xf32, #tpu.memory_space<vmem_shared>>
      tpu.wait_dma2 semaphore(%run_scoped3A : memref<!tpu.dma_semaphore, #tpu.memory_space<semaphore_mem>>) src(%dma_wait3A_77 : memref<640x128xf32, #tpu.memory_space<vmem_shared>>) dst(%dma_wait3A_75 : memref<640x128xf32, #tpu.memory_space<hbm>>)
      tpu.yield
    }) : () -> ()
    %eq3A_65 = arith.constant 0 : i32
    %eq3A_66 = arith.cmpi eq, %arg1, %eq3A_65 : i32
    %convert_element_type3A_67 = arith.extui %eq3A_66 : i1 to i32
    %cond3A_68 = arith.constant 0 : i32
    %cond3A_69 = arith.cmpi ne, %convert_element_type3A_67, %cond3A_68 : i32
    scf.if %cond3A_69 {
      "tpu.region"() ({
        %run_scoped3A = tpu.sem_alloc : memref<!tpu.dma_semaphore, #tpu.memory_space<semaphore_mem>>
        %dma_start3A = arith.constant 0 : i32
        %dma_start3A_70 = arith.constant 0 : i32
        %dma_start3A_71 = tpu.memref_slice %arg9[%arg0, %dma_start3A, %dma_start3A_70] : memref<2x80x128xf32, #tpu.memory_space<hbm>> -> memref<1x80x128xf32, #tpu.memory_space<hbm>>
        %dma_start3A_72 = tpu.memref_squeeze %dma_start3A_71 : memref<1x80x128xf32, #tpu.memory_space<hbm>> -> memref<80x128xf32, #tpu.memory_space<hbm>>
        tpu.enqueue_dma source(%arg11 : memref<80x128xf32, #tpu.memory_space<vmem_shared>>) target(%dma_start3A_72 : memref<80x128xf32, #tpu.memory_space<hbm>>) target_semaphore(%run_scoped3A : memref<!tpu.dma_semaphore, #tpu.memory_space<semaphore_mem>>)
        %dma_wait3A = arith.constant 0 : i32
        %dma_wait3A_73 = arith.constant 0 : i32
        %dma_wait3A_74 = tpu.memref_slice %arg9[%arg0, %dma_wait3A, %dma_wait3A_73] : memref<2x80x128xf32, #tpu.memory_space<hbm>> -> memref<1x80x128xf32, #tpu.memory_space<hbm>>
        %dma_wait3A_75 = tpu.memref_squeeze %dma_wait3A_74 : memref<1x80x128xf32, #tpu.memory_space<hbm>> -> memref<80x128xf32, #tpu.memory_space<hbm>>
        tpu.wait_dma2 semaphore(%run_scoped3A : memref<!tpu.dma_semaphore, #tpu.memory_space<semaphore_mem>>) src(%arg11 : memref<80x128xf32, #tpu.memory_space<vmem_shared>>) dst(%dma_wait3A_75 : memref<80x128xf32, #tpu.memory_space<hbm>>)
        tpu.yield
      }) : () -> ()
    } else {
    }
    return
  }
}

module attributes {stable_mosaic.version = 14 : i64} {
  func.func @_proj_body(%arg0: i32, %arg1: memref<512x128xf32, #tpu.memory_space<vmem>>, %arg2: memref<128x128xf32, #tpu.memory_space<vmem>>, %arg3: memref<2x64xf32, #tpu.memory_space<vmem>>, %arg4: memref<2x64xf32, #tpu.memory_space<vmem>>, %arg5: memref<512x128xf32, #tpu.memory_space<vmem>>, %arg6: memref<1x1x512xf32, #tpu.memory_space<vmem>>, %arg7: memref<1x1x512xf32, #tpu.memory_space<vmem>>, %arg8: memref<1x1x512xf32, #tpu.memory_space<vmem>>, %arg9: memref<1x1x512xf32, #tpu.memory_space<vmem>>) attributes {dimension_semantics = [#tpu.dimension_semantics<arbitrary>], iteration_bounds = array<i64: 20>, scalar_prefetch = 0 : i64, scratch_operands = 0 : i64, tpu.core_type = #tpu.core_type<tc>, window_params = [{transform_indices = @transform_0, window_bounds = array<i64: 512, 128>}, {pipeline_mode = #tpu.pipeline_mode<synchronous>, transform_indices = @transform_1, window_bounds = array<i64: 128, 128>}, {pipeline_mode = #tpu.pipeline_mode<synchronous>, transform_indices = @transform_2, window_bounds = array<i64: 2, 64>}, {pipeline_mode = #tpu.pipeline_mode<synchronous>, transform_indices = @transform_3, window_bounds = array<i64: 2, 64>}, {transform_indices = @transform_4, window_bounds = array<i64: 512, 128>}, {transform_indices = @transform_5, window_bounds = array<i64: 1, 1, 512>}, {transform_indices = @transform_6, window_bounds = array<i64: 1, 1, 512>}, {transform_indices = @transform_7, window_bounds = array<i64: 1, 1, 512>}, {transform_indices = @transform_8, window_bounds = array<i64: 1, 1, 512>}]} {
    %get3A = arith.constant 0 : index
    %get3A_0 = arith.constant 0 : index
    %get3A_1 = vector.load %arg1[%get3A, %get3A_0] : memref<512x128xf32, #tpu.memory_space<vmem>>, vector<512x128xf32>
    %get3A_2 = arith.constant 0 : index
    %get3A_3 = arith.constant 0 : index
    %get3A_4 = vector.load %arg2[%get3A_2, %get3A_3] : memref<128x128xf32, #tpu.memory_space<vmem>>, vector<128x128xf32>
    %dot_general3A = arith.constant dense<0.000000e+00> : vector<512x128xf32>
    %dot_general3A_5 = tpu.matmul %get3A_1, %get3A_4, %dot_general3A {dimension_numbers = #tpu.dot_dimension_numbers<[1], [0], [0], [1], [0, 0, 1, 1], [], []>, transpose_lhs_hint = false} : vector<512x128xf32>, vector<128x128xf32>, vector<512x128xf32> -> vector<512x128xf32>
    %swap3A = arith.constant 0 : index
    %swap3A_6 = arith.constant 0 : index
    %swap3A_7 = vector.load %arg5[%swap3A, %swap3A_6] : memref<512x128xf32, #tpu.memory_space<vmem>>, vector<512x128xf32>
    tpu.vector_store %arg5[%swap3A, %swap3A_6], %dot_general3A_5 {strides = array<i32>} : memref<512x128xf32, #tpu.memory_space<vmem>>, vector<512x128xf32>,
    %slice3A = vector.extract_strided_slice %dot_general3A_5 {offsets = [0, 0], sizes = [512, 64], strides = [1, 1]} : vector<512x128xf32> to vector<512x64xf32>
    %slice3A_8 = vector.extract_strided_slice %dot_general3A_5 {offsets = [0, 64], sizes = [512, 64], strides = [1, 1]} : vector<512x128xf32> to vector<512x64xf32>
    %get3A_9 = arith.constant 0 : index
    %get3A_10 = arith.constant 0 : index
    %get3A_11 = vector.load %arg3[%get3A_9, %get3A_10] : memref<2x64xf32, #tpu.memory_space<vmem>>, vector<1x64xf32>
    %mul3A = vector.broadcast %get3A_11 : vector<1x64xf32> to vector<512x64xf32>
    %mul3A_12 = arith.mulf %slice3A, %mul3A : vector<512x64xf32>
    %reduce_sum3A = arith.constant dense<0.000000e+00> : vector<512xf32>
    %reduce_sum3A_13 = vector.multi_reduction <add>, %mul3A_12, %reduce_sum3A [1] : vector<512x64xf32> to vector<512xf32>
    %reshape3A = vector.shape_cast %reduce_sum3A_13 : vector<512xf32> to vector<1x1x512xf32>
    %swap3A_14 = arith.constant 0 : index
    %swap3A_15 = arith.constant 0 : index
    %swap3A_16 = arith.constant 0 : index
    %swap3A_17 = vector.load %arg6[%swap3A_14, %swap3A_15, %swap3A_16] : memref<1x1x512xf32, #tpu.memory_space<vmem>>, vector<1x1x512xf32>
    tpu.vector_store %arg6[%swap3A_14, %swap3A_15, %swap3A_16], %reshape3A {strides = array<i32>} : memref<1x1x512xf32, #tpu.memory_space<vmem>>, vector<1x1x512xf32>,
    %get3A_18 = arith.constant 0 : index
    %get3A_19 = arith.constant 0 : index
    %get3A_20 = vector.load %arg4[%get3A_18, %get3A_19] : memref<2x64xf32, #tpu.memory_space<vmem>>, vector<1x64xf32>
    %mul3A_21 = vector.broadcast %get3A_20 : vector<1x64xf32> to vector<512x64xf32>
    %mul3A_22 = arith.mulf %slice3A, %mul3A_21 : vector<512x64xf32>
    %reduce_sum3A_23 = arith.constant dense<0.000000e+00> : vector<512xf32>
    %reduce_sum3A_24 = vector.multi_reduction <add>, %mul3A_22, %reduce_sum3A_23 [1] : vector<512x64xf32> to vector<512xf32>
    %reshape3A_25 = vector.shape_cast %reduce_sum3A_24 : vector<512xf32> to vector<1x1x512xf32>
    %swap3A_26 = arith.constant 0 : index
    %swap3A_27 = arith.constant 0 : index
    %swap3A_28 = arith.constant 0 : index
    %swap3A_29 = vector.load %arg7[%swap3A_26, %swap3A_27, %swap3A_28] : memref<1x1x512xf32, #tpu.memory_space<vmem>>, vector<1x1x512xf32>
    tpu.vector_store %arg7[%swap3A_26, %swap3A_27, %swap3A_28], %reshape3A_25 {strides = array<i32>} : memref<1x1x512xf32, #tpu.memory_space<vmem>>, vector<1x1x512xf32>,
    %get3A_30 = arith.constant 1 : index
    %get3A_31 = arith.constant 0 : index
    %get3A_32 = vector.load %arg3[%get3A_30, %get3A_31] : memref<2x64xf32, #tpu.memory_space<vmem>>, vector<1x64xf32>
    %mul3A_33 = vector.broadcast %get3A_32 : vector<1x64xf32> to vector<512x64xf32>
    %mul3A_34 = arith.mulf %slice3A_8, %mul3A_33 : vector<512x64xf32>
    %reduce_sum3A_35 = arith.constant dense<0.000000e+00> : vector<512xf32>
    %reduce_sum3A_36 = vector.multi_reduction <add>, %mul3A_34, %reduce_sum3A_35 [1] : vector<512x64xf32> to vector<512xf32>
    %reshape3A_37 = vector.shape_cast %reduce_sum3A_36 : vector<512xf32> to vector<1x1x512xf32>
    %swap3A_38 = arith.constant 0 : index
    %swap3A_39 = arith.constant 0 : index
    %swap3A_40 = arith.constant 0 : index
    %swap3A_41 = vector.load %arg8[%swap3A_38, %swap3A_39, %swap3A_40] : memref<1x1x512xf32, #tpu.memory_space<vmem>>, vector<1x1x512xf32>
    tpu.vector_store %arg8[%swap3A_38, %swap3A_39, %swap3A_40], %reshape3A_37 {strides = array<i32>} : memref<1x1x512xf32, #tpu.memory_space<vmem>>, vector<1x1x512xf32>,
    %get3A_42 = arith.constant 1 : index
    %get3A_43 = arith.constant 0 : index
    %get3A_44 = vector.load %arg4[%get3A_42, %get3A_43] : memref<2x64xf32, #tpu.memory_space<vmem>>, vector<1x64xf32>
    %mul3A_45 = vector.broadcast %get3A_44 : vector<1x64xf32> to vector<512x64xf32>
    %mul3A_46 = arith.mulf %slice3A_8, %mul3A_45 : vector<512x64xf32>
    %reduce_sum3A_47 = arith.constant dense<0.000000e+00> : vector<512xf32>
    %reduce_sum3A_48 = vector.multi_reduction <add>, %mul3A_46, %reduce_sum3A_47 [1] : vector<512x64xf32> to vector<512xf32>
    %reshape3A_49 = vector.shape_cast %reduce_sum3A_48 : vector<512xf32> to vector<1x1x512xf32>
    %swap3A_50 = arith.constant 0 : index
    %swap3A_51 = arith.constant 0 : index
    %swap3A_52 = arith.constant 0 : index
    %swap3A_53 = vector.load %arg9[%swap3A_50, %swap3A_51, %swap3A_52] : memref<1x1x512xf32, #tpu.memory_space<vmem>>, vector<1x1x512xf32>
    tpu.vector_store %arg9[%swap3A_50, %swap3A_51, %swap3A_52], %reshape3A_49 {strides = array<i32>} : memref<1x1x512xf32, #tpu.memory_space<vmem>>, vector<1x1x512xf32>,
    return
  }
  func.func @transform_0(%arg0: i32) -> (i32, i32) {
    %c0_i32 = arith.constant 0 : i32
    %c0_i32_0 = arith.constant 0 : i32
    return %arg0, %c0_i32 : i32, i32
  }
  func.func @transform_1(%arg0: i32) -> (i32, i32) {
    %c0_i32 = arith.constant 0 : i32
    %c0_i32_0 = arith.constant 0 : i32
    %c0_i32_1 = arith.constant 0 : i32
    return %c0_i32, %c0_i32_0 : i32, i32
  }
  func.func @transform_2(%arg0: i32) -> (i32, i32) {
    %c0_i32 = arith.constant 0 : i32
    %c0_i32_0 = arith.constant 0 : i32
    %c0_i32_1 = arith.constant 0 : i32
    return %c0_i32, %c0_i32_0 : i32, i32
  }
  func.func @transform_3(%arg0: i32) -> (i32, i32) {
    %c0_i32 = arith.constant 0 : i32
    %c0_i32_0 = arith.constant 0 : i32
    %c0_i32_1 = arith.constant 0 : i32
    return %c0_i32, %c0_i32_0 : i32, i32
  }
  func.func @transform_4(%arg0: i32) -> (i32, i32) {
    %c0_i32 = arith.constant 0 : i32
    %c0_i32_0 = arith.constant 0 : i32
    return %arg0, %c0_i32 : i32, i32
  }
  func.func @transform_5(%arg0: i32) -> (i32, i32, i32) {
    %c0_i32 = arith.constant 0 : i32
    %c0_i32_0 = arith.constant 0 : i32
    %c0_i32_1 = arith.constant 0 : i32
    return %arg0, %c0_i32, %c0_i32_0 : i32, i32, i32
  }
  func.func @transform_6(%arg0: i32) -> (i32, i32, i32) {
    %c0_i32 = arith.constant 0 : i32
    %c0_i32_0 = arith.constant 0 : i32
    %c0_i32_1 = arith.constant 0 : i32
    return %arg0, %c0_i32, %c0_i32_0 : i32, i32, i32
  }
  func.func @transform_7(%arg0: i32) -> (i32, i32, i32) {
    %c0_i32 = arith.constant 0 : i32
    %c0_i32_0 = arith.constant 0 : i32
    %c0_i32_1 = arith.constant 0 : i32
    return %arg0, %c0_i32, %c0_i32_0 : i32, i32, i32
  }
  func.func @transform_8(%arg0: i32) -> (i32, i32, i32) {
    %c0_i32 = arith.constant 0 : i32
    %c0_i32_0 = arith.constant 0 : i32
    %c0_i32_1 = arith.constant 0 : i32
    return %arg0, %c0_i32, %c0_i32_0 : i32, i32, i32
  }
}

module attributes {stable_mosaic.version = 14 : i64} {
  func.func @_stats_body(%arg0: i32, %arg1: memref<1x512x128xf32, #tpu.memory_space<vmem>>, %arg2: memref<1x512x128xf32, #tpu.memory_space<vmem>>, %arg3: memref<1x1x512xf32, #tpu.memory_space<vmem>>, %arg4: memref<1x1x512xf32, #tpu.memory_space<vmem>>, %arg5: memref<2x64xf32, #tpu.memory_space<vmem>>, %arg6: memref<512x128xf32, #tpu.memory_space<vmem>>, %arg7: memref<2x128xf32, #tpu.memory_space<vmem>>, %arg8: memref<1x128xf32, #tpu.memory_space<vmem>>, %arg9: memref<1x128xf32, #tpu.memory_space<vmem>>) attributes {dimension_semantics = [#tpu.dimension_semantics<arbitrary>], iteration_bounds = array<i64: 20>, scalar_prefetch = 0 : i64, scratch_operands = 2 : i64, tpu.core_type = #tpu.core_type<tc>, window_params = [{transform_indices = @transform_0, window_bounds = array<i64: 1, 512, 128>}, {transform_indices = @transform_1, window_bounds = array<i64: 1, 512, 128>}, {transform_indices = @transform_2, window_bounds = array<i64: 1, 1, 512>}, {transform_indices = @transform_3, window_bounds = array<i64: 1, 1, 512>}, {pipeline_mode = #tpu.pipeline_mode<synchronous>, transform_indices = @transform_4, window_bounds = array<i64: 2, 64>}, {transform_indices = @transform_5, window_bounds = array<i64: 512, 128>}, {pipeline_mode = #tpu.pipeline_mode<synchronous>, transform_indices = @transform_6, window_bounds = array<i64: 2, 128>}]} {
    %eq3A = arith.constant 0 : i32
    %eq3A_0 = arith.cmpi eq, %arg0, %eq3A : i32
    %convert_element_type3A = arith.extui %eq3A_0 : i1 to i32
    %cond3A = arith.constant 0 : i32
    %cond3A_1 = arith.cmpi ne, %convert_element_type3A, %cond3A : i32
    scf.if %cond3A_1 {
      %broadcast_in_dim3A_76 = arith.constant 0.000000e+00 : f32
      %broadcast_in_dim3A_77 = vector.broadcast %broadcast_in_dim3A_76 : f32 to vector<1x128xf32>
      %swap3A_78 = arith.constant 0 : index
      %swap3A_79 = arith.constant 0 : index
      %swap3A_80 = vector.load %arg8[%swap3A_78, %swap3A_79] : memref<1x128xf32, #tpu.memory_space<vmem>>, vector<1x128xf32>
      tpu.vector_store %arg8[%swap3A_78, %swap3A_79], %broadcast_in_dim3A_77 {strides = array<i32>} : memref<1x128xf32, #tpu.memory_space<vmem>>, vector<1x128xf32>,
      %broadcast_in_dim3A_81 = arith.constant 0.000000e+00 : f32
      %broadcast_in_dim3A_82 = vector.broadcast %broadcast_in_dim3A_81 : f32 to vector<1x128xf32>
      %swap3A_83 = arith.constant 0 : index
      %swap3A_84 = arith.constant 0 : index
      %swap3A_85 = vector.load %arg9[%swap3A_83, %swap3A_84] : memref<1x128xf32, #tpu.memory_space<vmem>>, vector<1x128xf32>
      tpu.vector_store %arg9[%swap3A_83, %swap3A_84], %broadcast_in_dim3A_82 {strides = array<i32>} : memref<1x128xf32, #tpu.memory_space<vmem>>, vector<1x128xf32>,
    } else {
    }
    %mul3A = arith.constant 512 : i32
    %mul3A_2 = arith.muli %arg0, %mul3A : i32
    %iota3A = tpu.iota {dimensions = array<i32: 0>} : vector<512x1xi32>
    %add3A = vector.broadcast %mul3A_2 : i32 to vector<512x1xi32>
    %add3A_3 = arith.addi %add3A, %iota3A : vector<512x1xi32>
    %lt3A = arith.constant 10000 : i32
    %lt3A_4 = vector.broadcast %lt3A : i32 to vector<512x1xi32>
    %lt3A_5 = arith.cmpi slt, %add3A_3, %lt3A_4 : vector<512x1xi32>
    %get3A = arith.constant 0 : index
    %get3A_6 = arith.constant 0 : index
    %get3A_7 = arith.constant 0 : index
    %get3A_8 = vector.load %arg3[%get3A, %get3A_6, %get3A_7] : memref<1x1x512xf32, #tpu.memory_space<vmem>>, vector<1x1x512xf32>
    %get3A_9 = vector.shape_cast %get3A_8 : vector<1x1x512xf32> to vector<512xf32>
    %broadcast_in_dim3A = vector.shape_cast %get3A_9 : vector<512xf32> to vector<512x1xf32>
    %add3A_10 = arith.constant 1.000000e-16 : f32
    %add3A_11 = vector.broadcast %add3A_10 : f32 to vector<512x1xf32>
    %add3A_12 = arith.addf %broadcast_in_dim3A, %add3A_11 : vector<512x1xf32>
    %get3A_13 = arith.constant 0 : index
    %get3A_14 = arith.constant 0 : index
    %get3A_15 = arith.constant 0 : index
    %get3A_16 = vector.load %arg4[%get3A_13, %get3A_14, %get3A_15] : memref<1x1x512xf32, #tpu.memory_space<vmem>>, vector<1x1x512xf32>
    %get3A_17 = vector.shape_cast %get3A_16 : vector<1x1x512xf32> to vector<512xf32>
    %broadcast_in_dim3A_18 = vector.shape_cast %get3A_17 : vector<512xf32> to vector<512x1xf32>
    %add3A_19 = arith.constant 1.000000e-16 : f32
    %add3A_20 = vector.broadcast %add3A_19 : f32 to vector<512x1xf32>
    %add3A_21 = arith.addf %broadcast_in_dim3A_18, %add3A_20 : vector<512x1xf32>
    %get3A_22 = arith.constant 0 : index
    %get3A_23 = arith.constant 0 : index
    %get3A_24 = arith.constant 0 : index
    %get3A_25 = vector.load %arg1[%get3A_22, %get3A_23, %get3A_24] : memref<1x512x128xf32, #tpu.memory_space<vmem>>, vector<1x512x128xf32>
    %get3A_26 = vector.shape_cast %get3A_25 : vector<1x512x128xf32> to vector<512x128xf32>
    %slice3A = vector.extract_strided_slice %get3A_26 {offsets = [0, 0], sizes = [512, 64], strides = [1, 1]} : vector<512x128xf32> to vector<512x64xf32>
    %get3A_27 = arith.constant 0 : index
    %get3A_28 = arith.constant 0 : index
    %get3A_29 = arith.constant 0 : index
    %get3A_30 = vector.load %arg2[%get3A_27, %get3A_28, %get3A_29] : memref<1x512x128xf32, #tpu.memory_space<vmem>>, vector<1x512x128xf32>
    %get3A_31 = vector.shape_cast %get3A_30 : vector<1x512x128xf32> to vector<512x128xf32>
    %slice3A_32 = vector.extract_strided_slice %get3A_31 {offsets = [0, 64], sizes = [512, 64], strides = [1, 1]} : vector<512x128xf32> to vector<512x64xf32>
    %div3A = vector.broadcast %add3A_12 : vector<512x1xf32> to vector<512x64xf32>
    %div3A_33 = arith.divf %slice3A, %div3A : vector<512x64xf32>
    %get3A_34 = arith.constant 0 : index
    %get3A_35 = arith.constant 0 : index
    %get3A_36 = vector.load %arg5[%get3A_34, %get3A_35] : memref<2x64xf32, #tpu.memory_space<vmem>>, vector<1x64xf32>
    %add3A_37 = vector.broadcast %get3A_36 : vector<1x64xf32> to vector<512x64xf32>
    %add3A_38 = arith.addf %div3A_33, %add3A_37 : vector<512x64xf32>
    %div3A_39 = vector.broadcast %add3A_21 : vector<512x1xf32> to vector<512x64xf32>
    %div3A_40 = arith.divf %slice3A_32, %div3A_39 : vector<512x64xf32>
    %get3A_41 = arith.constant 1 : index
    %get3A_42 = arith.constant 0 : index
    %get3A_43 = vector.load %arg5[%get3A_41, %get3A_42] : memref<2x64xf32, #tpu.memory_space<vmem>>, vector<1x64xf32>
    %add3A_44 = vector.broadcast %get3A_43 : vector<1x64xf32> to vector<512x64xf32>
    %add3A_45 = arith.addf %div3A_40, %add3A_44 : vector<512x64xf32>
    %concatenate3A = tpu.concatenate %add3A_38, %add3A_45 in 1 : vector<512x64xf32>, vector<512x64xf32> -> vector<512x128xf32>
    %jit3A = arith.constant 0.000000e+00 : f32
    %broadcast_in_dim3A_46 = vector.shape_cast %lt3A_5 : vector<512x1xi1> to vector<512x1xi1>
    %broadcast_in_dim3A_47 = vector.broadcast %broadcast_in_dim3A_46 : vector<512x1xi1> to vector<512x128xi1>
    %broadcast_in_dim3A_48 = vector.broadcast %jit3A : f32 to vector<512x128xf32>
    %select_n3A = arith.select %broadcast_in_dim3A_47, %concatenate3A, %broadcast_in_dim3A_48 : vector<512x128xi1>, vector<512x128xf32>
    %swap3A = arith.constant 0 : index
    %swap3A_49 = arith.constant 0 : index
    %swap3A_50 = vector.load %arg6[%swap3A, %swap3A_49] : memref<512x128xf32, #tpu.memory_space<vmem>>, vector<512x128xf32>
    tpu.vector_store %arg6[%swap3A, %swap3A_49], %select_n3A {strides = array<i32>} : memref<512x128xf32, #tpu.memory_space<vmem>>, vector<512x128xf32>,
    %get3A_51 = arith.constant 0 : index
    %get3A_52 = arith.constant 0 : index
    %get3A_53 = vector.load %arg8[%get3A_51, %get3A_52] : memref<1x128xf32, #tpu.memory_space<vmem>>, vector<1x128xf32>
    %reduce_sum3A = arith.constant dense<0.000000e+00> : vector<128xf32>
    %reduce_sum3A_54 = vector.multi_reduction <add>, %select_n3A, %reduce_sum3A [0] : vector<512x128xf32> to vector<128xf32>
    %broadcast_in_dim3A_55 = vector.shape_cast %reduce_sum3A_54 : vector<128xf32> to vector<1x128xf32>
    %add3A_56 = arith.addf %get3A_53, %broadcast_in_dim3A_55 : vector<1x128xf32>
    %swap3A_57 = arith.constant 0 : index
    %swap3A_58 = arith.constant 0 : index
    %swap3A_59 = vector.load %arg8[%swap3A_57, %swap3A_58] : memref<1x128xf32, #tpu.memory_space<vmem>>, vector<1x128xf32>
    tpu.vector_store %arg8[%swap3A_57, %swap3A_58], %add3A_56 {strides = array<i32>} : memref<1x128xf32, #tpu.memory_space<vmem>>, vector<1x128xf32>,
    %get3A_60 = arith.constant 0 : index
    %get3A_61 = arith.constant 0 : index
    %get3A_62 = vector.load %arg9[%get3A_60, %get3A_61] : memref<1x128xf32, #tpu.memory_space<vmem>>, vector<1x128xf32>
    %mul3A_63 = arith.mulf %select_n3A, %select_n3A : vector<512x128xf32>
    %reduce_sum3A_64 = arith.constant dense<0.000000e+00> : vector<128xf32>
    %reduce_sum3A_65 = vector.multi_reduction <add>, %mul3A_63, %reduce_sum3A_64 [0] : vector<512x128xf32> to vector<128xf32>
    %broadcast_in_dim3A_66 = vector.shape_cast %reduce_sum3A_65 : vector<128xf32> to vector<1x128xf32>
    %add3A_67 = arith.addf %get3A_62, %broadcast_in_dim3A_66 : vector<1x128xf32>
    %swap3A_68 = arith.constant 0 : index
    %swap3A_69 = arith.constant 0 : index
    %swap3A_70 = vector.load %arg9[%swap3A_68, %swap3A_69] : memref<1x128xf32, #tpu.memory_space<vmem>>, vector<1x128xf32>
    tpu.vector_store %arg9[%swap3A_68, %swap3A_69], %add3A_67 {strides = array<i32>} : memref<1x128xf32, #tpu.memory_space<vmem>>, vector<1x128xf32>,
    %eq3A_71 = arith.constant 19 : i32
    %eq3A_72 = arith.cmpi eq, %arg0, %eq3A_71 : i32
    %convert_element_type3A_73 = arith.extui %eq3A_72 : i1 to i32
    %cond3A_74 = arith.constant 0 : i32
    %cond3A_75 = arith.cmpi ne, %convert_element_type3A_73, %cond3A_74 : i32
    scf.if %cond3A_75 {
      %get3A_76 = arith.constant 0 : index
      %get3A_77 = arith.constant 0 : index
      %get3A_78 = vector.load %arg8[%get3A_76, %get3A_77] : memref<1x128xf32, #tpu.memory_space<vmem>>, vector<1x128xf32>
      %swap3A_79 = arith.constant 0 : index
      %swap3A_80 = arith.constant 0 : index
      %swap3A_81 = vector.load %arg7[%swap3A_79, %swap3A_80] : memref<2x128xf32, #tpu.memory_space<vmem>>, vector<1x128xf32>
      tpu.vector_store %arg7[%swap3A_79, %swap3A_80], %get3A_78 {strides = array<i32>} : memref<2x128xf32, #tpu.memory_space<vmem>>, vector<1x128xf32>,
      %get3A_82 = arith.constant 0 : index
      %get3A_83 = arith.constant 0 : index
      %get3A_84 = vector.load %arg9[%get3A_82, %get3A_83] : memref<1x128xf32, #tpu.memory_space<vmem>>, vector<1x128xf32>
      %swap3A_85 = arith.constant 1 : index
      %swap3A_86 = arith.constant 0 : index
      %swap3A_87 = vector.load %arg7[%swap3A_85, %swap3A_86] : memref<2x128xf32, #tpu.memory_space<vmem>>, vector<1x128xf32>
      tpu.vector_store %arg7[%swap3A_85, %swap3A_86], %get3A_84 {strides = array<i32>} : memref<2x128xf32, #tpu.memory_space<vmem>>, vector<1x128xf32>,
    } else {
    }
    return
  }
  func.func @transform_0(%arg0: i32) -> (i32, i32, i32) {
    %c0_i32 = arith.constant 0 : i32
    %c0_i32_0 = arith.constant 0 : i32
    %c0_i32_1 = arith.constant 0 : i32
    return %c0_i32, %arg0, %c0_i32_0 : i32, i32, i32
  }
  func.func @transform_1(%arg0: i32) -> (i32, i32, i32) {
    %c1_i32 = arith.constant 1 : i32
    %c0_i32 = arith.constant 0 : i32
    %c0_i32_0 = arith.constant 0 : i32
    return %c1_i32, %arg0, %c0_i32 : i32, i32, i32
  }
  func.func @transform_2(%arg0: i32) -> (i32, i32, i32) {
    %c0_i32 = arith.constant 0 : i32
    %c0_i32_0 = arith.constant 0 : i32
    %c0_i32_1 = arith.constant 0 : i32
    return %arg0, %c0_i32, %c0_i32_0 : i32, i32, i32
  }
  func.func @transform_3(%arg0: i32) -> (i32, i32, i32) {
    %add3A = arith.constant 20 : i32
    %add3A_0 = arith.addi %add3A, %arg0 : i32
    %c0_i32 = arith.constant 0 : i32
    %c0_i32_1 = arith.constant 0 : i32
    %c0_i32_2 = arith.constant 0 : i32
    return %add3A_0, %c0_i32, %c0_i32_1 : i32, i32, i32
  }
  func.func @transform_4(%arg0: i32) -> (i32, i32) {
    %c0_i32 = arith.constant 0 : i32
    %c0_i32_0 = arith.constant 0 : i32
    %c0_i32_1 = arith.constant 0 : i32
    return %c0_i32, %c0_i32_0 : i32, i32
  }
  func.func @transform_5(%arg0: i32) -> (i32, i32) {
    %c0_i32 = arith.constant 0 : i32
    %c0_i32_0 = arith.constant 0 : i32
    return %arg0, %c0_i32 : i32, i32
  }
  func.func @transform_6(%arg0: i32) -> (i32, i32) {
    %c0_i32 = arith.constant 0 : i32
    %c0_i32_0 = arith.constant 0 : i32
    %c0_i32_1 = arith.constant 0 : i32
    return %c0_i32, %c0_i32_0 : i32, i32
  }
}

module attributes {stable_mosaic.version = 14 : i64} {
  func.func @_bnproj_body(%arg0: i32, %arg1: i32, %arg2: memref<512x128xf32, #tpu.memory_space<vmem>>, %arg3: memref<2x128xf32, #tpu.memory_space<vmem>>, %arg4: memref<1x128xf32, #tpu.memory_space<vmem>>, %arg5: memref<1x128xf32, #tpu.memory_space<vmem>>, %arg6: memref<128x128xf32, #tpu.memory_space<vmem>>, %arg7: memref<1x1x128xf32, #tpu.memory_space<vmem>>, %arg8: memref<1x1x128xf32, #tpu.memory_space<vmem>>, %arg9: memref<512x128xf32, #tpu.memory_space<vmem>>, %arg10: memref<512x128xf32, #tpu.memory_space<vmem>>, %arg11: memref<1x1x512xf32, #tpu.memory_space<vmem>>, %arg12: memref<1x1x512xf32, #tpu.memory_space<vmem>>) attributes {dimension_semantics = [#tpu.dimension_semantics<arbitrary>, #tpu.dimension_semantics<arbitrary>], iteration_bounds = array<i64: 20, 2>, scalar_prefetch = 0 : i64, scratch_operands = 0 : i64, tpu.core_type = #tpu.core_type<tc>, window_params = [{transform_indices = @transform_0, window_bounds = array<i64: 512, 128>}, {pipeline_mode = #tpu.pipeline_mode<synchronous>, transform_indices = @transform_1, window_bounds = array<i64: 2, 128>}, {pipeline_mode = #tpu.pipeline_mode<synchronous>, transform_indices = @transform_2, window_bounds = array<i64: 1, 128>}, {pipeline_mode = #tpu.pipeline_mode<synchronous>, transform_indices = @transform_3, window_bounds = array<i64: 1, 128>}, {transform_indices = @transform_4, window_bounds = array<i64: 128, 128>}, {transform_indices = @transform_5, window_bounds = array<i64: 1, 1, 128>}, {transform_indices = @transform_6, window_bounds = array<i64: 1, 1, 128>}, {transform_indices = @transform_7, window_bounds = array<i64: 512, 128>}, {transform_indices = @transform_8, window_bounds = array<i64: 512, 128>}, {transform_indices = @transform_9, window_bounds = array<i64: 1, 1, 512>}, {transform_indices = @transform_10, window_bounds = array<i64: 1, 1, 512>}]} {
    %get3A = arith.constant 0 : index
    %get3A_0 = arith.constant 0 : index
    %get3A_1 = vector.load %arg3[%get3A, %get3A_0] : memref<2x128xf32, #tpu.memory_space<vmem>>, vector<1x128xf32>
    %div3A = arith.constant 1.000000e+04 : f32
    %div3A_2 = vector.broadcast %div3A : f32 to vector<1x128xf32>
    %div3A_3 = arith.divf %get3A_1, %div3A_2 : vector<1x128xf32>
    %get3A_4 = arith.constant 1 : index
    %get3A_5 = arith.constant 0 : index
    %get3A_6 = vector.load %arg3[%get3A_4, %get3A_5] : memref<2x128xf32, #tpu.memory_space<vmem>>, vector<1x128xf32>
    %div3A_7 = arith.constant 1.000000e+04 : f32
    %div3A_8 = vector.broadcast %div3A_7 : f32 to vector<1x128xf32>
    %div3A_9 = arith.divf %get3A_6, %div3A_8 : vector<1x128xf32>
    %mul3A = arith.mulf %div3A_3, %div3A_3 : vector<1x128xf32>
    %sub3A = arith.subf %div3A_9, %mul3A : vector<1x128xf32>
    %add3A = arith.constant 9.99999974E-6 : f32
    %add3A_10 = vector.broadcast %add3A : f32 to vector<1x128xf32>
    %add3A_11 = arith.addf %sub3A, %add3A_10 : vector<1x128xf32>
    %rsqrt3A = math.rsqrt %add3A_11 : vector<1x128xf32>
    %get3A_12 = arith.constant 0 : index
    %get3A_13 = arith.constant 0 : index
    %get3A_14 = vector.load %arg2[%get3A_12, %get3A_13] : memref<512x128xf32, #tpu.memory_space<vmem>>, vector<512x128xf32>
    %sub3A_15 = vector.broadcast %div3A_3 : vector<1x128xf32> to vector<512x128xf32>
    %sub3A_16 = arith.subf %get3A_14, %sub3A_15 : vector<512x128xf32>
    %mul3A_17 = vector.broadcast %rsqrt3A : vector<1x128xf32> to vector<512x128xf32>
    %mul3A_18 = arith.mulf %sub3A_16, %mul3A_17 : vector<512x128xf32>
    %get3A_19 = arith.constant 0 : index
    %get3A_20 = arith.constant 0 : index
    %get3A_21 = vector.load %arg4[%get3A_19, %get3A_20] : memref<1x128xf32, #tpu.memory_space<vmem>>, vector<1x128xf32>
    %mul3A_22 = vector.broadcast %get3A_21 : vector<1x128xf32> to vector<512x128xf32>
    %mul3A_23 = arith.mulf %mul3A_18, %mul3A_22 : vector<512x128xf32>
    %get3A_24 = arith.constant 0 : index
    %get3A_25 = arith.constant 0 : index
    %get3A_26 = vector.load %arg5[%get3A_24, %get3A_25] : memref<1x128xf32, #tpu.memory_space<vmem>>, vector<1x128xf32>
    %add3A_27 = vector.broadcast %get3A_26 : vector<1x128xf32> to vector<512x128xf32>
    %add3A_28 = arith.addf %mul3A_23, %add3A_27 : vector<512x128xf32>
    %max3A = arith.constant 0.000000e+00 : f32
    %max3A_29 = vector.broadcast %max3A : f32 to vector<512x128xf32>
    %max3A_30 = arith.maximumf %add3A_28, %max3A_29 : vector<512x128xf32>
    %mul3A_31 = arith.constant 512 : i32
    %mul3A_32 = arith.muli %arg0, %mul3A_31 : i32
    %iota3A = tpu.iota {dimensions = array<i32: 0>} : vector<512x1xi32>
    %add3A_33 = vector.broadcast %mul3A_32 : i32 to vector<512x1xi32>
    %add3A_34 = arith.addi %add3A_33, %iota3A : vector<512x1xi32>
    %lt3A = arith.constant 10000 : i32
    %lt3A_35 = vector.broadcast %lt3A : i32 to vector<512x1xi32>
    %lt3A_36 = arith.cmpi slt, %add3A_34, %lt3A_35 : vector<512x1xi32>
    %jit3A = arith.constant 0.000000e+00 : f32
    %broadcast_in_dim3A = vector.shape_cast %lt3A_36 : vector<512x1xi1> to vector<512x1xi1>
    %broadcast_in_dim3A_37 = vector.broadcast %broadcast_in_dim3A : vector<512x1xi1> to vector<512x128xi1>
    %broadcast_in_dim3A_38 = vector.broadcast %jit3A : f32 to vector<512x128xf32>
    %select_n3A = arith.select %broadcast_in_dim3A_37, %max3A_30, %broadcast_in_dim3A_38 : vector<512x128xi1>, vector<512x128xf32>
    %swap3A = arith.constant 0 : index
    %swap3A_39 = arith.constant 0 : index
    %swap3A_40 = vector.load %arg9[%swap3A, %swap3A_39] : memref<512x128xf32, #tpu.memory_space<vmem>>, vector<512x128xf32>
    tpu.vector_store %arg9[%swap3A, %swap3A_39], %select_n3A {strides = array<i32>} : memref<512x128xf32, #tpu.memory_space<vmem>>, vector<512x128xf32>,
    %get3A_41 = arith.constant 0 : index
    %get3A_42 = arith.constant 0 : index
    %get3A_43 = vector.load %arg6[%get3A_41, %get3A_42] : memref<128x128xf32, #tpu.memory_space<vmem>>, vector<128x128xf32>
    %dot_general3A = arith.constant dense<0.000000e+00> : vector<512x128xf32>
    %dot_general3A_44 = tpu.matmul %select_n3A, %get3A_43, %dot_general3A {dimension_numbers = #tpu.dot_dimension_numbers<[1], [0], [0], [1], [0, 0, 1, 1], [], []>, transpose_lhs_hint = false} : vector<512x128xf32>, vector<128x128xf32>, vector<512x128xf32> -> vector<512x128xf32>
    %swap3A_45 = arith.constant 0 : index
    %swap3A_46 = arith.constant 0 : index
    %swap3A_47 = vector.load %arg10[%swap3A_45, %swap3A_46] : memref<512x128xf32, #tpu.memory_space<vmem>>, vector<512x128xf32>
    tpu.vector_store %arg10[%swap3A_45, %swap3A_46], %dot_general3A_44 {strides = array<i32>} : memref<512x128xf32, #tpu.memory_space<vmem>>, vector<512x128xf32>,
    %get3A_48 = arith.constant 0 : index
    %get3A_49 = arith.constant 0 : index
    %get3A_50 = arith.constant 0 : index
    %get3A_51 = vector.load %arg7[%get3A_48, %get3A_49, %get3A_50] : memref<1x1x128xf32, #tpu.memory_space<vmem>>, vector<1x1x128xf32>
    %get3A_52 = vector.shape_cast %get3A_51 : vector<1x1x128xf32> to vector<1x128xf32>
    %mul3A_53 = vector.broadcast %get3A_52 : vector<1x128xf32> to vector<512x128xf32>
    %mul3A_54 = arith.mulf %dot_general3A_44, %mul3A_53 : vector<512x128xf32>
    %reduce_sum3A = arith.constant dense<0.000000e+00> : vector<512xf32>
    %reduce_sum3A_55 = vector.multi_reduction <add>, %mul3A_54, %reduce_sum3A [1] : vector<512x128xf32> to vector<512xf32>
    %reshape3A = vector.shape_cast %reduce_sum3A_55 : vector<512xf32> to vector<1x1x512xf32>
    %swap3A_56 = arith.constant 0 : index
    %swap3A_57 = arith.constant 0 : index
    %swap3A_58 = arith.constant 0 : index
    %swap3A_59 = vector.load %arg11[%swap3A_56, %swap3A_57, %swap3A_58] : memref<1x1x512xf32, #tpu.memory_space<vmem>>, vector<1x1x512xf32>
    tpu.vector_store %arg11[%swap3A_56, %swap3A_57, %swap3A_58], %reshape3A {strides = array<i32>} : memref<1x1x512xf32, #tpu.memory_space<vmem>>, vector<1x1x512xf32>,
    %get3A_60 = arith.constant 0 : index
    %get3A_61 = arith.constant 0 : index
    %get3A_62 = arith.constant 0 : index
    %get3A_63 = vector.load %arg8[%get3A_60, %get3A_61, %get3A_62] : memref<1x1x128xf32, #tpu.memory_space<vmem>>, vector<1x1x128xf32>
    %get3A_64 = vector.shape_cast %get3A_63 : vector<1x1x128xf32> to vector<1x128xf32>
    %mul3A_65 = vector.broadcast %get3A_64 : vector<1x128xf32> to vector<512x128xf32>
    %mul3A_66 = arith.mulf %dot_general3A_44, %mul3A_65 : vector<512x128xf32>
    %reduce_sum3A_67 = arith.constant dense<0.000000e+00> : vector<512xf32>
    %reduce_sum3A_68 = vector.multi_reduction <add>, %mul3A_66, %reduce_sum3A_67 [1] : vector<512x128xf32> to vector<512xf32>
    %reshape3A_69 = vector.shape_cast %reduce_sum3A_68 : vector<512xf32> to vector<1x1x512xf32>
    %swap3A_70 = arith.constant 0 : index
    %swap3A_71 = arith.constant 0 : index
    %swap3A_72 = arith.constant 0 : index
    %swap3A_73 = vector.load %arg12[%swap3A_70, %swap3A_71, %swap3A_72] : memref<1x1x512xf32, #tpu.memory_space<vmem>>, vector<1x1x512xf32>
    tpu.vector_store %arg12[%swap3A_70, %swap3A_71, %swap3A_72], %reshape3A_69 {strides = array<i32>} : memref<1x1x512xf32, #tpu.memory_space<vmem>>, vector<1x1x512xf32>,
    return
  }
  func.func @transform_0(%arg0: i32, %arg1: i32) -> (i32, i32) {
    %c0_i32 = arith.constant 0 : i32
    %c0_i32_0 = arith.constant 0 : i32
    return %arg0, %c0_i32 : i32, i32
  }
  func.func @transform_1(%arg0: i32, %arg1: i32) -> (i32, i32) {
    %c0_i32 = arith.constant 0 : i32
    %c0_i32_0 = arith.constant 0 : i32
    %c0_i32_1 = arith.constant 0 : i32
    return %c0_i32, %c0_i32_0 : i32, i32
  }
  func.func @transform_2(%arg0: i32, %arg1: i32) -> (i32, i32) {
    %c0_i32 = arith.constant 0 : i32
    %c0_i32_0 = arith.constant 0 : i32
    %c0_i32_1 = arith.constant 0 : i32
    return %c0_i32, %c0_i32_0 : i32, i32
  }
  func.func @transform_3(%arg0: i32, %arg1: i32) -> (i32, i32) {
    %c0_i32 = arith.constant 0 : i32
    %c0_i32_0 = arith.constant 0 : i32
    %c0_i32_1 = arith.constant 0 : i32
    return %c0_i32, %c0_i32_0 : i32, i32
  }
  func.func @transform_4(%arg0: i32, %arg1: i32) -> (i32, i32) {
    %c0_i32 = arith.constant 0 : i32
    %c0_i32_0 = arith.constant 0 : i32
    return %c0_i32, %arg1 : i32, i32
  }
  func.func @transform_5(%arg0: i32, %arg1: i32) -> (i32, i32, i32) {
    %c0_i32 = arith.constant 0 : i32
    %c0_i32_0 = arith.constant 0 : i32
    %c0_i32_1 = arith.constant 0 : i32
    return %arg1, %c0_i32, %c0_i32_0 : i32, i32, i32
  }
  func.func @transform_6(%arg0: i32, %arg1: i32) -> (i32, i32, i32) {
    %c0_i32 = arith.constant 0 : i32
    %c0_i32_0 = arith.constant 0 : i32
    %c0_i32_1 = arith.constant 0 : i32
    return %arg1, %c0_i32, %c0_i32_0 : i32, i32, i32
  }
  func.func @transform_7(%arg0: i32, %arg1: i32) -> (i32, i32) {
    %c0_i32 = arith.constant 0 : i32
    %c0_i32_0 = arith.constant 0 : i32
    return %arg0, %c0_i32 : i32, i32
  }
  func.func @transform_8(%arg0: i32, %arg1: i32) -> (i32, i32) {
    %mul3A = arith.constant 20 : i32
    %mul3A_0 = arith.muli %arg1, %mul3A : i32
    %add3A = arith.addi %mul3A_0, %arg0 : i32
    %c0_i32 = arith.constant 0 : i32
    %c0_i32_1 = arith.constant 0 : i32
    return %add3A, %c0_i32 : i32, i32
  }
  func.func @transform_9(%arg0: i32, %arg1: i32) -> (i32, i32, i32) {
    %mul3A = arith.constant 20 : i32
    %mul3A_0 = arith.muli %arg1, %mul3A : i32
    %add3A = arith.addi %mul3A_0, %arg0 : i32
    %c0_i32 = arith.constant 0 : i32
    %c0_i32_1 = arith.constant 0 : i32
    %c0_i32_2 = arith.constant 0 : i32
    return %add3A, %c0_i32, %c0_i32_1 : i32, i32, i32
  }
  func.func @transform_10(%arg0: i32, %arg1: i32) -> (i32, i32, i32) {
    %mul3A = arith.constant 20 : i32
    %mul3A_0 = arith.muli %arg1, %mul3A : i32
    %add3A = arith.addi %mul3A_0, %arg0 : i32
    %c0_i32 = arith.constant 0 : i32
    %c0_i32_1 = arith.constant 0 : i32
    %c0_i32_2 = arith.constant 0 : i32
    return %add3A, %c0_i32, %c0_i32_1 : i32, i32, i32
  }
}

module attributes {stable_mosaic.version = 14 : i64} {
  func.func @_stats_body(%arg0: i32, %arg1: memref<1x512x128xf32, #tpu.memory_space<vmem>>, %arg2: memref<1x512x128xf32, #tpu.memory_space<vmem>>, %arg3: memref<1x1x512xf32, #tpu.memory_space<vmem>>, %arg4: memref<1x1x512xf32, #tpu.memory_space<vmem>>, %arg5: memref<2x128xf32, #tpu.memory_space<vmem>>, %arg6: memref<512x256xf32, #tpu.memory_space<vmem>>, %arg7: memref<2x256xf32, #tpu.memory_space<vmem>>, %arg8: memref<1x256xf32, #tpu.memory_space<vmem>>, %arg9: memref<1x256xf32, #tpu.memory_space<vmem>>) attributes {dimension_semantics = [#tpu.dimension_semantics<arbitrary>], iteration_bounds = array<i64: 20>, scalar_prefetch = 0 : i64, scratch_operands = 2 : i64, tpu.core_type = #tpu.core_type<tc>, window_params = [{transform_indices = @transform_0, window_bounds = array<i64: 1, 512, 128>}, {transform_indices = @transform_1, window_bounds = array<i64: 1, 512, 128>}, {transform_indices = @transform_2, window_bounds = array<i64: 1, 1, 512>}, {transform_indices = @transform_3, window_bounds = array<i64: 1, 1, 512>}, {pipeline_mode = #tpu.pipeline_mode<synchronous>, transform_indices = @transform_4, window_bounds = array<i64: 2, 128>}, {transform_indices = @transform_5, window_bounds = array<i64: 512, 256>}, {pipeline_mode = #tpu.pipeline_mode<synchronous>, transform_indices = @transform_6, window_bounds = array<i64: 2, 256>}]} {
    %eq3A = arith.constant 0 : i32
    %eq3A_0 = arith.cmpi eq, %arg0, %eq3A : i32
    %convert_element_type3A = arith.extui %eq3A_0 : i1 to i32
    %cond3A = arith.constant 0 : i32
    %cond3A_1 = arith.cmpi ne, %convert_element_type3A, %cond3A : i32
    scf.if %cond3A_1 {
      %broadcast_in_dim3A_75 = arith.constant 0.000000e+00 : f32
      %broadcast_in_dim3A_76 = vector.broadcast %broadcast_in_dim3A_75 : f32 to vector<1x256xf32>
      %swap3A_77 = arith.constant 0 : index
      %swap3A_78 = arith.constant 0 : index
      %swap3A_79 = vector.load %arg8[%swap3A_77, %swap3A_78] : memref<1x256xf32, #tpu.memory_space<vmem>>, vector<1x256xf32>
      tpu.vector_store %arg8[%swap3A_77, %swap3A_78], %broadcast_in_dim3A_76 {strides = array<i32>} : memref<1x256xf32, #tpu.memory_space<vmem>>, vector<1x256xf32>,
      %broadcast_in_dim3A_80 = arith.constant 0.000000e+00 : f32
      %broadcast_in_dim3A_81 = vector.broadcast %broadcast_in_dim3A_80 : f32 to vector<1x256xf32>
      %swap3A_82 = arith.constant 0 : index
      %swap3A_83 = arith.constant 0 : index
      %swap3A_84 = vector.load %arg9[%swap3A_82, %swap3A_83] : memref<1x256xf32, #tpu.memory_space<vmem>>, vector<1x256xf32>
      tpu.vector_store %arg9[%swap3A_82, %swap3A_83], %broadcast_in_dim3A_81 {strides = array<i32>} : memref<1x256xf32, #tpu.memory_space<vmem>>, vector<1x256xf32>,
    } else {
    }
    %mul3A = arith.constant 512 : i32
    %mul3A_2 = arith.muli %arg0, %mul3A : i32
    %iota3A = tpu.iota {dimensions = array<i32: 0>} : vector<512x1xi32>
    %add3A = vector.broadcast %mul3A_2 : i32 to vector<512x1xi32>
    %add3A_3 = arith.addi %add3A, %iota3A : vector<512x1xi32>
    %lt3A = arith.constant 10000 : i32
    %lt3A_4 = vector.broadcast %lt3A : i32 to vector<512x1xi32>
    %lt3A_5 = arith.cmpi slt, %add3A_3, %lt3A_4 : vector<512x1xi32>
    %get3A = arith.constant 0 : index
    %get3A_6 = arith.constant 0 : index
    %get3A_7 = arith.constant 0 : index
    %get3A_8 = vector.load %arg3[%get3A, %get3A_6, %get3A_7] : memref<1x1x512xf32, #tpu.memory_space<vmem>>, vector<1x1x512xf32>
    %get3A_9 = vector.shape_cast %get3A_8 : vector<1x1x512xf32> to vector<512xf32>
    %broadcast_in_dim3A = vector.shape_cast %get3A_9 : vector<512xf32> to vector<512x1xf32>
    %add3A_10 = arith.constant 1.000000e-16 : f32
    %add3A_11 = vector.broadcast %add3A_10 : f32 to vector<512x1xf32>
    %add3A_12 = arith.addf %broadcast_in_dim3A, %add3A_11 : vector<512x1xf32>
    %get3A_13 = arith.constant 0 : index
    %get3A_14 = arith.constant 0 : index
    %get3A_15 = arith.constant 0 : index
    %get3A_16 = vector.load %arg4[%get3A_13, %get3A_14, %get3A_15] : memref<1x1x512xf32, #tpu.memory_space<vmem>>, vector<1x1x512xf32>
    %get3A_17 = vector.shape_cast %get3A_16 : vector<1x1x512xf32> to vector<512xf32>
    %broadcast_in_dim3A_18 = vector.shape_cast %get3A_17 : vector<512xf32> to vector<512x1xf32>
    %add3A_19 = arith.constant 1.000000e-16 : f32
    %add3A_20 = vector.broadcast %add3A_19 : f32 to vector<512x1xf32>
    %add3A_21 = arith.addf %broadcast_in_dim3A_18, %add3A_20 : vector<512x1xf32>
    %get3A_22 = arith.constant 0 : index
    %get3A_23 = arith.constant 0 : index
    %get3A_24 = arith.constant 0 : index
    %get3A_25 = vector.load %arg1[%get3A_22, %get3A_23, %get3A_24] : memref<1x512x128xf32, #tpu.memory_space<vmem>>, vector<1x512x128xf32>
    %get3A_26 = vector.shape_cast %get3A_25 : vector<1x512x128xf32> to vector<512x128xf32>
    %get3A_27 = arith.constant 0 : index
    %get3A_28 = arith.constant 0 : index
    %get3A_29 = arith.constant 0 : index
    %get3A_30 = vector.load %arg2[%get3A_27, %get3A_28, %get3A_29] : memref<1x512x128xf32, #tpu.memory_space<vmem>>, vector<1x512x128xf32>
    %get3A_31 = vector.shape_cast %get3A_30 : vector<1x512x128xf32> to vector<512x128xf32>
    %div3A = vector.broadcast %add3A_12 : vector<512x1xf32> to vector<512x128xf32>
    %div3A_32 = arith.divf %get3A_26, %div3A : vector<512x128xf32>
    %get3A_33 = arith.constant 0 : index
    %get3A_34 = arith.constant 0 : index
    %get3A_35 = vector.load %arg5[%get3A_33, %get3A_34] : memref<2x128xf32, #tpu.memory_space<vmem>>, vector<1x128xf32>
    %add3A_36 = vector.broadcast %get3A_35 : vector<1x128xf32> to vector<512x128xf32>
    %add3A_37 = arith.addf %div3A_32, %add3A_36 : vector<512x128xf32>
    %div3A_38 = vector.broadcast %add3A_21 : vector<512x1xf32> to vector<512x128xf32>
    %div3A_39 = arith.divf %get3A_31, %div3A_38 : vector<512x128xf32>
    %get3A_40 = arith.constant 1 : index
    %get3A_41 = arith.constant 0 : index
    %get3A_42 = vector.load %arg5[%get3A_40, %get3A_41] : memref<2x128xf32, #tpu.memory_space<vmem>>, vector<1x128xf32>
    %add3A_43 = vector.broadcast %get3A_42 : vector<1x128xf32> to vector<512x128xf32>
    %add3A_44 = arith.addf %div3A_39, %add3A_43 : vector<512x128xf32>
    %concatenate3A = tpu.concatenate %add3A_37, %add3A_44 in 1 : vector<512x128xf32>, vector<512x128xf32> -> vector<512x256xf32>
    %jit3A = arith.constant 0.000000e+00 : f32
    %broadcast_in_dim3A_45 = vector.shape_cast %lt3A_5 : vector<512x1xi1> to vector<512x1xi1>
    %broadcast_in_dim3A_46 = vector.broadcast %broadcast_in_dim3A_45 : vector<512x1xi1> to vector<512x256xi1>
    %broadcast_in_dim3A_47 = vector.broadcast %jit3A : f32 to vector<512x256xf32>
    %select_n3A = arith.select %broadcast_in_dim3A_46, %concatenate3A, %broadcast_in_dim3A_47 : vector<512x256xi1>, vector<512x256xf32>
    %swap3A = arith.constant 0 : index
    %swap3A_48 = arith.constant 0 : index
    %swap3A_49 = vector.load %arg6[%swap3A, %swap3A_48] : memref<512x256xf32, #tpu.memory_space<vmem>>, vector<512x256xf32>
    tpu.vector_store %arg6[%swap3A, %swap3A_48], %select_n3A {strides = array<i32>} : memref<512x256xf32, #tpu.memory_space<vmem>>, vector<512x256xf32>,
    %get3A_50 = arith.constant 0 : index
    %get3A_51 = arith.constant 0 : index
    %get3A_52 = vector.load %arg8[%get3A_50, %get3A_51] : memref<1x256xf32, #tpu.memory_space<vmem>>, vector<1x256xf32>
    %reduce_sum3A = arith.constant dense<0.000000e+00> : vector<256xf32>
    %reduce_sum3A_53 = vector.multi_reduction <add>, %select_n3A, %reduce_sum3A [0] : vector<512x256xf32> to vector<256xf32>
    %broadcast_in_dim3A_54 = vector.shape_cast %reduce_sum3A_53 : vector<256xf32> to vector<1x256xf32>
    %add3A_55 = arith.addf %get3A_52, %broadcast_in_dim3A_54 : vector<1x256xf32>
    %swap3A_56 = arith.constant 0 : index
    %swap3A_57 = arith.constant 0 : index
    %swap3A_58 = vector.load %arg8[%swap3A_56, %swap3A_57] : memref<1x256xf32, #tpu.memory_space<vmem>>, vector<1x256xf32>
    tpu.vector_store %arg8[%swap3A_56, %swap3A_57], %add3A_55 {strides = array<i32>} : memref<1x256xf32, #tpu.memory_space<vmem>>, vector<1x256xf32>,
    %get3A_59 = arith.constant 0 : index
    %get3A_60 = arith.constant 0 : index
    %get3A_61 = vector.load %arg9[%get3A_59, %get3A_60] : memref<1x256xf32, #tpu.memory_space<vmem>>, vector<1x256xf32>
    %mul3A_62 = arith.mulf %select_n3A, %select_n3A : vector<512x256xf32>
    %reduce_sum3A_63 = arith.constant dense<0.000000e+00> : vector<256xf32>
    %reduce_sum3A_64 = vector.multi_reduction <add>, %mul3A_62, %reduce_sum3A_63 [0] : vector<512x256xf32> to vector<256xf32>
    %broadcast_in_dim3A_65 = vector.shape_cast %reduce_sum3A_64 : vector<256xf32> to vector<1x256xf32>
    %add3A_66 = arith.addf %get3A_61, %broadcast_in_dim3A_65 : vector<1x256xf32>
    %swap3A_67 = arith.constant 0 : index
    %swap3A_68 = arith.constant 0 : index
    %swap3A_69 = vector.load %arg9[%swap3A_67, %swap3A_68] : memref<1x256xf32, #tpu.memory_space<vmem>>, vector<1x256xf32>
    tpu.vector_store %arg9[%swap3A_67, %swap3A_68], %add3A_66 {strides = array<i32>} : memref<1x256xf32, #tpu.memory_space<vmem>>, vector<1x256xf32>,
    %eq3A_70 = arith.constant 19 : i32
    %eq3A_71 = arith.cmpi eq, %arg0, %eq3A_70 : i32
    %convert_element_type3A_72 = arith.extui %eq3A_71 : i1 to i32
    %cond3A_73 = arith.constant 0 : i32
    %cond3A_74 = arith.cmpi ne, %convert_element_type3A_72, %cond3A_73 : i32
    scf.if %cond3A_74 {
      %get3A_75 = arith.constant 0 : index
      %get3A_76 = arith.constant 0 : index
      %get3A_77 = vector.load %arg8[%get3A_75, %get3A_76] : memref<1x256xf32, #tpu.memory_space<vmem>>, vector<1x256xf32>
      %swap3A_78 = arith.constant 0 : index
      %swap3A_79 = arith.constant 0 : index
      %swap3A_80 = vector.load %arg7[%swap3A_78, %swap3A_79] : memref<2x256xf32, #tpu.memory_space<vmem>>, vector<1x256xf32>
      tpu.vector_store %arg7[%swap3A_78, %swap3A_79], %get3A_77 {strides = array<i32>} : memref<2x256xf32, #tpu.memory_space<vmem>>, vector<1x256xf32>,
      %get3A_81 = arith.constant 0 : index
      %get3A_82 = arith.constant 0 : index
      %get3A_83 = vector.load %arg9[%get3A_81, %get3A_82] : memref<1x256xf32, #tpu.memory_space<vmem>>, vector<1x256xf32>
      %swap3A_84 = arith.constant 1 : index
      %swap3A_85 = arith.constant 0 : index
      %swap3A_86 = vector.load %arg7[%swap3A_84, %swap3A_85] : memref<2x256xf32, #tpu.memory_space<vmem>>, vector<1x256xf32>
      tpu.vector_store %arg7[%swap3A_84, %swap3A_85], %get3A_83 {strides = array<i32>} : memref<2x256xf32, #tpu.memory_space<vmem>>, vector<1x256xf32>,
    } else {
    }
    return
  }
  func.func @transform_0(%arg0: i32) -> (i32, i32, i32) {
    %c0_i32 = arith.constant 0 : i32
    %c0_i32_0 = arith.constant 0 : i32
    %c0_i32_1 = arith.constant 0 : i32
    return %c0_i32, %arg0, %c0_i32_0 : i32, i32, i32
  }
  func.func @transform_1(%arg0: i32) -> (i32, i32, i32) {
    %c1_i32 = arith.constant 1 : i32
    %c0_i32 = arith.constant 0 : i32
    %c0_i32_0 = arith.constant 0 : i32
    return %c1_i32, %arg0, %c0_i32 : i32, i32, i32
  }
  func.func @transform_2(%arg0: i32) -> (i32, i32, i32) {
    %c0_i32 = arith.constant 0 : i32
    %c0_i32_0 = arith.constant 0 : i32
    %c0_i32_1 = arith.constant 0 : i32
    return %arg0, %c0_i32, %c0_i32_0 : i32, i32, i32
  }
  func.func @transform_3(%arg0: i32) -> (i32, i32, i32) {
    %add3A = arith.constant 20 : i32
    %add3A_0 = arith.addi %add3A, %arg0 : i32
    %c0_i32 = arith.constant 0 : i32
    %c0_i32_1 = arith.constant 0 : i32
    %c0_i32_2 = arith.constant 0 : i32
    return %add3A_0, %c0_i32, %c0_i32_1 : i32, i32, i32
  }
  func.func @transform_4(%arg0: i32) -> (i32, i32) {
    %c0_i32 = arith.constant 0 : i32
    %c0_i32_0 = arith.constant 0 : i32
    %c0_i32_1 = arith.constant 0 : i32
    return %c0_i32, %c0_i32_0 : i32, i32
  }
  func.func @transform_5(%arg0: i32) -> (i32, i32) {
    %c0_i32 = arith.constant 0 : i32
    %c0_i32_0 = arith.constant 0 : i32
    return %arg0, %c0_i32 : i32, i32
  }
  func.func @transform_6(%arg0: i32) -> (i32, i32) {
    %c0_i32 = arith.constant 0 : i32
    %c0_i32_0 = arith.constant 0 : i32
    %c0_i32_1 = arith.constant 0 : i32
    return %c0_i32, %c0_i32_0 : i32, i32
  }
}

module attributes {stable_mosaic.version = 14 : i64} {
  func.func @_pool_body(%arg0: i32, %arg1: memref<512x128xf32, #tpu.memory_space<vmem>>, %arg2: memref<512x256xf32, #tpu.memory_space<vmem>>, %arg3: memref<2x256xf32, #tpu.memory_space<vmem>>, %arg4: memref<1x256xf32, #tpu.memory_space<vmem>>, %arg5: memref<1x256xf32, #tpu.memory_space<vmem>>, %arg6: memref<1x512x1xi32, #tpu.memory_space<vmem>>, %arg7: memref<16x128xf32, #tpu.memory_space<vmem>>, %arg8: memref<16x256xf32, #tpu.memory_space<vmem>>, %arg9: memref<16x128xf32, #tpu.memory_space<vmem>>, %arg10: memref<16x256xf32, #tpu.memory_space<vmem>>, %arg11: memref<16x128xf32, #tpu.memory_space<vmem>>, %arg12: memref<16x256xf32, #tpu.memory_space<vmem>>, %arg13: memref<16x128xf32, #tpu.memory_space<vmem>>, %arg14: memref<16x256xf32, #tpu.memory_space<vmem>>, %arg15: memref<16x128xf32, #tpu.memory_space<vmem>>) attributes {dimension_semantics = [#tpu.dimension_semantics<arbitrary>], iteration_bounds = array<i64: 20>, scalar_prefetch = 0 : i64, scratch_operands = 5 : i64, tpu.core_type = #tpu.core_type<tc>, window_params = [{transform_indices = @transform_0, window_bounds = array<i64: 512, 128>}, {transform_indices = @transform_1, window_bounds = array<i64: 512, 256>}, {pipeline_mode = #tpu.pipeline_mode<synchronous>, transform_indices = @transform_2, window_bounds = array<i64: 2, 256>}, {pipeline_mode = #tpu.pipeline_mode<synchronous>, transform_indices = @transform_3, window_bounds = array<i64: 1, 256>}, {pipeline_mode = #tpu.pipeline_mode<synchronous>, transform_indices = @transform_4, window_bounds = array<i64: 1, 256>}, {transform_indices = @transform_5, window_bounds = array<i64: 1, 512, 1>}, {pipeline_mode = #tpu.pipeline_mode<synchronous>, transform_indices = @transform_6, window_bounds = array<i64: 16, 128>}, {pipeline_mode = #tpu.pipeline_mode<synchronous>, transform_indices = @transform_7, window_bounds = array<i64: 16, 256>}, {pipeline_mode = #tpu.pipeline_mode<synchronous>, transform_indices = @transform_8, window_bounds = array<i64: 16, 128>}, {pipeline_mode = #tpu.pipeline_mode<synchronous>, transform_indices = @transform_9, window_bounds = array<i64: 16, 256>}]} {
    %eq3A = arith.constant 0 : i32
    %eq3A_0 = arith.cmpi eq, %arg0, %eq3A : i32
    %convert_element_type3A = arith.extui %eq3A_0 : i1 to i32
    %cond3A = arith.constant 0 : i32
    %cond3A_1 = arith.cmpi ne, %convert_element_type3A, %cond3A : i32
    scf.if %cond3A_1 {
      %broadcast_in_dim3A_601 = arith.constant 0.000000e+00 : f32
      %broadcast_in_dim3A_602 = vector.broadcast %broadcast_in_dim3A_601 : f32 to vector<16x128xf32>
      %swap3A_603 = arith.constant 0 : index
      %swap3A_604 = arith.constant 0 : index
      %swap3A_605 = vector.load %arg11[%swap3A_603, %swap3A_604] : memref<16x128xf32, #tpu.memory_space<vmem>>, vector<16x128xf32>
      tpu.vector_store %arg11[%swap3A_603, %swap3A_604], %broadcast_in_dim3A_602 {strides = array<i32>} : memref<16x128xf32, #tpu.memory_space<vmem>>, vector<16x128xf32>,
      %broadcast_in_dim3A_606 = arith.constant 0.000000e+00 : f32
      %broadcast_in_dim3A_607 = vector.broadcast %broadcast_in_dim3A_606 : f32 to vector<16x256xf32>
      %swap3A_608 = arith.constant 0 : index
      %swap3A_609 = arith.constant 0 : index
      %swap3A_610 = vector.load %arg12[%swap3A_608, %swap3A_609] : memref<16x256xf32, #tpu.memory_space<vmem>>, vector<16x256xf32>
      tpu.vector_store %arg12[%swap3A_608, %swap3A_609], %broadcast_in_dim3A_607 {strides = array<i32>} : memref<16x256xf32, #tpu.memory_space<vmem>>, vector<16x256xf32>,
      %broadcast_in_dim3A_611 = arith.constant 0.000000e+00 : f32
      %broadcast_in_dim3A_612 = vector.broadcast %broadcast_in_dim3A_611 : f32 to vector<16x128xf32>
      %swap3A_613 = arith.constant 0 : index
      %swap3A_614 = arith.constant 0 : index
      %swap3A_615 = vector.load %arg15[%swap3A_613, %swap3A_614] : memref<16x128xf32, #tpu.memory_space<vmem>>, vector<16x128xf32>
      tpu.vector_store %arg15[%swap3A_613, %swap3A_614], %broadcast_in_dim3A_612 {strides = array<i32>} : memref<16x128xf32, #tpu.memory_space<vmem>>, vector<16x128xf32>,
      %broadcast_in_dim3A_616 = arith.constant -3.400000e+38 : f32
      %broadcast_in_dim3A_617 = vector.broadcast %broadcast_in_dim3A_616 : f32 to vector<16x128xf32>
      %swap3A_618 = arith.constant 0 : index
      %swap3A_619 = arith.constant 0 : index
      %swap3A_620 = vector.load %arg13[%swap3A_618, %swap3A_619] : memref<16x128xf32, #tpu.memory_space<vmem>>, vector<16x128xf32>
      tpu.vector_store %arg13[%swap3A_618, %swap3A_619], %broadcast_in_dim3A_617 {strides = array<i32>} : memref<16x128xf32, #tpu.memory_space<vmem>>, vector<16x128xf32>,
      %broadcast_in_dim3A_621 = arith.constant -3.400000e+38 : f32
      %broadcast_in_dim3A_622 = vector.broadcast %broadcast_in_dim3A_621 : f32 to vector<16x256xf32>
      %swap3A_623 = arith.constant 0 : index
      %swap3A_624 = arith.constant 0 : index
      %swap3A_625 = vector.load %arg14[%swap3A_623, %swap3A_624] : memref<16x256xf32, #tpu.memory_space<vmem>>, vector<16x256xf32>
      tpu.vector_store %arg14[%swap3A_623, %swap3A_624], %broadcast_in_dim3A_622 {strides = array<i32>} : memref<16x256xf32, #tpu.memory_space<vmem>>, vector<16x256xf32>,
    } else {
    }
    %get3A = arith.constant 0 : index
    %get3A_2 = arith.constant 0 : index
    %get3A_3 = vector.load %arg3[%get3A, %get3A_2] : memref<2x256xf32, #tpu.memory_space<vmem>>, vector<1x256xf32>
    %div3A = arith.constant 1.000000e+04 : f32
    %div3A_4 = vector.broadcast %div3A : f32 to vector<1x256xf32>
    %div3A_5 = arith.divf %get3A_3, %div3A_4 : vector<1x256xf32>
    %get3A_6 = arith.constant 1 : index
    %get3A_7 = arith.constant 0 : index
    %get3A_8 = vector.load %arg3[%get3A_6, %get3A_7] : memref<2x256xf32, #tpu.memory_space<vmem>>, vector<1x256xf32>
    %div3A_9 = arith.constant 1.000000e+04 : f32
    %div3A_10 = vector.broadcast %div3A_9 : f32 to vector<1x256xf32>
    %div3A_11 = arith.divf %get3A_8, %div3A_10 : vector<1x256xf32>
    %mul3A = arith.mulf %div3A_5, %div3A_5 : vector<1x256xf32>
    %sub3A = arith.subf %div3A_11, %mul3A : vector<1x256xf32>
    %add3A = arith.constant 9.99999974E-6 : f32
    %add3A_12 = vector.broadcast %add3A : f32 to vector<1x256xf32>
    %add3A_13 = arith.addf %sub3A, %add3A_12 : vector<1x256xf32>
    %rsqrt3A = math.rsqrt %add3A_13 : vector<1x256xf32>
    %get3A_14 = arith.constant 0 : index
    %get3A_15 = arith.constant 0 : index
    %get3A_16 = vector.load %arg2[%get3A_14, %get3A_15] : memref<512x256xf32, #tpu.memory_space<vmem>>, vector<512x256xf32>
    %sub3A_17 = vector.broadcast %div3A_5 : vector<1x256xf32> to vector<512x256xf32>
    %sub3A_18 = arith.subf %get3A_16, %sub3A_17 : vector<512x256xf32>
    %mul3A_19 = vector.broadcast %rsqrt3A : vector<1x256xf32> to vector<512x256xf32>
    %mul3A_20 = arith.mulf %sub3A_18, %mul3A_19 : vector<512x256xf32>
    %get3A_21 = arith.constant 0 : index
    %get3A_22 = arith.constant 0 : index
    %get3A_23 = vector.load %arg4[%get3A_21, %get3A_22] : memref<1x256xf32, #tpu.memory_space<vmem>>, vector<1x256xf32>
    %mul3A_24 = vector.broadcast %get3A_23 : vector<1x256xf32> to vector<512x256xf32>
    %mul3A_25 = arith.mulf %mul3A_20, %mul3A_24 : vector<512x256xf32>
    %get3A_26 = arith.constant 0 : index
    %get3A_27 = arith.constant 0 : index
    %get3A_28 = vector.load %arg5[%get3A_26, %get3A_27] : memref<1x256xf32, #tpu.memory_space<vmem>>, vector<1x256xf32>
    %add3A_29 = vector.broadcast %get3A_28 : vector<1x256xf32> to vector<512x256xf32>
    %add3A_30 = arith.addf %mul3A_25, %add3A_29 : vector<512x256xf32>
    %max3A = arith.constant 0.000000e+00 : f32
    %max3A_31 = vector.broadcast %max3A : f32 to vector<512x256xf32>
    %max3A_32 = arith.maximumf %add3A_30, %max3A_31 : vector<512x256xf32>
    %get3A_33 = arith.constant 0 : index
    %get3A_34 = arith.constant 0 : index
    %get3A_35 = vector.load %arg1[%get3A_33, %get3A_34] : memref<512x128xf32, #tpu.memory_space<vmem>>, vector<512x128xf32>
    %get3A_36 = arith.constant 0 : index
    %get3A_37 = arith.constant 0 : index
    %get3A_38 = arith.constant 0 : index
    %get3A_39 = vector.load %arg6[%get3A_36, %get3A_37, %get3A_38] : memref<1x512x1xi32, #tpu.memory_space<vmem>>, vector<1x512x1xi32>
    %get3A_40 = vector.shape_cast %get3A_39 : vector<1x512x1xi32> to vector<512x1xi32>
    %iota3A = tpu.iota {dimensions = array<i32: 1>} : vector<512x16xi32>
    %eq3A_41 = vector.broadcast %get3A_40 : vector<512x1xi32> to vector<512x16xi32>
    %eq3A_42 = arith.cmpi eq, %eq3A_41, %iota3A : vector<512x16xi32>
    %convert_element_type3A_43 = arith.extui %eq3A_42 : vector<512x16xi1> to vector<512x16xi32>
    %convert_element_type3A_44 = arith.sitofp %convert_element_type3A_43 : vector<512x16xi32> to vector<512x16xf32>
    %get3A_45 = arith.constant 0 : index
    %get3A_46 = arith.constant 0 : index
    %get3A_47 = vector.load %arg11[%get3A_45, %get3A_46] : memref<16x128xf32, #tpu.memory_space<vmem>>, vector<16x128xf32>
    %dot_general3A = arith.constant dense<0.000000e+00> : vector<16x128xf32>
    %dot_general3A_48 = tpu.matmul %convert_element_type3A_44, %get3A_35, %dot_general3A {dimension_numbers = #tpu.dot_dimension_numbers<[0], [0], [1], [1], [0, 1, 1, 1], [], []>, transpose_lhs_hint = false} : vector<512x16xf32>, vector<512x128xf32>, vector<16x128xf32> -> vector<16x128xf32>
    %add3A_49 = arith.addf %get3A_47, %dot_general3A_48 : vector<16x128xf32>
    %swap3A = arith.constant 0 : index
    %swap3A_50 = arith.constant 0 : index
    %swap3A_51 = vector.load %arg11[%swap3A, %swap3A_50] : memref<16x128xf32, #tpu.memory_space<vmem>>, vector<16x128xf32>
    tpu.vector_store %arg11[%swap3A, %swap3A_50], %add3A_49 {strides = array<i32>} : memref<16x128xf32, #tpu.memory_space<vmem>>, vector<16x128xf32>,
    %get3A_52 = arith.constant 0 : index
    %get3A_53 = arith.constant 0 : index
    %get3A_54 = vector.load %arg12[%get3A_52, %get3A_53] : memref<16x256xf32, #tpu.memory_space<vmem>>, vector<16x256xf32>
    %dot_general3A_55 = arith.constant dense<0.000000e+00> : vector<16x256xf32>
    %dot_general3A_56 = tpu.matmul %convert_element_type3A_44, %max3A_32, %dot_general3A_55 {dimension_numbers = #tpu.dot_dimension_numbers<[0], [0], [1], [1], [0, 1, 1, 1], [], []>, transpose_lhs_hint = false} : vector<512x16xf32>, vector<512x256xf32>, vector<16x256xf32> -> vector<16x256xf32>
    %add3A_57 = arith.addf %get3A_54, %dot_general3A_56 : vector<16x256xf32>
    %swap3A_58 = arith.constant 0 : index
    %swap3A_59 = arith.constant 0 : index
    %swap3A_60 = vector.load %arg12[%swap3A_58, %swap3A_59] : memref<16x256xf32, #tpu.memory_space<vmem>>, vector<16x256xf32>
    tpu.vector_store %arg12[%swap3A_58, %swap3A_59], %add3A_57 {strides = array<i32>} : memref<16x256xf32, #tpu.memory_space<vmem>>, vector<16x256xf32>,
    %get3A_61 = arith.constant 0 : index
    %get3A_62 = arith.constant 0 : index
    %get3A_63 = vector.load %arg15[%get3A_61, %get3A_62] : memref<16x128xf32, #tpu.memory_space<vmem>>, vector<16x128xf32>
    %broadcast_in_dim3A = arith.constant 1.000000e+00 : f32
    %broadcast_in_dim3A_64 = vector.broadcast %broadcast_in_dim3A : f32 to vector<512x128xf32>
    %dot_general3A_65 = arith.constant dense<0.000000e+00> : vector<16x128xf32>
    %dot_general3A_66 = tpu.matmul %convert_element_type3A_44, %broadcast_in_dim3A_64, %dot_general3A_65 {dimension_numbers = #tpu.dot_dimension_numbers<[0], [0], [1], [1], [0, 1, 1, 1], [], []>, transpose_lhs_hint = false} : vector<512x16xf32>, vector<512x128xf32>, vector<16x128xf32> -> vector<16x128xf32>
    %add3A_67 = arith.addf %get3A_63, %dot_general3A_66 : vector<16x128xf32>
    %swap3A_68 = arith.constant 0 : index
    %swap3A_69 = arith.constant 0 : index
    %swap3A_70 = vector.load %arg15[%swap3A_68, %swap3A_69] : memref<16x128xf32, #tpu.memory_space<vmem>>, vector<16x128xf32>
    tpu.vector_store %arg15[%swap3A_68, %swap3A_69], %add3A_67 {strides = array<i32>} : memref<16x128xf32, #tpu.memory_space<vmem>>, vector<16x128xf32>,
    %eq3A_71 = arith.constant 0 : i32
    %eq3A_72 = vector.broadcast %eq3A_71 : i32 to vector<512x1xi32>
    %eq3A_73 = arith.cmpi eq, %get3A_40, %eq3A_72 : vector<512x1xi32>
    %jit3A = arith.constant -3.400000e+38 : f32
    %broadcast_in_dim3A_74 = vector.shape_cast %eq3A_73 : vector<512x1xi1> to vector<512x1xi1>
    %broadcast_in_dim3A_75 = vector.broadcast %broadcast_in_dim3A_74 : vector<512x1xi1> to vector<512x128xi1>
    %broadcast_in_dim3A_76 = vector.broadcast %jit3A : f32 to vector<512x128xf32>
    %select_n3A = arith.select %broadcast_in_dim3A_75, %get3A_35, %broadcast_in_dim3A_76 : vector<512x128xi1>, vector<512x128xf32>
    %reduce_max3A = arith.constant dense<0xFF800000> : vector<128xf32>
    %reduce_max3A_77 = vector.multi_reduction <maximumf>, %select_n3A, %reduce_max3A [0] : vector<512x128xf32> to vector<128xf32>
    %broadcast_in_dim3A_78 = vector.shape_cast %reduce_max3A_77 : vector<128xf32> to vector<1x128xf32>
    %get3A_79 = arith.constant 0 : index
    %get3A_80 = arith.constant 0 : index
    %get3A_81 = vector.load %arg13[%get3A_79, %get3A_80] : memref<16x128xf32, #tpu.memory_space<vmem>>, vector<1x128xf32>
    %max3A_82 = arith.maximumf %get3A_81, %broadcast_in_dim3A_78 : vector<1x128xf32>
    %swap3A_83 = arith.constant 0 : index
    %swap3A_84 = arith.constant 0 : index
    %swap3A_85 = vector.load %arg13[%swap3A_83, %swap3A_84] : memref<16x128xf32, #tpu.memory_space<vmem>>, vector<1x128xf32>
    tpu.vector_store %arg13[%swap3A_83, %swap3A_84], %max3A_82 {strides = array<i32>} : memref<16x128xf32, #tpu.memory_space<vmem>>, vector<1x128xf32>,
    %jit3A_86 = arith.constant -3.400000e+38 : f32
    %broadcast_in_dim3A_87 = vector.shape_cast %eq3A_73 : vector<512x1xi1> to vector<512x1xi1>
    %broadcast_in_dim3A_88 = vector.broadcast %broadcast_in_dim3A_87 : vector<512x1xi1> to vector<512x256xi1>
    %broadcast_in_dim3A_89 = vector.broadcast %jit3A_86 : f32 to vector<512x256xf32>
    %select_n3A_90 = arith.select %broadcast_in_dim3A_88, %max3A_32, %broadcast_in_dim3A_89 : vector<512x256xi1>, vector<512x256xf32>
    %reduce_max3A_91 = arith.constant dense<0xFF800000> : vector<256xf32>
    %reduce_max3A_92 = vector.multi_reduction <maximumf>, %select_n3A_90, %reduce_max3A_91 [0] : vector<512x256xf32> to vector<256xf32>
    %broadcast_in_dim3A_93 = vector.shape_cast %reduce_max3A_92 : vector<256xf32> to vector<1x256xf32>
    %get3A_94 = arith.constant 0 : index
    %get3A_95 = arith.constant 0 : index
    %get3A_96 = vector.load %arg14[%get3A_94, %get3A_95] : memref<16x256xf32, #tpu.memory_space<vmem>>, vector<1x256xf32>
    %max3A_97 = arith.maximumf %get3A_96, %broadcast_in_dim3A_93 : vector<1x256xf32>
    %swap3A_98 = arith.constant 0 : index
    %swap3A_99 = arith.constant 0 : index
    %swap3A_100 = vector.load %arg14[%swap3A_98, %swap3A_99] : memref<16x256xf32, #tpu.memory_space<vmem>>, vector<1x256xf32>
    tpu.vector_store %arg14[%swap3A_98, %swap3A_99], %max3A_97 {strides = array<i32>} : memref<16x256xf32, #tpu.memory_space<vmem>>, vector<1x256xf32>,
    %eq3A_101 = arith.constant 1 : i32
    %eq3A_102 = vector.broadcast %eq3A_101 : i32 to vector<512x1xi32>
    %eq3A_103 = arith.cmpi eq, %get3A_40, %eq3A_102 : vector<512x1xi32>
    %jit3A_104 = arith.constant -3.400000e+38 : f32
    %broadcast_in_dim3A_105 = vector.shape_cast %eq3A_103 : vector<512x1xi1> to vector<512x1xi1>
    %broadcast_in_dim3A_106 = vector.broadcast %broadcast_in_dim3A_105 : vector<512x1xi1> to vector<512x128xi1>
    %broadcast_in_dim3A_107 = vector.broadcast %jit3A_104 : f32 to vector<512x128xf32>
    %select_n3A_108 = arith.select %broadcast_in_dim3A_106, %get3A_35, %broadcast_in_dim3A_107 : vector<512x128xi1>, vector<512x128xf32>
    %reduce_max3A_109 = arith.constant dense<0xFF800000> : vector<128xf32>
    %reduce_max3A_110 = vector.multi_reduction <maximumf>, %select_n3A_108, %reduce_max3A_109 [0] : vector<512x128xf32> to vector<128xf32>
    %broadcast_in_dim3A_111 = vector.shape_cast %reduce_max3A_110 : vector<128xf32> to vector<1x128xf32>
    %get3A_112 = arith.constant 1 : index
    %get3A_113 = arith.constant 0 : index
    %get3A_114 = vector.load %arg13[%get3A_112, %get3A_113] : memref<16x128xf32, #tpu.memory_space<vmem>>, vector<1x128xf32>
    %max3A_115 = arith.maximumf %get3A_114, %broadcast_in_dim3A_111 : vector<1x128xf32>
    %swap3A_116 = arith.constant 1 : index
    %swap3A_117 = arith.constant 0 : index
    %swap3A_118 = vector.load %arg13[%swap3A_116, %swap3A_117] : memref<16x128xf32, #tpu.memory_space<vmem>>, vector<1x128xf32>
    tpu.vector_store %arg13[%swap3A_116, %swap3A_117], %max3A_115 {strides = array<i32>} : memref<16x128xf32, #tpu.memory_space<vmem>>, vector<1x128xf32>,
    %jit3A_119 = arith.constant -3.400000e+38 : f32
    %broadcast_in_dim3A_120 = vector.shape_cast %eq3A_103 : vector<512x1xi1> to vector<512x1xi1>
    %broadcast_in_dim3A_121 = vector.broadcast %broadcast_in_dim3A_120 : vector<512x1xi1> to vector<512x256xi1>
    %broadcast_in_dim3A_122 = vector.broadcast %jit3A_119 : f32 to vector<512x256xf32>
    %select_n3A_123 = arith.select %broadcast_in_dim3A_121, %max3A_32, %broadcast_in_dim3A_122 : vector<512x256xi1>, vector<512x256xf32>
    %reduce_max3A_124 = arith.constant dense<0xFF800000> : vector<256xf32>
    %reduce_max3A_125 = vector.multi_reduction <maximumf>, %select_n3A_123, %reduce_max3A_124 [0] : vector<512x256xf32> to vector<256xf32>
    %broadcast_in_dim3A_126 = vector.shape_cast %reduce_max3A_125 : vector<256xf32> to vector<1x256xf32>
    %get3A_127 = arith.constant 1 : index
    %get3A_128 = arith.constant 0 : index
    %get3A_129 = vector.load %arg14[%get3A_127, %get3A_128] : memref<16x256xf32, #tpu.memory_space<vmem>>, vector<1x256xf32>
    %max3A_130 = arith.maximumf %get3A_129, %broadcast_in_dim3A_126 : vector<1x256xf32>
    %swap3A_131 = arith.constant 1 : index
    %swap3A_132 = arith.constant 0 : index
    %swap3A_133 = vector.load %arg14[%swap3A_131, %swap3A_132] : memref<16x256xf32, #tpu.memory_space<vmem>>, vector<1x256xf32>
    tpu.vector_store %arg14[%swap3A_131, %swap3A_132], %max3A_130 {strides = array<i32>} : memref<16x256xf32, #tpu.memory_space<vmem>>, vector<1x256xf32>,
    %eq3A_134 = arith.constant 2 : i32
    %eq3A_135 = vector.broadcast %eq3A_134 : i32 to vector<512x1xi32>
    %eq3A_136 = arith.cmpi eq, %get3A_40, %eq3A_135 : vector<512x1xi32>
    %jit3A_137 = arith.constant -3.400000e+38 : f32
    %broadcast_in_dim3A_138 = vector.shape_cast %eq3A_136 : vector<512x1xi1> to vector<512x1xi1>
    %broadcast_in_dim3A_139 = vector.broadcast %broadcast_in_dim3A_138 : vector<512x1xi1> to vector<512x128xi1>
    %broadcast_in_dim3A_140 = vector.broadcast %jit3A_137 : f32 to vector<512x128xf32>
    %select_n3A_141 = arith.select %broadcast_in_dim3A_139, %get3A_35, %broadcast_in_dim3A_140 : vector<512x128xi1>, vector<512x128xf32>
    %reduce_max3A_142 = arith.constant dense<0xFF800000> : vector<128xf32>
    %reduce_max3A_143 = vector.multi_reduction <maximumf>, %select_n3A_141, %reduce_max3A_142 [0] : vector<512x128xf32> to vector<128xf32>
    %broadcast_in_dim3A_144 = vector.shape_cast %reduce_max3A_143 : vector<128xf32> to vector<1x128xf32>
    %get3A_145 = arith.constant 2 : index
    %get3A_146 = arith.constant 0 : index
    %get3A_147 = vector.load %arg13[%get3A_145, %get3A_146] : memref<16x128xf32, #tpu.memory_space<vmem>>, vector<1x128xf32>
    %max3A_148 = arith.maximumf %get3A_147, %broadcast_in_dim3A_144 : vector<1x128xf32>
    %swap3A_149 = arith.constant 2 : index
    %swap3A_150 = arith.constant 0 : index
    %swap3A_151 = vector.load %arg13[%swap3A_149, %swap3A_150] : memref<16x128xf32, #tpu.memory_space<vmem>>, vector<1x128xf32>
    tpu.vector_store %arg13[%swap3A_149, %swap3A_150], %max3A_148 {strides = array<i32>} : memref<16x128xf32, #tpu.memory_space<vmem>>, vector<1x128xf32>,
    %jit3A_152 = arith.constant -3.400000e+38 : f32
    %broadcast_in_dim3A_153 = vector.shape_cast %eq3A_136 : vector<512x1xi1> to vector<512x1xi1>
    %broadcast_in_dim3A_154 = vector.broadcast %broadcast_in_dim3A_153 : vector<512x1xi1> to vector<512x256xi1>
    %broadcast_in_dim3A_155 = vector.broadcast %jit3A_152 : f32 to vector<512x256xf32>
    %select_n3A_156 = arith.select %broadcast_in_dim3A_154, %max3A_32, %broadcast_in_dim3A_155 : vector<512x256xi1>, vector<512x256xf32>
    %reduce_max3A_157 = arith.constant dense<0xFF800000> : vector<256xf32>
    %reduce_max3A_158 = vector.multi_reduction <maximumf>, %select_n3A_156, %reduce_max3A_157 [0] : vector<512x256xf32> to vector<256xf32>
    %broadcast_in_dim3A_159 = vector.shape_cast %reduce_max3A_158 : vector<256xf32> to vector<1x256xf32>
    %get3A_160 = arith.constant 2 : index
    %get3A_161 = arith.constant 0 : index
    %get3A_162 = vector.load %arg14[%get3A_160, %get3A_161] : memref<16x256xf32, #tpu.memory_space<vmem>>, vector<1x256xf32>
    %max3A_163 = arith.maximumf %get3A_162, %broadcast_in_dim3A_159 : vector<1x256xf32>
    %swap3A_164 = arith.constant 2 : index
    %swap3A_165 = arith.constant 0 : index
    %swap3A_166 = vector.load %arg14[%swap3A_164, %swap3A_165] : memref<16x256xf32, #tpu.memory_space<vmem>>, vector<1x256xf32>
    tpu.vector_store %arg14[%swap3A_164, %swap3A_165], %max3A_163 {strides = array<i32>} : memref<16x256xf32, #tpu.memory_space<vmem>>, vector<1x256xf32>,
    %eq3A_167 = arith.constant 3 : i32
    %eq3A_168 = vector.broadcast %eq3A_167 : i32 to vector<512x1xi32>
    %eq3A_169 = arith.cmpi eq, %get3A_40, %eq3A_168 : vector<512x1xi32>
    %jit3A_170 = arith.constant -3.400000e+38 : f32
    %broadcast_in_dim3A_171 = vector.shape_cast %eq3A_169 : vector<512x1xi1> to vector<512x1xi1>
    %broadcast_in_dim3A_172 = vector.broadcast %broadcast_in_dim3A_171 : vector<512x1xi1> to vector<512x128xi1>
    %broadcast_in_dim3A_173 = vector.broadcast %jit3A_170 : f32 to vector<512x128xf32>
    %select_n3A_174 = arith.select %broadcast_in_dim3A_172, %get3A_35, %broadcast_in_dim3A_173 : vector<512x128xi1>, vector<512x128xf32>
    %reduce_max3A_175 = arith.constant dense<0xFF800000> : vector<128xf32>
    %reduce_max3A_176 = vector.multi_reduction <maximumf>, %select_n3A_174, %reduce_max3A_175 [0] : vector<512x128xf32> to vector<128xf32>
    %broadcast_in_dim3A_177 = vector.shape_cast %reduce_max3A_176 : vector<128xf32> to vector<1x128xf32>
    %get3A_178 = arith.constant 3 : index
    %get3A_179 = arith.constant 0 : index
    %get3A_180 = vector.load %arg13[%get3A_178, %get3A_179] : memref<16x128xf32, #tpu.memory_space<vmem>>, vector<1x128xf32>
    %max3A_181 = arith.maximumf %get3A_180, %broadcast_in_dim3A_177 : vector<1x128xf32>
    %swap3A_182 = arith.constant 3 : index
    %swap3A_183 = arith.constant 0 : index
    %swap3A_184 = vector.load %arg13[%swap3A_182, %swap3A_183] : memref<16x128xf32, #tpu.memory_space<vmem>>, vector<1x128xf32>
    tpu.vector_store %arg13[%swap3A_182, %swap3A_183], %max3A_181 {strides = array<i32>} : memref<16x128xf32, #tpu.memory_space<vmem>>, vector<1x128xf32>,
    %jit3A_185 = arith.constant -3.400000e+38 : f32
    %broadcast_in_dim3A_186 = vector.shape_cast %eq3A_169 : vector<512x1xi1> to vector<512x1xi1>
    %broadcast_in_dim3A_187 = vector.broadcast %broadcast_in_dim3A_186 : vector<512x1xi1> to vector<512x256xi1>
    %broadcast_in_dim3A_188 = vector.broadcast %jit3A_185 : f32 to vector<512x256xf32>
    %select_n3A_189 = arith.select %broadcast_in_dim3A_187, %max3A_32, %broadcast_in_dim3A_188 : vector<512x256xi1>, vector<512x256xf32>
    %reduce_max3A_190 = arith.constant dense<0xFF800000> : vector<256xf32>
    %reduce_max3A_191 = vector.multi_reduction <maximumf>, %select_n3A_189, %reduce_max3A_190 [0] : vector<512x256xf32> to vector<256xf32>
    %broadcast_in_dim3A_192 = vector.shape_cast %reduce_max3A_191 : vector<256xf32> to vector<1x256xf32>
    %get3A_193 = arith.constant 3 : index
    %get3A_194 = arith.constant 0 : index
    %get3A_195 = vector.load %arg14[%get3A_193, %get3A_194] : memref<16x256xf32, #tpu.memory_space<vmem>>, vector<1x256xf32>
    %max3A_196 = arith.maximumf %get3A_195, %broadcast_in_dim3A_192 : vector<1x256xf32>
    %swap3A_197 = arith.constant 3 : index
    %swap3A_198 = arith.constant 0 : index
    %swap3A_199 = vector.load %arg14[%swap3A_197, %swap3A_198] : memref<16x256xf32, #tpu.memory_space<vmem>>, vector<1x256xf32>
    tpu.vector_store %arg14[%swap3A_197, %swap3A_198], %max3A_196 {strides = array<i32>} : memref<16x256xf32, #tpu.memory_space<vmem>>, vector<1x256xf32>,
    %eq3A_200 = arith.constant 4 : i32
    %eq3A_201 = vector.broadcast %eq3A_200 : i32 to vector<512x1xi32>
    %eq3A_202 = arith.cmpi eq, %get3A_40, %eq3A_201 : vector<512x1xi32>
    %jit3A_203 = arith.constant -3.400000e+38 : f32
    %broadcast_in_dim3A_204 = vector.shape_cast %eq3A_202 : vector<512x1xi1> to vector<512x1xi1>
    %broadcast_in_dim3A_205 = vector.broadcast %broadcast_in_dim3A_204 : vector<512x1xi1> to vector<512x128xi1>
    %broadcast_in_dim3A_206 = vector.broadcast %jit3A_203 : f32 to vector<512x128xf32>
    %select_n3A_207 = arith.select %broadcast_in_dim3A_205, %get3A_35, %broadcast_in_dim3A_206 : vector<512x128xi1>, vector<512x128xf32>
    %reduce_max3A_208 = arith.constant dense<0xFF800000> : vector<128xf32>
    %reduce_max3A_209 = vector.multi_reduction <maximumf>, %select_n3A_207, %reduce_max3A_208 [0] : vector<512x128xf32> to vector<128xf32>
    %broadcast_in_dim3A_210 = vector.shape_cast %reduce_max3A_209 : vector<128xf32> to vector<1x128xf32>
    %get3A_211 = arith.constant 4 : index
    %get3A_212 = arith.constant 0 : index
    %get3A_213 = vector.load %arg13[%get3A_211, %get3A_212] : memref<16x128xf32, #tpu.memory_space<vmem>>, vector<1x128xf32>
    %max3A_214 = arith.maximumf %get3A_213, %broadcast_in_dim3A_210 : vector<1x128xf32>
    %swap3A_215 = arith.constant 4 : index
    %swap3A_216 = arith.constant 0 : index
    %swap3A_217 = vector.load %arg13[%swap3A_215, %swap3A_216] : memref<16x128xf32, #tpu.memory_space<vmem>>, vector<1x128xf32>
    tpu.vector_store %arg13[%swap3A_215, %swap3A_216], %max3A_214 {strides = array<i32>} : memref<16x128xf32, #tpu.memory_space<vmem>>, vector<1x128xf32>,
    %jit3A_218 = arith.constant -3.400000e+38 : f32
    %broadcast_in_dim3A_219 = vector.shape_cast %eq3A_202 : vector<512x1xi1> to vector<512x1xi1>
    %broadcast_in_dim3A_220 = vector.broadcast %broadcast_in_dim3A_219 : vector<512x1xi1> to vector<512x256xi1>
    %broadcast_in_dim3A_221 = vector.broadcast %jit3A_218 : f32 to vector<512x256xf32>
    %select_n3A_222 = arith.select %broadcast_in_dim3A_220, %max3A_32, %broadcast_in_dim3A_221 : vector<512x256xi1>, vector<512x256xf32>
    %reduce_max3A_223 = arith.constant dense<0xFF800000> : vector<256xf32>
    %reduce_max3A_224 = vector.multi_reduction <maximumf>, %select_n3A_222, %reduce_max3A_223 [0] : vector<512x256xf32> to vector<256xf32>
    %broadcast_in_dim3A_225 = vector.shape_cast %reduce_max3A_224 : vector<256xf32> to vector<1x256xf32>
    %get3A_226 = arith.constant 4 : index
    %get3A_227 = arith.constant 0 : index
    %get3A_228 = vector.load %arg14[%get3A_226, %get3A_227] : memref<16x256xf32, #tpu.memory_space<vmem>>, vector<1x256xf32>
    %max3A_229 = arith.maximumf %get3A_228, %broadcast_in_dim3A_225 : vector<1x256xf32>
    %swap3A_230 = arith.constant 4 : index
    %swap3A_231 = arith.constant 0 : index
    %swap3A_232 = vector.load %arg14[%swap3A_230, %swap3A_231] : memref<16x256xf32, #tpu.memory_space<vmem>>, vector<1x256xf32>
    tpu.vector_store %arg14[%swap3A_230, %swap3A_231], %max3A_229 {strides = array<i32>} : memref<16x256xf32, #tpu.memory_space<vmem>>, vector<1x256xf32>,
    %eq3A_233 = arith.constant 5 : i32
    %eq3A_234 = vector.broadcast %eq3A_233 : i32 to vector<512x1xi32>
    %eq3A_235 = arith.cmpi eq, %get3A_40, %eq3A_234 : vector<512x1xi32>
    %jit3A_236 = arith.constant -3.400000e+38 : f32
    %broadcast_in_dim3A_237 = vector.shape_cast %eq3A_235 : vector<512x1xi1> to vector<512x1xi1>
    %broadcast_in_dim3A_238 = vector.broadcast %broadcast_in_dim3A_237 : vector<512x1xi1> to vector<512x128xi1>
    %broadcast_in_dim3A_239 = vector.broadcast %jit3A_236 : f32 to vector<512x128xf32>
    %select_n3A_240 = arith.select %broadcast_in_dim3A_238, %get3A_35, %broadcast_in_dim3A_239 : vector<512x128xi1>, vector<512x128xf32>
    %reduce_max3A_241 = arith.constant dense<0xFF800000> : vector<128xf32>
    %reduce_max3A_242 = vector.multi_reduction <maximumf>, %select_n3A_240, %reduce_max3A_241 [0] : vector<512x128xf32> to vector<128xf32>
    %broadcast_in_dim3A_243 = vector.shape_cast %reduce_max3A_242 : vector<128xf32> to vector<1x128xf32>
    %get3A_244 = arith.constant 5 : index
    %get3A_245 = arith.constant 0 : index
    %get3A_246 = vector.load %arg13[%get3A_244, %get3A_245] : memref<16x128xf32, #tpu.memory_space<vmem>>, vector<1x128xf32>
    %max3A_247 = arith.maximumf %get3A_246, %broadcast_in_dim3A_243 : vector<1x128xf32>
    %swap3A_248 = arith.constant 5 : index
    %swap3A_249 = arith.constant 0 : index
    %swap3A_250 = vector.load %arg13[%swap3A_248, %swap3A_249] : memref<16x128xf32, #tpu.memory_space<vmem>>, vector<1x128xf32>
    tpu.vector_store %arg13[%swap3A_248, %swap3A_249], %max3A_247 {strides = array<i32>} : memref<16x128xf32, #tpu.memory_space<vmem>>, vector<1x128xf32>,
    %jit3A_251 = arith.constant -3.400000e+38 : f32
    %broadcast_in_dim3A_252 = vector.shape_cast %eq3A_235 : vector<512x1xi1> to vector<512x1xi1>
    %broadcast_in_dim3A_253 = vector.broadcast %broadcast_in_dim3A_252 : vector<512x1xi1> to vector<512x256xi1>
    %broadcast_in_dim3A_254 = vector.broadcast %jit3A_251 : f32 to vector<512x256xf32>
    %select_n3A_255 = arith.select %broadcast_in_dim3A_253, %max3A_32, %broadcast_in_dim3A_254 : vector<512x256xi1>, vector<512x256xf32>
    %reduce_max3A_256 = arith.constant dense<0xFF800000> : vector<256xf32>
    %reduce_max3A_257 = vector.multi_reduction <maximumf>, %select_n3A_255, %reduce_max3A_256 [0] : vector<512x256xf32> to vector<256xf32>
    %broadcast_in_dim3A_258 = vector.shape_cast %reduce_max3A_257 : vector<256xf32> to vector<1x256xf32>
    %get3A_259 = arith.constant 5 : index
    %get3A_260 = arith.constant 0 : index
    %get3A_261 = vector.load %arg14[%get3A_259, %get3A_260] : memref<16x256xf32, #tpu.memory_space<vmem>>, vector<1x256xf32>
    %max3A_262 = arith.maximumf %get3A_261, %broadcast_in_dim3A_258 : vector<1x256xf32>
    %swap3A_263 = arith.constant 5 : index
    %swap3A_264 = arith.constant 0 : index
    %swap3A_265 = vector.load %arg14[%swap3A_263, %swap3A_264] : memref<16x256xf32, #tpu.memory_space<vmem>>, vector<1x256xf32>
    tpu.vector_store %arg14[%swap3A_263, %swap3A_264], %max3A_262 {strides = array<i32>} : memref<16x256xf32, #tpu.memory_space<vmem>>, vector<1x256xf32>,
    %eq3A_266 = arith.constant 6 : i32
    %eq3A_267 = vector.broadcast %eq3A_266 : i32 to vector<512x1xi32>
    %eq3A_268 = arith.cmpi eq, %get3A_40, %eq3A_267 : vector<512x1xi32>
    %jit3A_269 = arith.constant -3.400000e+38 : f32
    %broadcast_in_dim3A_270 = vector.shape_cast %eq3A_268 : vector<512x1xi1> to vector<512x1xi1>
    %broadcast_in_dim3A_271 = vector.broadcast %broadcast_in_dim3A_270 : vector<512x1xi1> to vector<512x128xi1>
    %broadcast_in_dim3A_272 = vector.broadcast %jit3A_269 : f32 to vector<512x128xf32>
    %select_n3A_273 = arith.select %broadcast_in_dim3A_271, %get3A_35, %broadcast_in_dim3A_272 : vector<512x128xi1>, vector<512x128xf32>
    %reduce_max3A_274 = arith.constant dense<0xFF800000> : vector<128xf32>
    %reduce_max3A_275 = vector.multi_reduction <maximumf>, %select_n3A_273, %reduce_max3A_274 [0] : vector<512x128xf32> to vector<128xf32>
    %broadcast_in_dim3A_276 = vector.shape_cast %reduce_max3A_275 : vector<128xf32> to vector<1x128xf32>
    %get3A_277 = arith.constant 6 : index
    %get3A_278 = arith.constant 0 : index
    %get3A_279 = vector.load %arg13[%get3A_277, %get3A_278] : memref<16x128xf32, #tpu.memory_space<vmem>>, vector<1x128xf32>
    %max3A_280 = arith.maximumf %get3A_279, %broadcast_in_dim3A_276 : vector<1x128xf32>
    %swap3A_281 = arith.constant 6 : index
    %swap3A_282 = arith.constant 0 : index
    %swap3A_283 = vector.load %arg13[%swap3A_281, %swap3A_282] : memref<16x128xf32, #tpu.memory_space<vmem>>, vector<1x128xf32>
    tpu.vector_store %arg13[%swap3A_281, %swap3A_282], %max3A_280 {strides = array<i32>} : memref<16x128xf32, #tpu.memory_space<vmem>>, vector<1x128xf32>,
    %jit3A_284 = arith.constant -3.400000e+38 : f32
    %broadcast_in_dim3A_285 = vector.shape_cast %eq3A_268 : vector<512x1xi1> to vector<512x1xi1>
    %broadcast_in_dim3A_286 = vector.broadcast %broadcast_in_dim3A_285 : vector<512x1xi1> to vector<512x256xi1>
    %broadcast_in_dim3A_287 = vector.broadcast %jit3A_284 : f32 to vector<512x256xf32>
    %select_n3A_288 = arith.select %broadcast_in_dim3A_286, %max3A_32, %broadcast_in_dim3A_287 : vector<512x256xi1>, vector<512x256xf32>
    %reduce_max3A_289 = arith.constant dense<0xFF800000> : vector<256xf32>
    %reduce_max3A_290 = vector.multi_reduction <maximumf>, %select_n3A_288, %reduce_max3A_289 [0] : vector<512x256xf32> to vector<256xf32>
    %broadcast_in_dim3A_291 = vector.shape_cast %reduce_max3A_290 : vector<256xf32> to vector<1x256xf32>
    %get3A_292 = arith.constant 6 : index
    %get3A_293 = arith.constant 0 : index
    %get3A_294 = vector.load %arg14[%get3A_292, %get3A_293] : memref<16x256xf32, #tpu.memory_space<vmem>>, vector<1x256xf32>
    %max3A_295 = arith.maximumf %get3A_294, %broadcast_in_dim3A_291 : vector<1x256xf32>
    %swap3A_296 = arith.constant 6 : index
    %swap3A_297 = arith.constant 0 : index
    %swap3A_298 = vector.load %arg14[%swap3A_296, %swap3A_297] : memref<16x256xf32, #tpu.memory_space<vmem>>, vector<1x256xf32>
    tpu.vector_store %arg14[%swap3A_296, %swap3A_297], %max3A_295 {strides = array<i32>} : memref<16x256xf32, #tpu.memory_space<vmem>>, vector<1x256xf32>,
    %eq3A_299 = arith.constant 7 : i32
    %eq3A_300 = vector.broadcast %eq3A_299 : i32 to vector<512x1xi32>
    %eq3A_301 = arith.cmpi eq, %get3A_40, %eq3A_300 : vector<512x1xi32>
    %jit3A_302 = arith.constant -3.400000e+38 : f32
    %broadcast_in_dim3A_303 = vector.shape_cast %eq3A_301 : vector<512x1xi1> to vector<512x1xi1>
    %broadcast_in_dim3A_304 = vector.broadcast %broadcast_in_dim3A_303 : vector<512x1xi1> to vector<512x128xi1>
    %broadcast_in_dim3A_305 = vector.broadcast %jit3A_302 : f32 to vector<512x128xf32>
    %select_n3A_306 = arith.select %broadcast_in_dim3A_304, %get3A_35, %broadcast_in_dim3A_305 : vector<512x128xi1>, vector<512x128xf32>
    %reduce_max3A_307 = arith.constant dense<0xFF800000> : vector<128xf32>
    %reduce_max3A_308 = vector.multi_reduction <maximumf>, %select_n3A_306, %reduce_max3A_307 [0] : vector<512x128xf32> to vector<128xf32>
    %broadcast_in_dim3A_309 = vector.shape_cast %reduce_max3A_308 : vector<128xf32> to vector<1x128xf32>
    %get3A_310 = arith.constant 7 : index
    %get3A_311 = arith.constant 0 : index
    %get3A_312 = vector.load %arg13[%get3A_310, %get3A_311] : memref<16x128xf32, #tpu.memory_space<vmem>>, vector<1x128xf32>
    %max3A_313 = arith.maximumf %get3A_312, %broadcast_in_dim3A_309 : vector<1x128xf32>
    %swap3A_314 = arith.constant 7 : index
    %swap3A_315 = arith.constant 0 : index
    %swap3A_316 = vector.load %arg13[%swap3A_314, %swap3A_315] : memref<16x128xf32, #tpu.memory_space<vmem>>, vector<1x128xf32>
    tpu.vector_store %arg13[%swap3A_314, %swap3A_315], %max3A_313 {strides = array<i32>} : memref<16x128xf32, #tpu.memory_space<vmem>>, vector<1x128xf32>,
    %jit3A_317 = arith.constant -3.400000e+38 : f32
    %broadcast_in_dim3A_318 = vector.shape_cast %eq3A_301 : vector<512x1xi1> to vector<512x1xi1>
    %broadcast_in_dim3A_319 = vector.broadcast %broadcast_in_dim3A_318 : vector<512x1xi1> to vector<512x256xi1>
    %broadcast_in_dim3A_320 = vector.broadcast %jit3A_317 : f32 to vector<512x256xf32>
    %select_n3A_321 = arith.select %broadcast_in_dim3A_319, %max3A_32, %broadcast_in_dim3A_320 : vector<512x256xi1>, vector<512x256xf32>
    %reduce_max3A_322 = arith.constant dense<0xFF800000> : vector<256xf32>
    %reduce_max3A_323 = vector.multi_reduction <maximumf>, %select_n3A_321, %reduce_max3A_322 [0] : vector<512x256xf32> to vector<256xf32>
    %broadcast_in_dim3A_324 = vector.shape_cast %reduce_max3A_323 : vector<256xf32> to vector<1x256xf32>
    %get3A_325 = arith.constant 7 : index
    %get3A_326 = arith.constant 0 : index
    %get3A_327 = vector.load %arg14[%get3A_325, %get3A_326] : memref<16x256xf32, #tpu.memory_space<vmem>>, vector<1x256xf32>
    %max3A_328 = arith.maximumf %get3A_327, %broadcast_in_dim3A_324 : vector<1x256xf32>
    %swap3A_329 = arith.constant 7 : index
    %swap3A_330 = arith.constant 0 : index
    %swap3A_331 = vector.load %arg14[%swap3A_329, %swap3A_330] : memref<16x256xf32, #tpu.memory_space<vmem>>, vector<1x256xf32>
    tpu.vector_store %arg14[%swap3A_329, %swap3A_330], %max3A_328 {strides = array<i32>} : memref<16x256xf32, #tpu.memory_space<vmem>>, vector<1x256xf32>,
    %eq3A_332 = arith.constant 8 : i32
    %eq3A_333 = vector.broadcast %eq3A_332 : i32 to vector<512x1xi32>
    %eq3A_334 = arith.cmpi eq, %get3A_40, %eq3A_333 : vector<512x1xi32>
    %jit3A_335 = arith.constant -3.400000e+38 : f32
    %broadcast_in_dim3A_336 = vector.shape_cast %eq3A_334 : vector<512x1xi1> to vector<512x1xi1>
    %broadcast_in_dim3A_337 = vector.broadcast %broadcast_in_dim3A_336 : vector<512x1xi1> to vector<512x128xi1>
    %broadcast_in_dim3A_338 = vector.broadcast %jit3A_335 : f32 to vector<512x128xf32>
    %select_n3A_339 = arith.select %broadcast_in_dim3A_337, %get3A_35, %broadcast_in_dim3A_338 : vector<512x128xi1>, vector<512x128xf32>
    %reduce_max3A_340 = arith.constant dense<0xFF800000> : vector<128xf32>
    %reduce_max3A_341 = vector.multi_reduction <maximumf>, %select_n3A_339, %reduce_max3A_340 [0] : vector<512x128xf32> to vector<128xf32>
    %broadcast_in_dim3A_342 = vector.shape_cast %reduce_max3A_341 : vector<128xf32> to vector<1x128xf32>
    %get3A_343 = arith.constant 8 : index
    %get3A_344 = arith.constant 0 : index
    %get3A_345 = vector.load %arg13[%get3A_343, %get3A_344] : memref<16x128xf32, #tpu.memory_space<vmem>>, vector<1x128xf32>
    %max3A_346 = arith.maximumf %get3A_345, %broadcast_in_dim3A_342 : vector<1x128xf32>
    %swap3A_347 = arith.constant 8 : index
    %swap3A_348 = arith.constant 0 : index
    %swap3A_349 = vector.load %arg13[%swap3A_347, %swap3A_348] : memref<16x128xf32, #tpu.memory_space<vmem>>, vector<1x128xf32>
    tpu.vector_store %arg13[%swap3A_347, %swap3A_348], %max3A_346 {strides = array<i32>} : memref<16x128xf32, #tpu.memory_space<vmem>>, vector<1x128xf32>,
    %jit3A_350 = arith.constant -3.400000e+38 : f32
    %broadcast_in_dim3A_351 = vector.shape_cast %eq3A_334 : vector<512x1xi1> to vector<512x1xi1>
    %broadcast_in_dim3A_352 = vector.broadcast %broadcast_in_dim3A_351 : vector<512x1xi1> to vector<512x256xi1>
    %broadcast_in_dim3A_353 = vector.broadcast %jit3A_350 : f32 to vector<512x256xf32>
    %select_n3A_354 = arith.select %broadcast_in_dim3A_352, %max3A_32, %broadcast_in_dim3A_353 : vector<512x256xi1>, vector<512x256xf32>
    %reduce_max3A_355 = arith.constant dense<0xFF800000> : vector<256xf32>
    %reduce_max3A_356 = vector.multi_reduction <maximumf>, %select_n3A_354, %reduce_max3A_355 [0] : vector<512x256xf32> to vector<256xf32>
    %broadcast_in_dim3A_357 = vector.shape_cast %reduce_max3A_356 : vector<256xf32> to vector<1x256xf32>
    %get3A_358 = arith.constant 8 : index
    %get3A_359 = arith.constant 0 : index
    %get3A_360 = vector.load %arg14[%get3A_358, %get3A_359] : memref<16x256xf32, #tpu.memory_space<vmem>>, vector<1x256xf32>
    %max3A_361 = arith.maximumf %get3A_360, %broadcast_in_dim3A_357 : vector<1x256xf32>
    %swap3A_362 = arith.constant 8 : index
    %swap3A_363 = arith.constant 0 : index
    %swap3A_364 = vector.load %arg14[%swap3A_362, %swap3A_363] : memref<16x256xf32, #tpu.memory_space<vmem>>, vector<1x256xf32>
    tpu.vector_store %arg14[%swap3A_362, %swap3A_363], %max3A_361 {strides = array<i32>} : memref<16x256xf32, #tpu.memory_space<vmem>>, vector<1x256xf32>,
    %eq3A_365 = arith.constant 9 : i32
    %eq3A_366 = vector.broadcast %eq3A_365 : i32 to vector<512x1xi32>
    %eq3A_367 = arith.cmpi eq, %get3A_40, %eq3A_366 : vector<512x1xi32>
    %jit3A_368 = arith.constant -3.400000e+38 : f32
    %broadcast_in_dim3A_369 = vector.shape_cast %eq3A_367 : vector<512x1xi1> to vector<512x1xi1>
    %broadcast_in_dim3A_370 = vector.broadcast %broadcast_in_dim3A_369 : vector<512x1xi1> to vector<512x128xi1>
    %broadcast_in_dim3A_371 = vector.broadcast %jit3A_368 : f32 to vector<512x128xf32>
    %select_n3A_372 = arith.select %broadcast_in_dim3A_370, %get3A_35, %broadcast_in_dim3A_371 : vector<512x128xi1>, vector<512x128xf32>
    %reduce_max3A_373 = arith.constant dense<0xFF800000> : vector<128xf32>
    %reduce_max3A_374 = vector.multi_reduction <maximumf>, %select_n3A_372, %reduce_max3A_373 [0] : vector<512x128xf32> to vector<128xf32>
    %broadcast_in_dim3A_375 = vector.shape_cast %reduce_max3A_374 : vector<128xf32> to vector<1x128xf32>
    %get3A_376 = arith.constant 9 : index
    %get3A_377 = arith.constant 0 : index
    %get3A_378 = vector.load %arg13[%get3A_376, %get3A_377] : memref<16x128xf32, #tpu.memory_space<vmem>>, vector<1x128xf32>
    %max3A_379 = arith.maximumf %get3A_378, %broadcast_in_dim3A_375 : vector<1x128xf32>
    %swap3A_380 = arith.constant 9 : index
    %swap3A_381 = arith.constant 0 : index
    %swap3A_382 = vector.load %arg13[%swap3A_380, %swap3A_381] : memref<16x128xf32, #tpu.memory_space<vmem>>, vector<1x128xf32>
    tpu.vector_store %arg13[%swap3A_380, %swap3A_381], %max3A_379 {strides = array<i32>} : memref<16x128xf32, #tpu.memory_space<vmem>>, vector<1x128xf32>,
    %jit3A_383 = arith.constant -3.400000e+38 : f32
    %broadcast_in_dim3A_384 = vector.shape_cast %eq3A_367 : vector<512x1xi1> to vector<512x1xi1>
    %broadcast_in_dim3A_385 = vector.broadcast %broadcast_in_dim3A_384 : vector<512x1xi1> to vector<512x256xi1>
    %broadcast_in_dim3A_386 = vector.broadcast %jit3A_383 : f32 to vector<512x256xf32>
    %select_n3A_387 = arith.select %broadcast_in_dim3A_385, %max3A_32, %broadcast_in_dim3A_386 : vector<512x256xi1>, vector<512x256xf32>
    %reduce_max3A_388 = arith.constant dense<0xFF800000> : vector<256xf32>
    %reduce_max3A_389 = vector.multi_reduction <maximumf>, %select_n3A_387, %reduce_max3A_388 [0] : vector<512x256xf32> to vector<256xf32>
    %broadcast_in_dim3A_390 = vector.shape_cast %reduce_max3A_389 : vector<256xf32> to vector<1x256xf32>
    %get3A_391 = arith.constant 9 : index
    %get3A_392 = arith.constant 0 : index
    %get3A_393 = vector.load %arg14[%get3A_391, %get3A_392] : memref<16x256xf32, #tpu.memory_space<vmem>>, vector<1x256xf32>
    %max3A_394 = arith.maximumf %get3A_393, %broadcast_in_dim3A_390 : vector<1x256xf32>
    %swap3A_395 = arith.constant 9 : index
    %swap3A_396 = arith.constant 0 : index
    %swap3A_397 = vector.load %arg14[%swap3A_395, %swap3A_396] : memref<16x256xf32, #tpu.memory_space<vmem>>, vector<1x256xf32>
    tpu.vector_store %arg14[%swap3A_395, %swap3A_396], %max3A_394 {strides = array<i32>} : memref<16x256xf32, #tpu.memory_space<vmem>>, vector<1x256xf32>,
    %eq3A_398 = arith.constant 10 : i32
    %eq3A_399 = vector.broadcast %eq3A_398 : i32 to vector<512x1xi32>
    %eq3A_400 = arith.cmpi eq, %get3A_40, %eq3A_399 : vector<512x1xi32>
    %jit3A_401 = arith.constant -3.400000e+38 : f32
    %broadcast_in_dim3A_402 = vector.shape_cast %eq3A_400 : vector<512x1xi1> to vector<512x1xi1>
    %broadcast_in_dim3A_403 = vector.broadcast %broadcast_in_dim3A_402 : vector<512x1xi1> to vector<512x128xi1>
    %broadcast_in_dim3A_404 = vector.broadcast %jit3A_401 : f32 to vector<512x128xf32>
    %select_n3A_405 = arith.select %broadcast_in_dim3A_403, %get3A_35, %broadcast_in_dim3A_404 : vector<512x128xi1>, vector<512x128xf32>
    %reduce_max3A_406 = arith.constant dense<0xFF800000> : vector<128xf32>
    %reduce_max3A_407 = vector.multi_reduction <maximumf>, %select_n3A_405, %reduce_max3A_406 [0] : vector<512x128xf32> to vector<128xf32>
    %broadcast_in_dim3A_408 = vector.shape_cast %reduce_max3A_407 : vector<128xf32> to vector<1x128xf32>
    %get3A_409 = arith.constant 10 : index
    %get3A_410 = arith.constant 0 : index
    %get3A_411 = vector.load %arg13[%get3A_409, %get3A_410] : memref<16x128xf32, #tpu.memory_space<vmem>>, vector<1x128xf32>
    %max3A_412 = arith.maximumf %get3A_411, %broadcast_in_dim3A_408 : vector<1x128xf32>
    %swap3A_413 = arith.constant 10 : index
    %swap3A_414 = arith.constant 0 : index
    %swap3A_415 = vector.load %arg13[%swap3A_413, %swap3A_414] : memref<16x128xf32, #tpu.memory_space<vmem>>, vector<1x128xf32>
    tpu.vector_store %arg13[%swap3A_413, %swap3A_414], %max3A_412 {strides = array<i32>} : memref<16x128xf32, #tpu.memory_space<vmem>>, vector<1x128xf32>,
    %jit3A_416 = arith.constant -3.400000e+38 : f32
    %broadcast_in_dim3A_417 = vector.shape_cast %eq3A_400 : vector<512x1xi1> to vector<512x1xi1>
    %broadcast_in_dim3A_418 = vector.broadcast %broadcast_in_dim3A_417 : vector<512x1xi1> to vector<512x256xi1>
    %broadcast_in_dim3A_419 = vector.broadcast %jit3A_416 : f32 to vector<512x256xf32>
    %select_n3A_420 = arith.select %broadcast_in_dim3A_418, %max3A_32, %broadcast_in_dim3A_419 : vector<512x256xi1>, vector<512x256xf32>
    %reduce_max3A_421 = arith.constant dense<0xFF800000> : vector<256xf32>
    %reduce_max3A_422 = vector.multi_reduction <maximumf>, %select_n3A_420, %reduce_max3A_421 [0] : vector<512x256xf32> to vector<256xf32>
    %broadcast_in_dim3A_423 = vector.shape_cast %reduce_max3A_422 : vector<256xf32> to vector<1x256xf32>
    %get3A_424 = arith.constant 10 : index
    %get3A_425 = arith.constant 0 : index
    %get3A_426 = vector.load %arg14[%get3A_424, %get3A_425] : memref<16x256xf32, #tpu.memory_space<vmem>>, vector<1x256xf32>
    %max3A_427 = arith.maximumf %get3A_426, %broadcast_in_dim3A_423 : vector<1x256xf32>
    %swap3A_428 = arith.constant 10 : index
    %swap3A_429 = arith.constant 0 : index
    %swap3A_430 = vector.load %arg14[%swap3A_428, %swap3A_429] : memref<16x256xf32, #tpu.memory_space<vmem>>, vector<1x256xf32>
    tpu.vector_store %arg14[%swap3A_428, %swap3A_429], %max3A_427 {strides = array<i32>} : memref<16x256xf32, #tpu.memory_space<vmem>>, vector<1x256xf32>,
    %eq3A_431 = arith.constant 11 : i32
    %eq3A_432 = vector.broadcast %eq3A_431 : i32 to vector<512x1xi32>
    %eq3A_433 = arith.cmpi eq, %get3A_40, %eq3A_432 : vector<512x1xi32>
    %jit3A_434 = arith.constant -3.400000e+38 : f32
    %broadcast_in_dim3A_435 = vector.shape_cast %eq3A_433 : vector<512x1xi1> to vector<512x1xi1>
    %broadcast_in_dim3A_436 = vector.broadcast %broadcast_in_dim3A_435 : vector<512x1xi1> to vector<512x128xi1>
    %broadcast_in_dim3A_437 = vector.broadcast %jit3A_434 : f32 to vector<512x128xf32>
    %select_n3A_438 = arith.select %broadcast_in_dim3A_436, %get3A_35, %broadcast_in_dim3A_437 : vector<512x128xi1>, vector<512x128xf32>
    %reduce_max3A_439 = arith.constant dense<0xFF800000> : vector<128xf32>
    %reduce_max3A_440 = vector.multi_reduction <maximumf>, %select_n3A_438, %reduce_max3A_439 [0] : vector<512x128xf32> to vector<128xf32>
    %broadcast_in_dim3A_441 = vector.shape_cast %reduce_max3A_440 : vector<128xf32> to vector<1x128xf32>
    %get3A_442 = arith.constant 11 : index
    %get3A_443 = arith.constant 0 : index
    %get3A_444 = vector.load %arg13[%get3A_442, %get3A_443] : memref<16x128xf32, #tpu.memory_space<vmem>>, vector<1x128xf32>
    %max3A_445 = arith.maximumf %get3A_444, %broadcast_in_dim3A_441 : vector<1x128xf32>
    %swap3A_446 = arith.constant 11 : index
    %swap3A_447 = arith.constant 0 : index
    %swap3A_448 = vector.load %arg13[%swap3A_446, %swap3A_447] : memref<16x128xf32, #tpu.memory_space<vmem>>, vector<1x128xf32>
    tpu.vector_store %arg13[%swap3A_446, %swap3A_447], %max3A_445 {strides = array<i32>} : memref<16x128xf32, #tpu.memory_space<vmem>>, vector<1x128xf32>,
    %jit3A_449 = arith.constant -3.400000e+38 : f32
    %broadcast_in_dim3A_450 = vector.shape_cast %eq3A_433 : vector<512x1xi1> to vector<512x1xi1>
    %broadcast_in_dim3A_451 = vector.broadcast %broadcast_in_dim3A_450 : vector<512x1xi1> to vector<512x256xi1>
    %broadcast_in_dim3A_452 = vector.broadcast %jit3A_449 : f32 to vector<512x256xf32>
    %select_n3A_453 = arith.select %broadcast_in_dim3A_451, %max3A_32, %broadcast_in_dim3A_452 : vector<512x256xi1>, vector<512x256xf32>
    %reduce_max3A_454 = arith.constant dense<0xFF800000> : vector<256xf32>
    %reduce_max3A_455 = vector.multi_reduction <maximumf>, %select_n3A_453, %reduce_max3A_454 [0] : vector<512x256xf32> to vector<256xf32>
    %broadcast_in_dim3A_456 = vector.shape_cast %reduce_max3A_455 : vector<256xf32> to vector<1x256xf32>
    %get3A_457 = arith.constant 11 : index
    %get3A_458 = arith.constant 0 : index
    %get3A_459 = vector.load %arg14[%get3A_457, %get3A_458] : memref<16x256xf32, #tpu.memory_space<vmem>>, vector<1x256xf32>
    %max3A_460 = arith.maximumf %get3A_459, %broadcast_in_dim3A_456 : vector<1x256xf32>
    %swap3A_461 = arith.constant 11 : index
    %swap3A_462 = arith.constant 0 : index
    %swap3A_463 = vector.load %arg14[%swap3A_461, %swap3A_462] : memref<16x256xf32, #tpu.memory_space<vmem>>, vector<1x256xf32>
    tpu.vector_store %arg14[%swap3A_461, %swap3A_462], %max3A_460 {strides = array<i32>} : memref<16x256xf32, #tpu.memory_space<vmem>>, vector<1x256xf32>,
    %eq3A_464 = arith.constant 12 : i32
    %eq3A_465 = vector.broadcast %eq3A_464 : i32 to vector<512x1xi32>
    %eq3A_466 = arith.cmpi eq, %get3A_40, %eq3A_465 : vector<512x1xi32>
    %jit3A_467 = arith.constant -3.400000e+38 : f32
    %broadcast_in_dim3A_468 = vector.shape_cast %eq3A_466 : vector<512x1xi1> to vector<512x1xi1>
    %broadcast_in_dim3A_469 = vector.broadcast %broadcast_in_dim3A_468 : vector<512x1xi1> to vector<512x128xi1>
    %broadcast_in_dim3A_470 = vector.broadcast %jit3A_467 : f32 to vector<512x128xf32>
    %select_n3A_471 = arith.select %broadcast_in_dim3A_469, %get3A_35, %broadcast_in_dim3A_470 : vector<512x128xi1>, vector<512x128xf32>
    %reduce_max3A_472 = arith.constant dense<0xFF800000> : vector<128xf32>
    %reduce_max3A_473 = vector.multi_reduction <maximumf>, %select_n3A_471, %reduce_max3A_472 [0] : vector<512x128xf32> to vector<128xf32>
    %broadcast_in_dim3A_474 = vector.shape_cast %reduce_max3A_473 : vector<128xf32> to vector<1x128xf32>
    %get3A_475 = arith.constant 12 : index
    %get3A_476 = arith.constant 0 : index
    %get3A_477 = vector.load %arg13[%get3A_475, %get3A_476] : memref<16x128xf32, #tpu.memory_space<vmem>>, vector<1x128xf32>
    %max3A_478 = arith.maximumf %get3A_477, %broadcast_in_dim3A_474 : vector<1x128xf32>
    %swap3A_479 = arith.constant 12 : index
    %swap3A_480 = arith.constant 0 : index
    %swap3A_481 = vector.load %arg13[%swap3A_479, %swap3A_480] : memref<16x128xf32, #tpu.memory_space<vmem>>, vector<1x128xf32>
    tpu.vector_store %arg13[%swap3A_479, %swap3A_480], %max3A_478 {strides = array<i32>} : memref<16x128xf32, #tpu.memory_space<vmem>>, vector<1x128xf32>,
    %jit3A_482 = arith.constant -3.400000e+38 : f32
    %broadcast_in_dim3A_483 = vector.shape_cast %eq3A_466 : vector<512x1xi1> to vector<512x1xi1>
    %broadcast_in_dim3A_484 = vector.broadcast %broadcast_in_dim3A_483 : vector<512x1xi1> to vector<512x256xi1>
    %broadcast_in_dim3A_485 = vector.broadcast %jit3A_482 : f32 to vector<512x256xf32>
    %select_n3A_486 = arith.select %broadcast_in_dim3A_484, %max3A_32, %broadcast_in_dim3A_485 : vector<512x256xi1>, vector<512x256xf32>
    %reduce_max3A_487 = arith.constant dense<0xFF800000> : vector<256xf32>
    %reduce_max3A_488 = vector.multi_reduction <maximumf>, %select_n3A_486, %reduce_max3A_487 [0] : vector<512x256xf32> to vector<256xf32>
    %broadcast_in_dim3A_489 = vector.shape_cast %reduce_max3A_488 : vector<256xf32> to vector<1x256xf32>
    %get3A_490 = arith.constant 12 : index
    %get3A_491 = arith.constant 0 : index
    %get3A_492 = vector.load %arg14[%get3A_490, %get3A_491] : memref<16x256xf32, #tpu.memory_space<vmem>>, vector<1x256xf32>
    %max3A_493 = arith.maximumf %get3A_492, %broadcast_in_dim3A_489 : vector<1x256xf32>
    %swap3A_494 = arith.constant 12 : index
    %swap3A_495 = arith.constant 0 : index
    %swap3A_496 = vector.load %arg14[%swap3A_494, %swap3A_495] : memref<16x256xf32, #tpu.memory_space<vmem>>, vector<1x256xf32>
    tpu.vector_store %arg14[%swap3A_494, %swap3A_495], %max3A_493 {strides = array<i32>} : memref<16x256xf32, #tpu.memory_space<vmem>>, vector<1x256xf32>,
    %eq3A_497 = arith.constant 13 : i32
    %eq3A_498 = vector.broadcast %eq3A_497 : i32 to vector<512x1xi32>
    %eq3A_499 = arith.cmpi eq, %get3A_40, %eq3A_498 : vector<512x1xi32>
    %jit3A_500 = arith.constant -3.400000e+38 : f32
    %broadcast_in_dim3A_501 = vector.shape_cast %eq3A_499 : vector<512x1xi1> to vector<512x1xi1>
    %broadcast_in_dim3A_502 = vector.broadcast %broadcast_in_dim3A_501 : vector<512x1xi1> to vector<512x128xi1>
    %broadcast_in_dim3A_503 = vector.broadcast %jit3A_500 : f32 to vector<512x128xf32>
    %select_n3A_504 = arith.select %broadcast_in_dim3A_502, %get3A_35, %broadcast_in_dim3A_503 : vector<512x128xi1>, vector<512x128xf32>
    %reduce_max3A_505 = arith.constant dense<0xFF800000> : vector<128xf32>
    %reduce_max3A_506 = vector.multi_reduction <maximumf>, %select_n3A_504, %reduce_max3A_505 [0] : vector<512x128xf32> to vector<128xf32>
    %broadcast_in_dim3A_507 = vector.shape_cast %reduce_max3A_506 : vector<128xf32> to vector<1x128xf32>
    %get3A_508 = arith.constant 13 : index
    %get3A_509 = arith.constant 0 : index
    %get3A_510 = vector.load %arg13[%get3A_508, %get3A_509] : memref<16x128xf32, #tpu.memory_space<vmem>>, vector<1x128xf32>
    %max3A_511 = arith.maximumf %get3A_510, %broadcast_in_dim3A_507 : vector<1x128xf32>
    %swap3A_512 = arith.constant 13 : index
    %swap3A_513 = arith.constant 0 : index
    %swap3A_514 = vector.load %arg13[%swap3A_512, %swap3A_513] : memref<16x128xf32, #tpu.memory_space<vmem>>, vector<1x128xf32>
    tpu.vector_store %arg13[%swap3A_512, %swap3A_513], %max3A_511 {strides = array<i32>} : memref<16x128xf32, #tpu.memory_space<vmem>>, vector<1x128xf32>,
    %jit3A_515 = arith.constant -3.400000e+38 : f32
    %broadcast_in_dim3A_516 = vector.shape_cast %eq3A_499 : vector<512x1xi1> to vector<512x1xi1>
    %broadcast_in_dim3A_517 = vector.broadcast %broadcast_in_dim3A_516 : vector<512x1xi1> to vector<512x256xi1>
    %broadcast_in_dim3A_518 = vector.broadcast %jit3A_515 : f32 to vector<512x256xf32>
    %select_n3A_519 = arith.select %broadcast_in_dim3A_517, %max3A_32, %broadcast_in_dim3A_518 : vector<512x256xi1>, vector<512x256xf32>
    %reduce_max3A_520 = arith.constant dense<0xFF800000> : vector<256xf32>
    %reduce_max3A_521 = vector.multi_reduction <maximumf>, %select_n3A_519, %reduce_max3A_520 [0] : vector<512x256xf32> to vector<256xf32>
    %broadcast_in_dim3A_522 = vector.shape_cast %reduce_max3A_521 : vector<256xf32> to vector<1x256xf32>
    %get3A_523 = arith.constant 13 : index
    %get3A_524 = arith.constant 0 : index
    %get3A_525 = vector.load %arg14[%get3A_523, %get3A_524] : memref<16x256xf32, #tpu.memory_space<vmem>>, vector<1x256xf32>
    %max3A_526 = arith.maximumf %get3A_525, %broadcast_in_dim3A_522 : vector<1x256xf32>
    %swap3A_527 = arith.constant 13 : index
    %swap3A_528 = arith.constant 0 : index
    %swap3A_529 = vector.load %arg14[%swap3A_527, %swap3A_528] : memref<16x256xf32, #tpu.memory_space<vmem>>, vector<1x256xf32>
    tpu.vector_store %arg14[%swap3A_527, %swap3A_528], %max3A_526 {strides = array<i32>} : memref<16x256xf32, #tpu.memory_space<vmem>>, vector<1x256xf32>,
    %eq3A_530 = arith.constant 14 : i32
    %eq3A_531 = vector.broadcast %eq3A_530 : i32 to vector<512x1xi32>
    %eq3A_532 = arith.cmpi eq, %get3A_40, %eq3A_531 : vector<512x1xi32>
    %jit3A_533 = arith.constant -3.400000e+38 : f32
    %broadcast_in_dim3A_534 = vector.shape_cast %eq3A_532 : vector<512x1xi1> to vector<512x1xi1>
    %broadcast_in_dim3A_535 = vector.broadcast %broadcast_in_dim3A_534 : vector<512x1xi1> to vector<512x128xi1>
    %broadcast_in_dim3A_536 = vector.broadcast %jit3A_533 : f32 to vector<512x128xf32>
    %select_n3A_537 = arith.select %broadcast_in_dim3A_535, %get3A_35, %broadcast_in_dim3A_536 : vector<512x128xi1>, vector<512x128xf32>
    %reduce_max3A_538 = arith.constant dense<0xFF800000> : vector<128xf32>
    %reduce_max3A_539 = vector.multi_reduction <maximumf>, %select_n3A_537, %reduce_max3A_538 [0] : vector<512x128xf32> to vector<128xf32>
    %broadcast_in_dim3A_540 = vector.shape_cast %reduce_max3A_539 : vector<128xf32> to vector<1x128xf32>
    %get3A_541 = arith.constant 14 : index
    %get3A_542 = arith.constant 0 : index
    %get3A_543 = vector.load %arg13[%get3A_541, %get3A_542] : memref<16x128xf32, #tpu.memory_space<vmem>>, vector<1x128xf32>
    %max3A_544 = arith.maximumf %get3A_543, %broadcast_in_dim3A_540 : vector<1x128xf32>
    %swap3A_545 = arith.constant 14 : index
    %swap3A_546 = arith.constant 0 : index
    %swap3A_547 = vector.load %arg13[%swap3A_545, %swap3A_546] : memref<16x128xf32, #tpu.memory_space<vmem>>, vector<1x128xf32>
    tpu.vector_store %arg13[%swap3A_545, %swap3A_546], %max3A_544 {strides = array<i32>} : memref<16x128xf32, #tpu.memory_space<vmem>>, vector<1x128xf32>,
    %jit3A_548 = arith.constant -3.400000e+38 : f32
    %broadcast_in_dim3A_549 = vector.shape_cast %eq3A_532 : vector<512x1xi1> to vector<512x1xi1>
    %broadcast_in_dim3A_550 = vector.broadcast %broadcast_in_dim3A_549 : vector<512x1xi1> to vector<512x256xi1>
    %broadcast_in_dim3A_551 = vector.broadcast %jit3A_548 : f32 to vector<512x256xf32>
    %select_n3A_552 = arith.select %broadcast_in_dim3A_550, %max3A_32, %broadcast_in_dim3A_551 : vector<512x256xi1>, vector<512x256xf32>
    %reduce_max3A_553 = arith.constant dense<0xFF800000> : vector<256xf32>
    %reduce_max3A_554 = vector.multi_reduction <maximumf>, %select_n3A_552, %reduce_max3A_553 [0] : vector<512x256xf32> to vector<256xf32>
    %broadcast_in_dim3A_555 = vector.shape_cast %reduce_max3A_554 : vector<256xf32> to vector<1x256xf32>
    %get3A_556 = arith.constant 14 : index
    %get3A_557 = arith.constant 0 : index
    %get3A_558 = vector.load %arg14[%get3A_556, %get3A_557] : memref<16x256xf32, #tpu.memory_space<vmem>>, vector<1x256xf32>
    %max3A_559 = arith.maximumf %get3A_558, %broadcast_in_dim3A_555 : vector<1x256xf32>
    %swap3A_560 = arith.constant 14 : index
    %swap3A_561 = arith.constant 0 : index
    %swap3A_562 = vector.load %arg14[%swap3A_560, %swap3A_561] : memref<16x256xf32, #tpu.memory_space<vmem>>, vector<1x256xf32>
    tpu.vector_store %arg14[%swap3A_560, %swap3A_561], %max3A_559 {strides = array<i32>} : memref<16x256xf32, #tpu.memory_space<vmem>>, vector<1x256xf32>,
    %eq3A_563 = arith.constant 15 : i32
    %eq3A_564 = vector.broadcast %eq3A_563 : i32 to vector<512x1xi32>
    %eq3A_565 = arith.cmpi eq, %get3A_40, %eq3A_564 : vector<512x1xi32>
    %jit3A_566 = arith.constant -3.400000e+38 : f32
    %broadcast_in_dim3A_567 = vector.shape_cast %eq3A_565 : vector<512x1xi1> to vector<512x1xi1>
    %broadcast_in_dim3A_568 = vector.broadcast %broadcast_in_dim3A_567 : vector<512x1xi1> to vector<512x128xi1>
    %broadcast_in_dim3A_569 = vector.broadcast %jit3A_566 : f32 to vector<512x128xf32>
    %select_n3A_570 = arith.select %broadcast_in_dim3A_568, %get3A_35, %broadcast_in_dim3A_569 : vector<512x128xi1>, vector<512x128xf32>
    %reduce_max3A_571 = arith.constant dense<0xFF800000> : vector<128xf32>
    %reduce_max3A_572 = vector.multi_reduction <maximumf>, %select_n3A_570, %reduce_max3A_571 [0] : vector<512x128xf32> to vector<128xf32>
    %broadcast_in_dim3A_573 = vector.shape_cast %reduce_max3A_572 : vector<128xf32> to vector<1x128xf32>
    %get3A_574 = arith.constant 15 : index
    %get3A_575 = arith.constant 0 : index
    %get3A_576 = vector.load %arg13[%get3A_574, %get3A_575] : memref<16x128xf32, #tpu.memory_space<vmem>>, vector<1x128xf32>
    %max3A_577 = arith.maximumf %get3A_576, %broadcast_in_dim3A_573 : vector<1x128xf32>
    %swap3A_578 = arith.constant 15 : index
    %swap3A_579 = arith.constant 0 : index
    %swap3A_580 = vector.load %arg13[%swap3A_578, %swap3A_579] : memref<16x128xf32, #tpu.memory_space<vmem>>, vector<1x128xf32>
    tpu.vector_store %arg13[%swap3A_578, %swap3A_579], %max3A_577 {strides = array<i32>} : memref<16x128xf32, #tpu.memory_space<vmem>>, vector<1x128xf32>,
    %jit3A_581 = arith.constant -3.400000e+38 : f32
    %broadcast_in_dim3A_582 = vector.shape_cast %eq3A_565 : vector<512x1xi1> to vector<512x1xi1>
    %broadcast_in_dim3A_583 = vector.broadcast %broadcast_in_dim3A_582 : vector<512x1xi1> to vector<512x256xi1>
    %broadcast_in_dim3A_584 = vector.broadcast %jit3A_581 : f32 to vector<512x256xf32>
    %select_n3A_585 = arith.select %broadcast_in_dim3A_583, %max3A_32, %broadcast_in_dim3A_584 : vector<512x256xi1>, vector<512x256xf32>
    %reduce_max3A_586 = arith.constant dense<0xFF800000> : vector<256xf32>
    %reduce_max3A_587 = vector.multi_reduction <maximumf>, %select_n3A_585, %reduce_max3A_586 [0] : vector<512x256xf32> to vector<256xf32>
    %broadcast_in_dim3A_588 = vector.shape_cast %reduce_max3A_587 : vector<256xf32> to vector<1x256xf32>
    %get3A_589 = arith.constant 15 : index
    %get3A_590 = arith.constant 0 : index
    %get3A_591 = vector.load %arg14[%get3A_589, %get3A_590] : memref<16x256xf32, #tpu.memory_space<vmem>>, vector<1x256xf32>
    %max3A_592 = arith.maximumf %get3A_591, %broadcast_in_dim3A_588 : vector<1x256xf32>
    %swap3A_593 = arith.constant 15 : index
    %swap3A_594 = arith.constant 0 : index
    %swap3A_595 = vector.load %arg14[%swap3A_593, %swap3A_594] : memref<16x256xf32, #tpu.memory_space<vmem>>, vector<1x256xf32>
    tpu.vector_store %arg14[%swap3A_593, %swap3A_594], %max3A_592 {strides = array<i32>} : memref<16x256xf32, #tpu.memory_space<vmem>>, vector<1x256xf32>,
    %eq3A_596 = arith.constant 19 : i32
    %eq3A_597 = arith.cmpi eq, %arg0, %eq3A_596 : i32
    %convert_element_type3A_598 = arith.extui %eq3A_597 : i1 to i32
    %cond3A_599 = arith.constant 0 : i32
    %cond3A_600 = arith.cmpi ne, %convert_element_type3A_598, %cond3A_599 : i32
    scf.if %cond3A_600 {
      %get3A_601 = arith.constant 0 : index
      %get3A_602 = arith.constant 0 : index
      %get3A_603 = vector.load %arg15[%get3A_601, %get3A_602] : memref<16x128xf32, #tpu.memory_space<vmem>>, vector<16x1xf32>
      %max3A_604 = arith.constant 1.000000e+00 : f32
      %max3A_605 = vector.broadcast %max3A_604 : f32 to vector<16x1xf32>
      %max3A_606 = arith.maximumf %get3A_603, %max3A_605 : vector<16x1xf32>
      %get3A_607 = arith.constant 0 : index
      %get3A_608 = arith.constant 0 : index
      %get3A_609 = vector.load %arg11[%get3A_607, %get3A_608] : memref<16x128xf32, #tpu.memory_space<vmem>>, vector<16x128xf32>
      %div3A_610 = vector.broadcast %max3A_606 : vector<16x1xf32> to vector<16x128xf32>
      %div3A_611 = arith.divf %get3A_609, %div3A_610 : vector<16x128xf32>
      %swap3A_612 = arith.constant 0 : index
      %swap3A_613 = arith.constant 0 : index
      %swap3A_614 = vector.load %arg7[%swap3A_612, %swap3A_613] : memref<16x128xf32, #tpu.memory_space<vmem>>, vector<16x128xf32>
      tpu.vector_store %arg7[%swap3A_612, %swap3A_613], %div3A_611 {strides = array<i32>} : memref<16x128xf32, #tpu.memory_space<vmem>>, vector<16x128xf32>,
      %get3A_615 = arith.constant 0 : index
      %get3A_616 = arith.constant 0 : index
      %get3A_617 = vector.load %arg12[%get3A_615, %get3A_616] : memref<16x256xf32, #tpu.memory_space<vmem>>, vector<16x256xf32>
      %div3A_618 = vector.broadcast %max3A_606 : vector<16x1xf32> to vector<16x256xf32>
      %div3A_619 = arith.divf %get3A_617, %div3A_618 : vector<16x256xf32>
      %swap3A_620 = arith.constant 0 : index
      %swap3A_621 = arith.constant 0 : index
      %swap3A_622 = vector.load %arg8[%swap3A_620, %swap3A_621] : memref<16x256xf32, #tpu.memory_space<vmem>>, vector<16x256xf32>
      tpu.vector_store %arg8[%swap3A_620, %swap3A_621], %div3A_619 {strides = array<i32>} : memref<16x256xf32, #tpu.memory_space<vmem>>, vector<16x256xf32>,
      %get3A_623 = arith.constant 0 : index
      %get3A_624 = arith.constant 0 : index
      %get3A_625 = vector.load %arg13[%get3A_623, %get3A_624] : memref<16x128xf32, #tpu.memory_space<vmem>>, vector<16x128xf32>
      %gt3A = arith.constant -9.99999993E+36 : f32
      %gt3A_626 = vector.broadcast %gt3A : f32 to vector<16x128xf32>
      %gt3A_627 = arith.cmpf ogt, %get3A_625, %gt3A_626 : vector<16x128xf32>
      %get3A_628 = arith.constant 0 : index
      %get3A_629 = arith.constant 0 : index
      %get3A_630 = vector.load %arg13[%get3A_628, %get3A_629] : memref<16x128xf32, #tpu.memory_space<vmem>>, vector<16x128xf32>
      %jit3A_631 = arith.constant 0.000000e+00 : f32
      %broadcast_in_dim3A_632 = vector.broadcast %jit3A_631 : f32 to vector<16x128xf32>
      %select_n3A_633 = arith.select %gt3A_627, %get3A_630, %broadcast_in_dim3A_632 : vector<16x128xi1>, vector<16x128xf32>
      %swap3A_634 = arith.constant 0 : index
      %swap3A_635 = arith.constant 0 : index
      %swap3A_636 = vector.load %arg9[%swap3A_634, %swap3A_635] : memref<16x128xf32, #tpu.memory_space<vmem>>, vector<16x128xf32>
      tpu.vector_store %arg9[%swap3A_634, %swap3A_635], %select_n3A_633 {strides = array<i32>} : memref<16x128xf32, #tpu.memory_space<vmem>>, vector<16x128xf32>,
      %get3A_637 = arith.constant 0 : index
      %get3A_638 = arith.constant 0 : index
      %get3A_639 = vector.load %arg14[%get3A_637, %get3A_638] : memref<16x256xf32, #tpu.memory_space<vmem>>, vector<16x256xf32>
      %gt3A_640 = arith.constant -9.99999993E+36 : f32
      %gt3A_641 = vector.broadcast %gt3A_640 : f32 to vector<16x256xf32>
      %gt3A_642 = arith.cmpf ogt, %get3A_639, %gt3A_641 : vector<16x256xf32>
      %get3A_643 = arith.constant 0 : index
      %get3A_644 = arith.constant 0 : index
      %get3A_645 = vector.load %arg14[%get3A_643, %get3A_644] : memref<16x256xf32, #tpu.memory_space<vmem>>, vector<16x256xf32>
      %jit3A_646 = arith.constant 0.000000e+00 : f32
      %broadcast_in_dim3A_647 = vector.broadcast %jit3A_646 : f32 to vector<16x256xf32>
      %select_n3A_648 = arith.select %gt3A_642, %get3A_645, %broadcast_in_dim3A_647 : vector<16x256xi1>, vector<16x256xf32>
      %swap3A_649 = arith.constant 0 : index
      %swap3A_650 = arith.constant 0 : index
      %swap3A_651 = vector.load %arg10[%swap3A_649, %swap3A_650] : memref<16x256xf32, #tpu.memory_space<vmem>>, vector<16x256xf32>
      tpu.vector_store %arg10[%swap3A_649, %swap3A_650], %select_n3A_648 {strides = array<i32>} : memref<16x256xf32, #tpu.memory_space<vmem>>, vector<16x256xf32>,
    } else {
    }
    return
  }
  func.func @transform_0(%arg0: i32) -> (i32, i32) {
    %c0_i32 = arith.constant 0 : i32
    %c0_i32_0 = arith.constant 0 : i32
    return %arg0, %c0_i32 : i32, i32
  }
  func.func @transform_1(%arg0: i32) -> (i32, i32) {
    %c0_i32 = arith.constant 0 : i32
    %c0_i32_0 = arith.constant 0 : i32
    return %arg0, %c0_i32 : i32, i32
  }
  func.func @transform_2(%arg0: i32) -> (i32, i32) {
    %c0_i32 = arith.constant 0 : i32
    %c0_i32_0 = arith.constant 0 : i32
    %c0_i32_1 = arith.constant 0 : i32
    return %c0_i32, %c0_i32_0 : i32, i32
  }
  func.func @transform_3(%arg0: i32) -> (i32, i32) {
    %c0_i32 = arith.constant 0 : i32
    %c0_i32_0 = arith.constant 0 : i32
    %c0_i32_1 = arith.constant 0 : i32
    return %c0_i32, %c0_i32_0 : i32, i32
  }
  func.func @transform_4(%arg0: i32) -> (i32, i32) {
    %c0_i32 = arith.constant 0 : i32
    %c0_i32_0 = arith.constant 0 : i32
    %c0_i32_1 = arith.constant 0 : i32
    return %c0_i32, %c0_i32_0 : i32, i32
  }
  func.func @transform_5(%arg0: i32) -> (i32, i32, i32) {
    %c0_i32 = arith.constant 0 : i32
    %c0_i32_0 = arith.constant 0 : i32
    %c0_i32_1 = arith.constant 0 : i32
    return %arg0, %c0_i32, %c0_i32_0 : i32, i32, i32
  }
  func.func @transform_6(%arg0: i32) -> (i32, i32) {
    %c0_i32 = arith.constant 0 : i32
    %c0_i32_0 = arith.constant 0 : i32
    %c0_i32_1 = arith.constant 0 : i32
    return %c0_i32, %c0_i32_0 : i32, i32
  }
  func.func @transform_7(%arg0: i32) -> (i32, i32) {
    %c0_i32 = arith.constant 0 : i32
    %c0_i32_0 = arith.constant 0 : i32
    %c0_i32_1 = arith.constant 0 : i32
    return %c0_i32, %c0_i32_0 : i32, i32
  }
  func.func @transform_8(%arg0: i32) -> (i32, i32) {
    %c0_i32 = arith.constant 0 : i32
    %c0_i32_0 = arith.constant 0 : i32
    %c0_i32_1 = arith.constant 0 : i32
    return %c0_i32, %c0_i32_0 : i32, i32
  }
  func.func @transform_9(%arg0: i32) -> (i32, i32) {
    %c0_i32 = arith.constant 0 : i32
    %c0_i32_0 = arith.constant 0 : i32
    %c0_i32_1 = arith.constant 0 : i32
    return %c0_i32, %c0_i32_0 : i32, i32
  }
}

</mosaic_0001>

<sc_bundles>
// kernel: kernel.12.cloned.1.call-start
scs
__scs_entry_jumppad:
0x0: {  	(pc) =	sbr.rel $0x88, $3  }
0x1: {  	(tag) =	ssettag $0x0;
	lr =	simm.s32 $0x1  }
0x2: {  	[smem:$0x3F92] =	sst lr;
	_ =	strace $0xD0000000  }
0x3: {  	_ = 	snop  }
0x4: {  	_ = 	snop  }
0x5: {  	_ = 	snop  }
0x6: {  	_ = 	snop  }
0x7: {  	_ = 	snop  }
__scs_overlays_trampoline_lowered:
0x8: {  	[smem:$0x3FA1] =	sst s0  }
0x9: {  	[smem:$0x3FA2] =	sst s1  }
0xa: {  	[smem:$0x3FA3] =	sst s2  }
0xb: {  	[smem:$0x3FA4] =	sst s3  }
0xc: {  	[smem:$0x3FA5] =	sst s4  }
0xd: {  	[smem:$0x3FA6] =	sst s5  }
0xe: {  	[smem:$0x3FA7] =	sst s6  }
0xf: {  	[smem:$0x3FA8] =	sst s7  }
0x10: {  	[smem:$0x3FA9] =	sst s8  }
0x11: {  	[smem:$0x3FAA] =	sst s9;
	s0 =	simm.s32 @!p0 $0x0  }
0x12: {  	s1 =	sld [smem:$0x3F90];
	s0 =	simm.s32 @p0 $0x1  }
0x13: {  	[smem:$0x3FAB] =	sst s0;
	s0 =	simm.s32 @!p1 $0x0  }
0x14: {  	s2 =	sld [smem:$0x3F8F];
	s0 =	simm.s32 @p1 $0x1  }
0x15: {  	[smem:$0x3FAC] =	sst s0;
	s0 =	simm.s32 @!p2 $0x0  }
0x16: {  	s3 =	sld [smem:$0x3FDB];
	s0 =	simm.s32 @p2 $0x1  }
0x17: {  	s4 =	simm.s32 $0x1BF5;
	[smem:$0x3FAE] =	sst s0  }
0x18: {  	s0 =	sld [smem:$0x3F91];
	_ =	swait.ge [sflag:s4], $0x0  }
0x19: {  	s7 =	sld [smem:$0x3F92]  }
0x1a: {  	s8 =	sadd.s32 $0xFFFFE003, lr  }
0x1b: {  	s9 =	sadd.s32 $0xFFFFFEF7, lr;
	s5 =	simm.s32 $0xFFFFFFFF;
	p2 =	slt.u32 s8, $0xFFFFF086  }
0x1c: {  	p1 =	slt.u32 s9, $0xF7A;
	s5 =	simm.s32 @!p2 $0x0  }
0x1d: {  	s5 =	simm.s32 @p1 $0x1;
	p0 =	seq.s32 s7, s2  }
0x1e: {  	s7 =	smul.u32 @!p0 $0xF7A, s2;
	p2 =	seq.s32 @!p0 s5, $0x0  }
0x1f: {  	s9 =	smul.u32 $0xF7A, s1;
	s8 =	simm.s32 @!p0 $0x1BF5;
	p2 =	por !p2, p0  }
0x20: {  	[sflag:s8] =	ssyncset.s32 @!p0 $0xFFFFF086;
	s6 =	sadd.s32 @!p0 s3, s7;
	s7 =	simm.s32 @!p0 $0x108  }
0x21: {  	s3 =	sadd.s32 s3, s9;
	s6 =	sadd.s32 @!p0 $0x88, s6;
	s7 =	simm.s32 @p2 $0x1082  }
0x22: {  	[simem:s7], [sflag:s8] =	dma.local @!p0 [hbm:s6], $0xF7A  }
0x23: {  	s9 =	sor.u32 $0xD0000000, s2;
	s6 =	simm.s32 $0x108;
	_ =	swait.ge @!p0 [sflag:s8], $0x0  }
0x24: {  	s3 =	sadd.s32 $0x88, s3;
	s6 =	simm.s32 @!p1 $0x1082;
	[sflag:s4] =	ssyncset.s32 $0xFFFFF086  }
0x25: {  	[simem:s6], [sflag:s4] =	dma.local [hbm:s3], $0xF7A  }
0x26: {  	[smem:$0x3F92] =	sst s1;
	(tag) =	ssettag s2;
	_ =	strace s9  }
0x27: {  	s1 =	sld [smem:$0x3FA2]  }
0x28: {  	s2 =	sld [smem:$0x3FA3]  }
0x29: {  	s4 =	sld [smem:$0x3FA5]  }
0x2a: {  	p0 =	seq.s32 s5, $0x0;
	s5 =	sld [smem:$0x3FA6]  }
0x2b: {  	s6 =	sld [smem:$0x3FA7]  }
0x2c: {  	s7 =	sld [smem:$0x3FA8]  }
0x2d: {  	s3 =	simm.s32 $0x108;
	s8 =	sld [smem:$0x3FA9]  }
0x2e: {  	s3 =	simm.s32 @!p0 $0x1082;
	s9 =	sld [smem:$0x3FAA]  }
0x2f: {  	lr =	sadd.s32 s0, s3;
	s0 =	sld [smem:$0x3FA1]  }
0x30: {  	s3 =	sld [smem:$0x3FA4]  }
0x31: {  	[smem:$0x3FAD] =	sst s10  }
0x32: {  	s10 =	sld [smem:$0x3FAB];
	_ =	sdelay $0x3  }
0x33: {  	p0 =	seq.s32 s10, $0x1;
	s10 =	sld [smem:$0x3FAD];
	_ =	sdelay $0x3  }
0x34: {  	[smem:$0x3FAD] =	sst s10  }
0x35: {  	s10 =	sld [smem:$0x3FAC];
	_ =	sdelay $0x3  }
0x36: {  	p1 =	seq.s32 s10, $0x1;
	s10 =	sld [smem:$0x3FAD];
	_ =	sdelay $0x3  }
0x37: {  	[smem:$0x3FAD] =	sst s10  }
0x38: {  	s10 =	sld [smem:$0x3FAE]  }
0x39: {  	_ = 	snop;
	(pc) =	sbr.ind lr, $3  }
0x3a: {  	_ = 	snop  }
0x3b: {  	_ = 	snop  }
0x3c: {  	p2 =	seq.s32 s10, $0x1;
	s10 =	sld [smem:$0x3FAD]  }
0x3d: {  	_ =	shalt  }
0x3e: {  	_ =	shalt  }
0x3f: {  	_ =	shalt  }
0x40: {  	_ =	shalt  }
0x41: {  	_ =	shalt  }
0x42: {  	_ =	shalt  }
0x43: {  	_ =	shalt  }
0x44: {  	_ =	shalt  }
0x45: {  	_ =	shalt  }
0x46: {  	_ =	shalt  }
0x47: {  	_ =	shalt  }
0x48: {  	_ =	shalt  }
0x49: {  	_ =	shalt  }
0x4a: {  	_ =	shalt  }
0x4b: {  	_ =	shalt  }
0x4c: {  	_ =	shalt  }
0x4d: {  	_ =	shalt  }
0x4e: {  	_ =	shalt  }
0x4f: {  	_ =	shalt  }
0x50: {  	_ =	shalt  }
0x51: {  	_ =	shalt  }
0x52: {  	_ =	shalt  }
0x53: {  	_ =	shalt  }
0x54: {  	_ =	shalt  }
0x55: {  	_ =	shalt  }
0x56: {  	_ =	shalt  }
0x57: {  	_ =	shalt  }
0x58: {  	_ =	shalt  }
0x59: {  	_ =	shalt  }
0x5a: {  	_ =	shalt  }
0x5b: {  	_ =	shalt  }
0x5c: {  	_ =	shalt  }
0x5d: {  	_ =	shalt  }
0x5e: {  	_ =	shalt  }
0x5f: {  	_ =	shalt  }
0x60: {  	_ =	shalt  }
0x61: {  	_ =	shalt  }
0x62: {  	_ =	shalt  }
0x63: {  	_ =	shalt  }
0x64: {  	_ =	shalt  }
0x65: {  	_ =	shalt  }
0x66: {  	_ =	shalt  }
0x67: {  	_ =	shalt  }
0x68: {  	_ =	shalt  }
0x69: {  	_ =	shalt  }
0x6a: {  	_ =	shalt  }
0x6b: {  	_ =	shalt  }
0x6c: {  	_ =	shalt  }
0x6d: {  	_ =	shalt  }
0x6e: {  	_ =	shalt  }
0x6f: {  	_ =	shalt  }
0x70: {  	_ =	shalt  }
0x71: {  	_ =	shalt  }
0x72: {  	_ =	shalt  }
0x73: {  	_ =	shalt  }
0x74: {  	_ =	shalt  }
0x75: {  	_ =	shalt  }
0x76: {  	_ =	shalt  }
0x77: {  	_ =	shalt  }
0x78: {  	_ =	shalt  }
0x79: {  	_ =	shalt  }
0x7a: {  	_ =	shalt  }
0x7b: {  	_ =	shalt  }
0x7c: {  	_ =	shalt  }
0x7d: {  	_ =	shalt  }
0x7e: {  	_ =	shalt  }
0x7f: {  	_ =	shalt  }
0x80: {  	_ =	shalt  }
0x81: {  	_ =	shalt  }
0x82: {  	_ =	shalt  }
0x83: {  	_ =	shalt  }
0x84: {  	_ =	shalt  }
0x85: {  	_ =	shalt  }
0x86: {  	_ =	shalt  }
0x87: {  	_ =	shalt  }
.Lfunc_end0:
.L_simem_size_0:
called_computation.1_lowered:
.L_overlay_start_0:
0x88: {  	s2 =	sld [smem:$0x3FD9]  }
0x89: {  	s3 =	sld [smem:$0x3FFE];
	_ =	sdelay $0x1  }
0x8a: {  	s1 =	srdreg.scid  }
0x8b: {  	s0 =	sand.u32 $0x1, s1  }
0x8c: {  	s17 =	sshll.u32 s0, $0xA;
	s2 =	sadd.s32 s3, s2  }
0x8d: {  	s2 =	sadd.s32 s2, s17  }
0x8e: {  	[smem:$0x3FB9] =	sst s2  }
0x8f: {  	_ = 	snop  }
0x90: {  	s2 =	sld [smem:$0x3FD0];
	(tm) =	ssettm $0x1  }
0x91: {  	s18 =	sld [smem:$0x3FFB];
	_ =	sdelay $0x3  }
0x92: {  	_ =	strace s18  }
0x93: {  	s3 =	sld [smem:$0x3FFC];
	_ =	sdelay $0x3  }
0x94: {  	_ =	strace s3  }
0x95: {  	s3 =	sld [smem:$0x3FFD];
	_ =	sdelay $0x3  }
0x96: {  	_ =	strace s3  }
0x97: {  	_ =	strace $0x8FFFFFFF  }
0x98: {  	s19 =	sld [smem:$0x3FDB];
	_ =	sdelay $0x1  }
0x99: {  	s4 =	simm.s32 $_scs_section_size  }
0x9a: {  	s5 =	simm.s32 $_size__tile_overlayer_lowered;
	s6 =	simm.s32 $_tile_overlayer_lowered  }
0x9b: {  	s22 =	simm.s32 $0x1BFF;
	s21 =	sshll.u32 s6, $0x1;
	s3 =	sadd.s32 s4, s19  }
0x9c: {  	s7 =	simm.s32 $0x0;
	s20 =	sshll.u32 s5, $0x1;
	s5 =	sadd.s32 s21, s3  }
0x9d: {  	[timem:s7], [sflag:s22] =	dma.local [hbm:s5], s20  }
0x9e: {  	_ =	swait.ge [sflag:s22], s20  }
0x9f: {  	s4 =	ssub.s32 $0x0, s20;
	[sflag:s22] =	ssyncset.done $0x0  }
0xa0: {  	[sflag:s22] =	ssyncadd.s32 s4;
	_ =	sdelay $0x1  }
0xa1: {  	s23 =	simm.s32 $0x1B8B  }
0xa2: {  	_ =	swait.ge [sflag:s23], $0x1  }
0xa3: {  	[sflag:s23] =	ssyncset.done $0x0  }
0xa4: {  	s25 =	simm.s32 $0x1B8E;
	s24 =	sld [smem:$0x3FFE];
	[sflag:s23] =	ssyncadd.s32 $0xFFFFFFFF  }
0xa5: {  	s26 =	simm.s32 $execute0_lowered;
	[smem:$0x3FD2] =	sst s25  }
0xa6: {  	s5 =	sshll.u32 s26, $0x1;
	_ =	strace $0x80000049;
	[dreg:$0x1] =	wrdreg $0xFFFFFFFF  }
0xa7: {  	s28 =	simm.s32 $_size_execute0_lowered;
	s3 =	sadd.s32 s3, s5;
	[dreg:$0x0] =	wrdreg $0x0  }
0xa8: {  	s5 =	sshll.u32 s28, $0x1;
	[dreg:$0x2] =	wrdreg s3  }
0xa9: {  	[dreg:$0x3] =	wrdreg s5  }
0xaa: {  	[dreg:$0x4] =	wrdreg $0xC0  }
0xab: {  	_ =	task [dreg:s7], $0x5FFFF  }
0xac: {  	[dreg:$0x1] =	wrdreg $0xFFFFFFFF  }
0xad: {  	[dreg:$0x0] =	wrdreg $0x60  }
0xae: {  	[dreg:$0x2] =	wrdreg s24  }
0xaf: {  	[dreg:$0x3] =	wrdreg s2  }
0xb0: {  	[dreg:$0x4] =	wrdreg $0x0  }
0xb1: {  	[dreg:$0x5] =	wrdreg $0x140000  }
0xb2: {  	[dreg:$0x6] =	wrdreg $0x9  }
0xb3: {  	_ =	task.clear_ibuf [dreg:s7], $0x7FFFF;
	_ =	strace $0x90000049  }
0xb4: {  	s29 =	simm.s32 $0x9;
	_ =	strace $0x8000004B  }
0xb5: {  	_ =	swait.ge [sflag:s29], $0x1  }
0xb6: {  	[sflag:s29] =	ssyncadd.s32 $0xFFFFFFFF  }
0xb7: {  	_ =	strace $0x9000004B  }
0xb8: {  	_ =	sfence  }
0xb9: {  	s30 =	sld [smem:$0x0];
	_ =	sdelay $0x2  }
0xba: {  	s31 =	sshll.u32 s1, $0xD;
	s1 =	sshrl.u32 s1, $0x2  }
0xbb: {  	s3 =	sand.u32 $0x4000, s31;
	s1 =	sadd.s32 s1, s30  }
0xbc: {  	s0 =	sor.u32 s3, s0;
	s1 =	sshll.u32 s1, $0x11  }
0xbd: {  	s0 =	sor.u32 s1, s0  }
0xbe: {  	s0 =	sadd.s32 $0x8F2B, s0  }
0xbf: {  	[sflag:s0] =	ssyncadd.remote.s32 $0x1  }
0xc0: {  	_ =	sfence.sel $0xFFFF  }
0xc1: {  	[dreg:$0x0] =	wrdreg $0xFFFFFFFF;
	(pc) =	sbr.abs _section_cstart, $3  }
0xc2: {  	[dreg:$0x1] =	wrdreg $0xFFFFFFFF  }
0xc3: {  	_ =	task.clear_ibuf [dreg:s7], $0x2FFFF;
	_ =	strace $0x9FFFFFFF  }
0xc4: {  	(tm) =	ssettm $0x7FFFFFFF  }
0xc5: {  	_ =	shalt  }
tec
execute0_lowered:
.L_overlay_start_1:
0x0: {  	(tag) =	ssettag $0x1  }
0x1: {  	s0 =	rddreg [dreg:$0x0]  }
0x2: {  	s2 =	rddreg [dreg:$0x2]  }
0x3: {  	s3 =	rddreg [dreg:$0x3];
	s4 =	simm.s32 $0x0;
	s1 =	srdreg.scid  }
0x4: {  	s12 =	stileid.u32;
	s30 =	simm.s32 $0x14280;
	s31 =	simm.s32 $0x2  }
0x5: {  	s13 =	simm.s32 $0x1;
	[smem:$0x7FF] =	sst s4;
	s5 =	smul.u32 $0x14000, s12  }
0x6: {  	s1 =	sand.u32 $0x1, s1;
	s6 =	sadd.s32 $0x2DC00, s0;
	s16 =	smul.u32 $0x50000, s12  }
0x7: {  	s7 =	sadd.s32 $0x57C00, s0;
	p0 =	sne.s32 s12, $0x0;
	s15 =	smul.u32 $0x140000, s1  }
0x8: {  	_ =	strace $0x8000004A;
	s8 =	sshll.u32 s1, $0x4;
	s14 =	smul.u32 $0x2800, s1  }
0x9: {  	s9 =	sadd.s32 s8, s0;
	s8 =	sadd.s32 $0x6CC00, s0;
	s4 =	sadd.s32 s5, s15  }
0xa: {  	s10 =	sshrl.u32 s14, $0x3;
	s5 =	sshrl.u32 s16, $0x2;
	s18 =	sadd.s32 $0x3C00, s9  }
0xb: {  	s19 =	sadd.s32 $0x4600, s9;
	s4 =	sshrl.u32 s4, $0x3;
	[dreg:$0x5] =	wrdreg s18  }
0xc: {  	s4 =	sadd.s32 s4, s0;
	s0 =	sadd.s32 s10, s0;
	s10 =	sadd.s32 s5, s2  }
0xd: {  	s11 =	ssub.s32 $0x2, s1;
	[dreg:$0x6] =	wrdreg s19;
	s20 =	sadd.s32 $0x2000, s10  }
0xe: {  	s1 =	smul.u32 $0xA8000, s1;
	s21 =	sadd.s32 $0x4000, s10;
	[dreg:$0x7] =	wrdreg s20  }
0xf: {  	s17 =	sshrl.u32 s11, $0x1;
	s22 =	sadd.s32 $0x6000, s10;
	[dreg:$0x8] =	wrdreg s21  }
0x10: {  	s11 =	ssub.s32 s11, s17;
	s23 =	sadd.s32 $0x8000, s10;
	[dreg:$0x9] =	wrdreg s22  }
0x11: {  	s15 =	smul.u32 $0xA800, s12;
	s24 =	sadd.s32 $0xA000, s10;
	[dreg:$0xa] =	wrdreg s23  }
0x12: {  	s9 =	simm.s32 $0x19A80;
	s25 =	sadd.s32 $0xC000, s10;
	[dreg:$0xb] =	wrdreg s24  }
0x13: {  	s12 =	simm.s32 $0x40;
	s26 =	sadd.s32 $0xE000, s10;
	[dreg:$0xc] =	wrdreg s25  }
0x14: {  	v0 =	vmov s14;
	s14 =	simm.s32 $0x1A280;
	s28 =	sadd.s32 $0x10000, s10;
	[dreg:$0xd] =	wrdreg s26  }
0x15: {  	s16 =	simm.s32 $0x0;
	s29 =	sadd.s32 $0xBCC00, s4;
	[dreg:$0xe] =	wrdreg s28  }
0x16: {  	s5 =	simm.s32 $0x19280;
	s0 =	sadd.s32 $0x5000, s0;
	[dreg:$0xf] =	wrdreg s29  }
0x17: {  	s4 =	simm.s32 $0x1A300;
	s21 =	sadd.s32 s1, s15;
	[dreg:$0x10] =	wrdreg s0  }
0x18: {  	s24 =	smax.u32 s11, $0x1;
	s25 =	sadd.s32 $0x12000, s10;
	s26 =	sadd.s32 $0x2000, s3  }
0x19: {  	v1 =	vimm.f32 $0.0e+00;
	s0 =	simm.s32 $0x16A80;
	s1 =	simm.s32 $0x1EB00;
	s11 =	simm.s32 $0x1C300  }
.LBB2_1:
0x1a: {  	s17 =	rddreg [dreg:$0x5];
	s18 =	simm.s32 $0x80;
	s19 =	simm.s32 $0x100  }
0x1b: {  	[tilespmem:s30], [sflag:$0x2] =	stream.strided.gather [hbm4b:s17+s18], $0x2800, s19, s18, $0x38;
	[tilespmem:$0x1EB80] =	vst v63  }
0x1c: {  	_ =	swait.ge [sflag:s31], $0x2800  }
0x1d: {  	[sflag:s31] =	ssyncset.done $0x0  }
0x1e: {  	s23 =	rddreg [dreg:$0x6];
	[sflag:s31] =	ssyncadd.s32 $0xFFFFD800  }
0x1f: {  	[tilespmem:s0], [sflag:$0x2] =	stream.strided.gather [hbm4b:s23+s18], $0x2800, s19, s18, $0x38;
	[tilespmem:$0x1EB80] =	vst v63  }
0x20: {  	_ =	swait.ge [sflag:s31], $0x2800  }
0x21: {  	[sflag:s31] =	ssyncset.done $0x0  }
0x22: {  	[sflag:s31] =	ssyncadd.s32 $0xFFFFD800  }
0x23: {  	s29 =	simm.s32 $0x0;
	s28 =	rddreg [dreg:$0x1]  }
0x24: {  	[tilespmem:s1], [sflag:$0x2] =	stream.linear.gather [hbm4b:s28+s29], $0x80, $0x38;
	[tilespmem:$0x1EB80] =	vst v63  }
0x25: {  	_ =	swait.ge [sflag:s31], $0x80  }
0x26: {  	[sflag:s31] =	ssyncset.done $0x0  }
0x27: {  	s17 =	simm.s32 $0x0;
	s18 =	simm.s32 $0x200;
	[sflag:s31] =	ssyncadd.s32 $0xFFFFFF80  }
.LBB2_2:
0x28: {  	p1 =	sne.s32 s18, $0x7E00;
	[tilespmem:s17+$0x1A370] =	vst v1  }
0x29: {  	[tilespmem:s17+$0x1A300] =	vst v1  }
0x2a: {  	[tilespmem:s17+$0x1A310] =	vst v1  }
.Ltmp0:
0x2b: {  	[tilespmem:s17+$0x1A320] =	vst v1;
	(pc) =	sbr.rel @p1 .LBB2_2-.Ltmp0, $4  }
0x2c: {  	[tilespmem:s17+$0x1A330] =	vst v1  }
0x2d: {  	[tilespmem:s17+$0x1A340] =	vst v1  }
0x2e: {  	[tilespmem:s17+$0x1A350] =	vst v1  }
0x2f: {  	[tilespmem:s17+$0x1A360] =	vst v1;
	s17 =	sshra.s32 s18, $0x2;
	s18 =	sadd.s32 $0x200, s18  }
0x30: {  	[tilespmem:s17+$0x1A370] =	vst v1  }
0x31: {  	[tilespmem:s17+$0x1A300] =	vst v1  }
0x32: {  	[tilespmem:s17+$0x1A310] =	vst v1  }
0x33: {  	[tilespmem:s17+$0x1A320] =	vst v1  }
0x34: {  	[tilespmem:s17+$0x1A330] =	vst v1  }
0x35: {  	[tilespmem:s17+$0x1A340] =	vst v1  }
0x36: {  	[tilespmem:s17+$0x1A350] =	vst v1  }
0x37: {  	[tilespmem:s17+$0x1A360] =	vst v1;
	s17 =	simm.s32 $0x0;
	s18 =	simm.s32 $0x200  }
.LBB2_4:
0x38: {  	p1 =	sne.s32 s18, $0x9E00;
	[tilespmem:s17+$0x1C370] =	vst v1  }
0x39: {  	[tilespmem:s17+$0x1C300] =	vst v1  }
0x3a: {  	[tilespmem:s17+$0x1C310] =	vst v1  }
.Ltmp1:
0x3b: {  	[tilespmem:s17+$0x1C320] =	vst v1;
	(pc) =	sbr.rel @p1 .LBB2_4-.Ltmp1, $4  }
0x3c: {  	[tilespmem:s17+$0x1C330] =	vst v1  }
0x3d: {  	[tilespmem:s17+$0x1C340] =	vst v1  }
0x3e: {  	[tilespmem:s17+$0x1C350] =	vst v1  }
0x3f: {  	[tilespmem:s17+$0x1C360] =	vst v1;
	s17 =	sshra.s32 s18, $0x2;
	s18 =	sadd.s32 $0x200, s18  }
0x40: {  	[tilespmem:s17+$0x1C370] =	vst v1  }
0x41: {  	[tilespmem:s17+$0x1C300] =	vst v1  }
0x42: {  	[tilespmem:s17+$0x1C310] =	vst v1  }
0x43: {  	[tilespmem:s17+$0x1C320] =	vst v1  }
0x44: {  	[tilespmem:s17+$0x1C330] =	vst v1  }
0x45: {  	[tilespmem:s17+$0x1C340] =	vst v1  }
0x46: {  	[tilespmem:s17+$0x1C350] =	vst v1  }
0x47: {  	[tilespmem:s17+$0x1C360] =	vst v1  }
0x48: {  	[spmem:s10] =	stream.linear.scatter [tilespmem:s4], [sflag:$0x2], $0x2000, $0x38;
	[tilespmem:$0x1EB80] =	vst v63  }
0x49: {  	_ =	swait.ge [sflag:s31], $0x2000  }
0x4a: {  	[sflag:s31] =	ssyncset.done $0x0  }
0x4b: {  	s29 =	rddreg [dreg:$0x7];
	[sflag:s31] =	ssyncadd.s32 $0xFFFFE000  }
0x4c: {  	[spmem:s29] =	stream.linear.scatter [tilespmem:s4], [sflag:$0x2], $0x2000, $0x38;
	[tilespmem:$0x1EB80] =	vst v63  }
0x4d: {  	_ =	swait.ge [sflag:s31], $0x2000  }
0x4e: {  	[sflag:s31] =	ssyncset.done $0x0  }
0x4f: {  	s18 =	rddreg [dreg:$0x8];
	[sflag:s31] =	ssyncadd.s32 $0xFFFFE000  }
0x50: {  	[spmem:s18] =	stream.linear.scatter [tilespmem:s4], [sflag:$0x2], $0x2000, $0x38;
	[tilespmem:$0x1EB80] =	vst v63  }
0x51: {  	_ =	swait.ge [sflag:s31], $0x2000  }
0x52: {  	[sflag:s31] =	ssyncset.done $0x0  }
0x53: {  	s19 =	rddreg [dreg:$0x9];
	[sflag:s31] =	ssyncadd.s32 $0xFFFFE000  }
0x54: {  	[spmem:s19] =	stream.linear.scatter [tilespmem:s4], [sflag:$0x2], $0x2000, $0x38;
	[tilespmem:$0x1EB80] =	vst v63  }
0x55: {  	_ =	swait.ge [sflag:s31], $0x2000  }
0x56: {  	[sflag:s31] =	ssyncset.done $0x0  }
0x57: {  	s20 =	rddreg [dreg:$0xa];
	[sflag:s31] =	ssyncadd.s32 $0xFFFFE000  }
0x58: {  	[spmem:s20] =	stream.linear.scatter [tilespmem:s4], [sflag:$0x2], $0x2000, $0x38;
	[tilespmem:$0x1EB80] =	vst v63  }
0x59: {  	_ =	swait.ge [sflag:s31], $0x2000  }
0x5a: {  	[sflag:s31] =	ssyncset.done $0x0  }
0x5b: {  	s22 =	rddreg [dreg:$0xb];
	[sflag:s31] =	ssyncadd.s32 $0xFFFFE000  }
0x5c: {  	[spmem:s22] =	stream.linear.scatter [tilespmem:s4], [sflag:$0x2], $0x2000, $0x38;
	[tilespmem:$0x1EB80] =	vst v63  }
0x5d: {  	_ =	swait.ge [sflag:s31], $0x2000  }
0x5e: {  	[sflag:s31] =	ssyncset.done $0x0  }
0x5f: {  	s23 =	rddreg [dreg:$0xc];
	[sflag:s31] =	ssyncadd.s32 $0xFFFFE000  }
0x60: {  	[spmem:s23] =	stream.linear.scatter [tilespmem:s4], [sflag:$0x2], $0x2000, $0x38;
	[tilespmem:$0x1EB80] =	vst v63  }
0x61: {  	_ =	swait.ge [sflag:s31], $0x2000  }
0x62: {  	[sflag:s31] =	ssyncset.done $0x0  }
0x63: {  	s28 =	rddreg [dreg:$0xd];
	[sflag:s31] =	ssyncadd.s32 $0xFFFFE000  }
0x64: {  	[spmem:s28] =	stream.linear.scatter [tilespmem:s4], [sflag:$0x2], $0x2000, $0x38;
	[tilespmem:$0x1EB80] =	vst v63  }
0x65: {  	_ =	swait.ge [sflag:s31], $0x2000  }
0x66: {  	[sflag:s31] =	ssyncset.done $0x0  }
0x67: {  	s29 =	rddreg [dreg:$0xe];
	[sflag:s31] =	ssyncadd.s32 $0xFFFFE000  }
0x68: {  	[spmem:s29] =	stream.linear.scatter [tilespmem:s4], [sflag:$0x2], $0x2000, $0x38;
	[tilespmem:$0x1EB80] =	vst v63  }
0x69: {  	_ =	swait.ge [sflag:s31], $0x2000  }
0x6a: {  	[sflag:s31] =	ssyncset.done $0x0  }
0x6b: {  	[sflag:s31] =	ssyncadd.s32 $0xFFFFE000  }
0x6c: {  	[spmem:s25] =	stream.linear.scatter [tilespmem:s4], [sflag:$0x2], $0x2000, $0x38;
	[tilespmem:$0x1EB80] =	vst v63  }
0x6d: {  	_ =	swait.ge [sflag:s31], $0x2000  }
0x6e: {  	[sflag:s31] =	ssyncset.done $0x0  }
0x6f: {  	s17 =	simm.s32 @!p0 $0x1A300;
	s18 =	simm.s32 @!p0 $0x2;
	[sflag:s31] =	ssyncadd.s32 $0xFFFFE000  }
0x70: {  	[spmem:s3] =	stream.linear.scatter @!p0 [tilespmem:s17], [sflag:$0x2], $0x2000, $0x38;
	[tilespmem:$0x1EB80] =	vst v63  }
0x71: {  	_ =	swait.ge @!p0 [sflag:s18], $0x2000  }
0x72: {  	[sflag:s18] =	ssyncset.done @!p0 $0x0  }
0x73: {  	[sflag:s18] =	ssyncadd.s32 @!p0 $0xFFFFE000  }
0x74: {  	[spmem:s26] =	stream.linear.scatter @!p0 [tilespmem:s17], [sflag:$0x2], $0x800, $0x38;
	[tilespmem:$0x1EB80] =	vst v63  }
0x75: {  	_ =	swait.ge @!p0 [sflag:s18], $0x800  }
0x76: {  	[sflag:s18] =	ssyncset.done @!p0 $0x0  }
0x77: {  	[sflag:s18] =	ssyncadd.s32 @!p0 $0xFFFFF800  }
0x78: {  	s17 =	simm.s32 $0x0;
	s18 =	simm.s32 $0x0;
	[bflag:$0x0] =	sbarrier.arrive $0xFFFF  }
.LBB2_6:
0x79: {  	s19 =	sshll.u32 s18, $0xB  }
0x7a: {  	s20 =	sadd.s32 s21, s19  }
0x7b: {  	s20 =	sshrl.u32 s20, $0x3  }
0x7c: {  	s20 =	sadd.s32 s6, s20  }
0x7d: {  	[tilespmem:s5], [sflag:$0x2] =	stream.linear.gather [hbm4b:s20+s17], $0x800, $0x38;
	[tilespmem:$0x1EB80] =	vst v63  }
0x7e: {  	s19 =	sadd.s32 s15, s19;
	_ =	swait.ge [sflag:s31], $0x800  }
0x7f: {  	s19 =	sshrl.u32 s19, $0x3;
	[sflag:s31] =	ssyncset.done $0x0  }
0x80: {  	s19 =	sadd.s32 s7, s19;
	[sflag:s31] =	ssyncadd.s32 $0xFFFFF800  }
0x81: {  	[tilespmem:s9], [sflag:$0x2] =	stream.linear.gather [hbm4b:s19+s17], $0x800, $0x38;
	[tilespmem:$0x1EB80] =	vst v63  }
0x82: {  	_ =	swait.ge [sflag:s31], $0x800  }
0x83: {  	[sflag:s31] =	ssyncset.done $0x0  }
0x84: {  	s19 =	simm.s32 $0x0;
	[sflag:s31] =	ssyncadd.s32 $0xFFFFF800  }
.LBB2_7:
0x85: {  	s20 =	sshll.u32 s19, $0x7  }
0x86: {  	v2 =	vld [tilespmem:s20+$0x19280];
	_ =	sdelay $0x2  }
0x87: {  	v3 =	vld [tilespmem:s20+$0x19A80];
	_ =	sdelay $0x1  }
0x88: {  	v4 =	vsub.s32 v2, v0  }
0x89: {  	v2 =	vand.u32 $0x7F, v2;
	v4 =	vand.u32 $0xFFFFFF80, v4  }
0x8a: {  	v2 =	vor.u32 v2, v4;
	_ =	sdelay $0x3  }
0x8b: {  	v4 =	vld.idx.msk [tilespmem:v3+s0+$0x0], $0xffff  }
0x8c: {  	v2 =	vld.idx.msk [tilespmem:v2+s30+$0x0], $0xffff;
	_ =	sdelay $0x4  }
0x8d: {  	v2 =	vadd.f32 v4, v2;
	_ =	sdelay $0x1  }
0x8e: {  	v4 =	vmul.f32 $2.000000030e-01, v2  }
0x8f: {  	vm0 =	vge.f32 v2, $0.0e+00  }
0x90: {  	v2 =	vsel vm0, v2, v4  }
0x91: {  	v2 =	vmul.f32 $1.442695020e+00, v2;
	_ =	sdelay $0x1  }
0x92: {  	(erf) = vpow2.f32 v2;
	_ =	sdelay $0x8  }
0x93: {  	v2 =	vpop (erf)  }
0x94: {  	[tilespmem:$0x1A280] =	vst v2  }
0x95: {  	[tilespmem:v3+s11+$0x0] =	vst.idx.add.f32.msk $0xffff, v2  }
0x96: {  	v2 =	vld [tilespmem:s20+$0x19290];
	_ =	sdelay $0x2  }
0x97: {  	v3 =	vld [tilespmem:s20+$0x19A90];
	_ =	sdelay $0x1  }
0x98: {  	v4 =	vsub.s32 v2, v0  }
0x99: {  	v2 =	vand.u32 $0x7F, v2;
	v4 =	vand.u32 $0xFFFFFF80, v4  }
0x9a: {  	v2 =	vor.u32 v2, v4;
	_ =	sdelay $0x3  }
0x9b: {  	v4 =	vld.idx.msk [tilespmem:v3+s0+$0x0], $0xffff  }
0x9c: {  	v2 =	vld.idx.msk [tilespmem:v2+s30+$0x0], $0xffff;
	_ =	sdelay $0x4  }
0x9d: {  	v2 =	vadd.f32 v4, v2;
	_ =	sdelay $0x1  }
0x9e: {  	v4 =	vmul.f32 $2.000000030e-01, v2  }
0x9f: {  	vm13 =	vge.f32 v2, $0.0e+00  }
0xa0: {  	v2 =	vsel vm13, v2, v4  }
0xa1: {  	v2 =	vmul.f32 $1.442695020e+00, v2;
	_ =	sdelay $0x1  }
0xa2: {  	(erf) = vpow2.f32 v2;
	_ =	sdelay $0x8  }
0xa3: {  	v2 =	vpop (erf)  }
0xa4: {  	[tilespmem:$0x1A290] =	vst v2  }
0xa5: {  	[tilespmem:v3+s11+$0x0] =	vst.idx.add.f32.msk $0xffff, v2  }
0xa6: {  	v2 =	vld [tilespmem:s20+$0x192A0];
	_ =	sdelay $0x2  }
0xa7: {  	v3 =	vld [tilespmem:s20+$0x19AA0];
	_ =	sdelay $0x1  }
0xa8: {  	v4 =	vsub.s32 v2, v0  }
0xa9: {  	v2 =	vand.u32 $0x7F, v2;
	v4 =	vand.u32 $0xFFFFFF80, v4  }
0xaa: {  	v2 =	vor.u32 v2, v4;
	_ =	sdelay $0x3  }
0xab: {  	v4 =	vld.idx.msk [tilespmem:v3+s0+$0x0], $0xffff  }
0xac: {  	v2 =	vld.idx.msk [tilespmem:v2+s30+$0x0], $0xffff;
	_ =	sdelay $0x4  }
0xad: {  	v2 =	vadd.f32 v4, v2;
	_ =	sdelay $0x1  }
0xae: {  	v4 =	vmul.f32 $2.000000030e-01, v2  }
0xaf: {  	vm14 =	vge.f32 v2, $0.0e+00  }
0xb0: {  	v2 =	vsel vm14, v2, v4  }
0xb1: {  	v2 =	vmul.f32 $1.442695020e+00, v2;
	_ =	sdelay $0x1  }
0xb2: {  	(erf) = vpow2.f32 v2;
	_ =	sdelay $0x8  }
0xb3: {  	v2 =	vpop (erf)  }
0xb4: {  	[tilespmem:$0x1A2A0] =	vst v2  }
0xb5: {  	[tilespmem:v3+s11+$0x0] =	vst.idx.add.f32.msk $0xffff, v2  }
0xb6: {  	v2 =	vld [tilespmem:s20+$0x192B0];
	_ =	sdelay $0x2  }
0xb7: {  	v3 =	vld [tilespmem:s20+$0x19AB0];
	_ =	sdelay $0x1  }
0xb8: {  	v4 =	vsub.s32 v2, v0  }
0xb9: {  	v2 =	vand.u32 $0x7F, v2;
	v4 =	vand.u32 $0xFFFFFF80, v4  }
0xba: {  	v2 =	vor.u32 v2, v4;
	_ =	sdelay $0x3  }
0xbb: {  	v4 =	vld.idx.msk [tilespmem:v3+s0+$0x0], $0xffff  }
0xbc: {  	v2 =	vld.idx.msk [tilespmem:v2+s30+$0x0], $0xffff;
	_ =	sdelay $0x4  }
0xbd: {  	v2 =	vadd.f32 v4, v2;
	_ =	sdelay $0x1  }
0xbe: {  	v4 =	vmul.f32 $2.000000030e-01, v2  }
0xbf: {  	vm15 =	vge.f32 v2, $0.0e+00  }
0xc0: {  	v2 =	vsel vm15, v2, v4  }
0xc1: {  	v2 =	vmul.f32 $1.442695020e+00, v2;
	_ =	sdelay $0x1  }
0xc2: {  	(erf) = vpow2.f32 v2;
	_ =	sdelay $0x8  }
0xc3: {  	v2 =	vpop (erf)  }
0xc4: {  	[tilespmem:$0x1A2B0] =	vst v2  }
0xc5: {  	s22 =	sadd.s32 $0x19280, s20;
	[tilespmem:v3+s11+$0x0] =	vst.idx.add.f32.msk $0xffff, v2  }
0xc6: {  	[tilespmem:s4], [sflag:$0x1] =	stream.indirect.gather [hbm4b:s8+s12], $0x80, s22, s12, $0xb8;
	[tilespmem:$0x1EB80] =	vst v63  }
0xc7: {  	s29 =	simm.s32 $0x0;
	_ =	swait.ge [sflag:s13], $0x2000  }
0xc8: {  	v2 =	vmov s29;
	[sflag:s13] =	ssyncset.done $0x0  }
0xc9: {  	s22 =	simm.s32 $0x1A340;
	[sflag:s13] =	ssyncadd.s32 $0xFFFFE000  }
0xca: {  	v6 =	vld [tilespmem:s22+$0x30]  }
0xcb: {  	v9 =	vld [tilespmem:s22+$0x10]  }
0xcc: {  	v7 =	vld [tilespmem:s22+$0xFFFFFFC0]  }
0xcd: {  	v3 =	vld.idx.msk [tilespmem:v2+s14+$0x0], $0xffff  }
0xce: {  	v11 =	vld [tilespmem:s22+$0xFFFFFFE0]  }
0xcf: {  	v2 =	vld [tilespmem:s22+$0xFFFFFFF0]  }
0xd0: {  	v4 =	vld [tilespmem:s22+$0x20]  }
0xd1: {  	v5 =	vld [tilespmem:s22+$0xFFFFFFD0]  }
0xd2: {  	v10 =	vmul.f32 v6, v3;
	v6 =	vld [tilespmem:s22+$0x0]  }
0xd3: {  	v8 =	vmul.f32 v7, v3  }
0xd4: {  	s28 =	simm.s32 $0x1;
	s23 =	simm.s32 $0x1A340;
	s20 =	sadd.s32 $0x19A80, s20;
	v7 =	vmul.f32 v11, v3;
	v9 =	vmul.f32 v9, v3  }
.LBB2_8:
0xd5: {  	p1 =	sne.s32 s28, $0x3F  }
0xd6: {  	v5 =	vmul.f32 v5, v3;
	v4 =	vmul.f32 v4, v3;
	[tilespmem:s22+$0x30] =	vst v10;
	s23 =	sadd.s32 $0x80, s23;
	s29 =	smov.u32 s28;
	s28 =	sadd.s32 $0x1, s28  }
0xd7: {  	[tilespmem:s22+$0xFFFFFFC0] =	vst v8;
	v8 =	vmul.f32 v2, v3;
	v3 =	vmul.f32 v6, v3  }
0xd8: {  	[tilespmem:s22+$0x10] =	vst v9  }
0xd9: {  	v6 =	vmov s29;
	[tilespmem:s22+$0xFFFFFFE0] =	vst v7  }
0xda: {  	v2 =	vld [tilespmem:s23+$0xFFFFFFF0];
	[tilespmem:s22+$0xFFFFFFF0] =	vst v8  }
0xdb: {  	v7 =	vld [tilespmem:s23+$0x30];
	[tilespmem:s22+$0x0] =	vst v3  }
0xdc: {  	v9 =	vld [tilespmem:s23+$0x10];
	[tilespmem:s22+$0x20] =	vst v4  }
0xdd: {  	v8 =	vld [tilespmem:s23+$0xFFFFFFC0];
	[tilespmem:s22+$0xFFFFFFD0] =	vst v5;
	s22 =	smov.u32 s23  }
0xde: {  	v3 =	vld.idx.msk [tilespmem:v6+s14+$0x0], $0xffff  }
0xdf: {  	v11 =	vld [tilespmem:s23+$0xFFFFFFE0]  }
0xe0: {  	v4 =	vld [tilespmem:s23+$0x20]  }
.Ltmp2:
0xe1: {  	v5 =	vld [tilespmem:s23+$0xFFFFFFD0];
	(pc) =	sbr.rel @p1 .LBB2_8-.Ltmp2, $3  }
0xe2: {  	v6 =	vld [tilespmem:s23+$0x0];
	_ =	sdelay $0x1  }
0xe3: {  	v8 =	vmul.f32 v8, v3;
	v10 =	vmul.f32 v7, v3  }
0xe4: {  	v9 =	vmul.f32 v9, v3;
	v7 =	vmul.f32 v11, v3  }
0xe5: {  	[tilespmem:s22+$0x30] =	vst v10  }
0xe6: {  	[tilespmem:s22+$0xFFFFFFC0] =	vst v8  }
0xe7: {  	v2 =	vmul.f32 v2, v3;
	[tilespmem:s22+$0x10] =	vst v9  }
0xe8: {  	v4 =	vmul.f32 v4, v3;
	[tilespmem:s22+$0xFFFFFFE0] =	vst v7  }
0xe9: {  	v6 =	vmul.f32 v6, v3;
	[tilespmem:s22+$0xFFFFFFF0] =	vst v2  }
0xea: {  	s19 =	sadd.s32 $0x1, s19;
	v2 =	vmul.f32 v5, v3;
	[tilespmem:s22+$0x20] =	vst v4  }
0xeb: {  	p1 =	sne.s32 s19, $0x10;
	[tilespmem:s22+$0x0] =	vst v6  }
.Ltmp3:
0xec: {  	[tilespmem:s22+$0xFFFFFFD0] =	vst v2;
	(pc) =	sbr.rel @p1 .LBB2_7-.Ltmp3, $4  }
0xed: {  	[spmem:s2] =	stream.indirect.scatter.add.f32 [tilespmem:s4], [sflag:$0x2], $0x80, s20, s12, $0xb8;
	[tilespmem:$0x1EB80] =	vst v63  }
0xee: {  	_ =	swait.ge [sflag:s31], $0x2000  }
0xef: {  	[sflag:s31] =	ssyncset.done $0x0  }
0xf0: {  	[sflag:s31] =	ssyncadd.s32 $0xFFFFE000  }
0xf1: {  	s18 =	sadd.s32 $0x1, s18  }
0xf2: {  	p1 =	sne.s32 s18, $0x15  }
.Ltmp4:
0xf3: {  	_ = 	snop;
	(pc) =	sbr.rel @p1 .LBB2_6-.Ltmp4, $1  }
0xf4: {  	_ =	sdelay $0x3  }
0xf5: {  	s17 =	simm.s32 $0x50  }
0xf6: {  	[spmem:s3] =	stream.indirect.scatter.add.f32 [tilespmem:s11], [sflag:$0x2], $0x80, s1, s17, $0xb8;
	[tilespmem:$0x1EB80] =	vst v63  }
0xf7: {  	_ =	swait.ge [sflag:s31], $0x2800  }
0xf8: {  	[sflag:s31] =	ssyncset.done $0x0  }
0xf9: {  	s29 =	stileid.u32;
	[sflag:s31] =	ssyncadd.s32 $0xFFFFD800  }
0xfa: {  	s17 =	sshll.u32 s29, $0x6;
	[bflag:$0x0] =	sbarrier.arrive $0xFFFF  }
0xfb: {  	s18 =	sshrl.u32 s10, $0x3;
	s17 =	sor.u32 $0x1C02, s17;
	s19 =	rddreg [dreg:$0xf]  }
0xfc: {  	[hbm:s19], [sflag:s17] =	dma.local [spmem:s18], $0x2800  }
0xfd: {  	s16 =	sadd.s32 $0x1, s16;
	_ =	swait.ge [sflag:s31], $0x2800  }
0xfe: {  	p1 =	sne.s32 s16, s24;
	[sflag:s31] =	ssyncset.done $0x0  }
0xff: {  	s18 =	sshrl.u32 @!p0 s3, $0x3;
	s19 =	rddreg [dreg:$0x10];
	[sflag:s31] =	ssyncadd.s32 $0xFFFFD800  }
0x100: {  	[hbm:s19], [sflag:s17] =	dma.local @!p0 [spmem:s18], $0x500  }
.Ltmp5:
0x101: {  	_ = 	snop;
	(pc) =	sbr.rel @p1 .LBB2_1-.Ltmp5, $4  }
0x102: {  	s17 =	simm.s32 @!p0 $0x2  }
0x103: {  	_ =	swait.ge @!p0 [sflag:s17], $0x500  }
0x104: {  	[sflag:s17] =	ssyncset.done @!p0 $0x0  }
0x105: {  	[sflag:s17] =	ssyncadd.s32 @!p0 $0xFFFFFB00  }
0x106: {  	_ =	sfence.sel $0x180000  }
0x107: {  	[bflag:$0x0] =	sbarrier.arrive $0xFFFF  }
0x108: {  	_ =	strace $0x9000004A  }
0x109: {  	[bflag:$0x2] =	sbarrier.arrive $0xFFFF  }
0x10a: {  	s0 =	rddreg [dreg:$0x4]  }
0x10b: {  	s0 =	sadd.s32 @!p0 $0x100000, s0  }
0x10c: {  	[sflag:s0] =	ssyncadd.tile.s32 @!p0 $0x1;
	_ =	shalt  }
.Lfunc_end2:
_tile_overlayer_lowered:
.L_overlay_start_2:
0x10d: {  	(tag) =	ssettag $0x2  }
0x10e: {  	s0 =	rddreg [dreg:$0x0];
	s2 =	stileid.u32  }
0x10f: {  	s1 =	rddreg [dreg:$0x1];
	p0 =	sne.s32 s2, $0x0  }
0x110: {  	s3 =	rddreg [dreg:$0x2];
	[bflag:$0x3] =	sbarrier.arrive $0xFFFF;
	s2 =	simm.s32 @!p0 $0x1C02  }
0x111: {  	[timem:s3], [sflag:s2] =	dma.local @!p0 [hbm:s0], s1  }
0x112: {  	s0 =	simm.s32 @!p0 $0x2  }
0x113: {  	_ =	swait.ge @!p0 [sflag:s0], s1  }
0x114: {  	s1 =	ssub.s32 @!p0 $0x0, s1;
	[sflag:s0] =	ssyncset.done @!p0 $0x0  }
0x115: {  	[sflag:s0] =	ssyncadd.s32 @!p0 s1  }
0x116: {  	[bflag:$0x3] =	sbarrier.arrive $0xFFFF  }
0x117: {  	_ =	shalt  }

// kernel: kernel.9.cloned.1.call-start
scs
__scs_entry_jumppad:
0x0: {  	(pc) =	sbr.rel $0x88, $3  }
0x1: {  	(tag) =	ssettag $0x0;
	lr =	simm.s32 $0x1  }
0x2: {  	[smem:$0x3F92] =	sst lr;
	_ =	strace $0xD0000000  }
0x3: {  	_ = 	snop  }
0x4: {  	_ = 	snop  }
0x5: {  	_ = 	snop  }
0x6: {  	_ = 	snop  }
0x7: {  	_ = 	snop  }
__scs_overlays_trampoline_lowered:
0x8: {  	[smem:$0x3FA1] =	sst s0  }
0x9: {  	[smem:$0x3FA2] =	sst s1  }
0xa: {  	[smem:$0x3FA3] =	sst s2  }
0xb: {  	[smem:$0x3FA4] =	sst s3  }
0xc: {  	[smem:$0x3FA5] =	sst s4  }
0xd: {  	[smem:$0x3FA6] =	sst s5  }
0xe: {  	[smem:$0x3FA7] =	sst s6  }
0xf: {  	[smem:$0x3FA8] =	sst s7  }
0x10: {  	[smem:$0x3FA9] =	sst s8  }
0x11: {  	[smem:$0x3FAA] =	sst s9;
	s0 =	simm.s32 @!p0 $0x0  }
0x12: {  	s1 =	sld [smem:$0x3F90];
	s0 =	simm.s32 @p0 $0x1  }
0x13: {  	[smem:$0x3FAB] =	sst s0;
	s0 =	simm.s32 @!p1 $0x0  }
0x14: {  	s2 =	sld [smem:$0x3F8F];
	s0 =	simm.s32 @p1 $0x1  }
0x15: {  	[smem:$0x3FAC] =	sst s0;
	s0 =	simm.s32 @!p2 $0x0  }
0x16: {  	s3 =	sld [smem:$0x3FDB];
	s0 =	simm.s32 @p2 $0x1  }
0x17: {  	s4 =	simm.s32 $0x1BF5;
	[smem:$0x3FAE] =	sst s0  }
0x18: {  	s0 =	sld [smem:$0x3F91];
	_ =	swait.ge [sflag:s4], $0x0  }
0x19: {  	s7 =	sld [smem:$0x3F92]  }
0x1a: {  	s8 =	sadd.s32 $0xFFFFE003, lr  }
0x1b: {  	s9 =	sadd.s32 $0xFFFFFEF7, lr;
	s5 =	simm.s32 $0xFFFFFFFF;
	p2 =	slt.u32 s8, $0xFFFFF086  }
0x1c: {  	p1 =	slt.u32 s9, $0xF7A;
	s5 =	simm.s32 @!p2 $0x0  }
0x1d: {  	s5 =	simm.s32 @p1 $0x1;
	p0 =	seq.s32 s7, s2  }
0x1e: {  	s7 =	smul.u32 @!p0 $0xF7A, s2;
	p2 =	seq.s32 @!p0 s5, $0x0  }
0x1f: {  	s9 =	smul.u32 $0xF7A, s1;
	s8 =	simm.s32 @!p0 $0x1BF5;
	p2 =	por !p2, p0  }
0x20: {  	[sflag:s8] =	ssyncset.s32 @!p0 $0xFFFFF086;
	s6 =	sadd.s32 @!p0 s3, s7;
	s7 =	simm.s32 @!p0 $0x108  }
0x21: {  	s3 =	sadd.s32 s3, s9;
	s6 =	sadd.s32 @!p0 $0x88, s6;
	s7 =	simm.s32 @p2 $0x1082  }
0x22: {  	[simem:s7], [sflag:s8] =	dma.local @!p0 [hbm:s6], $0xF7A  }
0x23: {  	s9 =	sor.u32 $0xD0000000, s2;
	s6 =	simm.s32 $0x108;
	_ =	swait.ge @!p0 [sflag:s8], $0x0  }
0x24: {  	s3 =	sadd.s32 $0x88, s3;
	s6 =	simm.s32 @!p1 $0x1082;
	[sflag:s4] =	ssyncset.s32 $0xFFFFF086  }
0x25: {  	[simem:s6], [sflag:s4] =	dma.local [hbm:s3], $0xF7A  }
0x26: {  	[smem:$0x3F92] =	sst s1;
	(tag) =	ssettag s2;
	_ =	strace s9  }
0x27: {  	s1 =	sld [smem:$0x3FA2]  }
0x28: {  	s2 =	sld [smem:$0x3FA3]  }
0x29: {  	s4 =	sld [smem:$0x3FA5]  }
0x2a: {  	p0 =	seq.s32 s5, $0x0;
	s5 =	sld [smem:$0x3FA6]  }
0x2b: {  	s6 =	sld [smem:$0x3FA7]  }
0x2c: {  	s7 =	sld [smem:$0x3FA8]  }
0x2d: {  	s3 =	simm.s32 $0x108;
	s8 =	sld [smem:$0x3FA9]  }
0x2e: {  	s3 =	simm.s32 @!p0 $0x1082;
	s9 =	sld [smem:$0x3FAA]  }
0x2f: {  	lr =	sadd.s32 s0, s3;
	s0 =	sld [smem:$0x3FA1]  }
0x30: {  	s3 =	sld [smem:$0x3FA4]  }
0x31: {  	[smem:$0x3FAD] =	sst s10  }
0x32: {  	s10 =	sld [smem:$0x3FAB];
	_ =	sdelay $0x3  }
0x33: {  	p0 =	seq.s32 s10, $0x1;
	s10 =	sld [smem:$0x3FAD];
	_ =	sdelay $0x3  }
0x34: {  	[smem:$0x3FAD] =	sst s10  }
0x35: {  	s10 =	sld [smem:$0x3FAC];
	_ =	sdelay $0x3  }
0x36: {  	p1 =	seq.s32 s10, $0x1;
	s10 =	sld [smem:$0x3FAD];
	_ =	sdelay $0x3  }
0x37: {  	[smem:$0x3FAD] =	sst s10  }
0x38: {  	s10 =	sld [smem:$0x3FAE]  }
0x39: {  	_ = 	snop;
	(pc) =	sbr.ind lr, $3  }
0x3a: {  	_ = 	snop  }
0x3b: {  	_ = 	snop  }
0x3c: {  	p2 =	seq.s32 s10, $0x1;
	s10 =	sld [smem:$0x3FAD]  }
0x3d: {  	_ =	shalt  }
0x3e: {  	_ =	shalt  }
0x3f: {  	_ =	shalt  }
0x40: {  	_ =	shalt  }
0x41: {  	_ =	shalt  }
0x42: {  	_ =	shalt  }
0x43: {  	_ =	shalt  }
0x44: {  	_ =	shalt  }
0x45: {  	_ =	shalt  }
0x46: {  	_ =	shalt  }
0x47: {  	_ =	shalt  }
0x48: {  	_ =	shalt  }
0x49: {  	_ =	shalt  }
0x4a: {  	_ =	shalt  }
0x4b: {  	_ =	shalt  }
0x4c: {  	_ =	shalt  }
0x4d: {  	_ =	shalt  }
0x4e: {  	_ =	shalt  }
0x4f: {  	_ =	shalt  }
0x50: {  	_ =	shalt  }
0x51: {  	_ =	shalt  }
0x52: {  	_ =	shalt  }
0x53: {  	_ =	shalt  }
0x54: {  	_ =	shalt  }
0x55: {  	_ =	shalt  }
0x56: {  	_ =	shalt  }
0x57: {  	_ =	shalt  }
0x58: {  	_ =	shalt  }
0x59: {  	_ =	shalt  }
0x5a: {  	_ =	shalt  }
0x5b: {  	_ =	shalt  }
0x5c: {  	_ =	shalt  }
0x5d: {  	_ =	shalt  }
0x5e: {  	_ =	shalt  }
0x5f: {  	_ =	shalt  }
0x60: {  	_ =	shalt  }
0x61: {  	_ =	shalt  }
0x62: {  	_ =	shalt  }
0x63: {  	_ =	shalt  }
0x64: {  	_ =	shalt  }
0x65: {  	_ =	shalt  }
0x66: {  	_ =	shalt  }
0x67: {  	_ =	shalt  }
0x68: {  	_ =	shalt  }
0x69: {  	_ =	shalt  }
0x6a: {  	_ =	shalt  }
0x6b: {  	_ =	shalt  }
0x6c: {  	_ =	shalt  }
0x6d: {  	_ =	shalt  }
0x6e: {  	_ =	shalt  }
0x6f: {  	_ =	shalt  }
0x70: {  	_ =	shalt  }
0x71: {  	_ =	shalt  }
0x72: {  	_ =	shalt  }
0x73: {  	_ =	shalt  }
0x74: {  	_ =	shalt  }
0x75: {  	_ =	shalt  }
0x76: {  	_ =	shalt  }
0x77: {  	_ =	shalt  }
0x78: {  	_ =	shalt  }
0x79: {  	_ =	shalt  }
0x7a: {  	_ =	shalt  }
0x7b: {  	_ =	shalt  }
0x7c: {  	_ =	shalt  }
0x7d: {  	_ =	shalt  }
0x7e: {  	_ =	shalt  }
0x7f: {  	_ =	shalt  }
0x80: {  	_ =	shalt  }
0x81: {  	_ =	shalt  }
0x82: {  	_ =	shalt  }
0x83: {  	_ =	shalt  }
0x84: {  	_ =	shalt  }
0x85: {  	_ =	shalt  }
0x86: {  	_ =	shalt  }
0x87: {  	_ =	shalt  }
.Lfunc_end0:
.L_simem_size_0:
called_computation_lowered:
.L_overlay_start_0:
0x88: {  	s2 =	sld [smem:$0x3FD9]  }
0x89: {  	s3 =	sld [smem:$0x3FFE];
	_ =	sdelay $0x1  }
0x8a: {  	s1 =	srdreg.scid  }
0x8b: {  	s0 =	sand.u32 $0x1, s1  }
0x8c: {  	s17 =	sshll.u32 s0, $0xA;
	s2 =	sadd.s32 s3, s2  }
0x8d: {  	s2 =	sadd.s32 s2, s17  }
0x8e: {  	[smem:$0x3FB9] =	sst s2  }
0x8f: {  	_ = 	snop  }
0x90: {  	s2 =	sld [smem:$0x3FD0];
	(tm) =	ssettm $0x1  }
0x91: {  	s18 =	sld [smem:$0x3FFB];
	_ =	sdelay $0x3  }
0x92: {  	_ =	strace s18  }
0x93: {  	s3 =	sld [smem:$0x3FFC];
	_ =	sdelay $0x3  }
0x94: {  	_ =	strace s3  }
0x95: {  	s3 =	sld [smem:$0x3FFD];
	_ =	sdelay $0x3  }
0x96: {  	_ =	strace s3  }
0x97: {  	_ =	strace $0x8FFFFFFF  }
0x98: {  	s19 =	sld [smem:$0x3FDB];
	_ =	sdelay $0x1  }
0x99: {  	s4 =	simm.s32 $_scs_section_size  }
0x9a: {  	s5 =	simm.s32 $_size__tile_overlayer_lowered;
	s6 =	simm.s32 $_tile_overlayer_lowered  }
0x9b: {  	s22 =	simm.s32 $0x1BFF;
	s21 =	sshll.u32 s6, $0x1;
	s3 =	sadd.s32 s4, s19  }
0x9c: {  	s7 =	simm.s32 $0x0;
	s20 =	sshll.u32 s5, $0x1;
	s5 =	sadd.s32 s21, s3  }
0x9d: {  	[timem:s7], [sflag:s22] =	dma.local [hbm:s5], s20  }
0x9e: {  	_ =	swait.ge [sflag:s22], s20  }
0x9f: {  	s4 =	ssub.s32 $0x0, s20;
	[sflag:s22] =	ssyncset.done $0x0  }
0xa0: {  	[sflag:s22] =	ssyncadd.s32 s4;
	_ =	sdelay $0x1  }
0xa1: {  	s23 =	simm.s32 $0x1B8B  }
0xa2: {  	_ =	swait.ge [sflag:s23], $0x1  }
0xa3: {  	[sflag:s23] =	ssyncset.done $0x0  }
0xa4: {  	s25 =	simm.s32 $0x1B8E;
	s24 =	sld [smem:$0x3FFE];
	[sflag:s23] =	ssyncadd.s32 $0xFFFFFFFF  }
0xa5: {  	s26 =	simm.s32 $execute0_lowered;
	[smem:$0x3FD2] =	sst s25  }
0xa6: {  	s5 =	sshll.u32 s26, $0x1;
	_ =	strace $0x80000046;
	[dreg:$0x1] =	wrdreg $0xFFFFFFFF  }
0xa7: {  	s28 =	simm.s32 $_size_execute0_lowered;
	s3 =	sadd.s32 s3, s5;
	[dreg:$0x0] =	wrdreg $0x0  }
0xa8: {  	s5 =	sshll.u32 s28, $0x1;
	[dreg:$0x2] =	wrdreg s3  }
0xa9: {  	[dreg:$0x3] =	wrdreg s5  }
0xaa: {  	[dreg:$0x4] =	wrdreg $0xC0  }
0xab: {  	_ =	task [dreg:s7], $0x5FFFF  }
0xac: {  	[dreg:$0x1] =	wrdreg $0xFFFFFFFF  }
0xad: {  	[dreg:$0x0] =	wrdreg $0x60  }
0xae: {  	[dreg:$0x2] =	wrdreg s24  }
0xaf: {  	[dreg:$0x3] =	wrdreg s2  }
0xb0: {  	[dreg:$0x4] =	wrdreg $0x0  }
0xb1: {  	[dreg:$0x5] =	wrdreg $0x140000  }
0xb2: {  	[dreg:$0x6] =	wrdreg $0x9  }
0xb3: {  	_ =	task.clear_ibuf [dreg:s7], $0x7FFFF;
	_ =	strace $0x90000046  }
0xb4: {  	s29 =	simm.s32 $0x9;
	_ =	strace $0x80000048  }
0xb5: {  	_ =	swait.ge [sflag:s29], $0x1  }
0xb6: {  	[sflag:s29] =	ssyncadd.s32 $0xFFFFFFFF  }
0xb7: {  	_ =	strace $0x90000048  }
0xb8: {  	_ =	sfence  }
0xb9: {  	s30 =	sld [smem:$0x0];
	_ =	sdelay $0x2  }
0xba: {  	s31 =	sshll.u32 s1, $0xD;
	s1 =	sshrl.u32 s1, $0x2  }
0xbb: {  	s3 =	sand.u32 $0x4000, s31;
	s1 =	sadd.s32 s1, s30  }
0xbc: {  	s0 =	sor.u32 s3, s0;
	s1 =	sshll.u32 s1, $0x11  }
0xbd: {  	s0 =	sor.u32 s1, s0  }
0xbe: {  	s0 =	sadd.s32 $0x8F2B, s0  }
0xbf: {  	[sflag:s0] =	ssyncadd.remote.s32 $0x1  }
0xc0: {  	_ =	sfence.sel $0xFFFF  }
0xc1: {  	[dreg:$0x0] =	wrdreg $0xFFFFFFFF;
	(pc) =	sbr.abs _section_cstart, $3  }
0xc2: {  	[dreg:$0x1] =	wrdreg $0xFFFFFFFF  }
0xc3: {  	_ =	task.clear_ibuf [dreg:s7], $0x2FFFF;
	_ =	strace $0x9FFFFFFF  }
0xc4: {  	(tm) =	ssettm $0x7FFFFFFF  }
0xc5: {  	_ =	shalt  }
tec
execute0_lowered:
.L_overlay_start_1:
0x0: {  	(tag) =	ssettag $0x1  }
0x1: {  	s0 =	rddreg [dreg:$0x0]  }
0x2: {  	s2 =	rddreg [dreg:$0x2]  }
0x3: {  	s3 =	rddreg [dreg:$0x3];
	s1 =	srdreg.scid  }
0x4: {  	s5 =	simm.s32 $0x0;
	s12 =	stileid.u32;
	s30 =	simm.s32 $0x14280  }
0x5: {  	s31 =	simm.s32 $0x2;
	s13 =	simm.s32 $0x1;
	s14 =	simm.s32 $0x1A280  }
0x6: {  	s1 =	sand.u32 $0x1, s1;
	[smem:$0x7FF] =	sst s5;
	s15 =	smul.u32 $0x14000, s12  }
0x7: {  	s6 =	sadd.s32 $0x3C00, s0;
	s7 =	sadd.s32 $0x57C00, s0;
	s10 =	smul.u32 $0x50000, s12  }
0x8: {  	p0 =	sne.s32 s12, $0x0;
	s4 =	smul.u32 $0x140000, s1;
	_ =	strace $0x80000047  }
0x9: {  	s8 =	sshll.u32 s1, $0x4;
	s16 =	smul.u32 $0x500, s1;
	s11 =	ssub.s32 $0x2, s1  }
0xa: {  	s1 =	smul.u32 $0xA8000, s1;
	s9 =	sadd.s32 s8, s0;
	s8 =	sadd.s32 $0x6CC00, s0  }
0xb: {  	s17 =	sshrl.u32 s11, $0x1;
	s10 =	sshrl.u32 s10, $0x2;
	s18 =	sadd.s32 $0x94C00, s9  }
0xc: {  	s10 =	sadd.s32 s10, s2;
	s9 =	sadd.s32 $0x95600, s9;
	[dreg:$0x5] =	wrdreg s18  }
0xd: {  	s4 =	sadd.s32 s15, s4;
	[dreg:$0x6] =	wrdreg s9;
	s19 =	sadd.s32 $0x2000, s10  }
0xe: {  	s5 =	ssub.s32 s11, s17;
	s20 =	sadd.s32 $0x4000, s10;
	[dreg:$0x7] =	wrdreg s19  }
0xf: {  	s11 =	simm.s32 $0x1C300;
	s21 =	sadd.s32 $0x6000, s10;
	[dreg:$0x8] =	wrdreg s20  }
0x10: {  	s15 =	simm.s32 $0x0;
	s22 =	sadd.s32 $0x8000, s10;
	[dreg:$0x9] =	wrdreg s21  }
0x11: {  	s4 =	sshrl.u32 s4, $0x3;
	s23 =	sadd.s32 $0xA000, s10;
	[dreg:$0xa] =	wrdreg s22  }
0x12: {  	s24 =	sadd.s32 $0xC000, s10;
	s18 =	smul.u32 $0xA800, s12;
	[dreg:$0xb] =	wrdreg s23  }
0x13: {  	s25 =	sadd.s32 $0xE000, s10;
	s26 =	sadd.s32 $0x10000, s10;
	[dreg:$0xc] =	wrdreg s24  }
0x14: {  	s28 =	sadd.s32 $0x12000, s10;
	s9 =	simm.s32 $0x19A80;
	[dreg:$0xd] =	wrdreg s25  }
0x15: {  	s12 =	simm.s32 $0x40;
	s4 =	sadd.s32 s4, s0;
	[dreg:$0xe] =	wrdreg s26  }
0x16: {  	s0 =	sadd.s32 s16, s0;
	[dreg:$0xf] =	wrdreg s28;
	s25 =	smax.u32 s5, $0x1  }
0x17: {  	s26 =	sadd.s32 $0x2000, s3;
	s5 =	simm.s32 $0x19280;
	s22 =	sadd.s32 s1, s18  }
0x18: {  	s29 =	sadd.s32 $0x96000, s4;
	s24 =	sadd.s32 $0xE6000, s0;
	s0 =	simm.s32 $0x16A80  }
0x19: {  	v0 =	vimm.f32 $0.0e+00;
	s1 =	simm.s32 $0x1EB00;
	s4 =	simm.s32 $0x1A300;
	[dreg:$0x10] =	wrdreg s29  }
.LBB2_1:
0x1a: {  	s16 =	rddreg [dreg:$0x5];
	s17 =	simm.s32 $0x80;
	s19 =	simm.s32 $0x100  }
0x1b: {  	[tilespmem:s30], [sflag:$0x2] =	stream.strided.gather [hbm4b:s16+s17], $0x2800, s19, s17, $0x38;
	[tilespmem:$0x1EB80] =	vst v63  }
0x1c: {  	_ =	swait.ge [sflag:s31], $0x2800  }
0x1d: {  	[sflag:s31] =	ssyncset.done $0x0  }
0x1e: {  	s23 =	rddreg [dreg:$0x6];
	[sflag:s31] =	ssyncadd.s32 $0xFFFFD800  }
0x1f: {  	[tilespmem:s0], [sflag:$0x2] =	stream.strided.gather [hbm4b:s23+s17], $0x2800, s19, s17, $0x38;
	[tilespmem:$0x1EB80] =	vst v63  }
0x20: {  	_ =	swait.ge [sflag:s31], $0x2800  }
0x21: {  	[sflag:s31] =	ssyncset.done $0x0  }
0x22: {  	[sflag:s31] =	ssyncadd.s32 $0xFFFFD800  }
0x23: {  	s29 =	simm.s32 $0x0;
	s28 =	rddreg [dreg:$0x1]  }
0x24: {  	[tilespmem:s1], [sflag:$0x2] =	stream.linear.gather [hbm4b:s28+s29], $0x80, $0x38;
	[tilespmem:$0x1EB80] =	vst v63  }
0x25: {  	_ =	swait.ge [sflag:s31], $0x80  }
0x26: {  	[sflag:s31] =	ssyncset.done $0x0  }
0x27: {  	s16 =	simm.s32 $0x0;
	s17 =	simm.s32 $0x200;
	[sflag:s31] =	ssyncadd.s32 $0xFFFFFF80  }
.LBB2_2:
0x28: {  	p1 =	sne.s32 s17, $0x7E00;
	[tilespmem:s16+$0x1A370] =	vst v0  }
0x29: {  	[tilespmem:s16+$0x1A300] =	vst v0  }
0x2a: {  	[tilespmem:s16+$0x1A310] =	vst v0  }
.Ltmp0:
0x2b: {  	[tilespmem:s16+$0x1A320] =	vst v0;
	(pc) =	sbr.rel @p1 .LBB2_2-.Ltmp0, $4  }
0x2c: {  	[tilespmem:s16+$0x1A330] =	vst v0  }
0x2d: {  	[tilespmem:s16+$0x1A340] =	vst v0  }
0x2e: {  	[tilespmem:s16+$0x1A350] =	vst v0  }
0x2f: {  	[tilespmem:s16+$0x1A360] =	vst v0;
	s16 =	sshra.s32 s17, $0x2;
	s17 =	sadd.s32 $0x200, s17  }
0x30: {  	[tilespmem:s16+$0x1A370] =	vst v0  }
0x31: {  	[tilespmem:s16+$0x1A300] =	vst v0  }
0x32: {  	[tilespmem:s16+$0x1A310] =	vst v0  }
0x33: {  	[tilespmem:s16+$0x1A320] =	vst v0  }
0x34: {  	[tilespmem:s16+$0x1A330] =	vst v0  }
0x35: {  	[tilespmem:s16+$0x1A340] =	vst v0  }
0x36: {  	[tilespmem:s16+$0x1A350] =	vst v0  }
0x37: {  	[tilespmem:s16+$0x1A360] =	vst v0;
	s16 =	simm.s32 $0x0;
	s17 =	simm.s32 $0x200  }
.LBB2_4:
0x38: {  	p1 =	sne.s32 s17, $0x9E00;
	[tilespmem:s16+$0x1C370] =	vst v0  }
0x39: {  	[tilespmem:s16+$0x1C300] =	vst v0  }
0x3a: {  	[tilespmem:s16+$0x1C310] =	vst v0  }
.Ltmp1:
0x3b: {  	[tilespmem:s16+$0x1C320] =	vst v0;
	(pc) =	sbr.rel @p1 .LBB2_4-.Ltmp1, $4  }
0x3c: {  	[tilespmem:s16+$0x1C330] =	vst v0  }
0x3d: {  	[tilespmem:s16+$0x1C340] =	vst v0  }
0x3e: {  	[tilespmem:s16+$0x1C350] =	vst v0  }
0x3f: {  	[tilespmem:s16+$0x1C360] =	vst v0;
	s16 =	sshra.s32 s17, $0x2;
	s17 =	sadd.s32 $0x200, s17  }
0x40: {  	[tilespmem:s16+$0x1C370] =	vst v0  }
0x41: {  	[tilespmem:s16+$0x1C300] =	vst v0  }
0x42: {  	[tilespmem:s16+$0x1C310] =	vst v0  }
0x43: {  	[tilespmem:s16+$0x1C320] =	vst v0  }
0x44: {  	[tilespmem:s16+$0x1C330] =	vst v0  }
0x45: {  	[tilespmem:s16+$0x1C340] =	vst v0  }
0x46: {  	[tilespmem:s16+$0x1C350] =	vst v0  }
0x47: {  	[tilespmem:s16+$0x1C360] =	vst v0  }
0x48: {  	[spmem:s10] =	stream.linear.scatter [tilespmem:s4], [sflag:$0x2], $0x2000, $0x38;
	[tilespmem:$0x1EB80] =	vst v63  }
0x49: {  	_ =	swait.ge [sflag:s31], $0x2000  }
0x4a: {  	[sflag:s31] =	ssyncset.done $0x0  }
0x4b: {  	s28 =	rddreg [dreg:$0x7];
	[sflag:s31] =	ssyncadd.s32 $0xFFFFE000  }
0x4c: {  	[spmem:s28] =	stream.linear.scatter [tilespmem:s4], [sflag:$0x2], $0x2000, $0x38;
	[tilespmem:$0x1EB80] =	vst v63  }
0x4d: {  	_ =	swait.ge [sflag:s31], $0x2000  }
0x4e: {  	[sflag:s31] =	ssyncset.done $0x0  }
0x4f: {  	s29 =	rddreg [dreg:$0x8];
	[sflag:s31] =	ssyncadd.s32 $0xFFFFE000  }
0x50: {  	[spmem:s29] =	stream.linear.scatter [tilespmem:s4], [sflag:$0x2], $0x2000, $0x38;
	[tilespmem:$0x1EB80] =	vst v63  }
0x51: {  	_ =	swait.ge [sflag:s31], $0x2000  }
0x52: {  	[sflag:s31] =	ssyncset.done $0x0  }
0x53: {  	s17 =	rddreg [dreg:$0x9];
	[sflag:s31] =	ssyncadd.s32 $0xFFFFE000  }
0x54: {  	[spmem:s17] =	stream.linear.scatter [tilespmem:s4], [sflag:$0x2], $0x2000, $0x38;
	[tilespmem:$0x1EB80] =	vst v63  }
0x55: {  	_ =	swait.ge [sflag:s31], $0x2000  }
0x56: {  	[sflag:s31] =	ssyncset.done $0x0  }
0x57: {  	s19 =	rddreg [dreg:$0xa];
	[sflag:s31] =	ssyncadd.s32 $0xFFFFE000  }
0x58: {  	[spmem:s19] =	stream.linear.scatter [tilespmem:s4], [sflag:$0x2], $0x2000, $0x38;
	[tilespmem:$0x1EB80] =	vst v63  }
0x59: {  	_ =	swait.ge [sflag:s31], $0x2000  }
0x5a: {  	[sflag:s31] =	ssyncset.done $0x0  }
0x5b: {  	s20 =	rddreg [dreg:$0xb];
	[sflag:s31] =	ssyncadd.s32 $0xFFFFE000  }
0x5c: {  	[spmem:s20] =	stream.linear.scatter [tilespmem:s4], [sflag:$0x2], $0x2000, $0x38;
	[tilespmem:$0x1EB80] =	vst v63  }
0x5d: {  	_ =	swait.ge [sflag:s31], $0x2000  }
0x5e: {  	[sflag:s31] =	ssyncset.done $0x0  }
0x5f: {  	s21 =	rddreg [dreg:$0xc];
	[sflag:s31] =	ssyncadd.s32 $0xFFFFE000  }
0x60: {  	[spmem:s21] =	stream.linear.scatter [tilespmem:s4], [sflag:$0x2], $0x2000, $0x38;
	[tilespmem:$0x1EB80] =	vst v63  }
0x61: {  	_ =	swait.ge [sflag:s31], $0x2000  }
0x62: {  	[sflag:s31] =	ssyncset.done $0x0  }
0x63: {  	s23 =	rddreg [dreg:$0xd];
	[sflag:s31] =	ssyncadd.s32 $0xFFFFE000  }
0x64: {  	[spmem:s23] =	stream.linear.scatter [tilespmem:s4], [sflag:$0x2], $0x2000, $0x38;
	[tilespmem:$0x1EB80] =	vst v63  }
0x65: {  	_ =	swait.ge [sflag:s31], $0x2000  }
0x66: {  	[sflag:s31] =	ssyncset.done $0x0  }
0x67: {  	s28 =	rddreg [dreg:$0xe];
	[sflag:s31] =	ssyncadd.s32 $0xFFFFE000  }
0x68: {  	[spmem:s28] =	stream.linear.scatter [tilespmem:s4], [sflag:$0x2], $0x2000, $0x38;
	[tilespmem:$0x1EB80] =	vst v63  }
0x69: {  	_ =	swait.ge [sflag:s31], $0x2000  }
0x6a: {  	[sflag:s31] =	ssyncset.done $0x0  }
0x6b: {  	s29 =	rddreg [dreg:$0xf];
	[sflag:s31] =	ssyncadd.s32 $0xFFFFE000  }
0x6c: {  	[spmem:s29] =	stream.linear.scatter [tilespmem:s4], [sflag:$0x2], $0x2000, $0x38;
	[tilespmem:$0x1EB80] =	vst v63  }
0x6d: {  	_ =	swait.ge [sflag:s31], $0x2000  }
0x6e: {  	[sflag:s31] =	ssyncset.done $0x0  }
0x6f: {  	s16 =	simm.s32 @!p0 $0x1A300;
	s17 =	simm.s32 @!p0 $0x2;
	[sflag:s31] =	ssyncadd.s32 $0xFFFFE000  }
0x70: {  	[spmem:s3] =	stream.linear.scatter @!p0 [tilespmem:s16], [sflag:$0x2], $0x2000, $0x38;
	[tilespmem:$0x1EB80] =	vst v63  }
0x71: {  	_ =	swait.ge @!p0 [sflag:s17], $0x2000  }
0x72: {  	[sflag:s17] =	ssyncset.done @!p0 $0x0  }
0x73: {  	[sflag:s17] =	ssyncadd.s32 @!p0 $0xFFFFE000  }
0x74: {  	[spmem:s26] =	stream.linear.scatter @!p0 [tilespmem:s16], [sflag:$0x2], $0x800, $0x38;
	[tilespmem:$0x1EB80] =	vst v63  }
0x75: {  	_ =	swait.ge @!p0 [sflag:s17], $0x800  }
0x76: {  	[sflag:s17] =	ssyncset.done @!p0 $0x0  }
0x77: {  	[sflag:s17] =	ssyncadd.s32 @!p0 $0xFFFFF800  }
0x78: {  	s16 =	simm.s32 $0x0;
	s17 =	simm.s32 $0x0;
	[bflag:$0x0] =	sbarrier.arrive $0xFFFF  }
.LBB2_6:
0x79: {  	s19 =	sshll.u32 s17, $0xB  }
0x7a: {  	s20 =	sadd.s32 s22, s19  }
0x7b: {  	s20 =	sshrl.u32 s20, $0x3  }
0x7c: {  	s20 =	sadd.s32 s6, s20  }
0x7d: {  	[tilespmem:s5], [sflag:$0x2] =	stream.linear.gather [hbm4b:s20+s16], $0x800, $0x38;
	[tilespmem:$0x1EB80] =	vst v63  }
0x7e: {  	s19 =	sadd.s32 s18, s19;
	_ =	swait.ge [sflag:s31], $0x800  }
0x7f: {  	s19 =	sshrl.u32 s19, $0x3;
	[sflag:s31] =	ssyncset.done $0x0  }
0x80: {  	s19 =	sadd.s32 s7, s19;
	[sflag:s31] =	ssyncadd.s32 $0xFFFFF800  }
0x81: {  	[tilespmem:s9], [sflag:$0x2] =	stream.linear.gather [hbm4b:s19+s16], $0x800, $0x38;
	[tilespmem:$0x1EB80] =	vst v63  }
0x82: {  	_ =	swait.ge [sflag:s31], $0x800  }
0x83: {  	[sflag:s31] =	ssyncset.done $0x0  }
0x84: {  	s19 =	simm.s32 $0x0;
	[sflag:s31] =	ssyncadd.s32 $0xFFFFF800  }
.LBB2_7:
0x85: {  	s21 =	sshll.u32 s19, $0x7  }
0x86: {  	v1 =	vld [tilespmem:s21+$0x19280]  }
0x87: {  	v2 =	vld [tilespmem:s21+$0x19A80];
	_ =	sdelay $0x6  }
0x88: {  	v1 =	vld.idx.msk [tilespmem:v1+s30+$0x0], $0xffff  }
0x89: {  	v3 =	vld.idx.msk [tilespmem:v2+s0+$0x0], $0xffff;
	_ =	sdelay $0x4  }
0x8a: {  	v1 =	vadd.f32 v3, v1;
	_ =	sdelay $0x1  }
0x8b: {  	v3 =	vmul.f32 $2.000000030e-01, v1  }
0x8c: {  	vm0 =	vge.f32 v1, $0.0e+00  }
0x8d: {  	v1 =	vsel vm0, v1, v3  }
0x8e: {  	v1 =	vmul.f32 $1.442695020e+00, v1;
	_ =	sdelay $0x1  }
0x8f: {  	(erf) = vpow2.f32 v1;
	_ =	sdelay $0x8  }
0x90: {  	v1 =	vpop (erf)  }
0x91: {  	[tilespmem:$0x1A280] =	vst v1  }
0x92: {  	[tilespmem:v2+s11+$0x0] =	vst.idx.add.f32.msk $0xffff, v1  }
0x93: {  	v1 =	vld [tilespmem:s21+$0x19290]  }
0x94: {  	v2 =	vld [tilespmem:s21+$0x19A90];
	_ =	sdelay $0x6  }
0x95: {  	v1 =	vld.idx.msk [tilespmem:v1+s30+$0x0], $0xffff  }
0x96: {  	v3 =	vld.idx.msk [tilespmem:v2+s0+$0x0], $0xffff;
	_ =	sdelay $0x4  }
0x97: {  	v1 =	vadd.f32 v3, v1;
	_ =	sdelay $0x1  }
0x98: {  	v3 =	vmul.f32 $2.000000030e-01, v1  }
0x99: {  	vm13 =	vge.f32 v1, $0.0e+00  }
0x9a: {  	v1 =	vsel vm13, v1, v3  }
0x9b: {  	v1 =	vmul.f32 $1.442695020e+00, v1;
	_ =	sdelay $0x1  }
0x9c: {  	(erf) = vpow2.f32 v1;
	_ =	sdelay $0x8  }
0x9d: {  	v1 =	vpop (erf)  }
0x9e: {  	[tilespmem:$0x1A290] =	vst v1  }
0x9f: {  	[tilespmem:v2+s11+$0x0] =	vst.idx.add.f32.msk $0xffff, v1  }
0xa0: {  	v1 =	vld [tilespmem:s21+$0x192A0]  }
0xa1: {  	v2 =	vld [tilespmem:s21+$0x19AA0];
	_ =	sdelay $0x6  }
0xa2: {  	v1 =	vld.idx.msk [tilespmem:v1+s30+$0x0], $0xffff  }
0xa3: {  	v3 =	vld.idx.msk [tilespmem:v2+s0+$0x0], $0xffff;
	_ =	sdelay $0x4  }
0xa4: {  	v1 =	vadd.f32 v3, v1;
	_ =	sdelay $0x1  }
0xa5: {  	v3 =	vmul.f32 $2.000000030e-01, v1  }
0xa6: {  	vm14 =	vge.f32 v1, $0.0e+00  }
0xa7: {  	v1 =	vsel vm14, v1, v3  }
0xa8: {  	v1 =	vmul.f32 $1.442695020e+00, v1;
	_ =	sdelay $0x1  }
0xa9: {  	(erf) = vpow2.f32 v1;
	_ =	sdelay $0x8  }
0xaa: {  	v1 =	vpop (erf)  }
0xab: {  	[tilespmem:$0x1A2A0] =	vst v1  }
0xac: {  	[tilespmem:v2+s11+$0x0] =	vst.idx.add.f32.msk $0xffff, v1  }
0xad: {  	v1 =	vld [tilespmem:s21+$0x192B0]  }
0xae: {  	v2 =	vld [tilespmem:s21+$0x19AB0];
	_ =	sdelay $0x6  }
0xaf: {  	v1 =	vld.idx.msk [tilespmem:v1+s30+$0x0], $0xffff  }
0xb0: {  	v3 =	vld.idx.msk [tilespmem:v2+s0+$0x0], $0xffff;
	_ =	sdelay $0x4  }
0xb1: {  	v1 =	vadd.f32 v3, v1;
	_ =	sdelay $0x1  }
0xb2: {  	v3 =	vmul.f32 $2.000000030e-01, v1  }
0xb3: {  	vm15 =	vge.f32 v1, $0.0e+00  }
0xb4: {  	v1 =	vsel vm15, v1, v3  }
0xb5: {  	v1 =	vmul.f32 $1.442695020e+00, v1;
	_ =	sdelay $0x1  }
0xb6: {  	(erf) = vpow2.f32 v1;
	_ =	sdelay $0x8  }
0xb7: {  	v1 =	vpop (erf)  }
0xb8: {  	[tilespmem:$0x1A2B0] =	vst v1  }
0xb9: {  	s20 =	sadd.s32 $0x19280, s21;
	[tilespmem:v2+s11+$0x0] =	vst.idx.add.f32.msk $0xffff, v1  }
0xba: {  	[tilespmem:s4], [sflag:$0x1] =	stream.indirect.gather [hbm4b:s8+s12], $0x80, s20, s12, $0xb8;
	[tilespmem:$0x1EB80] =	vst v63  }
0xbb: {  	s29 =	simm.s32 $0x0;
	_ =	swait.ge [sflag:s13], $0x2000  }
0xbc: {  	v1 =	vmov s29;
	[sflag:s13] =	ssyncset.done $0x0  }
0xbd: {  	s20 =	simm.s32 $0x1A340;
	[sflag:s13] =	ssyncadd.s32 $0xFFFFE000  }
0xbe: {  	v5 =	vld [tilespmem:s20+$0x30]  }
0xbf: {  	v8 =	vld [tilespmem:s20+$0x10]  }
0xc0: {  	v6 =	vld [tilespmem:s20+$0xFFFFFFC0]  }
0xc1: {  	v2 =	vld.idx.msk [tilespmem:v1+s14+$0x0], $0xffff  }
0xc2: {  	v10 =	vld [tilespmem:s20+$0xFFFFFFE0]  }
0xc3: {  	v1 =	vld [tilespmem:s20+$0xFFFFFFF0]  }
0xc4: {  	v3 =	vld [tilespmem:s20+$0x20]  }
0xc5: {  	v4 =	vld [tilespmem:s20+$0xFFFFFFD0]  }
0xc6: {  	v9 =	vmul.f32 v5, v2;
	v5 =	vld [tilespmem:s20+$0x0]  }
0xc7: {  	v7 =	vmul.f32 v6, v2  }
0xc8: {  	s28 =	simm.s32 $0x1;
	s23 =	simm.s32 $0x1A340;
	s21 =	sadd.s32 $0x19A80, s21;
	v6 =	vmul.f32 v10, v2;
	v8 =	vmul.f32 v8, v2  }
.LBB2_8:
0xc9: {  	p1 =	sne.s32 s28, $0x3F  }
0xca: {  	v4 =	vmul.f32 v4, v2;
	v3 =	vmul.f32 v3, v2;
	[tilespmem:s20+$0x30] =	vst v9;
	s23 =	sadd.s32 $0x80, s23;
	s29 =	smov.u32 s28;
	s28 =	sadd.s32 $0x1, s28  }
0xcb: {  	[tilespmem:s20+$0xFFFFFFC0] =	vst v7;
	v7 =	vmul.f32 v1, v2;
	v2 =	vmul.f32 v5, v2  }
0xcc: {  	[tilespmem:s20+$0x10] =	vst v8  }
0xcd: {  	v5 =	vmov s29;
	[tilespmem:s20+$0xFFFFFFE0] =	vst v6  }
0xce: {  	v1 =	vld [tilespmem:s23+$0xFFFFFFF0];
	[tilespmem:s20+$0xFFFFFFF0] =	vst v7  }
0xcf: {  	v6 =	vld [tilespmem:s23+$0x30];
	[tilespmem:s20+$0x0] =	vst v2  }
0xd0: {  	v8 =	vld [tilespmem:s23+$0x10];
	[tilespmem:s20+$0x20] =	vst v3  }
0xd1: {  	v7 =	vld [tilespmem:s23+$0xFFFFFFC0];
	[tilespmem:s20+$0xFFFFFFD0] =	vst v4;
	s20 =	smov.u32 s23  }
0xd2: {  	v2 =	vld.idx.msk [tilespmem:v5+s14+$0x0], $0xffff  }
0xd3: {  	v10 =	vld [tilespmem:s23+$0xFFFFFFE0]  }
0xd4: {  	v3 =	vld [tilespmem:s23+$0x20]  }
.Ltmp2:
0xd5: {  	v4 =	vld [tilespmem:s23+$0xFFFFFFD0];
	(pc) =	sbr.rel @p1 .LBB2_8-.Ltmp2, $3  }
0xd6: {  	v5 =	vld [tilespmem:s23+$0x0];
	_ =	sdelay $0x1  }
0xd7: {  	v7 =	vmul.f32 v7, v2;
	v9 =	vmul.f32 v6, v2  }
0xd8: {  	v8 =	vmul.f32 v8, v2;
	v6 =	vmul.f32 v10, v2  }
0xd9: {  	[tilespmem:s20+$0x30] =	vst v9  }
0xda: {  	[tilespmem:s20+$0xFFFFFFC0] =	vst v7  }
0xdb: {  	v1 =	vmul.f32 v1, v2;
	[tilespmem:s20+$0x10] =	vst v8  }
0xdc: {  	v3 =	vmul.f32 v3, v2;
	[tilespmem:s20+$0xFFFFFFE0] =	vst v6  }
0xdd: {  	v5 =	vmul.f32 v5, v2;
	[tilespmem:s20+$0xFFFFFFF0] =	vst v1  }
0xde: {  	s19 =	sadd.s32 $0x1, s19;
	v1 =	vmul.f32 v4, v2;
	[tilespmem:s20+$0x20] =	vst v3  }
0xdf: {  	p1 =	sne.s32 s19, $0x10;
	[tilespmem:s20+$0x0] =	vst v5  }
.Ltmp3:
0xe0: {  	[tilespmem:s20+$0xFFFFFFD0] =	vst v1;
	(pc) =	sbr.rel @p1 .LBB2_7-.Ltmp3, $4  }
0xe1: {  	[spmem:s2] =	stream.indirect.scatter.add.f32 [tilespmem:s4], [sflag:$0x2], $0x80, s21, s12, $0xb8;
	[tilespmem:$0x1EB80] =	vst v63  }
0xe2: {  	_ =	swait.ge [sflag:s31], $0x2000  }
0xe3: {  	[sflag:s31] =	ssyncset.done $0x0  }
0xe4: {  	[sflag:s31] =	ssyncadd.s32 $0xFFFFE000  }
0xe5: {  	s17 =	sadd.s32 $0x1, s17  }
0xe6: {  	p1 =	sne.s32 s17, $0x15  }
.Ltmp4:
0xe7: {  	_ = 	snop;
	(pc) =	sbr.rel @p1 .LBB2_6-.Ltmp4, $1  }
0xe8: {  	_ =	sdelay $0x3  }
0xe9: {  	s16 =	simm.s32 $0x50  }
0xea: {  	[spmem:s3] =	stream.indirect.scatter.add.f32 [tilespmem:s11], [sflag:$0x2], $0x80, s1, s16, $0xb8;
	[tilespmem:$0x1EB80] =	vst v63  }
0xeb: {  	_ =	swait.ge [sflag:s31], $0x2800  }
0xec: {  	[sflag:s31] =	ssyncset.done $0x0  }
0xed: {  	s29 =	stileid.u32;
	[sflag:s31] =	ssyncadd.s32 $0xFFFFD800  }
0xee: {  	s16 =	sshll.u32 s29, $0x6;
	[bflag:$0x0] =	sbarrier.arrive $0xFFFF  }
0xef: {  	s17 =	sshrl.u32 s10, $0x3;
	s16 =	sor.u32 $0x1C02, s16;
	s19 =	rddreg [dreg:$0x10]  }
0xf0: {  	[hbm:s19], [sflag:s16] =	dma.local [spmem:s17], $0x2800  }
0xf1: {  	_ =	swait.ge [sflag:s31], $0x2800  }
0xf2: {  	s15 =	sadd.s32 $0x1, s15;
	[sflag:s31] =	ssyncset.done $0x0  }
0xf3: {  	p1 =	sne.s32 s15, s25;
	s17 =	sshrl.u32 @!p0 s3, $0x3;
	[sflag:s31] =	ssyncadd.s32 $0xFFFFD800  }
0xf4: {  	[hbm:s24], [sflag:s16] =	dma.local @!p0 [spmem:s17], $0x500  }
.Ltmp5:
0xf5: {  	_ = 	snop;
	(pc) =	sbr.rel @p1 .LBB2_1-.Ltmp5, $4  }
0xf6: {  	s16 =	simm.s32 @!p0 $0x2  }
0xf7: {  	_ =	swait.ge @!p0 [sflag:s16], $0x500  }
0xf8: {  	[sflag:s16] =	ssyncset.done @!p0 $0x0  }
0xf9: {  	[sflag:s16] =	ssyncadd.s32 @!p0 $0xFFFFFB00  }
0xfa: {  	_ =	sfence.sel $0x180000  }
0xfb: {  	[bflag:$0x0] =	sbarrier.arrive $0xFFFF  }
0xfc: {  	_ =	strace $0x90000047  }
0xfd: {  	[bflag:$0x2] =	sbarrier.arrive $0xFFFF  }
0xfe: {  	s0 =	rddreg [dreg:$0x4]  }
0xff: {  	s0 =	sadd.s32 @!p0 $0x100000, s0  }
0x100: {  	[sflag:s0] =	ssyncadd.tile.s32 @!p0 $0x1;
	_ =	shalt  }
.Lfunc_end2:
_tile_overlayer_lowered:
.L_overlay_start_2:
0x101: {  	(tag) =	ssettag $0x2  }
0x102: {  	s0 =	rddreg [dreg:$0x0];
	s2 =	stileid.u32  }
0x103: {  	s1 =	rddreg [dreg:$0x1];
	p0 =	sne.s32 s2, $0x0  }
0x104: {  	s3 =	rddreg [dreg:$0x2];
	[bflag:$0x3] =	sbarrier.arrive $0xFFFF;
	s2 =	simm.s32 @!p0 $0x1C02  }
0x105: {  	[timem:s3], [sflag:s2] =	dma.local @!p0 [hbm:s0], s1  }
0x106: {  	s0 =	simm.s32 @!p0 $0x2  }
0x107: {  	_ =	swait.ge @!p0 [sflag:s0], s1  }
0x108: {  	s1 =	ssub.s32 @!p0 $0x0, s1;
	[sflag:s0] =	ssyncset.done @!p0 $0x0  }
0x109: {  	[sflag:s0] =	ssyncadd.s32 @!p0 s1  }
0x10a: {  	[bflag:$0x3] =	sbarrier.arrive $0xFFFF  }
0x10b: {  	_ =	shalt  }

</sc_bundles>
